<compile_context>
chip_gen: v7x
topology: tpu7x:2x2x1
jax: 0.10.2.dev20260603
libtpu: 0.0.44.dev20260713+nightly
codegen_flags: <defaults>
</compile_context>

<pallas_src>
import jax
import jax.numpy as jnp
from jax import lax
from jax.experimental import pallas as pl
from jax.experimental.pallas import tpu as pltpu
from jax.experimental.pallas import tpu_sc as plsc

N = 10000
D = 128
E = 320000
NC = 2
NS = 16
BA = 80
BB = 40
NB = (E // (NC * NS)) // BA
NBF = (E // NS) // BA
ET = E // NS

f32 = jnp.float32
i32 = jnp.int32

_MESH = plsc.VectorSubcoreMesh(core_axis_name="c", subcore_axis_name="s")


def _zero_1d(ref, nvec):
    def z(i, _):
        ref[pl.ds(i * 16, 16)] = jnp.zeros((16,), f32)
        return 0
    lax.fori_loop(0, nvec, z, 0)


def _deg_body(dst_hbm, deg_out, dst_v, ones_v, buf_v, acc_s,
              semd0, semd1, semd2, semd3):
    cid = lax.axis_index("c")
    sid = lax.axis_index("s")
    _zero_1d(buf_v, 63)
    for i in range(BA // 16):
        ones_v[pl.ds(i * 16, 16)] = jnp.ones((16,), f32)

    @pl.when(sid < 10)
    def _zero_acc():
        pltpu.sync_copy(buf_v.at[pl.ds(0, 1000)], acc_s.at[pl.ds(sid * 1000, 1000)])

    plsc.subcore_barrier()
    pltpu.sync_copy(dst_hbm.at[cid, sid], dst_v)

    semd = [semd0, semd1, semd2, semd3]

    def body(i, _):
        j = 4 * i
        for p in range(4):
            @pl.when(i > 0)
            def _w(p=p):
                pltpu.make_async_copy(ones_v, acc_s.at[dst_v.at[j + p]], semd[p]).wait()
            pltpu.async_copy(ones_v, acc_s.at[dst_v.at[j + p]], semd[p], add=True)
        return 0
    lax.fori_loop(0, 31, body, 0)
    pltpu.make_async_copy(ones_v, acc_s.at[dst_v.at[124]], semd0).wait()
    pltpu.async_copy(ones_v, acc_s.at[dst_v.at[124]], semd0, add=True)
    for p in range(4):
        pltpu.make_async_copy(ones_v, acc_s.at[dst_v.at[124]], semd[p]).wait()
    plsc.subcore_barrier()

    @pl.when(sid < 10)
    def _drain():
        pltpu.sync_copy(acc_s.at[pl.ds(sid * 1000, 1000)], buf_v.at[pl.ds(0, 1000)])
        pltpu.sync_copy(buf_v.at[pl.ds(0, 1000)],
                        deg_out.at[pl.ds(cid * N + sid * 1000, 1000)])


_deg = pl.kernel(
    _deg_body,
    out_type=jax.ShapeDtypeStruct((2 * N,), f32),
    mesh=_MESH,
    scratch_types=[
        pltpu.VMEM((NB, BA), i32),
        pltpu.VMEM((BA,), f32),
        pltpu.VMEM((1008,), f32),
        pltpu.VMEM_SHARED((N,), f32),
        pltpu.SemaphoreType.DMA,
        pltpu.SemaphoreType.DMA,
        pltpu.SemaphoreType.DMA,
        pltpu.SemaphoreType.DMA,
    ],
)


R_BLK = 2000


def _prescale_body(x_ref, d0_ref, d1_ref, xt_ref, dinv_ref):
    dv = lax.rsqrt(d0_ref[...] + d1_ref[...] + 1.0)
    dinv_ref[...] = dv
    xt_ref[...] = x_ref[...] * dv


_prescale = pl.pallas_call(
    _prescale_body,
    grid=(N // R_BLK,),
    in_specs=[
        pl.BlockSpec((R_BLK, D), lambda i: (i, 0)),
        pl.BlockSpec((R_BLK, 1), lambda i: (i, 0)),
        pl.BlockSpec((R_BLK, 1), lambda i: (i, 0)),
    ],
    out_specs=[
        pl.BlockSpec((R_BLK, D), lambda i: (i, 0)),
        pl.BlockSpec((R_BLK, 1), lambda i: (i, 0)),
    ],
    out_shape=[
        jax.ShapeDtypeStruct((N, D), f32),
        jax.ShapeDtypeStruct((N, 1), f32),
    ],
)


def _prop_body(xt_hbm, src_hbm, dst_hbm, y_out,
               src_c, dst_c, r0, r1, r2, r3, r4, acc_s,
               g0, g1, g2, g3, g4, s0, s1, s2, s3, s4):
    cid = lax.axis_index("c")
    sid = lax.axis_index("s")
    rows = [r0, r1, r2, r3, r4]
    gsem = [g0, g1, g2, g3, g4]
    ssem = [s0, s1, s2, s3, s4]

    def zb(i, _):
        r0[i // 8, pl.ds((i % 8) * 16, 16)] = jnp.zeros((16,), f32)
        return 0
    lax.fori_loop(0, BB * 8, zb, 0)

    @pl.when(sid < 10)
    def _zacc():
        def zacc(k, _):
            pltpu.async_copy(r0, acc_s.at[pl.ds(sid * 1000 + k * BB, BB)], g0)
            return 0
        lax.fori_loop(0, 25, zacc, 0)

        def zw(k, _):
            pltpu.make_async_copy(r0, acc_s.at[pl.ds(sid * 1000, BB)], g0).wait()
            return 0
        lax.fori_loop(0, 25, zw, 0)

    plsc.subcore_barrier()

    def chunk(m, _):
        pltpu.sync_copy(src_hbm.at[cid, sid, m], src_c)
        pltpu.sync_copy(dst_hbm.at[cid, sid, m], dst_c)
        for p in range(4):
            pltpu.async_copy(xt_hbm.at[src_c.at[p]], rows[p], gsem[p])

        def step(i, _):
            for p in range(5):
                jj = 5 * i + p
                q = (p + 4) % 5
                pltpu.make_async_copy(xt_hbm.at[src_c.at[jj]], rows[p], gsem[p]).wait()
                if p == 0:
                    @pl.when(i > 0)
                    def _ws():
                        pltpu.make_async_copy(rows[q], acc_s.at[dst_c.at[jj]], ssem[q]).wait()
                else:
                    pltpu.make_async_copy(rows[q], acc_s.at[dst_c.at[jj]], ssem[q]).wait()
                if p == 0:
                    pltpu.async_copy(xt_hbm.at[src_c.at[jj + 4]], rows[q], gsem[q])
                else:
                    @pl.when(i < 4)
                    def _ig():
                        pltpu.async_copy(xt_hbm.at[src_c.at[jj + 4]], rows[q], gsem[q])
                pltpu.async_copy(rows[p], acc_s.at[dst_c.at[jj]], ssem[p], add=True)
            return 0
        lax.fori_loop(0, 5, step, 0)
        pltpu.make_async_copy(rows[4], acc_s.at[dst_c.at[24]], ssem[4]).wait()
        return 0
    lax.fori_loop(0, 10, chunk, 0)
    plsc.subcore_barrier()

    @pl.when(sid < 10)
    def _drain():
        pltpu.async_copy(acc_s.at[pl.ds(sid * 1000, BB)], r0, g0)

        def drain(k, _):
            base = sid * 1000 + k * BB

            def dk(rbuf, gs):
                pltpu.make_async_copy(acc_s.at[pl.ds(base, BB)], rbuf, gs).wait()

                @pl.when(k < 24)
                def _nx():
                    pltpu.async_copy(
                        acc_s.at[pl.ds(base + BB, BB)],
                        r1 if rbuf is r0 else r0,
                        g1 if rbuf is r0 else g0)
                pltpu.sync_copy(rbuf, y_out.at[pl.ds(cid * N + base, BB)])

            @pl.when(k % 2 == 0)
            def _e():
                dk(r0, g0)

            @pl.when(k % 2 == 1)
            def _o():
                dk(r1, g1)
            return 0
        lax.fori_loop(0, 25, drain, 0)


_prop = pl.kernel(
    _prop_body,
    out_type=jax.ShapeDtypeStruct((2 * N, D), f32),
    mesh=_MESH,
    compiler_params=pltpu.CompilerParams(needs_layout_passes=False),
    scratch_types=[
        pltpu.VMEM((25, BB), i32),
        pltpu.VMEM((25, BB), i32),
        pltpu.VMEM((BB, D), f32),
        pltpu.VMEM((BB, D), f32),
        pltpu.VMEM((BB, D), f32),
        pltpu.VMEM((BB, D), f32),
        pltpu.VMEM((BB, D), f32),
        pltpu.VMEM_SHARED((N, D), f32),
        pltpu.SemaphoreType.DMA,
        pltpu.SemaphoreType.DMA,
        pltpu.SemaphoreType.DMA,
        pltpu.SemaphoreType.DMA,
        pltpu.SemaphoreType.DMA,
        pltpu.SemaphoreType.DMA,
        pltpu.SemaphoreType.DMA,
        pltpu.SemaphoreType.DMA,
        pltpu.SemaphoreType.DMA,
        pltpu.SemaphoreType.DMA,
    ],
)


def _dense_body(y0_ref, y1_ref, xt_ref, dv_ref, W1_ref, b1_ref, W2_ref,
                Wl_ref, b2_ref, bl_ref, s_ref, q_ref):
    dv = dv_ref[...]
    y = dv * (y0_ref[...] + y1_ref[...] + xt_ref[...])
    h = jnp.maximum(
        jnp.dot(y, W1_ref[...], preferred_element_type=f32) + b1_ref[...], 0.0)
    w = jnp.dot(W2_ref[...], Wl_ref[...], preferred_element_type=f32)
    st = dv * jnp.dot(h, w, preferred_element_type=f32)
    s_ref[...] = st
    c = jnp.dot(b2_ref[...], Wl_ref[...], preferred_element_type=f32) + bl_ref[...]
    q_ref[...] = dv * st + c


_dense = pl.pallas_call(
    _dense_body,
    grid=(N // R_BLK,),
    in_specs=[
        pl.BlockSpec((R_BLK, D), lambda i: (i, 0)),
        pl.BlockSpec((R_BLK, D), lambda i: (i, 0)),
        pl.BlockSpec((R_BLK, D), lambda i: (i, 0)),
        pl.BlockSpec((R_BLK, 1), lambda i: (i, 0)),
        pl.BlockSpec((D, D), lambda i: (0, 0)),
        pl.BlockSpec((1, D), lambda i: (0, 0)),
        pl.BlockSpec((D, D), lambda i: (0, 0)),
        pl.BlockSpec((D, 1), lambda i: (0, 0)),
        pl.BlockSpec((1, D), lambda i: (0, 0)),
        pl.BlockSpec((1, 1), lambda i: (0, 0)),
    ],
    out_specs=[
        pl.BlockSpec((R_BLK, 1), lambda i: (i, 0)),
        pl.BlockSpec((R_BLK, 1), lambda i: (i, 0)),
    ],
    out_shape=[
        jax.ShapeDtypeStruct((N, 1), f32),
        jax.ShapeDtypeStruct((N, 1), f32),
    ],
)


def _final_body(st_hbm, dinv_hbm, q_hbm, src_hbm, dst_hbm, out_hbm,
                s_v, src_v, dst_v, vals_v, zz_v, zbuf, dvbuf, qbuf, obuf, acc_s,
                semf0, semf1, semf2, semf3):
    cid = lax.axis_index("c")
    sid = lax.axis_index("s")

    @pl.when(cid == 0)
    def _core0():
        _zero_1d(zz_v, 63)

        @pl.when(sid < 10)
        def _zero_acc():
            pltpu.sync_copy(zz_v.at[pl.ds(0, 1000)], acc_s.at[pl.ds(sid * 1000, 1000)])

        plsc.subcore_barrier()
        pltpu.sync_copy(st_hbm, s_v)
        pltpu.sync_copy(src_hbm.at[pl.ds(sid * ET, ET)], src_v)
        pltpu.sync_copy(dst_hbm.at[sid], dst_v)

        semf = [semf0, semf1, semf2, semf3]

        def blk(i, _):
            j = 4 * i
            for p in range(4):
                jb = j + p
                for k in range(5):
                    idx = src_v[pl.ds(jb * BA + k * 16, 16)]
                    vals_v[pl.ds(jb * BA + k * 16, 16)] = plsc.load_gather(s_v, [idx])

                @pl.when(i > 0)
                def _w(p=p, jb=jb):
                    pltpu.make_async_copy(vals_v.at[pl.ds(0, BA)],
                                          acc_s.at[dst_v.at[jb]], semf[p]).wait()

                pltpu.async_copy(vals_v.at[pl.ds(jb * BA, BA)],
                                 acc_s.at[dst_v.at[jb]], semf[p], add=True)
            return 0
        lax.fori_loop(0, 62, blk, 0)
        for t in range(2):
            jb = 248 + t
            for k in range(5):
                idx = src_v[pl.ds(jb * BA + k * 16, 16)]
                vals_v[pl.ds(jb * BA + k * 16, 16)] = plsc.load_gather(s_v, [idx])
            pltpu.make_async_copy(vals_v.at[pl.ds(0, BA)],
                                  acc_s.at[dst_v.at[jb]], semf[t]).wait()
            pltpu.async_copy(vals_v.at[pl.ds(jb * BA, BA)],
                             acc_s.at[dst_v.at[jb]], semf[t], add=True)
        for p in range(4):
            pltpu.make_async_copy(vals_v.at[pl.ds(0, BA)],
                                  acc_s.at[dst_v.at[0]], semf[p]).wait()
        plsc.subcore_barrier()

        nbase = sid * 640

        @pl.when(sid < 15)
        def _ld_full():
            pltpu.sync_copy(acc_s.at[pl.ds(nbase, 640)], zbuf)
            pltpu.sync_copy(dinv_hbm.at[pl.ds(nbase, 640)], dvbuf)
            pltpu.sync_copy(q_hbm.at[pl.ds(nbase, 640)], qbuf)

        @pl.when(sid == 15)
        def _ld_tail():
            pltpu.sync_copy(acc_s.at[pl.ds(9600, 400)], zbuf.at[pl.ds(0, 400)])
            pltpu.sync_copy(dinv_hbm.at[pl.ds(9600, 400)], dvbuf.at[pl.ds(0, 400)])
            pltpu.sync_copy(q_hbm.at[pl.ds(9600, 400)], qbuf.at[pl.ds(0, 400)])

        nvec = jnp.where(sid < 15, 40, 25)

        def fin(i, _):
            t = dvbuf[pl.ds(i * 16, 16)] * zbuf[pl.ds(i * 16, 16)] + qbuf[pl.ds(i * 16, 16)]
            obuf[pl.ds(i * 16, 16)] = 1.0 / (1.0 + jnp.exp(-t))
            return 0
        lax.fori_loop(0, nvec, fin, 0)

        @pl.when(sid < 15)
        def _st_full():
            pltpu.sync_copy(obuf, out_hbm.at[pl.ds(nbase, 640)])

        @pl.when(sid == 15)
        def _st_tail():
            pltpu.sync_copy(obuf.at[pl.ds(0, 400)], out_hbm.at[pl.ds(9600, 400)])


_final = pl.kernel(
    _final_body,
    out_type=jax.ShapeDtypeStruct((N,), f32),
    mesh=_MESH,
    compiler_params=pltpu.CompilerParams(needs_layout_passes=False),
    scratch_types=[
        pltpu.VMEM((N,), f32),
        pltpu.VMEM((ET,), i32),
        pltpu.VMEM((NBF, BA), i32),
        pltpu.VMEM((ET,), f32),
        pltpu.VMEM((1008,), f32),
        pltpu.VMEM((640,), f32),
        pltpu.VMEM((640,), f32),
        pltpu.VMEM((640,), f32),
        pltpu.VMEM((640,), f32),
        pltpu.VMEM_SHARED((N,), f32),
        pltpu.SemaphoreType.DMA,
        pltpu.SemaphoreType.DMA,
        pltpu.SemaphoreType.DMA,
        pltpu.SemaphoreType.DMA,
    ],
)


def kernel(x, edge_index, W1, b1, W2, b2, Wlin, blin):
    src = edge_index[0].astype(i32)
    dst = edge_index[1].astype(i32)
    src3 = src.reshape(NC, NS, NB, BA)
    dst3 = dst.reshape(NC, NS, NB, BA)
    src5d = src.reshape(NC, NS, 10, 25, BB)
    dst5d = dst.reshape(NC, NS, 10, 25, BB)
    dst5 = dst.reshape(NS, NBF, BA)

    deg = _deg(dst3)
    d0 = deg[:N].reshape(N, 1)
    d1 = deg[N:].reshape(N, 1)
    xt, dinv = _prescale(x, d0, d1)
    yp = _prop(xt, src5d, dst5d)
    y0 = yp[:N]
    y1 = yp[N:]
    st, q = _dense(y0, y1, xt, dinv, W1, b1.reshape(1, D), W2,
                   Wlin, b2.reshape(1, D), blin.reshape(1, 1))
    out = _final(st.reshape(N), dinv.reshape(N), q.reshape(N), src, dst5)
    return out.reshape(N, 1)

# --- scband reference (transcript-rebuilt; emitter-appended) ---
"""Pipeline reference for scband-enhanced-gnn-26491358282017 (READ-ONLY COPY).

The authoritative reference and input builder live on the scoring server;
editing this copy changes nothing except your own understanding.
"""

import jax, jax.numpy as jnp
import numpy as np

N_NODES = 10000
D_IN = 128
D_HID = 128


def setup_inputs(seed: int = 0) -> dict:
    key = jax.random.key(seed)
    ks = jax.random.split(key, 8)
    x = jax.random.normal(ks[0], (N_NODES, D_IN), dtype=jnp.float32)
    edge_index = jax.random.randint(ks[1], (2, 320000), 0, N_NODES, dtype=jnp.int64)
    s1 = 1.0 / np.sqrt(D_IN)
    s2 = 1.0 / np.sqrt(D_HID)
    W1 = jax.random.uniform(ks[2], (D_IN, D_HID), dtype=jnp.float32, minval=-s1, maxval=s1)
    b1 = jnp.zeros((D_HID,), dtype=jnp.float32)
    W2 = jax.random.uniform(ks[3], (D_HID, D_HID), dtype=jnp.float32, minval=-s2, maxval=s2)
    b2 = jnp.zeros((D_HID,), dtype=jnp.float32)
    Wlin = jax.random.uniform(ks[4], (D_HID, 1), dtype=jnp.float32, minval=-s2, maxval=s2)
    blin = jax.random.uniform(ks[5], (1,), dtype=jnp.float32, minval=-s2, maxval=s2)
    return {"x": x, "edge_index": edge_index, "W1": W1, "b1": b1, "W2": W2, "b2": b2, "Wlin": Wlin, "blin": blin}


def _gcn_conv(x, src, dst, W, b):
    # PyG GCNConv: x' = D^{-1/2} (A + I) D^{-1/2} (x W) + b
    N = x.shape[0]
    deg = jnp.zeros((N,), dtype=x.dtype).at[dst].add(1.0)
    dinv = jnp.where(deg > 0, jax.lax.rsqrt(deg), 0.0)
    norm = dinv[src] * dinv[dst]
    h = x @ W
    msg = jnp.take(h, src, axis=0) * norm[:, None]
    out = jax.ops.segment_sum(msg, dst, num_segments=N)
    return out + b


def reference(x, edge_index, W1, b1, W2, b2, Wlin, blin):
    N = x.shape[0]
    loop = jnp.arange(N, dtype=edge_index.dtype)
    src = jnp.concatenate([edge_index[0], loop])
    dst = jnp.concatenate([edge_index[1], loop])
    h = jax.nn.relu(_gcn_conv(x, src, dst, W1, b1))
    # dropout p=0.0 -> identity
    h = _gcn_conv(h, src, dst, W2, b2)
    return jax.nn.sigmoid(h @ Wlin + blin)

if __name__ == "__main__":
    import jax
    _d = setup_inputs()
    print(jax.jit(kernel)(*tuple(_d.values())))

</pallas_src>

<mosaic_0001>
#map = affine_map<(d0, d1) -> (0, 0, 0, 0)>
#map1 = affine_map<(d0, d1) -> (0)>
module attributes {stable_mosaic.version = 14 : i64} {
  func.func @_deg_body(%arg0: i32, %arg1: i32, %arg2: memref<2x16x125x80xi32, #tpu.memory_space<hbm>>, %arg3: memref<20000xf32, #tpu.memory_space<hbm>>, %arg4: memref<125x80xi32, #tpu.memory_space<vmem>>, %arg5: memref<80xf32, #tpu.memory_space<vmem>>, %arg6: memref<1008xf32, #tpu.memory_space<vmem>>, %arg7: memref<10000xf32, #tpu.memory_space<vmem_shared>>, %arg8: memref<!tpu.dma_semaphore, #tpu.memory_space<semaphore_mem>>, %arg9: memref<!tpu.dma_semaphore, #tpu.memory_space<semaphore_mem>>, %arg10: memref<!tpu.dma_semaphore, #tpu.memory_space<semaphore_mem>>, %arg11: memref<!tpu.dma_semaphore, #tpu.memory_space<semaphore_mem>>) attributes {dimension_semantics = [#tpu.dimension_semantics<core_parallel>, #tpu.dimension_semantics<subcore_parallel>], iteration_bounds = array<i64: 2, 16>, scalar_prefetch = 0 : i64, scratch_operands = 8 : i64, tpu.core_type = #tpu.core_type<sc_vector_subcore>, window_params = [{transform_indices = #map}, {transform_indices = #map1}]} {
    %scan3A = arith.constant 0 : i32
    %scan3A_0 = arith.constant 0 : i32
    %scan3A_1 = arith.constant 63 : i32
    %scan3A_2 = arith.addi %scan3A_0, %scan3A_1 : i32
    %scan3A_3 = arith.constant 1 : i32
    %scan3A_4 = scf.for %scan3A_83 = %scan3A_0 to %scan3A_2 step %scan3A_3 iter_args(%scan3A_84 = %scan3A) -> (i32)  : i32 {
      %broadcast_in_dim3A_85 = arith.constant 0.000000e+00 : f32
      %broadcast_in_dim3A_86 = vector.broadcast %broadcast_in_dim3A_85 : f32 to vector<16xf32>
      %mul3A = arith.constant 16 : i32
      %mul3A_87 = arith.muli %scan3A_83, %mul3A : i32
      %swap3A_88 = arith.index_cast %mul3A_87 : i32 to index
      %swap3A_89 = tpu.vector_load %arg6[%swap3A_88] {strides = array<i32>} : memref<1008xf32, #tpu.memory_space<vmem>>, vector<16xf32>,
      %swap3A_90 = vector.shape_cast %swap3A_89 : vector<16xf32> to vector<16xf32>
      %swap3A_91 = vector.shape_cast %broadcast_in_dim3A_86 : vector<16xf32> to vector<16xf32>
      tpu.vector_store %arg6[%swap3A_88], %swap3A_91 {strides = array<i32>} : memref<1008xf32, #tpu.memory_space<vmem>>, vector<16xf32>,
      %scan3A_92 = arith.constant 0 : i32
      scf.yield %scan3A_92 : i32
    }
    %scan3A_5 = arith.constant 63 : i32
    %broadcast_in_dim3A = arith.constant 1.000000e+00 : f32
    %broadcast_in_dim3A_6 = vector.broadcast %broadcast_in_dim3A : f32 to vector<16xf32>
    %swap3A = arith.constant 0 : index
    %swap3A_7 = tpu.vector_load %arg5[%swap3A] {strides = array<i32>} : memref<80xf32, #tpu.memory_space<vmem>>, vector<16xf32>,
    %swap3A_8 = vector.shape_cast %swap3A_7 : vector<16xf32> to vector<16xf32>
    %swap3A_9 = vector.shape_cast %broadcast_in_dim3A_6 : vector<16xf32> to vector<16xf32>
    tpu.vector_store %arg5[%swap3A], %swap3A_9 {strides = array<i32>} : memref<80xf32, #tpu.memory_space<vmem>>, vector<16xf32>,
    %broadcast_in_dim3A_10 = arith.constant 1.000000e+00 : f32
    %broadcast_in_dim3A_11 = vector.broadcast %broadcast_in_dim3A_10 : f32 to vector<16xf32>
    %swap3A_12 = arith.constant 16 : index
    %swap3A_13 = tpu.vector_load %arg5[%swap3A_12] {strides = array<i32>} : memref<80xf32, #tpu.memory_space<vmem>>, vector<16xf32>,
    %swap3A_14 = vector.shape_cast %swap3A_13 : vector<16xf32> to vector<16xf32>
    %swap3A_15 = vector.shape_cast %broadcast_in_dim3A_11 : vector<16xf32> to vector<16xf32>
    tpu.vector_store %arg5[%swap3A_12], %swap3A_15 {strides = array<i32>} : memref<80xf32, #tpu.memory_space<vmem>>, vector<16xf32>,
    %broadcast_in_dim3A_16 = arith.constant 1.000000e+00 : f32
    %broadcast_in_dim3A_17 = vector.broadcast %broadcast_in_dim3A_16 : f32 to vector<16xf32>
    %swap3A_18 = arith.constant 32 : index
    %swap3A_19 = tpu.vector_load %arg5[%swap3A_18] {strides = array<i32>} : memref<80xf32, #tpu.memory_space<vmem>>, vector<16xf32>,
    %swap3A_20 = vector.shape_cast %swap3A_19 : vector<16xf32> to vector<16xf32>
    %swap3A_21 = vector.shape_cast %broadcast_in_dim3A_17 : vector<16xf32> to vector<16xf32>
    tpu.vector_store %arg5[%swap3A_18], %swap3A_21 {strides = array<i32>} : memref<80xf32, #tpu.memory_space<vmem>>, vector<16xf32>,
    %broadcast_in_dim3A_22 = arith.constant 1.000000e+00 : f32
    %broadcast_in_dim3A_23 = vector.broadcast %broadcast_in_dim3A_22 : f32 to vector<16xf32>
    %swap3A_24 = arith.constant 48 : index
    %swap3A_25 = tpu.vector_load %arg5[%swap3A_24] {strides = array<i32>} : memref<80xf32, #tpu.memory_space<vmem>>, vector<16xf32>,
    %swap3A_26 = vector.shape_cast %swap3A_25 : vector<16xf32> to vector<16xf32>
    %swap3A_27 = vector.shape_cast %broadcast_in_dim3A_23 : vector<16xf32> to vector<16xf32>
    tpu.vector_store %arg5[%swap3A_24], %swap3A_27 {strides = array<i32>} : memref<80xf32, #tpu.memory_space<vmem>>, vector<16xf32>,
    %broadcast_in_dim3A_28 = arith.constant 1.000000e+00 : f32
    %broadcast_in_dim3A_29 = vector.broadcast %broadcast_in_dim3A_28 : f32 to vector<16xf32>
    %swap3A_30 = arith.constant 64 : index
    %swap3A_31 = tpu.vector_load %arg5[%swap3A_30] {strides = array<i32>} : memref<80xf32, #tpu.memory_space<vmem>>, vector<16xf32>,
    %swap3A_32 = vector.shape_cast %swap3A_31 : vector<16xf32> to vector<16xf32>
    %swap3A_33 = vector.shape_cast %broadcast_in_dim3A_29 : vector<16xf32> to vector<16xf32>
    tpu.vector_store %arg5[%swap3A_30], %swap3A_33 {strides = array<i32>} : memref<80xf32, #tpu.memory_space<vmem>>, vector<16xf32>,
    %lt3A = arith.constant 10 : i32
    %lt3A_34 = arith.cmpi slt, %arg1, %lt3A : i32
    %convert_element_type3A = arith.extui %lt3A_34 : i1 to i32
    %cond3A = arith.constant 0 : i32
    %cond3A_35 = arith.cmpi ne, %convert_element_type3A, %cond3A : i32
    scf.if %cond3A_35 {
      %mul3A = arith.constant 1000 : i32
      %mul3A_83 = arith.muli %arg1, %mul3A : i32
      "tpu.region"() ({
        %run_scoped3A = tpu.sem_alloc : memref<!tpu.dma_semaphore, #tpu.memory_space<semaphore_mem>>
        %dma_start3A_84 = arith.constant 0 : i32
        %dma_start3A_85 = tpu.memref_slice %arg6[%dma_start3A_84] : memref<1008xf32, #tpu.memory_space<vmem>> -> memref<1000xf32, #tpu.memory_space<vmem>>
        %dma_start3A_86 = tpu.memref_slice %arg7[%mul3A_83] : memref<10000xf32, #tpu.memory_space<vmem_shared>> -> memref<1000xf32, #tpu.memory_space<vmem_shared>>
        %dma_start3A_87 = tpu.memref_slice %arg7[%mul3A_83] : memref<10000xf32, #tpu.memory_space<vmem_shared>> -> memref<1000xf32, #tpu.memory_space<vmem_shared>>
        %dma_start3A_88 = arith.constant 0 : i32
        %dma_start3A_89 = tpu.memref_slice %arg6[%dma_start3A_88] : memref<1008xf32, #tpu.memory_space<vmem>> -> memref<1000xf32, #tpu.memory_space<vmem>>
        tpu.enqueue_dma source(%dma_start3A_89 : memref<1000xf32, #tpu.memory_space<vmem>>) target(%dma_start3A_87 : memref<1000xf32, #tpu.memory_space<vmem_shared>>) target_semaphore(%run_scoped3A : memref<!tpu.dma_semaphore, #tpu.memory_space<semaphore_mem>>)
        %dma_wait3A_90 = arith.constant 0 : i32
        %dma_wait3A_91 = tpu.memref_slice %arg6[%dma_wait3A_90] : memref<1008xf32, #tpu.memory_space<vmem>> -> memref<1000xf32, #tpu.memory_space<vmem>>
        %dma_wait3A_92 = tpu.memref_slice %arg7[%mul3A_83] : memref<10000xf32, #tpu.memory_space<vmem_shared>> -> memref<1000xf32, #tpu.memory_space<vmem_shared>>
        %dma_wait3A_93 = tpu.memref_slice %arg7[%mul3A_83] : memref<10000xf32, #tpu.memory_space<vmem_shared>> -> memref<1000xf32, #tpu.memory_space<vmem_shared>>
        %dma_wait3A_94 = arith.constant 0 : i32
        %dma_wait3A_95 = tpu.memref_slice %arg6[%dma_wait3A_94] : memref<1008xf32, #tpu.memory_space<vmem>> -> memref<1000xf32, #tpu.memory_space<vmem>>
        tpu.wait_dma2 semaphore(%run_scoped3A : memref<!tpu.dma_semaphore, #tpu.memory_space<semaphore_mem>>) src(%dma_wait3A_95 : memref<1000xf32, #tpu.memory_space<vmem>>) dst(%dma_wait3A_93 : memref<1000xf32, #tpu.memory_space<vmem_shared>>)
        tpu.yield
      }) : () -> ()
    } else {
    }
    %barrier3A = arith.constant 0 : index
    tpu.barrier barrier_id(%barrier3A)
    "tpu.region"() ({
      %run_scoped3A = tpu.sem_alloc : memref<!tpu.dma_semaphore, #tpu.memory_space<semaphore_mem>>
      %dma_start3A_83 = arith.constant 0 : i32
      %dma_start3A_84 = arith.constant 0 : i32
      %dma_start3A_85 = tpu.memref_slice %arg2[%arg0, %arg1, %dma_start3A_83, %dma_start3A_84] : memref<2x16x125x80xi32, #tpu.memory_space<hbm>> -> memref<1x1x125x80xi32, #tpu.memory_space<hbm>>
      %dma_start3A_86 = tpu.memref_squeeze %dma_start3A_85 : memref<1x1x125x80xi32, #tpu.memory_space<hbm>> -> memref<125x80xi32, #tpu.memory_space<hbm>>
      %dma_start3A_87 = arith.constant 0 : i32
      %dma_start3A_88 = arith.constant 0 : i32
      %dma_start3A_89 = tpu.memref_slice %arg2[%arg0, %arg1, %dma_start3A_87, %dma_start3A_88] : memref<2x16x125x80xi32, #tpu.memory_space<hbm>> -> memref<1x1x125x80xi32, #tpu.memory_space<hbm>>
      %dma_start3A_90 = tpu.memref_squeeze %dma_start3A_89 : memref<1x1x125x80xi32, #tpu.memory_space<hbm>> -> memref<125x80xi32, #tpu.memory_space<hbm>>
      tpu.enqueue_dma source(%dma_start3A_90 : memref<125x80xi32, #tpu.memory_space<hbm>>) target(%arg4 : memref<125x80xi32, #tpu.memory_space<vmem>>) target_semaphore(%run_scoped3A : memref<!tpu.dma_semaphore, #tpu.memory_space<semaphore_mem>>)
      %dma_wait3A_91 = arith.constant 0 : i32
      %dma_wait3A_92 = arith.constant 0 : i32
      %dma_wait3A_93 = tpu.memref_slice %arg2[%arg0, %arg1, %dma_wait3A_91, %dma_wait3A_92] : memref<2x16x125x80xi32, #tpu.memory_space<hbm>> -> memref<1x1x125x80xi32, #tpu.memory_space<hbm>>
      %dma_wait3A_94 = tpu.memref_squeeze %dma_wait3A_93 : memref<1x1x125x80xi32, #tpu.memory_space<hbm>> -> memref<125x80xi32, #tpu.memory_space<hbm>>
      %dma_wait3A_95 = arith.constant 0 : i32
      %dma_wait3A_96 = arith.constant 0 : i32
      %dma_wait3A_97 = tpu.memref_slice %arg2[%arg0, %arg1, %dma_wait3A_95, %dma_wait3A_96] : memref<2x16x125x80xi32, #tpu.memory_space<hbm>> -> memref<1x1x125x80xi32, #tpu.memory_space<hbm>>
      %dma_wait3A_98 = tpu.memref_squeeze %dma_wait3A_97 : memref<1x1x125x80xi32, #tpu.memory_space<hbm>> -> memref<125x80xi32, #tpu.memory_space<hbm>>
      tpu.wait_dma2 semaphore(%run_scoped3A : memref<!tpu.dma_semaphore, #tpu.memory_space<semaphore_mem>>) src(%dma_wait3A_98 : memref<125x80xi32, #tpu.memory_space<hbm>>) dst(%arg4 : memref<125x80xi32, #tpu.memory_space<vmem>>)
      tpu.yield
    }) : () -> ()
    %scan3A_36 = arith.constant 0 : i32
    %scan3A_37 = arith.constant 0 : i32
    %scan3A_38 = arith.constant 31 : i32
    %scan3A_39 = arith.addi %scan3A_37, %scan3A_38 : i32
    %scan3A_40 = arith.constant 1 : i32
    %scan3A_41 = scf.for %scan3A_83 = %scan3A_37 to %scan3A_39 step %scan3A_40 iter_args(%scan3A_84 = %scan3A_36) -> (i32)  : i32 {
      %mul3A = arith.constant 4 : i32
      %mul3A_85 = arith.muli %mul3A, %scan3A_83 : i32
      %gt3A = arith.constant 0 : i32
      %gt3A_86 = arith.cmpi sgt, %scan3A_83, %gt3A : i32
      %convert_element_type3A_87 = arith.extui %gt3A_86 : i1 to i32
      %cond3A_88 = arith.constant 0 : i32
      %cond3A_89 = arith.cmpi ne, %convert_element_type3A_87, %cond3A_88 : i32
      scf.if %cond3A_89 {
        %add3A_133 = arith.constant 0 : i32
        %add3A_134 = arith.addi %mul3A_85, %add3A_133 : i32
        %dma_wait3A_135 = arith.constant 0 : i32
        %dma_wait3A_136 = tpu.memref_slice %arg4[%add3A_134, %dma_wait3A_135] : memref<125x80xi32, #tpu.memory_space<vmem>> -> memref<1x80xi32, #tpu.memory_space<vmem>>
        %dma_wait3A_137 = tpu.memref_squeeze %dma_wait3A_136 : memref<1x80xi32, #tpu.memory_space<vmem>> -> memref<80xi32, #tpu.memory_space<vmem>>
        %dma_wait3A_138 = arith.constant 0 : i32
        %dma_wait3A_139 = tpu.memref_slice %arg7[%dma_wait3A_138] : memref<10000xf32, #tpu.memory_space<vmem_shared>> -> memref<10000xf32, #tpu.memory_space<vmem_shared>>
        tpu.wait_indirect_dma semaphore(%arg8 : memref<!tpu.dma_semaphore, #tpu.memory_space<semaphore_mem>>) src(%arg5 : memref<80xf32, #tpu.memory_space<vmem>>) dst(%dma_wait3A_139 : memref<10000xf32, #tpu.memory_space<vmem_shared>>)
      } else {
      }
      %add3A = arith.constant 0 : i32
      %add3A_90 = arith.addi %mul3A_85, %add3A : i32
      %dma_start3A_91 = arith.constant 0 : i32
      %dma_start3A_92 = tpu.memref_slice %arg4[%add3A_90, %dma_start3A_91] : memref<125x80xi32, #tpu.memory_space<vmem>> -> memref<1x80xi32, #tpu.memory_space<vmem>>
      %dma_start3A_93 = tpu.memref_squeeze %dma_start3A_92 : memref<1x80xi32, #tpu.memory_space<vmem>> -> memref<80xi32, #tpu.memory_space<vmem>>
      %dma_start3A_94 = arith.constant 0 : i32
      %dma_start3A_95 = tpu.memref_slice %arg7[%dma_start3A_94] : memref<10000xf32, #tpu.memory_space<vmem_shared>> -> memref<10000xf32, #tpu.memory_space<vmem_shared>>
      tpu.enqueue_indirect_dma source(%arg5 : memref<80xf32, #tpu.memory_space<vmem>>) target(%dma_start3A_95 : memref<10000xf32, #tpu.memory_space<vmem_shared>>) offsets(%dma_start3A_93 : memref<80xi32, #tpu.memory_space<vmem>>) semaphore(%arg8 : memref<!tpu.dma_semaphore, #tpu.memory_space<semaphore_mem>>) {add = true}
      %gt3A_96 = arith.constant 0 : i32
      %gt3A_97 = arith.cmpi sgt, %scan3A_83, %gt3A_96 : i32
      %convert_element_type3A_98 = arith.extui %gt3A_97 : i1 to i32
      %cond3A_99 = arith.constant 0 : i32
      %cond3A_100 = arith.cmpi ne, %convert_element_type3A_98, %cond3A_99 : i32
      scf.if %cond3A_100 {
        %add3A_133 = arith.constant 1 : i32
        %add3A_134 = arith.addi %mul3A_85, %add3A_133 : i32
        %dma_wait3A_135 = arith.constant 0 : i32
        %dma_wait3A_136 = tpu.memref_slice %arg4[%add3A_134, %dma_wait3A_135] : memref<125x80xi32, #tpu.memory_space<vmem>> -> memref<1x80xi32, #tpu.memory_space<vmem>>
        %dma_wait3A_137 = tpu.memref_squeeze %dma_wait3A_136 : memref<1x80xi32, #tpu.memory_space<vmem>> -> memref<80xi32, #tpu.memory_space<vmem>>
        %dma_wait3A_138 = arith.constant 0 : i32
        %dma_wait3A_139 = tpu.memref_slice %arg7[%dma_wait3A_138] : memref<10000xf32, #tpu.memory_space<vmem_shared>> -> memref<10000xf32, #tpu.memory_space<vmem_shared>>
        tpu.wait_indirect_dma semaphore(%arg9 : memref<!tpu.dma_semaphore, #tpu.memory_space<semaphore_mem>>) src(%arg5 : memref<80xf32, #tpu.memory_space<vmem>>) dst(%dma_wait3A_139 : memref<10000xf32, #tpu.memory_space<vmem_shared>>)
      } else {
      }
      %add3A_101 = arith.constant 1 : i32
      %add3A_102 = arith.addi %mul3A_85, %add3A_101 : i32
      %dma_start3A_103 = arith.constant 0 : i32
      %dma_start3A_104 = tpu.memref_slice %arg4[%add3A_102, %dma_start3A_103] : memref<125x80xi32, #tpu.memory_space<vmem>> -> memref<1x80xi32, #tpu.memory_space<vmem>>
      %dma_start3A_105 = tpu.memref_squeeze %dma_start3A_104 : memref<1x80xi32, #tpu.memory_space<vmem>> -> memref<80xi32, #tpu.memory_space<vmem>>
      %dma_start3A_106 = arith.constant 0 : i32
      %dma_start3A_107 = tpu.memref_slice %arg7[%dma_start3A_106] : memref<10000xf32, #tpu.memory_space<vmem_shared>> -> memref<10000xf32, #tpu.memory_space<vmem_shared>>
      tpu.enqueue_indirect_dma source(%arg5 : memref<80xf32, #tpu.memory_space<vmem>>) target(%dma_start3A_107 : memref<10000xf32, #tpu.memory_space<vmem_shared>>) offsets(%dma_start3A_105 : memref<80xi32, #tpu.memory_space<vmem>>) semaphore(%arg9 : memref<!tpu.dma_semaphore, #tpu.memory_space<semaphore_mem>>) {add = true}
      %gt3A_108 = arith.constant 0 : i32
      %gt3A_109 = arith.cmpi sgt, %scan3A_83, %gt3A_108 : i32
      %convert_element_type3A_110 = arith.extui %gt3A_109 : i1 to i32
      %cond3A_111 = arith.constant 0 : i32
      %cond3A_112 = arith.cmpi ne, %convert_element_type3A_110, %cond3A_111 : i32
      scf.if %cond3A_112 {
        %add3A_133 = arith.constant 2 : i32
        %add3A_134 = arith.addi %mul3A_85, %add3A_133 : i32
        %dma_wait3A_135 = arith.constant 0 : i32
        %dma_wait3A_136 = tpu.memref_slice %arg4[%add3A_134, %dma_wait3A_135] : memref<125x80xi32, #tpu.memory_space<vmem>> -> memref<1x80xi32, #tpu.memory_space<vmem>>
        %dma_wait3A_137 = tpu.memref_squeeze %dma_wait3A_136 : memref<1x80xi32, #tpu.memory_space<vmem>> -> memref<80xi32, #tpu.memory_space<vmem>>
        %dma_wait3A_138 = arith.constant 0 : i32
        %dma_wait3A_139 = tpu.memref_slice %arg7[%dma_wait3A_138] : memref<10000xf32, #tpu.memory_space<vmem_shared>> -> memref<10000xf32, #tpu.memory_space<vmem_shared>>
        tpu.wait_indirect_dma semaphore(%arg10 : memref<!tpu.dma_semaphore, #tpu.memory_space<semaphore_mem>>) src(%arg5 : memref<80xf32, #tpu.memory_space<vmem>>) dst(%dma_wait3A_139 : memref<10000xf32, #tpu.memory_space<vmem_shared>>)
      } else {
      }
      %add3A_113 = arith.constant 2 : i32
      %add3A_114 = arith.addi %mul3A_85, %add3A_113 : i32
      %dma_start3A_115 = arith.constant 0 : i32
      %dma_start3A_116 = tpu.memref_slice %arg4[%add3A_114, %dma_start3A_115] : memref<125x80xi32, #tpu.memory_space<vmem>> -> memref<1x80xi32, #tpu.memory_space<vmem>>
      %dma_start3A_117 = tpu.memref_squeeze %dma_start3A_116 : memref<1x80xi32, #tpu.memory_space<vmem>> -> memref<80xi32, #tpu.memory_space<vmem>>
      %dma_start3A_118 = arith.constant 0 : i32
      %dma_start3A_119 = tpu.memref_slice %arg7[%dma_start3A_118] : memref<10000xf32, #tpu.memory_space<vmem_shared>> -> memref<10000xf32, #tpu.memory_space<vmem_shared>>
      tpu.enqueue_indirect_dma source(%arg5 : memref<80xf32, #tpu.memory_space<vmem>>) target(%dma_start3A_119 : memref<10000xf32, #tpu.memory_space<vmem_shared>>) offsets(%dma_start3A_117 : memref<80xi32, #tpu.memory_space<vmem>>) semaphore(%arg10 : memref<!tpu.dma_semaphore, #tpu.memory_space<semaphore_mem>>) {add = true}
      %gt3A_120 = arith.constant 0 : i32
      %gt3A_121 = arith.cmpi sgt, %scan3A_83, %gt3A_120 : i32
      %convert_element_type3A_122 = arith.extui %gt3A_121 : i1 to i32
      %cond3A_123 = arith.constant 0 : i32
      %cond3A_124 = arith.cmpi ne, %convert_element_type3A_122, %cond3A_123 : i32
      scf.if %cond3A_124 {
        %add3A_133 = arith.constant 3 : i32
        %add3A_134 = arith.addi %mul3A_85, %add3A_133 : i32
        %dma_wait3A_135 = arith.constant 0 : i32
        %dma_wait3A_136 = tpu.memref_slice %arg4[%add3A_134, %dma_wait3A_135] : memref<125x80xi32, #tpu.memory_space<vmem>> -> memref<1x80xi32, #tpu.memory_space<vmem>>
        %dma_wait3A_137 = tpu.memref_squeeze %dma_wait3A_136 : memref<1x80xi32, #tpu.memory_space<vmem>> -> memref<80xi32, #tpu.memory_space<vmem>>
        %dma_wait3A_138 = arith.constant 0 : i32
        %dma_wait3A_139 = tpu.memref_slice %arg7[%dma_wait3A_138] : memref<10000xf32, #tpu.memory_space<vmem_shared>> -> memref<10000xf32, #tpu.memory_space<vmem_shared>>
        tpu.wait_indirect_dma semaphore(%arg11 : memref<!tpu.dma_semaphore, #tpu.memory_space<semaphore_mem>>) src(%arg5 : memref<80xf32, #tpu.memory_space<vmem>>) dst(%dma_wait3A_139 : memref<10000xf32, #tpu.memory_space<vmem_shared>>)
      } else {
      }
      %add3A_125 = arith.constant 3 : i32
      %add3A_126 = arith.addi %mul3A_85, %add3A_125 : i32
      %dma_start3A_127 = arith.constant 0 : i32
      %dma_start3A_128 = tpu.memref_slice %arg4[%add3A_126, %dma_start3A_127] : memref<125x80xi32, #tpu.memory_space<vmem>> -> memref<1x80xi32, #tpu.memory_space<vmem>>
      %dma_start3A_129 = tpu.memref_squeeze %dma_start3A_128 : memref<1x80xi32, #tpu.memory_space<vmem>> -> memref<80xi32, #tpu.memory_space<vmem>>
      %dma_start3A_130 = arith.constant 0 : i32
      %dma_start3A_131 = tpu.memref_slice %arg7[%dma_start3A_130] : memref<10000xf32, #tpu.memory_space<vmem_shared>> -> memref<10000xf32, #tpu.memory_space<vmem_shared>>
      tpu.enqueue_indirect_dma source(%arg5 : memref<80xf32, #tpu.memory_space<vmem>>) target(%dma_start3A_131 : memref<10000xf32, #tpu.memory_space<vmem_shared>>) offsets(%dma_start3A_129 : memref<80xi32, #tpu.memory_space<vmem>>) semaphore(%arg11 : memref<!tpu.dma_semaphore, #tpu.memory_space<semaphore_mem>>) {add = true}
      %scan3A_132 = arith.constant 0 : i32
      scf.yield %scan3A_132 : i32
    }
    %scan3A_42 = arith.constant 31 : i32
    %dma_wait3A = arith.constant 124 : i32
    %dma_wait3A_43 = arith.constant 0 : i32
    %dma_wait3A_44 = tpu.memref_slice %arg4[%dma_wait3A, %dma_wait3A_43] : memref<125x80xi32, #tpu.memory_space<vmem>> -> memref<1x80xi32, #tpu.memory_space<vmem>>
    %dma_wait3A_45 = tpu.memref_squeeze %dma_wait3A_44 : memref<1x80xi32, #tpu.memory_space<vmem>> -> memref<80xi32, #tpu.memory_space<vmem>>
    %dma_wait3A_46 = arith.constant 0 : i32
    %dma_wait3A_47 = tpu.memref_slice %arg7[%dma_wait3A_46] : memref<10000xf32, #tpu.memory_space<vmem_shared>> -> memref<10000xf32, #tpu.memory_space<vmem_shared>>
    tpu.wait_indirect_dma semaphore(%arg8 : memref<!tpu.dma_semaphore, #tpu.memory_space<semaphore_mem>>) src(%arg5 : memref<80xf32, #tpu.memory_space<vmem>>) dst(%dma_wait3A_47 : memref<10000xf32, #tpu.memory_space<vmem_shared>>)
    %dma_start3A = arith.constant 124 : i32
    %dma_start3A_48 = arith.constant 0 : i32
    %dma_start3A_49 = tpu.memref_slice %arg4[%dma_start3A, %dma_start3A_48] : memref<125x80xi32, #tpu.memory_space<vmem>> -> memref<1x80xi32, #tpu.memory_space<vmem>>
    %dma_start3A_50 = tpu.memref_squeeze %dma_start3A_49 : memref<1x80xi32, #tpu.memory_space<vmem>> -> memref<80xi32, #tpu.memory_space<vmem>>
    %dma_start3A_51 = arith.constant 0 : i32
    %dma_start3A_52 = tpu.memref_slice %arg7[%dma_start3A_51] : memref<10000xf32, #tpu.memory_space<vmem_shared>> -> memref<10000xf32, #tpu.memory_space<vmem_shared>>
    tpu.enqueue_indirect_dma source(%arg5 : memref<80xf32, #tpu.memory_space<vmem>>) target(%dma_start3A_52 : memref<10000xf32, #tpu.memory_space<vmem_shared>>) offsets(%dma_start3A_50 : memref<80xi32, #tpu.memory_space<vmem>>) semaphore(%arg8 : memref<!tpu.dma_semaphore, #tpu.memory_space<semaphore_mem>>) {add = true}
    %dma_wait3A_53 = arith.constant 124 : i32
    %dma_wait3A_54 = arith.constant 0 : i32
    %dma_wait3A_55 = tpu.memref_slice %arg4[%dma_wait3A_53, %dma_wait3A_54] : memref<125x80xi32, #tpu.memory_space<vmem>> -> memref<1x80xi32, #tpu.memory_space<vmem>>
    %dma_wait3A_56 = tpu.memref_squeeze %dma_wait3A_55 : memref<1x80xi32, #tpu.memory_space<vmem>> -> memref<80xi32, #tpu.memory_space<vmem>>
    %dma_wait3A_57 = arith.constant 0 : i32
    %dma_wait3A_58 = tpu.memref_slice %arg7[%dma_wait3A_57] : memref<10000xf32, #tpu.memory_space<vmem_shared>> -> memref<10000xf32, #tpu.memory_space<vmem_shared>>
    tpu.wait_indirect_dma semaphore(%arg8 : memref<!tpu.dma_semaphore, #tpu.memory_space<semaphore_mem>>) src(%arg5 : memref<80xf32, #tpu.memory_space<vmem>>) dst(%dma_wait3A_58 : memref<10000xf32, #tpu.memory_space<vmem_shared>>)
    %dma_wait3A_59 = arith.constant 124 : i32
    %dma_wait3A_60 = arith.constant 0 : i32
    %dma_wait3A_61 = tpu.memref_slice %arg4[%dma_wait3A_59, %dma_wait3A_60] : memref<125x80xi32, #tpu.memory_space<vmem>> -> memref<1x80xi32, #tpu.memory_space<vmem>>
    %dma_wait3A_62 = tpu.memref_squeeze %dma_wait3A_61 : memref<1x80xi32, #tpu.memory_space<vmem>> -> memref<80xi32, #tpu.memory_space<vmem>>
    %dma_wait3A_63 = arith.constant 0 : i32
    %dma_wait3A_64 = tpu.memref_slice %arg7[%dma_wait3A_63] : memref<10000xf32, #tpu.memory_space<vmem_shared>> -> memref<10000xf32, #tpu.memory_space<vmem_shared>>
    tpu.wait_indirect_dma semaphore(%arg9 : memref<!tpu.dma_semaphore, #tpu.memory_space<semaphore_mem>>) src(%arg5 : memref<80xf32, #tpu.memory_space<vmem>>) dst(%dma_wait3A_64 : memref<10000xf32, #tpu.memory_space<vmem_shared>>)
    %dma_wait3A_65 = arith.constant 124 : i32
    %dma_wait3A_66 = arith.constant 0 : i32
    %dma_wait3A_67 = tpu.memref_slice %arg4[%dma_wait3A_65, %dma_wait3A_66] : memref<125x80xi32, #tpu.memory_space<vmem>> -> memref<1x80xi32, #tpu.memory_space<vmem>>
    %dma_wait3A_68 = tpu.memref_squeeze %dma_wait3A_67 : memref<1x80xi32, #tpu.memory_space<vmem>> -> memref<80xi32, #tpu.memory_space<vmem>>
    %dma_wait3A_69 = arith.constant 0 : i32
    %dma_wait3A_70 = tpu.memref_slice %arg7[%dma_wait3A_69] : memref<10000xf32, #tpu.memory_space<vmem_shared>> -> memref<10000xf32, #tpu.memory_space<vmem_shared>>
    tpu.wait_indirect_dma semaphore(%arg10 : memref<!tpu.dma_semaphore, #tpu.memory_space<semaphore_mem>>) src(%arg5 : memref<80xf32, #tpu.memory_space<vmem>>) dst(%dma_wait3A_70 : memref<10000xf32, #tpu.memory_space<vmem_shared>>)
    %dma_wait3A_71 = arith.constant 124 : i32
    %dma_wait3A_72 = arith.constant 0 : i32
    %dma_wait3A_73 = tpu.memref_slice %arg4[%dma_wait3A_71, %dma_wait3A_72] : memref<125x80xi32, #tpu.memory_space<vmem>> -> memref<1x80xi32, #tpu.memory_space<vmem>>
    %dma_wait3A_74 = tpu.memref_squeeze %dma_wait3A_73 : memref<1x80xi32, #tpu.memory_space<vmem>> -> memref<80xi32, #tpu.memory_space<vmem>>
    %dma_wait3A_75 = arith.constant 0 : i32
    %dma_wait3A_76 = tpu.memref_slice %arg7[%dma_wait3A_75] : memref<10000xf32, #tpu.memory_space<vmem_shared>> -> memref<10000xf32, #tpu.memory_space<vmem_shared>>
    tpu.wait_indirect_dma semaphore(%arg11 : memref<!tpu.dma_semaphore, #tpu.memory_space<semaphore_mem>>) src(%arg5 : memref<80xf32, #tpu.memory_space<vmem>>) dst(%dma_wait3A_76 : memref<10000xf32, #tpu.memory_space<vmem_shared>>)
    %barrier3A_77 = arith.constant 0 : index
    tpu.barrier barrier_id(%barrier3A_77)
    %lt3A_78 = arith.constant 10 : i32
    %lt3A_79 = arith.cmpi slt, %arg1, %lt3A_78 : i32
    %convert_element_type3A_80 = arith.extui %lt3A_79 : i1 to i32
    %cond3A_81 = arith.constant 0 : i32
    %cond3A_82 = arith.cmpi ne, %convert_element_type3A_80, %cond3A_81 : i32
    scf.if %cond3A_82 {
      %mul3A = arith.constant 1000 : i32
      %mul3A_83 = arith.muli %arg1, %mul3A : i32
      "tpu.region"() ({
        %run_scoped3A = tpu.sem_alloc : memref<!tpu.dma_semaphore, #tpu.memory_space<semaphore_mem>>
        %dma_start3A_88 = arith.constant 0 : i32
        %dma_start3A_89 = tpu.memref_slice %arg6[%dma_start3A_88] : memref<1008xf32, #tpu.memory_space<vmem>> -> memref<1000xf32, #tpu.memory_space<vmem>>
        %dma_start3A_90 = tpu.memref_slice %arg7[%mul3A_83] : memref<10000xf32, #tpu.memory_space<vmem_shared>> -> memref<1000xf32, #tpu.memory_space<vmem_shared>>
        %dma_start3A_91 = arith.constant 0 : i32
        %dma_start3A_92 = tpu.memref_slice %arg6[%dma_start3A_91] : memref<1008xf32, #tpu.memory_space<vmem>> -> memref<1000xf32, #tpu.memory_space<vmem>>
        %dma_start3A_93 = tpu.memref_slice %arg7[%mul3A_83] : memref<10000xf32, #tpu.memory_space<vmem_shared>> -> memref<1000xf32, #tpu.memory_space<vmem_shared>>
        tpu.enqueue_dma source(%dma_start3A_93 : memref<1000xf32, #tpu.memory_space<vmem_shared>>) target(%dma_start3A_92 : memref<1000xf32, #tpu.memory_space<vmem>>) target_semaphore(%run_scoped3A : memref<!tpu.dma_semaphore, #tpu.memory_space<semaphore_mem>>)
        %dma_wait3A_94 = arith.constant 0 : i32
        %dma_wait3A_95 = tpu.memref_slice %arg6[%dma_wait3A_94] : memref<1008xf32, #tpu.memory_space<vmem>> -> memref<1000xf32, #tpu.memory_space<vmem>>
        %dma_wait3A_96 = tpu.memref_slice %arg7[%mul3A_83] : memref<10000xf32, #tpu.memory_space<vmem_shared>> -> memref<1000xf32, #tpu.memory_space<vmem_shared>>
        %dma_wait3A_97 = arith.constant 0 : i32
        %dma_wait3A_98 = tpu.memref_slice %arg6[%dma_wait3A_97] : memref<1008xf32, #tpu.memory_space<vmem>> -> memref<1000xf32, #tpu.memory_space<vmem>>
        %dma_wait3A_99 = tpu.memref_slice %arg7[%mul3A_83] : memref<10000xf32, #tpu.memory_space<vmem_shared>> -> memref<1000xf32, #tpu.memory_space<vmem_shared>>
        tpu.wait_dma2 semaphore(%run_scoped3A : memref<!tpu.dma_semaphore, #tpu.memory_space<semaphore_mem>>) src(%dma_wait3A_99 : memref<1000xf32, #tpu.memory_space<vmem_shared>>) dst(%dma_wait3A_98 : memref<1000xf32, #tpu.memory_space<vmem>>)
        tpu.yield
      }) : () -> ()
      %mul3A_84 = arith.constant 10000 : i32
      %mul3A_85 = arith.muli %arg0, %mul3A_84 : i32
      %mul3A_86 = arith.constant 1000 : i32
      %mul3A_87 = arith.muli %arg1, %mul3A_86 : i32
      %add3A = arith.addi %mul3A_85, %mul3A_87 : i32
      "tpu.region"() ({
        %run_scoped3A = tpu.sem_alloc : memref<!tpu.dma_semaphore, #tpu.memory_space<semaphore_mem>>
        %dma_start3A_88 = arith.constant 0 : i32
        %dma_start3A_89 = tpu.memref_slice %arg6[%dma_start3A_88] : memref<1008xf32, #tpu.memory_space<vmem>> -> memref<1000xf32, #tpu.memory_space<vmem>>
        %dma_start3A_90 = tpu.memref_slice %arg3[%add3A] : memref<20000xf32, #tpu.memory_space<hbm>> -> memref<1000xf32, #tpu.memory_space<hbm>>
        %dma_start3A_91 = tpu.memref_slice %arg3[%add3A] : memref<20000xf32, #tpu.memory_space<hbm>> -> memref<1000xf32, #tpu.memory_space<hbm>>
        %dma_start3A_92 = arith.constant 0 : i32
        %dma_start3A_93 = tpu.memref_slice %arg6[%dma_start3A_92] : memref<1008xf32, #tpu.memory_space<vmem>> -> memref<1000xf32, #tpu.memory_space<vmem>>
        tpu.enqueue_dma source(%dma_start3A_93 : memref<1000xf32, #tpu.memory_space<vmem>>) target(%dma_start3A_91 : memref<1000xf32, #tpu.memory_space<hbm>>) target_semaphore(%run_scoped3A : memref<!tpu.dma_semaphore, #tpu.memory_space<semaphore_mem>>)
        %dma_wait3A_94 = arith.constant 0 : i32
        %dma_wait3A_95 = tpu.memref_slice %arg6[%dma_wait3A_94] : memref<1008xf32, #tpu.memory_space<vmem>> -> memref<1000xf32, #tpu.memory_space<vmem>>
        %dma_wait3A_96 = tpu.memref_slice %arg3[%add3A] : memref<20000xf32, #tpu.memory_space<hbm>> -> memref<1000xf32, #tpu.memory_space<hbm>>
        %dma_wait3A_97 = tpu.memref_slice %arg3[%add3A] : memref<20000xf32, #tpu.memory_space<hbm>> -> memref<1000xf32, #tpu.memory_space<hbm>>
        %dma_wait3A_98 = arith.constant 0 : i32
        %dma_wait3A_99 = tpu.memref_slice %arg6[%dma_wait3A_98] : memref<1008xf32, #tpu.memory_space<vmem>> -> memref<1000xf32, #tpu.memory_space<vmem>>
        tpu.wait_dma2 semaphore(%run_scoped3A : memref<!tpu.dma_semaphore, #tpu.memory_space<semaphore_mem>>) src(%dma_wait3A_99 : memref<1000xf32, #tpu.memory_space<vmem>>) dst(%dma_wait3A_97 : memref<1000xf32, #tpu.memory_space<hbm>>)
        tpu.yield
      }) : () -> ()
    } else {
    }
    return
  }
}

#map = affine_map<(d0, d1) -> (0)>
#map1 = affine_map<(d0, d1) -> (0, 0, 0)>
module attributes {stable_mosaic.version = 14 : i64} {
  func.func @_final_body(%arg0: i32, %arg1: i32, %arg2: memref<10000xf32, #tpu.memory_space<hbm>>, %arg3: memref<10000xf32, #tpu.memory_space<hbm>>, %arg4: memref<10000xf32, #tpu.memory_space<hbm>>, %arg5: memref<320000xi32, #tpu.memory_space<hbm>>, %arg6: memref<16x250x80xi32, #tpu.memory_space<hbm>>, %arg7: memref<10000xf32, #tpu.memory_space<hbm>>, %arg8: memref<10000xf32, #tpu.memory_space<vmem>>, %arg9: memref<20000xi32, #tpu.memory_space<vmem>>, %arg10: memref<250x80xi32, #tpu.memory_space<vmem>>, %arg11: memref<20000xf32, #tpu.memory_space<vmem>>, %arg12: memref<1008xf32, #tpu.memory_space<vmem>>, %arg13: memref<640xf32, #tpu.memory_space<vmem>>, %arg14: memref<640xf32, #tpu.memory_space<vmem>>, %arg15: memref<640xf32, #tpu.memory_space<vmem>>, %arg16: memref<640xf32, #tpu.memory_space<vmem>>, %arg17: memref<10000xf32, #tpu.memory_space<vmem_shared>>, %arg18: memref<!tpu.dma_semaphore, #tpu.memory_space<semaphore_mem>>, %arg19: memref<!tpu.dma_semaphore, #tpu.memory_space<semaphore_mem>>, %arg20: memref<!tpu.dma_semaphore, #tpu.memory_space<semaphore_mem>>, %arg21: memref<!tpu.dma_semaphore, #tpu.memory_space<semaphore_mem>>) attributes {dimension_semantics = [#tpu.dimension_semantics<core_parallel>, #tpu.dimension_semantics<subcore_parallel>], iteration_bounds = array<i64: 2, 16>, scalar_prefetch = 0 : i64, scratch_operands = 14 : i64, tpu.core_type = #tpu.core_type<sc_vector_subcore>, window_params = [{transform_indices = #map}, {transform_indices = #map}, {transform_indices = #map}, {transform_indices = #map}, {transform_indices = #map1}, {transform_indices = #map}]} {
    %eq3A = arith.constant 0 : i32
    %eq3A_0 = arith.cmpi eq, %arg0, %eq3A : i32
    %convert_element_type3A = arith.extui %eq3A_0 : i1 to i32
    %cond3A = arith.constant 0 : i32
    %cond3A_1 = arith.cmpi ne, %convert_element_type3A, %cond3A : i32
    scf.if %cond3A_1 {
      %scan3A = arith.constant 0 : i32
      %scan3A_2 = arith.constant 0 : i32
      %scan3A_3 = arith.constant 63 : i32
      %scan3A_4 = arith.addi %scan3A_2, %scan3A_3 : i32
      %scan3A_5 = arith.constant 1 : i32
      %scan3A_6 = scf.for %scan3A_166 = %scan3A_2 to %scan3A_4 step %scan3A_5 iter_args(%scan3A_167 = %scan3A) -> (i32)  : i32 {
        %broadcast_in_dim3A = arith.constant 0.000000e+00 : f32
        %broadcast_in_dim3A_168 = vector.broadcast %broadcast_in_dim3A : f32 to vector<16xf32>
        %mul3A_169 = arith.constant 16 : i32
        %mul3A_170 = arith.muli %scan3A_166, %mul3A_169 : i32
        %swap3A_171 = arith.index_cast %mul3A_170 : i32 to index
        %swap3A_172 = tpu.vector_load %arg12[%swap3A_171] {strides = array<i32>} : memref<1008xf32, #tpu.memory_space<vmem>>, vector<16xf32>,
        %swap3A_173 = vector.shape_cast %swap3A_172 : vector<16xf32> to vector<16xf32>
        %swap3A_174 = vector.shape_cast %broadcast_in_dim3A_168 : vector<16xf32> to vector<16xf32>
        tpu.vector_store %arg12[%swap3A_171], %swap3A_174 {strides = array<i32>} : memref<1008xf32, #tpu.memory_space<vmem>>, vector<16xf32>,
        %scan3A_175 = arith.constant 0 : i32
        scf.yield %scan3A_175 : i32
      }
      %scan3A_7 = arith.constant 63 : i32
      %lt3A = arith.constant 10 : i32
      %lt3A_8 = arith.cmpi slt, %arg1, %lt3A : i32
      %convert_element_type3A_9 = arith.extui %lt3A_8 : i1 to i32
      %cond3A_10 = arith.constant 0 : i32
      %cond3A_11 = arith.cmpi ne, %convert_element_type3A_9, %cond3A_10 : i32
      scf.if %cond3A_11 {
        %mul3A_166 = arith.constant 1000 : i32
        %mul3A_167 = arith.muli %arg1, %mul3A_166 : i32
        "tpu.region"() ({
          %run_scoped3A = tpu.sem_alloc : memref<!tpu.dma_semaphore, #tpu.memory_space<semaphore_mem>>
          %dma_start3A_168 = arith.constant 0 : i32
          %dma_start3A_169 = tpu.memref_slice %arg12[%dma_start3A_168] : memref<1008xf32, #tpu.memory_space<vmem>> -> memref<1000xf32, #tpu.memory_space<vmem>>
          %dma_start3A_170 = tpu.memref_slice %arg17[%mul3A_167] : memref<10000xf32, #tpu.memory_space<vmem_shared>> -> memref<1000xf32, #tpu.memory_space<vmem_shared>>
          %dma_start3A_171 = tpu.memref_slice %arg17[%mul3A_167] : memref<10000xf32, #tpu.memory_space<vmem_shared>> -> memref<1000xf32, #tpu.memory_space<vmem_shared>>
          %dma_start3A_172 = arith.constant 0 : i32
          %dma_start3A_173 = tpu.memref_slice %arg12[%dma_start3A_172] : memref<1008xf32, #tpu.memory_space<vmem>> -> memref<1000xf32, #tpu.memory_space<vmem>>
          tpu.enqueue_dma source(%dma_start3A_173 : memref<1000xf32, #tpu.memory_space<vmem>>) target(%dma_start3A_171 : memref<1000xf32, #tpu.memory_space<vmem_shared>>) target_semaphore(%run_scoped3A : memref<!tpu.dma_semaphore, #tpu.memory_space<semaphore_mem>>)
          %dma_wait3A_174 = arith.constant 0 : i32
          %dma_wait3A_175 = tpu.memref_slice %arg12[%dma_wait3A_174] : memref<1008xf32, #tpu.memory_space<vmem>> -> memref<1000xf32, #tpu.memory_space<vmem>>
          %dma_wait3A_176 = tpu.memref_slice %arg17[%mul3A_167] : memref<10000xf32, #tpu.memory_space<vmem_shared>> -> memref<1000xf32, #tpu.memory_space<vmem_shared>>
          %dma_wait3A_177 = tpu.memref_slice %arg17[%mul3A_167] : memref<10000xf32, #tpu.memory_space<vmem_shared>> -> memref<1000xf32, #tpu.memory_space<vmem_shared>>
          %dma_wait3A_178 = arith.constant 0 : i32
          %dma_wait3A_179 = tpu.memref_slice %arg12[%dma_wait3A_178] : memref<1008xf32, #tpu.memory_space<vmem>> -> memref<1000xf32, #tpu.memory_space<vmem>>
          tpu.wait_dma2 semaphore(%run_scoped3A : memref<!tpu.dma_semaphore, #tpu.memory_space<semaphore_mem>>) src(%dma_wait3A_179 : memref<1000xf32, #tpu.memory_space<vmem>>) dst(%dma_wait3A_177 : memref<1000xf32, #tpu.memory_space<vmem_shared>>)
          tpu.yield
        }) : () -> ()
      } else {
      }
      %barrier3A = arith.constant 0 : index
      tpu.barrier barrier_id(%barrier3A)
      "tpu.region"() ({
        %run_scoped3A = tpu.sem_alloc : memref<!tpu.dma_semaphore, #tpu.memory_space<semaphore_mem>>
        tpu.enqueue_dma source(%arg2 : memref<10000xf32, #tpu.memory_space<hbm>>) target(%arg8 : memref<10000xf32, #tpu.memory_space<vmem>>) target_semaphore(%run_scoped3A : memref<!tpu.dma_semaphore, #tpu.memory_space<semaphore_mem>>)
        tpu.wait_dma2 semaphore(%run_scoped3A : memref<!tpu.dma_semaphore, #tpu.memory_space<semaphore_mem>>) src(%arg2 : memref<10000xf32, #tpu.memory_space<hbm>>) dst(%arg8 : memref<10000xf32, #tpu.memory_space<vmem>>)
        tpu.yield
      }) : () -> ()
      %mul3A = arith.constant 20000 : i32
      %mul3A_12 = arith.muli %arg1, %mul3A : i32
      "tpu.region"() ({
        %run_scoped3A = tpu.sem_alloc : memref<!tpu.dma_semaphore, #tpu.memory_space<semaphore_mem>>
        %dma_start3A_166 = tpu.memref_slice %arg5[%mul3A_12] : memref<320000xi32, #tpu.memory_space<hbm>> -> memref<20000xi32, #tpu.memory_space<hbm>>
        %dma_start3A_167 = tpu.memref_slice %arg5[%mul3A_12] : memref<320000xi32, #tpu.memory_space<hbm>> -> memref<20000xi32, #tpu.memory_space<hbm>>
        tpu.enqueue_dma source(%dma_start3A_167 : memref<20000xi32, #tpu.memory_space<hbm>>) target(%arg9 : memref<20000xi32, #tpu.memory_space<vmem>>) target_semaphore(%run_scoped3A : memref<!tpu.dma_semaphore, #tpu.memory_space<semaphore_mem>>)
        %dma_wait3A_168 = tpu.memref_slice %arg5[%mul3A_12] : memref<320000xi32, #tpu.memory_space<hbm>> -> memref<20000xi32, #tpu.memory_space<hbm>>
        %dma_wait3A_169 = tpu.memref_slice %arg5[%mul3A_12] : memref<320000xi32, #tpu.memory_space<hbm>> -> memref<20000xi32, #tpu.memory_space<hbm>>
        tpu.wait_dma2 semaphore(%run_scoped3A : memref<!tpu.dma_semaphore, #tpu.memory_space<semaphore_mem>>) src(%dma_wait3A_169 : memref<20000xi32, #tpu.memory_space<hbm>>) dst(%arg9 : memref<20000xi32, #tpu.memory_space<vmem>>)
        tpu.yield
      }) : () -> ()
      "tpu.region"() ({
        %run_scoped3A = tpu.sem_alloc : memref<!tpu.dma_semaphore, #tpu.memory_space<semaphore_mem>>
        %dma_start3A_166 = arith.constant 0 : i32
        %dma_start3A_167 = arith.constant 0 : i32
        %dma_start3A_168 = tpu.memref_slice %arg6[%arg1, %dma_start3A_166, %dma_start3A_167] : memref<16x250x80xi32, #tpu.memory_space<hbm>> -> memref<1x250x80xi32, #tpu.memory_space<hbm>>
        %dma_start3A_169 = tpu.memref_squeeze %dma_start3A_168 : memref<1x250x80xi32, #tpu.memory_space<hbm>> -> memref<250x80xi32, #tpu.memory_space<hbm>>
        %dma_start3A_170 = arith.constant 0 : i32
        %dma_start3A_171 = arith.constant 0 : i32
        %dma_start3A_172 = tpu.memref_slice %arg6[%arg1, %dma_start3A_170, %dma_start3A_171] : memref<16x250x80xi32, #tpu.memory_space<hbm>> -> memref<1x250x80xi32, #tpu.memory_space<hbm>>
        %dma_start3A_173 = tpu.memref_squeeze %dma_start3A_172 : memref<1x250x80xi32, #tpu.memory_space<hbm>> -> memref<250x80xi32, #tpu.memory_space<hbm>>
        tpu.enqueue_dma source(%dma_start3A_173 : memref<250x80xi32, #tpu.memory_space<hbm>>) target(%arg10 : memref<250x80xi32, #tpu.memory_space<vmem>>) target_semaphore(%run_scoped3A : memref<!tpu.dma_semaphore, #tpu.memory_space<semaphore_mem>>)
        %dma_wait3A_174 = arith.constant 0 : i32
        %dma_wait3A_175 = arith.constant 0 : i32
        %dma_wait3A_176 = tpu.memref_slice %arg6[%arg1, %dma_wait3A_174, %dma_wait3A_175] : memref<16x250x80xi32, #tpu.memory_space<hbm>> -> memref<1x250x80xi32, #tpu.memory_space<hbm>>
        %dma_wait3A_177 = tpu.memref_squeeze %dma_wait3A_176 : memref<1x250x80xi32, #tpu.memory_space<hbm>> -> memref<250x80xi32, #tpu.memory_space<hbm>>
        %dma_wait3A_178 = arith.constant 0 : i32
        %dma_wait3A_179 = arith.constant 0 : i32
        %dma_wait3A_180 = tpu.memref_slice %arg6[%arg1, %dma_wait3A_178, %dma_wait3A_179] : memref<16x250x80xi32, #tpu.memory_space<hbm>> -> memref<1x250x80xi32, #tpu.memory_space<hbm>>
        %dma_wait3A_181 = tpu.memref_squeeze %dma_wait3A_180 : memref<1x250x80xi32, #tpu.memory_space<hbm>> -> memref<250x80xi32, #tpu.memory_space<hbm>>
        tpu.wait_dma2 semaphore(%run_scoped3A : memref<!tpu.dma_semaphore, #tpu.memory_space<semaphore_mem>>) src(%dma_wait3A_181 : memref<250x80xi32, #tpu.memory_space<hbm>>) dst(%arg10 : memref<250x80xi32, #tpu.memory_space<vmem>>)
        tpu.yield
      }) : () -> ()
      %scan3A_13 = arith.constant 0 : i32
      %scan3A_14 = arith.constant 0 : i32
      %scan3A_15 = arith.constant 62 : i32
      %scan3A_16 = arith.addi %scan3A_14, %scan3A_15 : i32
      %scan3A_17 = arith.constant 1 : i32
      %scan3A_18 = scf.for %scan3A_166 = %scan3A_14 to %scan3A_16 step %scan3A_17 iter_args(%scan3A_167 = %scan3A_13) -> (i32)  : i32 {
        %mul3A_168 = arith.constant 4 : i32
        %mul3A_169 = arith.muli %mul3A_168, %scan3A_166 : i32
        %add3A = arith.constant 0 : i32
        %add3A_170 = arith.addi %mul3A_169, %add3A : i32
        %mul3A_171 = arith.constant 80 : i32
        %mul3A_172 = arith.muli %add3A_170, %mul3A_171 : i32
        %add3A_173 = arith.constant 0 : i32
        %add3A_174 = arith.addi %mul3A_172, %add3A_173 : i32
        %get3A_175 = arith.index_cast %add3A_174 : i32 to index
        %get3A_176 = tpu.vector_load %arg9[%get3A_175] {strides = array<i32>} : memref<20000xi32, #tpu.memory_space<vmem>>, vector<16xi32>,
        %gather3A_177 = tpu.vector_load_idx %arg8[%get3A_176] : memref<10000xf32, #tpu.memory_space<vmem>>[vector<16xi32>], vector<16xf32>,
        %mul3A_178 = arith.constant 80 : i32
        %mul3A_179 = arith.muli %add3A_170, %mul3A_178 : i32
        %add3A_180 = arith.constant 0 : i32
        %add3A_181 = arith.addi %mul3A_179, %add3A_180 : i32
        %swap3A_182 = arith.index_cast %add3A_181 : i32 to index
        %swap3A_183 = tpu.vector_load %arg11[%swap3A_182] {strides = array<i32>} : memref<20000xf32, #tpu.memory_space<vmem>>, vector<16xf32>,
        tpu.vector_store %arg11[%swap3A_182], %gather3A_177 {strides = array<i32>} : memref<20000xf32, #tpu.memory_space<vmem>>, vector<16xf32>,
        %mul3A_184 = arith.constant 80 : i32
        %mul3A_185 = arith.muli %add3A_170, %mul3A_184 : i32
        %add3A_186 = arith.constant 16 : i32
        %add3A_187 = arith.addi %mul3A_185, %add3A_186 : i32
        %get3A_188 = arith.index_cast %add3A_187 : i32 to index
        %get3A_189 = tpu.vector_load %arg9[%get3A_188] {strides = array<i32>} : memref<20000xi32, #tpu.memory_space<vmem>>, vector<16xi32>,
        %gather3A_190 = tpu.vector_load_idx %arg8[%get3A_189] : memref<10000xf32, #tpu.memory_space<vmem>>[vector<16xi32>], vector<16xf32>,
        %mul3A_191 = arith.constant 80 : i32
        %mul3A_192 = arith.muli %add3A_170, %mul3A_191 : i32
        %add3A_193 = arith.constant 16 : i32
        %add3A_194 = arith.addi %mul3A_192, %add3A_193 : i32
        %swap3A_195 = arith.index_cast %add3A_194 : i32 to index
        %swap3A_196 = tpu.vector_load %arg11[%swap3A_195] {strides = array<i32>} : memref<20000xf32, #tpu.memory_space<vmem>>, vector<16xf32>,
        tpu.vector_store %arg11[%swap3A_195], %gather3A_190 {strides = array<i32>} : memref<20000xf32, #tpu.memory_space<vmem>>, vector<16xf32>,
        %mul3A_197 = arith.constant 80 : i32
        %mul3A_198 = arith.muli %add3A_170, %mul3A_197 : i32
        %add3A_199 = arith.constant 32 : i32
        %add3A_200 = arith.addi %mul3A_198, %add3A_199 : i32
        %get3A_201 = arith.index_cast %add3A_200 : i32 to index
        %get3A_202 = tpu.vector_load %arg9[%get3A_201] {strides = array<i32>} : memref<20000xi32, #tpu.memory_space<vmem>>, vector<16xi32>,
        %gather3A_203 = tpu.vector_load_idx %arg8[%get3A_202] : memref<10000xf32, #tpu.memory_space<vmem>>[vector<16xi32>], vector<16xf32>,
        %mul3A_204 = arith.constant 80 : i32
        %mul3A_205 = arith.muli %add3A_170, %mul3A_204 : i32
        %add3A_206 = arith.constant 32 : i32
        %add3A_207 = arith.addi %mul3A_205, %add3A_206 : i32
        %swap3A_208 = arith.index_cast %add3A_207 : i32 to index
        %swap3A_209 = tpu.vector_load %arg11[%swap3A_208] {strides = array<i32>} : memref<20000xf32, #tpu.memory_space<vmem>>, vector<16xf32>,
        tpu.vector_store %arg11[%swap3A_208], %gather3A_203 {strides = array<i32>} : memref<20000xf32, #tpu.memory_space<vmem>>, vector<16xf32>,
        %mul3A_210 = arith.constant 80 : i32
        %mul3A_211 = arith.muli %add3A_170, %mul3A_210 : i32
        %add3A_212 = arith.constant 48 : i32
        %add3A_213 = arith.addi %mul3A_211, %add3A_212 : i32
        %get3A_214 = arith.index_cast %add3A_213 : i32 to index
        %get3A_215 = tpu.vector_load %arg9[%get3A_214] {strides = array<i32>} : memref<20000xi32, #tpu.memory_space<vmem>>, vector<16xi32>,
        %gather3A_216 = tpu.vector_load_idx %arg8[%get3A_215] : memref<10000xf32, #tpu.memory_space<vmem>>[vector<16xi32>], vector<16xf32>,
        %mul3A_217 = arith.constant 80 : i32
        %mul3A_218 = arith.muli %add3A_170, %mul3A_217 : i32
        %add3A_219 = arith.constant 48 : i32
        %add3A_220 = arith.addi %mul3A_218, %add3A_219 : i32
        %swap3A_221 = arith.index_cast %add3A_220 : i32 to index
        %swap3A_222 = tpu.vector_load %arg11[%swap3A_221] {strides = array<i32>} : memref<20000xf32, #tpu.memory_space<vmem>>, vector<16xf32>,
        tpu.vector_store %arg11[%swap3A_221], %gather3A_216 {strides = array<i32>} : memref<20000xf32, #tpu.memory_space<vmem>>, vector<16xf32>,
        %mul3A_223 = arith.constant 80 : i32
        %mul3A_224 = arith.muli %add3A_170, %mul3A_223 : i32
        %add3A_225 = arith.constant 64 : i32
        %add3A_226 = arith.addi %mul3A_224, %add3A_225 : i32
        %get3A_227 = arith.index_cast %add3A_226 : i32 to index
        %get3A_228 = tpu.vector_load %arg9[%get3A_227] {strides = array<i32>} : memref<20000xi32, #tpu.memory_space<vmem>>, vector<16xi32>,
        %gather3A_229 = tpu.vector_load_idx %arg8[%get3A_228] : memref<10000xf32, #tpu.memory_space<vmem>>[vector<16xi32>], vector<16xf32>,
        %mul3A_230 = arith.constant 80 : i32
        %mul3A_231 = arith.muli %add3A_170, %mul3A_230 : i32
        %add3A_232 = arith.constant 64 : i32
        %add3A_233 = arith.addi %mul3A_231, %add3A_232 : i32
        %swap3A_234 = arith.index_cast %add3A_233 : i32 to index
        %swap3A_235 = tpu.vector_load %arg11[%swap3A_234] {strides = array<i32>} : memref<20000xf32, #tpu.memory_space<vmem>>, vector<16xf32>,
        tpu.vector_store %arg11[%swap3A_234], %gather3A_229 {strides = array<i32>} : memref<20000xf32, #tpu.memory_space<vmem>>, vector<16xf32>,
        %gt3A = arith.constant 0 : i32
        %gt3A_236 = arith.cmpi sgt, %scan3A_166, %gt3A : i32
        %convert_element_type3A_237 = arith.extui %gt3A_236 : i1 to i32
        %cond3A_238 = arith.constant 0 : i32
        %cond3A_239 = arith.cmpi ne, %convert_element_type3A_237, %cond3A_238 : i32
        scf.if %cond3A_239 {
          %dma_wait3A_489 = arith.constant 0 : i32
          %dma_wait3A_490 = tpu.memref_slice %arg11[%dma_wait3A_489] : memref<20000xf32, #tpu.memory_space<vmem>> -> memref<80xf32, #tpu.memory_space<vmem>>
          %dma_wait3A_491 = arith.constant 0 : i32
          %dma_wait3A_492 = tpu.memref_slice %arg10[%add3A_170, %dma_wait3A_491] : memref<250x80xi32, #tpu.memory_space<vmem>> -> memref<1x80xi32, #tpu.memory_space<vmem>>
          %dma_wait3A_493 = tpu.memref_squeeze %dma_wait3A_492 : memref<1x80xi32, #tpu.memory_space<vmem>> -> memref<80xi32, #tpu.memory_space<vmem>>
          %dma_wait3A_494 = arith.constant 0 : i32
          %dma_wait3A_495 = tpu.memref_slice %arg17[%dma_wait3A_494] : memref<10000xf32, #tpu.memory_space<vmem_shared>> -> memref<10000xf32, #tpu.memory_space<vmem_shared>>
          tpu.wait_indirect_dma semaphore(%arg18 : memref<!tpu.dma_semaphore, #tpu.memory_space<semaphore_mem>>) src(%dma_wait3A_490 : memref<80xf32, #tpu.memory_space<vmem>>) dst(%dma_wait3A_495 : memref<10000xf32, #tpu.memory_space<vmem_shared>>)
        } else {
        }
        %mul3A_240 = arith.constant 80 : i32
        %mul3A_241 = arith.muli %add3A_170, %mul3A_240 : i32
        %dma_start3A_242 = tpu.memref_slice %arg11[%mul3A_241] : memref<20000xf32, #tpu.memory_space<vmem>> -> memref<80xf32, #tpu.memory_space<vmem>>
        %dma_start3A_243 = arith.constant 0 : i32
        %dma_start3A_244 = tpu.memref_slice %arg10[%add3A_170, %dma_start3A_243] : memref<250x80xi32, #tpu.memory_space<vmem>> -> memref<1x80xi32, #tpu.memory_space<vmem>>
        %dma_start3A_245 = tpu.memref_squeeze %dma_start3A_244 : memref<1x80xi32, #tpu.memory_space<vmem>> -> memref<80xi32, #tpu.memory_space<vmem>>
        %dma_start3A_246 = arith.constant 0 : i32
        %dma_start3A_247 = tpu.memref_slice %arg17[%dma_start3A_246] : memref<10000xf32, #tpu.memory_space<vmem_shared>> -> memref<10000xf32, #tpu.memory_space<vmem_shared>>
        tpu.enqueue_indirect_dma source(%dma_start3A_242 : memref<80xf32, #tpu.memory_space<vmem>>) target(%dma_start3A_247 : memref<10000xf32, #tpu.memory_space<vmem_shared>>) offsets(%dma_start3A_245 : memref<80xi32, #tpu.memory_space<vmem>>) semaphore(%arg18 : memref<!tpu.dma_semaphore, #tpu.memory_space<semaphore_mem>>) {add = true}
        %add3A_248 = arith.constant 1 : i32
        %add3A_249 = arith.addi %mul3A_169, %add3A_248 : i32
        %mul3A_250 = arith.constant 80 : i32
        %mul3A_251 = arith.muli %add3A_249, %mul3A_250 : i32
        %add3A_252 = arith.constant 0 : i32
        %add3A_253 = arith.addi %mul3A_251, %add3A_252 : i32
        %get3A_254 = arith.index_cast %add3A_253 : i32 to index
        %get3A_255 = tpu.vector_load %arg9[%get3A_254] {strides = array<i32>} : memref<20000xi32, #tpu.memory_space<vmem>>, vector<16xi32>,
        %gather3A_256 = tpu.vector_load_idx %arg8[%get3A_255] : memref<10000xf32, #tpu.memory_space<vmem>>[vector<16xi32>], vector<16xf32>,
        %mul3A_257 = arith.constant 80 : i32
        %mul3A_258 = arith.muli %add3A_249, %mul3A_257 : i32
        %add3A_259 = arith.constant 0 : i32
        %add3A_260 = arith.addi %mul3A_258, %add3A_259 : i32
        %swap3A_261 = arith.index_cast %add3A_260 : i32 to index
        %swap3A_262 = tpu.vector_load %arg11[%swap3A_261] {strides = array<i32>} : memref<20000xf32, #tpu.memory_space<vmem>>, vector<16xf32>,
        tpu.vector_store %arg11[%swap3A_261], %gather3A_256 {strides = array<i32>} : memref<20000xf32, #tpu.memory_space<vmem>>, vector<16xf32>,
        %mul3A_263 = arith.constant 80 : i32
        %mul3A_264 = arith.muli %add3A_249, %mul3A_263 : i32
        %add3A_265 = arith.constant 16 : i32
        %add3A_266 = arith.addi %mul3A_264, %add3A_265 : i32
        %get3A_267 = arith.index_cast %add3A_266 : i32 to index
        %get3A_268 = tpu.vector_load %arg9[%get3A_267] {strides = array<i32>} : memref<20000xi32, #tpu.memory_space<vmem>>, vector<16xi32>,
        %gather3A_269 = tpu.vector_load_idx %arg8[%get3A_268] : memref<10000xf32, #tpu.memory_space<vmem>>[vector<16xi32>], vector<16xf32>,
        %mul3A_270 = arith.constant 80 : i32
        %mul3A_271 = arith.muli %add3A_249, %mul3A_270 : i32
        %add3A_272 = arith.constant 16 : i32
        %add3A_273 = arith.addi %mul3A_271, %add3A_272 : i32
        %swap3A_274 = arith.index_cast %add3A_273 : i32 to index
        %swap3A_275 = tpu.vector_load %arg11[%swap3A_274] {strides = array<i32>} : memref<20000xf32, #tpu.memory_space<vmem>>, vector<16xf32>,
        tpu.vector_store %arg11[%swap3A_274], %gather3A_269 {strides = array<i32>} : memref<20000xf32, #tpu.memory_space<vmem>>, vector<16xf32>,
        %mul3A_276 = arith.constant 80 : i32
        %mul3A_277 = arith.muli %add3A_249, %mul3A_276 : i32
        %add3A_278 = arith.constant 32 : i32
        %add3A_279 = arith.addi %mul3A_277, %add3A_278 : i32
        %get3A_280 = arith.index_cast %add3A_279 : i32 to index
        %get3A_281 = tpu.vector_load %arg9[%get3A_280] {strides = array<i32>} : memref<20000xi32, #tpu.memory_space<vmem>>, vector<16xi32>,
        %gather3A_282 = tpu.vector_load_idx %arg8[%get3A_281] : memref<10000xf32, #tpu.memory_space<vmem>>[vector<16xi32>], vector<16xf32>,
        %mul3A_283 = arith.constant 80 : i32
        %mul3A_284 = arith.muli %add3A_249, %mul3A_283 : i32
        %add3A_285 = arith.constant 32 : i32
        %add3A_286 = arith.addi %mul3A_284, %add3A_285 : i32
        %swap3A_287 = arith.index_cast %add3A_286 : i32 to index
        %swap3A_288 = tpu.vector_load %arg11[%swap3A_287] {strides = array<i32>} : memref<20000xf32, #tpu.memory_space<vmem>>, vector<16xf32>,
        tpu.vector_store %arg11[%swap3A_287], %gather3A_282 {strides = array<i32>} : memref<20000xf32, #tpu.memory_space<vmem>>, vector<16xf32>,
        %mul3A_289 = arith.constant 80 : i32
        %mul3A_290 = arith.muli %add3A_249, %mul3A_289 : i32
        %add3A_291 = arith.constant 48 : i32
        %add3A_292 = arith.addi %mul3A_290, %add3A_291 : i32
        %get3A_293 = arith.index_cast %add3A_292 : i32 to index
        %get3A_294 = tpu.vector_load %arg9[%get3A_293] {strides = array<i32>} : memref<20000xi32, #tpu.memory_space<vmem>>, vector<16xi32>,
        %gather3A_295 = tpu.vector_load_idx %arg8[%get3A_294] : memref<10000xf32, #tpu.memory_space<vmem>>[vector<16xi32>], vector<16xf32>,
        %mul3A_296 = arith.constant 80 : i32
        %mul3A_297 = arith.muli %add3A_249, %mul3A_296 : i32
        %add3A_298 = arith.constant 48 : i32
        %add3A_299 = arith.addi %mul3A_297, %add3A_298 : i32
        %swap3A_300 = arith.index_cast %add3A_299 : i32 to index
        %swap3A_301 = tpu.vector_load %arg11[%swap3A_300] {strides = array<i32>} : memref<20000xf32, #tpu.memory_space<vmem>>, vector<16xf32>,
        tpu.vector_store %arg11[%swap3A_300], %gather3A_295 {strides = array<i32>} : memref<20000xf32, #tpu.memory_space<vmem>>, vector<16xf32>,
        %mul3A_302 = arith.constant 80 : i32
        %mul3A_303 = arith.muli %add3A_249, %mul3A_302 : i32
        %add3A_304 = arith.constant 64 : i32
        %add3A_305 = arith.addi %mul3A_303, %add3A_304 : i32
        %get3A_306 = arith.index_cast %add3A_305 : i32 to index
        %get3A_307 = tpu.vector_load %arg9[%get3A_306] {strides = array<i32>} : memref<20000xi32, #tpu.memory_space<vmem>>, vector<16xi32>,
        %gather3A_308 = tpu.vector_load_idx %arg8[%get3A_307] : memref<10000xf32, #tpu.memory_space<vmem>>[vector<16xi32>], vector<16xf32>,
        %mul3A_309 = arith.constant 80 : i32
        %mul3A_310 = arith.muli %add3A_249, %mul3A_309 : i32
        %add3A_311 = arith.constant 64 : i32
        %add3A_312 = arith.addi %mul3A_310, %add3A_311 : i32
        %swap3A_313 = arith.index_cast %add3A_312 : i32 to index
        %swap3A_314 = tpu.vector_load %arg11[%swap3A_313] {strides = array<i32>} : memref<20000xf32, #tpu.memory_space<vmem>>, vector<16xf32>,
        tpu.vector_store %arg11[%swap3A_313], %gather3A_308 {strides = array<i32>} : memref<20000xf32, #tpu.memory_space<vmem>>, vector<16xf32>,
        %gt3A_315 = arith.constant 0 : i32
        %gt3A_316 = arith.cmpi sgt, %scan3A_166, %gt3A_315 : i32
        %convert_element_type3A_317 = arith.extui %gt3A_316 : i1 to i32
        %cond3A_318 = arith.constant 0 : i32
        %cond3A_319 = arith.cmpi ne, %convert_element_type3A_317, %cond3A_318 : i32
        scf.if %cond3A_319 {
          %dma_wait3A_489 = arith.constant 0 : i32
          %dma_wait3A_490 = tpu.memref_slice %arg11[%dma_wait3A_489] : memref<20000xf32, #tpu.memory_space<vmem>> -> memref<80xf32, #tpu.memory_space<vmem>>
          %dma_wait3A_491 = arith.constant 0 : i32
          %dma_wait3A_492 = tpu.memref_slice %arg10[%add3A_249, %dma_wait3A_491] : memref<250x80xi32, #tpu.memory_space<vmem>> -> memref<1x80xi32, #tpu.memory_space<vmem>>
          %dma_wait3A_493 = tpu.memref_squeeze %dma_wait3A_492 : memref<1x80xi32, #tpu.memory_space<vmem>> -> memref<80xi32, #tpu.memory_space<vmem>>
          %dma_wait3A_494 = arith.constant 0 : i32
          %dma_wait3A_495 = tpu.memref_slice %arg17[%dma_wait3A_494] : memref<10000xf32, #tpu.memory_space<vmem_shared>> -> memref<10000xf32, #tpu.memory_space<vmem_shared>>
          tpu.wait_indirect_dma semaphore(%arg19 : memref<!tpu.dma_semaphore, #tpu.memory_space<semaphore_mem>>) src(%dma_wait3A_490 : memref<80xf32, #tpu.memory_space<vmem>>) dst(%dma_wait3A_495 : memref<10000xf32, #tpu.memory_space<vmem_shared>>)
        } else {
        }
        %mul3A_320 = arith.constant 80 : i32
        %mul3A_321 = arith.muli %add3A_249, %mul3A_320 : i32
        %dma_start3A_322 = tpu.memref_slice %arg11[%mul3A_321] : memref<20000xf32, #tpu.memory_space<vmem>> -> memref<80xf32, #tpu.memory_space<vmem>>
        %dma_start3A_323 = arith.constant 0 : i32
        %dma_start3A_324 = tpu.memref_slice %arg10[%add3A_249, %dma_start3A_323] : memref<250x80xi32, #tpu.memory_space<vmem>> -> memref<1x80xi32, #tpu.memory_space<vmem>>
        %dma_start3A_325 = tpu.memref_squeeze %dma_start3A_324 : memref<1x80xi32, #tpu.memory_space<vmem>> -> memref<80xi32, #tpu.memory_space<vmem>>
        %dma_start3A_326 = arith.constant 0 : i32
        %dma_start3A_327 = tpu.memref_slice %arg17[%dma_start3A_326] : memref<10000xf32, #tpu.memory_space<vmem_shared>> -> memref<10000xf32, #tpu.memory_space<vmem_shared>>
        tpu.enqueue_indirect_dma source(%dma_start3A_322 : memref<80xf32, #tpu.memory_space<vmem>>) target(%dma_start3A_327 : memref<10000xf32, #tpu.memory_space<vmem_shared>>) offsets(%dma_start3A_325 : memref<80xi32, #tpu.memory_space<vmem>>) semaphore(%arg19 : memref<!tpu.dma_semaphore, #tpu.memory_space<semaphore_mem>>) {add = true}
        %add3A_328 = arith.constant 2 : i32
        %add3A_329 = arith.addi %mul3A_169, %add3A_328 : i32
        %mul3A_330 = arith.constant 80 : i32
        %mul3A_331 = arith.muli %add3A_329, %mul3A_330 : i32
        %add3A_332 = arith.constant 0 : i32
        %add3A_333 = arith.addi %mul3A_331, %add3A_332 : i32
        %get3A_334 = arith.index_cast %add3A_333 : i32 to index
        %get3A_335 = tpu.vector_load %arg9[%get3A_334] {strides = array<i32>} : memref<20000xi32, #tpu.memory_space<vmem>>, vector<16xi32>,
        %gather3A_336 = tpu.vector_load_idx %arg8[%get3A_335] : memref<10000xf32, #tpu.memory_space<vmem>>[vector<16xi32>], vector<16xf32>,
        %mul3A_337 = arith.constant 80 : i32
        %mul3A_338 = arith.muli %add3A_329, %mul3A_337 : i32
        %add3A_339 = arith.constant 0 : i32
        %add3A_340 = arith.addi %mul3A_338, %add3A_339 : i32
        %swap3A_341 = arith.index_cast %add3A_340 : i32 to index
        %swap3A_342 = tpu.vector_load %arg11[%swap3A_341] {strides = array<i32>} : memref<20000xf32, #tpu.memory_space<vmem>>, vector<16xf32>,
        tpu.vector_store %arg11[%swap3A_341], %gather3A_336 {strides = array<i32>} : memref<20000xf32, #tpu.memory_space<vmem>>, vector<16xf32>,
        %mul3A_343 = arith.constant 80 : i32
        %mul3A_344 = arith.muli %add3A_329, %mul3A_343 : i32
        %add3A_345 = arith.constant 16 : i32
        %add3A_346 = arith.addi %mul3A_344, %add3A_345 : i32
        %get3A_347 = arith.index_cast %add3A_346 : i32 to index
        %get3A_348 = tpu.vector_load %arg9[%get3A_347] {strides = array<i32>} : memref<20000xi32, #tpu.memory_space<vmem>>, vector<16xi32>,
        %gather3A_349 = tpu.vector_load_idx %arg8[%get3A_348] : memref<10000xf32, #tpu.memory_space<vmem>>[vector<16xi32>], vector<16xf32>,
        %mul3A_350 = arith.constant 80 : i32
        %mul3A_351 = arith.muli %add3A_329, %mul3A_350 : i32
        %add3A_352 = arith.constant 16 : i32
        %add3A_353 = arith.addi %mul3A_351, %add3A_352 : i32
        %swap3A_354 = arith.index_cast %add3A_353 : i32 to index
        %swap3A_355 = tpu.vector_load %arg11[%swap3A_354] {strides = array<i32>} : memref<20000xf32, #tpu.memory_space<vmem>>, vector<16xf32>,
        tpu.vector_store %arg11[%swap3A_354], %gather3A_349 {strides = array<i32>} : memref<20000xf32, #tpu.memory_space<vmem>>, vector<16xf32>,
        %mul3A_356 = arith.constant 80 : i32
        %mul3A_357 = arith.muli %add3A_329, %mul3A_356 : i32
        %add3A_358 = arith.constant 32 : i32
        %add3A_359 = arith.addi %mul3A_357, %add3A_358 : i32
        %get3A_360 = arith.index_cast %add3A_359 : i32 to index
        %get3A_361 = tpu.vector_load %arg9[%get3A_360] {strides = array<i32>} : memref<20000xi32, #tpu.memory_space<vmem>>, vector<16xi32>,
        %gather3A_362 = tpu.vector_load_idx %arg8[%get3A_361] : memref<10000xf32, #tpu.memory_space<vmem>>[vector<16xi32>], vector<16xf32>,
        %mul3A_363 = arith.constant 80 : i32
        %mul3A_364 = arith.muli %add3A_329, %mul3A_363 : i32
        %add3A_365 = arith.constant 32 : i32
        %add3A_366 = arith.addi %mul3A_364, %add3A_365 : i32
        %swap3A_367 = arith.index_cast %add3A_366 : i32 to index
        %swap3A_368 = tpu.vector_load %arg11[%swap3A_367] {strides = array<i32>} : memref<20000xf32, #tpu.memory_space<vmem>>, vector<16xf32>,
        tpu.vector_store %arg11[%swap3A_367], %gather3A_362 {strides = array<i32>} : memref<20000xf32, #tpu.memory_space<vmem>>, vector<16xf32>,
        %mul3A_369 = arith.constant 80 : i32
        %mul3A_370 = arith.muli %add3A_329, %mul3A_369 : i32
        %add3A_371 = arith.constant 48 : i32
        %add3A_372 = arith.addi %mul3A_370, %add3A_371 : i32
        %get3A_373 = arith.index_cast %add3A_372 : i32 to index
        %get3A_374 = tpu.vector_load %arg9[%get3A_373] {strides = array<i32>} : memref<20000xi32, #tpu.memory_space<vmem>>, vector<16xi32>,
        %gather3A_375 = tpu.vector_load_idx %arg8[%get3A_374] : memref<10000xf32, #tpu.memory_space<vmem>>[vector<16xi32>], vector<16xf32>,
        %mul3A_376 = arith.constant 80 : i32
        %mul3A_377 = arith.muli %add3A_329, %mul3A_376 : i32
        %add3A_378 = arith.constant 48 : i32
        %add3A_379 = arith.addi %mul3A_377, %add3A_378 : i32
        %swap3A_380 = arith.index_cast %add3A_379 : i32 to index
        %swap3A_381 = tpu.vector_load %arg11[%swap3A_380] {strides = array<i32>} : memref<20000xf32, #tpu.memory_space<vmem>>, vector<16xf32>,
        tpu.vector_store %arg11[%swap3A_380], %gather3A_375 {strides = array<i32>} : memref<20000xf32, #tpu.memory_space<vmem>>, vector<16xf32>,
        %mul3A_382 = arith.constant 80 : i32
        %mul3A_383 = arith.muli %add3A_329, %mul3A_382 : i32
        %add3A_384 = arith.constant 64 : i32
        %add3A_385 = arith.addi %mul3A_383, %add3A_384 : i32
        %get3A_386 = arith.index_cast %add3A_385 : i32 to index
        %get3A_387 = tpu.vector_load %arg9[%get3A_386] {strides = array<i32>} : memref<20000xi32, #tpu.memory_space<vmem>>, vector<16xi32>,
        %gather3A_388 = tpu.vector_load_idx %arg8[%get3A_387] : memref<10000xf32, #tpu.memory_space<vmem>>[vector<16xi32>], vector<16xf32>,
        %mul3A_389 = arith.constant 80 : i32
        %mul3A_390 = arith.muli %add3A_329, %mul3A_389 : i32
        %add3A_391 = arith.constant 64 : i32
        %add3A_392 = arith.addi %mul3A_390, %add3A_391 : i32
        %swap3A_393 = arith.index_cast %add3A_392 : i32 to index
        %swap3A_394 = tpu.vector_load %arg11[%swap3A_393] {strides = array<i32>} : memref<20000xf32, #tpu.memory_space<vmem>>, vector<16xf32>,
        tpu.vector_store %arg11[%swap3A_393], %gather3A_388 {strides = array<i32>} : memref<20000xf32, #tpu.memory_space<vmem>>, vector<16xf32>,
        %gt3A_395 = arith.constant 0 : i32
        %gt3A_396 = arith.cmpi sgt, %scan3A_166, %gt3A_395 : i32
        %convert_element_type3A_397 = arith.extui %gt3A_396 : i1 to i32
        %cond3A_398 = arith.constant 0 : i32
        %cond3A_399 = arith.cmpi ne, %convert_element_type3A_397, %cond3A_398 : i32
        scf.if %cond3A_399 {
          %dma_wait3A_489 = arith.constant 0 : i32
          %dma_wait3A_490 = tpu.memref_slice %arg11[%dma_wait3A_489] : memref<20000xf32, #tpu.memory_space<vmem>> -> memref<80xf32, #tpu.memory_space<vmem>>
          %dma_wait3A_491 = arith.constant 0 : i32
          %dma_wait3A_492 = tpu.memref_slice %arg10[%add3A_329, %dma_wait3A_491] : memref<250x80xi32, #tpu.memory_space<vmem>> -> memref<1x80xi32, #tpu.memory_space<vmem>>
          %dma_wait3A_493 = tpu.memref_squeeze %dma_wait3A_492 : memref<1x80xi32, #tpu.memory_space<vmem>> -> memref<80xi32, #tpu.memory_space<vmem>>
          %dma_wait3A_494 = arith.constant 0 : i32
          %dma_wait3A_495 = tpu.memref_slice %arg17[%dma_wait3A_494] : memref<10000xf32, #tpu.memory_space<vmem_shared>> -> memref<10000xf32, #tpu.memory_space<vmem_shared>>
          tpu.wait_indirect_dma semaphore(%arg20 : memref<!tpu.dma_semaphore, #tpu.memory_space<semaphore_mem>>) src(%dma_wait3A_490 : memref<80xf32, #tpu.memory_space<vmem>>) dst(%dma_wait3A_495 : memref<10000xf32, #tpu.memory_space<vmem_shared>>)
        } else {
        }
        %mul3A_400 = arith.constant 80 : i32
        %mul3A_401 = arith.muli %add3A_329, %mul3A_400 : i32
        %dma_start3A_402 = tpu.memref_slice %arg11[%mul3A_401] : memref<20000xf32, #tpu.memory_space<vmem>> -> memref<80xf32, #tpu.memory_space<vmem>>
        %dma_start3A_403 = arith.constant 0 : i32
        %dma_start3A_404 = tpu.memref_slice %arg10[%add3A_329, %dma_start3A_403] : memref<250x80xi32, #tpu.memory_space<vmem>> -> memref<1x80xi32, #tpu.memory_space<vmem>>
        %dma_start3A_405 = tpu.memref_squeeze %dma_start3A_404 : memref<1x80xi32, #tpu.memory_space<vmem>> -> memref<80xi32, #tpu.memory_space<vmem>>
        %dma_start3A_406 = arith.constant 0 : i32
        %dma_start3A_407 = tpu.memref_slice %arg17[%dma_start3A_406] : memref<10000xf32, #tpu.memory_space<vmem_shared>> -> memref<10000xf32, #tpu.memory_space<vmem_shared>>
        tpu.enqueue_indirect_dma source(%dma_start3A_402 : memref<80xf32, #tpu.memory_space<vmem>>) target(%dma_start3A_407 : memref<10000xf32, #tpu.memory_space<vmem_shared>>) offsets(%dma_start3A_405 : memref<80xi32, #tpu.memory_space<vmem>>) semaphore(%arg20 : memref<!tpu.dma_semaphore, #tpu.memory_space<semaphore_mem>>) {add = true}
        %add3A_408 = arith.constant 3 : i32
        %add3A_409 = arith.addi %mul3A_169, %add3A_408 : i32
        %mul3A_410 = arith.constant 80 : i32
        %mul3A_411 = arith.muli %add3A_409, %mul3A_410 : i32
        %add3A_412 = arith.constant 0 : i32
        %add3A_413 = arith.addi %mul3A_411, %add3A_412 : i32
        %get3A_414 = arith.index_cast %add3A_413 : i32 to index
        %get3A_415 = tpu.vector_load %arg9[%get3A_414] {strides = array<i32>} : memref<20000xi32, #tpu.memory_space<vmem>>, vector<16xi32>,
        %gather3A_416 = tpu.vector_load_idx %arg8[%get3A_415] : memref<10000xf32, #tpu.memory_space<vmem>>[vector<16xi32>], vector<16xf32>,
        %mul3A_417 = arith.constant 80 : i32
        %mul3A_418 = arith.muli %add3A_409, %mul3A_417 : i32
        %add3A_419 = arith.constant 0 : i32
        %add3A_420 = arith.addi %mul3A_418, %add3A_419 : i32
        %swap3A_421 = arith.index_cast %add3A_420 : i32 to index
        %swap3A_422 = tpu.vector_load %arg11[%swap3A_421] {strides = array<i32>} : memref<20000xf32, #tpu.memory_space<vmem>>, vector<16xf32>,
        tpu.vector_store %arg11[%swap3A_421], %gather3A_416 {strides = array<i32>} : memref<20000xf32, #tpu.memory_space<vmem>>, vector<16xf32>,
        %mul3A_423 = arith.constant 80 : i32
        %mul3A_424 = arith.muli %add3A_409, %mul3A_423 : i32
        %add3A_425 = arith.constant 16 : i32
        %add3A_426 = arith.addi %mul3A_424, %add3A_425 : i32
        %get3A_427 = arith.index_cast %add3A_426 : i32 to index
        %get3A_428 = tpu.vector_load %arg9[%get3A_427] {strides = array<i32>} : memref<20000xi32, #tpu.memory_space<vmem>>, vector<16xi32>,
        %gather3A_429 = tpu.vector_load_idx %arg8[%get3A_428] : memref<10000xf32, #tpu.memory_space<vmem>>[vector<16xi32>], vector<16xf32>,
        %mul3A_430 = arith.constant 80 : i32
        %mul3A_431 = arith.muli %add3A_409, %mul3A_430 : i32
        %add3A_432 = arith.constant 16 : i32
        %add3A_433 = arith.addi %mul3A_431, %add3A_432 : i32
        %swap3A_434 = arith.index_cast %add3A_433 : i32 to index
        %swap3A_435 = tpu.vector_load %arg11[%swap3A_434] {strides = array<i32>} : memref<20000xf32, #tpu.memory_space<vmem>>, vector<16xf32>,
        tpu.vector_store %arg11[%swap3A_434], %gather3A_429 {strides = array<i32>} : memref<20000xf32, #tpu.memory_space<vmem>>, vector<16xf32>,
        %mul3A_436 = arith.constant 80 : i32
        %mul3A_437 = arith.muli %add3A_409, %mul3A_436 : i32
        %add3A_438 = arith.constant 32 : i32
        %add3A_439 = arith.addi %mul3A_437, %add3A_438 : i32
        %get3A_440 = arith.index_cast %add3A_439 : i32 to index
        %get3A_441 = tpu.vector_load %arg9[%get3A_440] {strides = array<i32>} : memref<20000xi32, #tpu.memory_space<vmem>>, vector<16xi32>,
        %gather3A_442 = tpu.vector_load_idx %arg8[%get3A_441] : memref<10000xf32, #tpu.memory_space<vmem>>[vector<16xi32>], vector<16xf32>,
        %mul3A_443 = arith.constant 80 : i32
        %mul3A_444 = arith.muli %add3A_409, %mul3A_443 : i32
        %add3A_445 = arith.constant 32 : i32
        %add3A_446 = arith.addi %mul3A_444, %add3A_445 : i32
        %swap3A_447 = arith.index_cast %add3A_446 : i32 to index
        %swap3A_448 = tpu.vector_load %arg11[%swap3A_447] {strides = array<i32>} : memref<20000xf32, #tpu.memory_space<vmem>>, vector<16xf32>,
        tpu.vector_store %arg11[%swap3A_447], %gather3A_442 {strides = array<i32>} : memref<20000xf32, #tpu.memory_space<vmem>>, vector<16xf32>,
        %mul3A_449 = arith.constant 80 : i32
        %mul3A_450 = arith.muli %add3A_409, %mul3A_449 : i32
        %add3A_451 = arith.constant 48 : i32
        %add3A_452 = arith.addi %mul3A_450, %add3A_451 : i32
        %get3A_453 = arith.index_cast %add3A_452 : i32 to index
        %get3A_454 = tpu.vector_load %arg9[%get3A_453] {strides = array<i32>} : memref<20000xi32, #tpu.memory_space<vmem>>, vector<16xi32>,
        %gather3A_455 = tpu.vector_load_idx %arg8[%get3A_454] : memref<10000xf32, #tpu.memory_space<vmem>>[vector<16xi32>], vector<16xf32>,
        %mul3A_456 = arith.constant 80 : i32
        %mul3A_457 = arith.muli %add3A_409, %mul3A_456 : i32
        %add3A_458 = arith.constant 48 : i32
        %add3A_459 = arith.addi %mul3A_457, %add3A_458 : i32
        %swap3A_460 = arith.index_cast %add3A_459 : i32 to index
        %swap3A_461 = tpu.vector_load %arg11[%swap3A_460] {strides = array<i32>} : memref<20000xf32, #tpu.memory_space<vmem>>, vector<16xf32>,
        tpu.vector_store %arg11[%swap3A_460], %gather3A_455 {strides = array<i32>} : memref<20000xf32, #tpu.memory_space<vmem>>, vector<16xf32>,
        %mul3A_462 = arith.constant 80 : i32
        %mul3A_463 = arith.muli %add3A_409, %mul3A_462 : i32
        %add3A_464 = arith.constant 64 : i32
        %add3A_465 = arith.addi %mul3A_463, %add3A_464 : i32
        %get3A_466 = arith.index_cast %add3A_465 : i32 to index
        %get3A_467 = tpu.vector_load %arg9[%get3A_466] {strides = array<i32>} : memref<20000xi32, #tpu.memory_space<vmem>>, vector<16xi32>,
        %gather3A_468 = tpu.vector_load_idx %arg8[%get3A_467] : memref<10000xf32, #tpu.memory_space<vmem>>[vector<16xi32>], vector<16xf32>,
        %mul3A_469 = arith.constant 80 : i32
        %mul3A_470 = arith.muli %add3A_409, %mul3A_469 : i32
        %add3A_471 = arith.constant 64 : i32
        %add3A_472 = arith.addi %mul3A_470, %add3A_471 : i32
        %swap3A_473 = arith.index_cast %add3A_472 : i32 to index
        %swap3A_474 = tpu.vector_load %arg11[%swap3A_473] {strides = array<i32>} : memref<20000xf32, #tpu.memory_space<vmem>>, vector<16xf32>,
        tpu.vector_store %arg11[%swap3A_473], %gather3A_468 {strides = array<i32>} : memref<20000xf32, #tpu.memory_space<vmem>>, vector<16xf32>,
        %gt3A_475 = arith.constant 0 : i32
        %gt3A_476 = arith.cmpi sgt, %scan3A_166, %gt3A_475 : i32
        %convert_element_type3A_477 = arith.extui %gt3A_476 : i1 to i32
        %cond3A_478 = arith.constant 0 : i32
        %cond3A_479 = arith.cmpi ne, %convert_element_type3A_477, %cond3A_478 : i32
        scf.if %cond3A_479 {
          %dma_wait3A_489 = arith.constant 0 : i32
          %dma_wait3A_490 = tpu.memref_slice %arg11[%dma_wait3A_489] : memref<20000xf32, #tpu.memory_space<vmem>> -> memref<80xf32, #tpu.memory_space<vmem>>
          %dma_wait3A_491 = arith.constant 0 : i32
          %dma_wait3A_492 = tpu.memref_slice %arg10[%add3A_409, %dma_wait3A_491] : memref<250x80xi32, #tpu.memory_space<vmem>> -> memref<1x80xi32, #tpu.memory_space<vmem>>
          %dma_wait3A_493 = tpu.memref_squeeze %dma_wait3A_492 : memref<1x80xi32, #tpu.memory_space<vmem>> -> memref<80xi32, #tpu.memory_space<vmem>>
          %dma_wait3A_494 = arith.constant 0 : i32
          %dma_wait3A_495 = tpu.memref_slice %arg17[%dma_wait3A_494] : memref<10000xf32, #tpu.memory_space<vmem_shared>> -> memref<10000xf32, #tpu.memory_space<vmem_shared>>
          tpu.wait_indirect_dma semaphore(%arg21 : memref<!tpu.dma_semaphore, #tpu.memory_space<semaphore_mem>>) src(%dma_wait3A_490 : memref<80xf32, #tpu.memory_space<vmem>>) dst(%dma_wait3A_495 : memref<10000xf32, #tpu.memory_space<vmem_shared>>)
        } else {
        }
        %mul3A_480 = arith.constant 80 : i32
        %mul3A_481 = arith.muli %add3A_409, %mul3A_480 : i32
        %dma_start3A_482 = tpu.memref_slice %arg11[%mul3A_481] : memref<20000xf32, #tpu.memory_space<vmem>> -> memref<80xf32, #tpu.memory_space<vmem>>
        %dma_start3A_483 = arith.constant 0 : i32
        %dma_start3A_484 = tpu.memref_slice %arg10[%add3A_409, %dma_start3A_483] : memref<250x80xi32, #tpu.memory_space<vmem>> -> memref<1x80xi32, #tpu.memory_space<vmem>>
        %dma_start3A_485 = tpu.memref_squeeze %dma_start3A_484 : memref<1x80xi32, #tpu.memory_space<vmem>> -> memref<80xi32, #tpu.memory_space<vmem>>
        %dma_start3A_486 = arith.constant 0 : i32
        %dma_start3A_487 = tpu.memref_slice %arg17[%dma_start3A_486] : memref<10000xf32, #tpu.memory_space<vmem_shared>> -> memref<10000xf32, #tpu.memory_space<vmem_shared>>
        tpu.enqueue_indirect_dma source(%dma_start3A_482 : memref<80xf32, #tpu.memory_space<vmem>>) target(%dma_start3A_487 : memref<10000xf32, #tpu.memory_space<vmem_shared>>) offsets(%dma_start3A_485 : memref<80xi32, #tpu.memory_space<vmem>>) semaphore(%arg21 : memref<!tpu.dma_semaphore, #tpu.memory_space<semaphore_mem>>) {add = true}
        %scan3A_488 = arith.constant 0 : i32
        scf.yield %scan3A_488 : i32
      }
      %scan3A_19 = arith.constant 62 : i32
      %get3A = arith.constant 19840 : index
      %get3A_20 = tpu.vector_load %arg9[%get3A] {strides = array<i32>} : memref<20000xi32, #tpu.memory_space<vmem>>, vector<16xi32>,
      %gather3A = tpu.vector_load_idx %arg8[%get3A_20] : memref<10000xf32, #tpu.memory_space<vmem>>[vector<16xi32>], vector<16xf32>,
      %swap3A = arith.constant 19840 : index
      %swap3A_21 = tpu.vector_load %arg11[%swap3A] {strides = array<i32>} : memref<20000xf32, #tpu.memory_space<vmem>>, vector<16xf32>,
      tpu.vector_store %arg11[%swap3A], %gather3A {strides = array<i32>} : memref<20000xf32, #tpu.memory_space<vmem>>, vector<16xf32>,
      %get3A_22 = arith.constant 19856 : index
      %get3A_23 = tpu.vector_load %arg9[%get3A_22] {strides = array<i32>} : memref<20000xi32, #tpu.memory_space<vmem>>, vector<16xi32>,
      %gather3A_24 = tpu.vector_load_idx %arg8[%get3A_23] : memref<10000xf32, #tpu.memory_space<vmem>>[vector<16xi32>], vector<16xf32>,
      %swap3A_25 = arith.constant 19856 : index
      %swap3A_26 = tpu.vector_load %arg11[%swap3A_25] {strides = array<i32>} : memref<20000xf32, #tpu.memory_space<vmem>>, vector<16xf32>,
      tpu.vector_store %arg11[%swap3A_25], %gather3A_24 {strides = array<i32>} : memref<20000xf32, #tpu.memory_space<vmem>>, vector<16xf32>,
      %get3A_27 = arith.constant 19872 : index
      %get3A_28 = tpu.vector_load %arg9[%get3A_27] {strides = array<i32>} : memref<20000xi32, #tpu.memory_space<vmem>>, vector<16xi32>,
      %gather3A_29 = tpu.vector_load_idx %arg8[%get3A_28] : memref<10000xf32, #tpu.memory_space<vmem>>[vector<16xi32>], vector<16xf32>,
      %swap3A_30 = arith.constant 19872 : index
      %swap3A_31 = tpu.vector_load %arg11[%swap3A_30] {strides = array<i32>} : memref<20000xf32, #tpu.memory_space<vmem>>, vector<16xf32>,
      tpu.vector_store %arg11[%swap3A_30], %gather3A_29 {strides = array<i32>} : memref<20000xf32, #tpu.memory_space<vmem>>, vector<16xf32>,
      %get3A_32 = arith.constant 19888 : index
      %get3A_33 = tpu.vector_load %arg9[%get3A_32] {strides = array<i32>} : memref<20000xi32, #tpu.memory_space<vmem>>, vector<16xi32>,
      %gather3A_34 = tpu.vector_load_idx %arg8[%get3A_33] : memref<10000xf32, #tpu.memory_space<vmem>>[vector<16xi32>], vector<16xf32>,
      %swap3A_35 = arith.constant 19888 : index
      %swap3A_36 = tpu.vector_load %arg11[%swap3A_35] {strides = array<i32>} : memref<20000xf32, #tpu.memory_space<vmem>>, vector<16xf32>,
      tpu.vector_store %arg11[%swap3A_35], %gather3A_34 {strides = array<i32>} : memref<20000xf32, #tpu.memory_space<vmem>>, vector<16xf32>,
      %get3A_37 = arith.constant 19904 : index
      %get3A_38 = tpu.vector_load %arg9[%get3A_37] {strides = array<i32>} : memref<20000xi32, #tpu.memory_space<vmem>>, vector<16xi32>,
      %gather3A_39 = tpu.vector_load_idx %arg8[%get3A_38] : memref<10000xf32, #tpu.memory_space<vmem>>[vector<16xi32>], vector<16xf32>,
      %swap3A_40 = arith.constant 19904 : index
      %swap3A_41 = tpu.vector_load %arg11[%swap3A_40] {strides = array<i32>} : memref<20000xf32, #tpu.memory_space<vmem>>, vector<16xf32>,
      tpu.vector_store %arg11[%swap3A_40], %gather3A_39 {strides = array<i32>} : memref<20000xf32, #tpu.memory_space<vmem>>, vector<16xf32>,
      %dma_wait3A = arith.constant 248 : i32
      %dma_wait3A_42 = arith.constant 0 : i32
      %dma_wait3A_43 = tpu.memref_slice %arg11[%dma_wait3A_42] : memref<20000xf32, #tpu.memory_space<vmem>> -> memref<80xf32, #tpu.memory_space<vmem>>
      %dma_wait3A_44 = arith.constant 0 : i32
      %dma_wait3A_45 = tpu.memref_slice %arg10[%dma_wait3A, %dma_wait3A_44] : memref<250x80xi32, #tpu.memory_space<vmem>> -> memref<1x80xi32, #tpu.memory_space<vmem>>
      %dma_wait3A_46 = tpu.memref_squeeze %dma_wait3A_45 : memref<1x80xi32, #tpu.memory_space<vmem>> -> memref<80xi32, #tpu.memory_space<vmem>>
      %dma_wait3A_47 = arith.constant 0 : i32
      %dma_wait3A_48 = tpu.memref_slice %arg17[%dma_wait3A_47] : memref<10000xf32, #tpu.memory_space<vmem_shared>> -> memref<10000xf32, #tpu.memory_space<vmem_shared>>
      tpu.wait_indirect_dma semaphore(%arg18 : memref<!tpu.dma_semaphore, #tpu.memory_space<semaphore_mem>>) src(%dma_wait3A_43 : memref<80xf32, #tpu.memory_space<vmem>>) dst(%dma_wait3A_48 : memref<10000xf32, #tpu.memory_space<vmem_shared>>)
      %dma_start3A = arith.constant 248 : i32
      %dma_start3A_49 = arith.constant 19840 : i32
      %dma_start3A_50 = tpu.memref_slice %arg11[%dma_start3A_49] : memref<20000xf32, #tpu.memory_space<vmem>> -> memref<80xf32, #tpu.memory_space<vmem>>
      %dma_start3A_51 = arith.constant 0 : i32
      %dma_start3A_52 = tpu.memref_slice %arg10[%dma_start3A, %dma_start3A_51] : memref<250x80xi32, #tpu.memory_space<vmem>> -> memref<1x80xi32, #tpu.memory_space<vmem>>
      %dma_start3A_53 = tpu.memref_squeeze %dma_start3A_52 : memref<1x80xi32, #tpu.memory_space<vmem>> -> memref<80xi32, #tpu.memory_space<vmem>>
      %dma_start3A_54 = arith.constant 0 : i32
      %dma_start3A_55 = tpu.memref_slice %arg17[%dma_start3A_54] : memref<10000xf32, #tpu.memory_space<vmem_shared>> -> memref<10000xf32, #tpu.memory_space<vmem_shared>>
      tpu.enqueue_indirect_dma source(%dma_start3A_50 : memref<80xf32, #tpu.memory_space<vmem>>) target(%dma_start3A_55 : memref<10000xf32, #tpu.memory_space<vmem_shared>>) offsets(%dma_start3A_53 : memref<80xi32, #tpu.memory_space<vmem>>) semaphore(%arg18 : memref<!tpu.dma_semaphore, #tpu.memory_space<semaphore_mem>>) {add = true}
      %get3A_56 = arith.constant 19920 : index
      %get3A_57 = tpu.vector_load %arg9[%get3A_56] {strides = array<i32>} : memref<20000xi32, #tpu.memory_space<vmem>>, vector<16xi32>,
      %gather3A_58 = tpu.vector_load_idx %arg8[%get3A_57] : memref<10000xf32, #tpu.memory_space<vmem>>[vector<16xi32>], vector<16xf32>,
      %swap3A_59 = arith.constant 19920 : index
      %swap3A_60 = tpu.vector_load %arg11[%swap3A_59] {strides = array<i32>} : memref<20000xf32, #tpu.memory_space<vmem>>, vector<16xf32>,
      tpu.vector_store %arg11[%swap3A_59], %gather3A_58 {strides = array<i32>} : memref<20000xf32, #tpu.memory_space<vmem>>, vector<16xf32>,
      %get3A_61 = arith.constant 19936 : index
      %get3A_62 = tpu.vector_load %arg9[%get3A_61] {strides = array<i32>} : memref<20000xi32, #tpu.memory_space<vmem>>, vector<16xi32>,
      %gather3A_63 = tpu.vector_load_idx %arg8[%get3A_62] : memref<10000xf32, #tpu.memory_space<vmem>>[vector<16xi32>], vector<16xf32>,
      %swap3A_64 = arith.constant 19936 : index
      %swap3A_65 = tpu.vector_load %arg11[%swap3A_64] {strides = array<i32>} : memref<20000xf32, #tpu.memory_space<vmem>>, vector<16xf32>,
      tpu.vector_store %arg11[%swap3A_64], %gather3A_63 {strides = array<i32>} : memref<20000xf32, #tpu.memory_space<vmem>>, vector<16xf32>,
      %get3A_66 = arith.constant 19952 : index
      %get3A_67 = tpu.vector_load %arg9[%get3A_66] {strides = array<i32>} : memref<20000xi32, #tpu.memory_space<vmem>>, vector<16xi32>,
      %gather3A_68 = tpu.vector_load_idx %arg8[%get3A_67] : memref<10000xf32, #tpu.memory_space<vmem>>[vector<16xi32>], vector<16xf32>,
      %swap3A_69 = arith.constant 19952 : index
      %swap3A_70 = tpu.vector_load %arg11[%swap3A_69] {strides = array<i32>} : memref<20000xf32, #tpu.memory_space<vmem>>, vector<16xf32>,
      tpu.vector_store %arg11[%swap3A_69], %gather3A_68 {strides = array<i32>} : memref<20000xf32, #tpu.memory_space<vmem>>, vector<16xf32>,
      %get3A_71 = arith.constant 19968 : index
      %get3A_72 = tpu.vector_load %arg9[%get3A_71] {strides = array<i32>} : memref<20000xi32, #tpu.memory_space<vmem>>, vector<16xi32>,
      %gather3A_73 = tpu.vector_load_idx %arg8[%get3A_72] : memref<10000xf32, #tpu.memory_space<vmem>>[vector<16xi32>], vector<16xf32>,
      %swap3A_74 = arith.constant 19968 : index
      %swap3A_75 = tpu.vector_load %arg11[%swap3A_74] {strides = array<i32>} : memref<20000xf32, #tpu.memory_space<vmem>>, vector<16xf32>,
      tpu.vector_store %arg11[%swap3A_74], %gather3A_73 {strides = array<i32>} : memref<20000xf32, #tpu.memory_space<vmem>>, vector<16xf32>,
      %get3A_76 = arith.constant 19984 : index
      %get3A_77 = tpu.vector_load %arg9[%get3A_76] {strides = array<i32>} : memref<20000xi32, #tpu.memory_space<vmem>>, vector<16xi32>,
      %gather3A_78 = tpu.vector_load_idx %arg8[%get3A_77] : memref<10000xf32, #tpu.memory_space<vmem>>[vector<16xi32>], vector<16xf32>,
      %swap3A_79 = arith.constant 19984 : index
      %swap3A_80 = tpu.vector_load %arg11[%swap3A_79] {strides = array<i32>} : memref<20000xf32, #tpu.memory_space<vmem>>, vector<16xf32>,
      tpu.vector_store %arg11[%swap3A_79], %gather3A_78 {strides = array<i32>} : memref<20000xf32, #tpu.memory_space<vmem>>, vector<16xf32>,
      %dma_wait3A_81 = arith.constant 249 : i32
      %dma_wait3A_82 = arith.constant 0 : i32
      %dma_wait3A_83 = tpu.memref_slice %arg11[%dma_wait3A_82] : memref<20000xf32, #tpu.memory_space<vmem>> -> memref<80xf32, #tpu.memory_space<vmem>>
      %dma_wait3A_84 = arith.constant 0 : i32
      %dma_wait3A_85 = tpu.memref_slice %arg10[%dma_wait3A_81, %dma_wait3A_84] : memref<250x80xi32, #tpu.memory_space<vmem>> -> memref<1x80xi32, #tpu.memory_space<vmem>>
      %dma_wait3A_86 = tpu.memref_squeeze %dma_wait3A_85 : memref<1x80xi32, #tpu.memory_space<vmem>> -> memref<80xi32, #tpu.memory_space<vmem>>
      %dma_wait3A_87 = arith.constant 0 : i32
      %dma_wait3A_88 = tpu.memref_slice %arg17[%dma_wait3A_87] : memref<10000xf32, #tpu.memory_space<vmem_shared>> -> memref<10000xf32, #tpu.memory_space<vmem_shared>>
      tpu.wait_indirect_dma semaphore(%arg19 : memref<!tpu.dma_semaphore, #tpu.memory_space<semaphore_mem>>) src(%dma_wait3A_83 : memref<80xf32, #tpu.memory_space<vmem>>) dst(%dma_wait3A_88 : memref<10000xf32, #tpu.memory_space<vmem_shared>>)
      %dma_start3A_89 = arith.constant 249 : i32
      %dma_start3A_90 = arith.constant 19920 : i32
      %dma_start3A_91 = tpu.memref_slice %arg11[%dma_start3A_90] : memref<20000xf32, #tpu.memory_space<vmem>> -> memref<80xf32, #tpu.memory_space<vmem>>
      %dma_start3A_92 = arith.constant 0 : i32
      %dma_start3A_93 = tpu.memref_slice %arg10[%dma_start3A_89, %dma_start3A_92] : memref<250x80xi32, #tpu.memory_space<vmem>> -> memref<1x80xi32, #tpu.memory_space<vmem>>
      %dma_start3A_94 = tpu.memref_squeeze %dma_start3A_93 : memref<1x80xi32, #tpu.memory_space<vmem>> -> memref<80xi32, #tpu.memory_space<vmem>>
      %dma_start3A_95 = arith.constant 0 : i32
      %dma_start3A_96 = tpu.memref_slice %arg17[%dma_start3A_95] : memref<10000xf32, #tpu.memory_space<vmem_shared>> -> memref<10000xf32, #tpu.memory_space<vmem_shared>>
      tpu.enqueue_indirect_dma source(%dma_start3A_91 : memref<80xf32, #tpu.memory_space<vmem>>) target(%dma_start3A_96 : memref<10000xf32, #tpu.memory_space<vmem_shared>>) offsets(%dma_start3A_94 : memref<80xi32, #tpu.memory_space<vmem>>) semaphore(%arg19 : memref<!tpu.dma_semaphore, #tpu.memory_space<semaphore_mem>>) {add = true}
      %dma_wait3A_97 = arith.constant 0 : i32
      %dma_wait3A_98 = arith.constant 0 : i32
      %dma_wait3A_99 = tpu.memref_slice %arg11[%dma_wait3A_98] : memref<20000xf32, #tpu.memory_space<vmem>> -> memref<80xf32, #tpu.memory_space<vmem>>
      %dma_wait3A_100 = arith.constant 0 : i32
      %dma_wait3A_101 = tpu.memref_slice %arg10[%dma_wait3A_97, %dma_wait3A_100] : memref<250x80xi32, #tpu.memory_space<vmem>> -> memref<1x80xi32, #tpu.memory_space<vmem>>
      %dma_wait3A_102 = tpu.memref_squeeze %dma_wait3A_101 : memref<1x80xi32, #tpu.memory_space<vmem>> -> memref<80xi32, #tpu.memory_space<vmem>>
      %dma_wait3A_103 = arith.constant 0 : i32
      %dma_wait3A_104 = tpu.memref_slice %arg17[%dma_wait3A_103] : memref<10000xf32, #tpu.memory_space<vmem_shared>> -> memref<10000xf32, #tpu.memory_space<vmem_shared>>
      tpu.wait_indirect_dma semaphore(%arg18 : memref<!tpu.dma_semaphore, #tpu.memory_space<semaphore_mem>>) src(%dma_wait3A_99 : memref<80xf32, #tpu.memory_space<vmem>>) dst(%dma_wait3A_104 : memref<10000xf32, #tpu.memory_space<vmem_shared>>)
      %dma_wait3A_105 = arith.constant 0 : i32
      %dma_wait3A_106 = arith.constant 0 : i32
      %dma_wait3A_107 = tpu.memref_slice %arg11[%dma_wait3A_106] : memref<20000xf32, #tpu.memory_space<vmem>> -> memref<80xf32, #tpu.memory_space<vmem>>
      %dma_wait3A_108 = arith.constant 0 : i32
      %dma_wait3A_109 = tpu.memref_slice %arg10[%dma_wait3A_105, %dma_wait3A_108] : memref<250x80xi32, #tpu.memory_space<vmem>> -> memref<1x80xi32, #tpu.memory_space<vmem>>
      %dma_wait3A_110 = tpu.memref_squeeze %dma_wait3A_109 : memref<1x80xi32, #tpu.memory_space<vmem>> -> memref<80xi32, #tpu.memory_space<vmem>>
      %dma_wait3A_111 = arith.constant 0 : i32
      %dma_wait3A_112 = tpu.memref_slice %arg17[%dma_wait3A_111] : memref<10000xf32, #tpu.memory_space<vmem_shared>> -> memref<10000xf32, #tpu.memory_space<vmem_shared>>
      tpu.wait_indirect_dma semaphore(%arg19 : memref<!tpu.dma_semaphore, #tpu.memory_space<semaphore_mem>>) src(%dma_wait3A_107 : memref<80xf32, #tpu.memory_space<vmem>>) dst(%dma_wait3A_112 : memref<10000xf32, #tpu.memory_space<vmem_shared>>)
      %dma_wait3A_113 = arith.constant 0 : i32
      %dma_wait3A_114 = arith.constant 0 : i32
      %dma_wait3A_115 = tpu.memref_slice %arg11[%dma_wait3A_114] : memref<20000xf32, #tpu.memory_space<vmem>> -> memref<80xf32, #tpu.memory_space<vmem>>
      %dma_wait3A_116 = arith.constant 0 : i32
      %dma_wait3A_117 = tpu.memref_slice %arg10[%dma_wait3A_113, %dma_wait3A_116] : memref<250x80xi32, #tpu.memory_space<vmem>> -> memref<1x80xi32, #tpu.memory_space<vmem>>
      %dma_wait3A_118 = tpu.memref_squeeze %dma_wait3A_117 : memref<1x80xi32, #tpu.memory_space<vmem>> -> memref<80xi32, #tpu.memory_space<vmem>>
      %dma_wait3A_119 = arith.constant 0 : i32
      %dma_wait3A_120 = tpu.memref_slice %arg17[%dma_wait3A_119] : memref<10000xf32, #tpu.memory_space<vmem_shared>> -> memref<10000xf32, #tpu.memory_space<vmem_shared>>
      tpu.wait_indirect_dma semaphore(%arg20 : memref<!tpu.dma_semaphore, #tpu.memory_space<semaphore_mem>>) src(%dma_wait3A_115 : memref<80xf32, #tpu.memory_space<vmem>>) dst(%dma_wait3A_120 : memref<10000xf32, #tpu.memory_space<vmem_shared>>)
      %dma_wait3A_121 = arith.constant 0 : i32
      %dma_wait3A_122 = arith.constant 0 : i32
      %dma_wait3A_123 = tpu.memref_slice %arg11[%dma_wait3A_122] : memref<20000xf32, #tpu.memory_space<vmem>> -> memref<80xf32, #tpu.memory_space<vmem>>
      %dma_wait3A_124 = arith.constant 0 : i32
      %dma_wait3A_125 = tpu.memref_slice %arg10[%dma_wait3A_121, %dma_wait3A_124] : memref<250x80xi32, #tpu.memory_space<vmem>> -> memref<1x80xi32, #tpu.memory_space<vmem>>
      %dma_wait3A_126 = tpu.memref_squeeze %dma_wait3A_125 : memref<1x80xi32, #tpu.memory_space<vmem>> -> memref<80xi32, #tpu.memory_space<vmem>>
      %dma_wait3A_127 = arith.constant 0 : i32
      %dma_wait3A_128 = tpu.memref_slice %arg17[%dma_wait3A_127] : memref<10000xf32, #tpu.memory_space<vmem_shared>> -> memref<10000xf32, #tpu.memory_space<vmem_shared>>
      tpu.wait_indirect_dma semaphore(%arg21 : memref<!tpu.dma_semaphore, #tpu.memory_space<semaphore_mem>>) src(%dma_wait3A_123 : memref<80xf32, #tpu.memory_space<vmem>>) dst(%dma_wait3A_128 : memref<10000xf32, #tpu.memory_space<vmem_shared>>)
      %barrier3A_129 = arith.constant 0 : index
      tpu.barrier barrier_id(%barrier3A_129)
      %mul3A_130 = arith.constant 640 : i32
      %mul3A_131 = arith.muli %arg1, %mul3A_130 : i32
      %lt3A_132 = arith.constant 15 : i32
      %lt3A_133 = arith.cmpi slt, %arg1, %lt3A_132 : i32
      %convert_element_type3A_134 = arith.extui %lt3A_133 : i1 to i32
      %cond3A_135 = arith.constant 0 : i32
      %cond3A_136 = arith.cmpi ne, %convert_element_type3A_134, %cond3A_135 : i32
      scf.if %cond3A_136 {
        "tpu.region"() ({
          %run_scoped3A = tpu.sem_alloc : memref<!tpu.dma_semaphore, #tpu.memory_space<semaphore_mem>>
          %dma_start3A_166 = tpu.memref_slice %arg17[%mul3A_131] : memref<10000xf32, #tpu.memory_space<vmem_shared>> -> memref<640xf32, #tpu.memory_space<vmem_shared>>
          %dma_start3A_167 = tpu.memref_slice %arg17[%mul3A_131] : memref<10000xf32, #tpu.memory_space<vmem_shared>> -> memref<640xf32, #tpu.memory_space<vmem_shared>>
          tpu.enqueue_dma source(%dma_start3A_167 : memref<640xf32, #tpu.memory_space<vmem_shared>>) target(%arg13 : memref<640xf32, #tpu.memory_space<vmem>>) target_semaphore(%run_scoped3A : memref<!tpu.dma_semaphore, #tpu.memory_space<semaphore_mem>>)
          %dma_wait3A_168 = tpu.memref_slice %arg17[%mul3A_131] : memref<10000xf32, #tpu.memory_space<vmem_shared>> -> memref<640xf32, #tpu.memory_space<vmem_shared>>
          %dma_wait3A_169 = tpu.memref_slice %arg17[%mul3A_131] : memref<10000xf32, #tpu.memory_space<vmem_shared>> -> memref<640xf32, #tpu.memory_space<vmem_shared>>
          tpu.wait_dma2 semaphore(%run_scoped3A : memref<!tpu.dma_semaphore, #tpu.memory_space<semaphore_mem>>) src(%dma_wait3A_169 : memref<640xf32, #tpu.memory_space<vmem_shared>>) dst(%arg13 : memref<640xf32, #tpu.memory_space<vmem>>)
          tpu.yield
        }) : () -> ()
        "tpu.region"() ({
          %run_scoped3A = tpu.sem_alloc : memref<!tpu.dma_semaphore, #tpu.memory_space<semaphore_mem>>
          %dma_start3A_166 = tpu.memref_slice %arg3[%mul3A_131] : memref<10000xf32, #tpu.memory_space<hbm>> -> memref<640xf32, #tpu.memory_space<hbm>>
          %dma_start3A_167 = tpu.memref_slice %arg3[%mul3A_131] : memref<10000xf32, #tpu.memory_space<hbm>> -> memref<640xf32, #tpu.memory_space<hbm>>
          tpu.enqueue_dma source(%dma_start3A_167 : memref<640xf32, #tpu.memory_space<hbm>>) target(%arg14 : memref<640xf32, #tpu.memory_space<vmem>>) target_semaphore(%run_scoped3A : memref<!tpu.dma_semaphore, #tpu.memory_space<semaphore_mem>>)
          %dma_wait3A_168 = tpu.memref_slice %arg3[%mul3A_131] : memref<10000xf32, #tpu.memory_space<hbm>> -> memref<640xf32, #tpu.memory_space<hbm>>
          %dma_wait3A_169 = tpu.memref_slice %arg3[%mul3A_131] : memref<10000xf32, #tpu.memory_space<hbm>> -> memref<640xf32, #tpu.memory_space<hbm>>
          tpu.wait_dma2 semaphore(%run_scoped3A : memref<!tpu.dma_semaphore, #tpu.memory_space<semaphore_mem>>) src(%dma_wait3A_169 : memref<640xf32, #tpu.memory_space<hbm>>) dst(%arg14 : memref<640xf32, #tpu.memory_space<vmem>>)
          tpu.yield
        }) : () -> ()
        "tpu.region"() ({
          %run_scoped3A = tpu.sem_alloc : memref<!tpu.dma_semaphore, #tpu.memory_space<semaphore_mem>>
          %dma_start3A_166 = tpu.memref_slice %arg4[%mul3A_131] : memref<10000xf32, #tpu.memory_space<hbm>> -> memref<640xf32, #tpu.memory_space<hbm>>
          %dma_start3A_167 = tpu.memref_slice %arg4[%mul3A_131] : memref<10000xf32, #tpu.memory_space<hbm>> -> memref<640xf32, #tpu.memory_space<hbm>>
          tpu.enqueue_dma source(%dma_start3A_167 : memref<640xf32, #tpu.memory_space<hbm>>) target(%arg15 : memref<640xf32, #tpu.memory_space<vmem>>) target_semaphore(%run_scoped3A : memref<!tpu.dma_semaphore, #tpu.memory_space<semaphore_mem>>)
          %dma_wait3A_168 = tpu.memref_slice %arg4[%mul3A_131] : memref<10000xf32, #tpu.memory_space<hbm>> -> memref<640xf32, #tpu.memory_space<hbm>>
          %dma_wait3A_169 = tpu.memref_slice %arg4[%mul3A_131] : memref<10000xf32, #tpu.memory_space<hbm>> -> memref<640xf32, #tpu.memory_space<hbm>>
          tpu.wait_dma2 semaphore(%run_scoped3A : memref<!tpu.dma_semaphore, #tpu.memory_space<semaphore_mem>>) src(%dma_wait3A_169 : memref<640xf32, #tpu.memory_space<hbm>>) dst(%arg15 : memref<640xf32, #tpu.memory_space<vmem>>)
          tpu.yield
        }) : () -> ()
      } else {
      }
      %eq3A_137 = arith.constant 15 : i32
      %eq3A_138 = arith.cmpi eq, %arg1, %eq3A_137 : i32
      %convert_element_type3A_139 = arith.extui %eq3A_138 : i1 to i32
      %cond3A_140 = arith.constant 0 : i32
      %cond3A_141 = arith.cmpi ne, %convert_element_type3A_139, %cond3A_140 : i32
      scf.if %cond3A_141 {
        "tpu.region"() ({
          %run_scoped3A = tpu.sem_alloc : memref<!tpu.dma_semaphore, #tpu.memory_space<semaphore_mem>>
          %dma_start3A_166 = arith.constant 0 : i32
          %dma_start3A_167 = tpu.memref_slice %arg13[%dma_start3A_166] : memref<640xf32, #tpu.memory_space<vmem>> -> memref<400xf32, #tpu.memory_space<vmem>>
          %dma_start3A_168 = arith.constant 9600 : i32
          %dma_start3A_169 = tpu.memref_slice %arg17[%dma_start3A_168] : memref<10000xf32, #tpu.memory_space<vmem_shared>> -> memref<400xf32, #tpu.memory_space<vmem_shared>>
          %dma_start3A_170 = arith.constant 0 : i32
          %dma_start3A_171 = tpu.memref_slice %arg13[%dma_start3A_170] : memref<640xf32, #tpu.memory_space<vmem>> -> memref<400xf32, #tpu.memory_space<vmem>>
          %dma_start3A_172 = arith.constant 9600 : i32
          %dma_start3A_173 = tpu.memref_slice %arg17[%dma_start3A_172] : memref<10000xf32, #tpu.memory_space<vmem_shared>> -> memref<400xf32, #tpu.memory_space<vmem_shared>>
          tpu.enqueue_dma source(%dma_start3A_173 : memref<400xf32, #tpu.memory_space<vmem_shared>>) target(%dma_start3A_171 : memref<400xf32, #tpu.memory_space<vmem>>) target_semaphore(%run_scoped3A : memref<!tpu.dma_semaphore, #tpu.memory_space<semaphore_mem>>)
          %dma_wait3A_174 = arith.constant 0 : i32
          %dma_wait3A_175 = tpu.memref_slice %arg13[%dma_wait3A_174] : memref<640xf32, #tpu.memory_space<vmem>> -> memref<400xf32, #tpu.memory_space<vmem>>
          %dma_wait3A_176 = arith.constant 9600 : i32
          %dma_wait3A_177 = tpu.memref_slice %arg17[%dma_wait3A_176] : memref<10000xf32, #tpu.memory_space<vmem_shared>> -> memref<400xf32, #tpu.memory_space<vmem_shared>>
          %dma_wait3A_178 = arith.constant 0 : i32
          %dma_wait3A_179 = tpu.memref_slice %arg13[%dma_wait3A_178] : memref<640xf32, #tpu.memory_space<vmem>> -> memref<400xf32, #tpu.memory_space<vmem>>
          %dma_wait3A_180 = arith.constant 9600 : i32
          %dma_wait3A_181 = tpu.memref_slice %arg17[%dma_wait3A_180] : memref<10000xf32, #tpu.memory_space<vmem_shared>> -> memref<400xf32, #tpu.memory_space<vmem_shared>>
          tpu.wait_dma2 semaphore(%run_scoped3A : memref<!tpu.dma_semaphore, #tpu.memory_space<semaphore_mem>>) src(%dma_wait3A_181 : memref<400xf32, #tpu.memory_space<vmem_shared>>) dst(%dma_wait3A_179 : memref<400xf32, #tpu.memory_space<vmem>>)
          tpu.yield
        }) : () -> ()
        "tpu.region"() ({
          %run_scoped3A = tpu.sem_alloc : memref<!tpu.dma_semaphore, #tpu.memory_space<semaphore_mem>>
          %dma_start3A_166 = arith.constant 0 : i32
          %dma_start3A_167 = tpu.memref_slice %arg14[%dma_start3A_166] : memref<640xf32, #tpu.memory_space<vmem>> -> memref<400xf32, #tpu.memory_space<vmem>>
          %dma_start3A_168 = arith.constant 9600 : i32
          %dma_start3A_169 = tpu.memref_slice %arg3[%dma_start3A_168] : memref<10000xf32, #tpu.memory_space<hbm>> -> memref<400xf32, #tpu.memory_space<hbm>>
          %dma_start3A_170 = arith.constant 0 : i32
          %dma_start3A_171 = tpu.memref_slice %arg14[%dma_start3A_170] : memref<640xf32, #tpu.memory_space<vmem>> -> memref<400xf32, #tpu.memory_space<vmem>>
          %dma_start3A_172 = arith.constant 9600 : i32
          %dma_start3A_173 = tpu.memref_slice %arg3[%dma_start3A_172] : memref<10000xf32, #tpu.memory_space<hbm>> -> memref<400xf32, #tpu.memory_space<hbm>>
          tpu.enqueue_dma source(%dma_start3A_173 : memref<400xf32, #tpu.memory_space<hbm>>) target(%dma_start3A_171 : memref<400xf32, #tpu.memory_space<vmem>>) target_semaphore(%run_scoped3A : memref<!tpu.dma_semaphore, #tpu.memory_space<semaphore_mem>>)
          %dma_wait3A_174 = arith.constant 0 : i32
          %dma_wait3A_175 = tpu.memref_slice %arg14[%dma_wait3A_174] : memref<640xf32, #tpu.memory_space<vmem>> -> memref<400xf32, #tpu.memory_space<vmem>>
          %dma_wait3A_176 = arith.constant 9600 : i32
          %dma_wait3A_177 = tpu.memref_slice %arg3[%dma_wait3A_176] : memref<10000xf32, #tpu.memory_space<hbm>> -> memref<400xf32, #tpu.memory_space<hbm>>
          %dma_wait3A_178 = arith.constant 0 : i32
          %dma_wait3A_179 = tpu.memref_slice %arg14[%dma_wait3A_178] : memref<640xf32, #tpu.memory_space<vmem>> -> memref<400xf32, #tpu.memory_space<vmem>>
          %dma_wait3A_180 = arith.constant 9600 : i32
          %dma_wait3A_181 = tpu.memref_slice %arg3[%dma_wait3A_180] : memref<10000xf32, #tpu.memory_space<hbm>> -> memref<400xf32, #tpu.memory_space<hbm>>
          tpu.wait_dma2 semaphore(%run_scoped3A : memref<!tpu.dma_semaphore, #tpu.memory_space<semaphore_mem>>) src(%dma_wait3A_181 : memref<400xf32, #tpu.memory_space<hbm>>) dst(%dma_wait3A_179 : memref<400xf32, #tpu.memory_space<vmem>>)
          tpu.yield
        }) : () -> ()
        "tpu.region"() ({
          %run_scoped3A = tpu.sem_alloc : memref<!tpu.dma_semaphore, #tpu.memory_space<semaphore_mem>>
          %dma_start3A_166 = arith.constant 0 : i32
          %dma_start3A_167 = tpu.memref_slice %arg15[%dma_start3A_166] : memref<640xf32, #tpu.memory_space<vmem>> -> memref<400xf32, #tpu.memory_space<vmem>>
          %dma_start3A_168 = arith.constant 9600 : i32
          %dma_start3A_169 = tpu.memref_slice %arg4[%dma_start3A_168] : memref<10000xf32, #tpu.memory_space<hbm>> -> memref<400xf32, #tpu.memory_space<hbm>>
          %dma_start3A_170 = arith.constant 0 : i32
          %dma_start3A_171 = tpu.memref_slice %arg15[%dma_start3A_170] : memref<640xf32, #tpu.memory_space<vmem>> -> memref<400xf32, #tpu.memory_space<vmem>>
          %dma_start3A_172 = arith.constant 9600 : i32
          %dma_start3A_173 = tpu.memref_slice %arg4[%dma_start3A_172] : memref<10000xf32, #tpu.memory_space<hbm>> -> memref<400xf32, #tpu.memory_space<hbm>>
          tpu.enqueue_dma source(%dma_start3A_173 : memref<400xf32, #tpu.memory_space<hbm>>) target(%dma_start3A_171 : memref<400xf32, #tpu.memory_space<vmem>>) target_semaphore(%run_scoped3A : memref<!tpu.dma_semaphore, #tpu.memory_space<semaphore_mem>>)
          %dma_wait3A_174 = arith.constant 0 : i32
          %dma_wait3A_175 = tpu.memref_slice %arg15[%dma_wait3A_174] : memref<640xf32, #tpu.memory_space<vmem>> -> memref<400xf32, #tpu.memory_space<vmem>>
          %dma_wait3A_176 = arith.constant 9600 : i32
          %dma_wait3A_177 = tpu.memref_slice %arg4[%dma_wait3A_176] : memref<10000xf32, #tpu.memory_space<hbm>> -> memref<400xf32, #tpu.memory_space<hbm>>
          %dma_wait3A_178 = arith.constant 0 : i32
          %dma_wait3A_179 = tpu.memref_slice %arg15[%dma_wait3A_178] : memref<640xf32, #tpu.memory_space<vmem>> -> memref<400xf32, #tpu.memory_space<vmem>>
          %dma_wait3A_180 = arith.constant 9600 : i32
          %dma_wait3A_181 = tpu.memref_slice %arg4[%dma_wait3A_180] : memref<10000xf32, #tpu.memory_space<hbm>> -> memref<400xf32, #tpu.memory_space<hbm>>
          tpu.wait_dma2 semaphore(%run_scoped3A : memref<!tpu.dma_semaphore, #tpu.memory_space<semaphore_mem>>) src(%dma_wait3A_181 : memref<400xf32, #tpu.memory_space<hbm>>) dst(%dma_wait3A_179 : memref<400xf32, #tpu.memory_space<vmem>>)
          tpu.yield
        }) : () -> ()
      } else {
      }
      %lt3A_142 = arith.constant 15 : i32
      %lt3A_143 = arith.cmpi slt, %arg1, %lt3A_142 : i32
      %jit3A = arith.constant 40 : i32
      %jit3A_144 = arith.constant 25 : i32
      %select_n3A = arith.select %lt3A_143, %jit3A, %jit3A_144 : i32
      %while3A = arith.constant 0 : i32
      %while3A_145 = arith.constant 0 : i32
      %while3A_146 = arith.subi %select_n3A, %while3A : i32
      %while3A_147 = arith.addi %while3A, %while3A_146 : i32
      %while3A_148 = arith.constant 1 : i32
      %while3A_149 = arith.divsi %while3A_146, %while3A_148 : i32
      %while3A_150 = arith.muli %while3A_149, %while3A_148 : i32
      %while3A_151 = arith.addi %while3A, %while3A_150 : i32
      %while3A_152 = arith.constant 1 : i32
      %while3A_153 = scf.for %while3A_166 = %while3A to %while3A_151 step %while3A_152 iter_args(%while3A_167 = %while3A_145) -> (i32)  : i32 {
        %mul3A_168 = arith.constant 16 : i32
        %mul3A_169 = arith.muli %while3A_166, %mul3A_168 : i32
        %get3A_170 = arith.index_cast %mul3A_169 : i32 to index
        %get3A_171 = tpu.vector_load %arg14[%get3A_170] {strides = array<i32>} : memref<640xf32, #tpu.memory_space<vmem>>, vector<16xf32>,
        %mul3A_172 = arith.constant 16 : i32
        %mul3A_173 = arith.muli %while3A_166, %mul3A_172 : i32
        %get3A_174 = arith.index_cast %mul3A_173 : i32 to index
        %get3A_175 = tpu.vector_load %arg13[%get3A_174] {strides = array<i32>} : memref<640xf32, #tpu.memory_space<vmem>>, vector<16xf32>,
        %mul3A_176 = arith.mulf %get3A_171, %get3A_175 : vector<16xf32>
        %mul3A_177 = arith.constant 16 : i32
        %mul3A_178 = arith.muli %while3A_166, %mul3A_177 : i32
        %get3A_179 = arith.index_cast %mul3A_178 : i32 to index
        %get3A_180 = tpu.vector_load %arg15[%get3A_179] {strides = array<i32>} : memref<640xf32, #tpu.memory_space<vmem>>, vector<16xf32>,
        %add3A = arith.addf %mul3A_176, %get3A_180 : vector<16xf32>
        %neg3A = arith.constant 0.000000e+00 : f32
        %neg3A_181 = vector.broadcast %neg3A : f32 to vector<16xf32>
        %neg3A_182 = arith.subf %neg3A_181, %add3A : vector<16xf32>
        %exp3A = math.exp %neg3A_182 : vector<16xf32>
        %add3A_183 = arith.constant 1.000000e+00 : f32
        %add3A_184 = vector.broadcast %add3A_183 : f32 to vector<16xf32>
        %add3A_185 = arith.addf %add3A_184, %exp3A : vector<16xf32>
        %div3A = arith.constant 1.000000e+00 : f32
        %div3A_186 = vector.broadcast %div3A : f32 to vector<16xf32>
        %div3A_187 = arith.divf %div3A_186, %add3A_185 : vector<16xf32>
        %mul3A_188 = arith.constant 16 : i32
        %mul3A_189 = arith.muli %while3A_166, %mul3A_188 : i32
        %swap3A_190 = arith.index_cast %mul3A_189 : i32 to index
        %swap3A_191 = tpu.vector_load %arg16[%swap3A_190] {strides = array<i32>} : memref<640xf32, #tpu.memory_space<vmem>>, vector<16xf32>,
        tpu.vector_store %arg16[%swap3A_190], %div3A_187 {strides = array<i32>} : memref<640xf32, #tpu.memory_space<vmem>>, vector<16xf32>,
        %while3A_192 = arith.constant 0 : i32
        scf.yield %while3A_192 : i32
      }
      %while3A_154 = arith.constant 1 : i32
      %while3A_155 = scf.for %while3A_166 = %while3A_151 to %while3A_147 step %while3A_154 iter_args(%while3A_167 = %while3A_153) -> (i32)  : i32 {
        %mul3A_168 = arith.constant 16 : i32
        %mul3A_169 = arith.muli %while3A_166, %mul3A_168 : i32
        %get3A_170 = arith.index_cast %mul3A_169 : i32 to index
        %get3A_171 = tpu.vector_load %arg14[%get3A_170] {strides = array<i32>} : memref<640xf32, #tpu.memory_space<vmem>>, vector<16xf32>,
        %mul3A_172 = arith.constant 16 : i32
        %mul3A_173 = arith.muli %while3A_166, %mul3A_172 : i32
        %get3A_174 = arith.index_cast %mul3A_173 : i32 to index
        %get3A_175 = tpu.vector_load %arg13[%get3A_174] {strides = array<i32>} : memref<640xf32, #tpu.memory_space<vmem>>, vector<16xf32>,
        %mul3A_176 = arith.mulf %get3A_171, %get3A_175 : vector<16xf32>
        %mul3A_177 = arith.constant 16 : i32
        %mul3A_178 = arith.muli %while3A_166, %mul3A_177 : i32
        %get3A_179 = arith.index_cast %mul3A_178 : i32 to index
        %get3A_180 = tpu.vector_load %arg15[%get3A_179] {strides = array<i32>} : memref<640xf32, #tpu.memory_space<vmem>>, vector<16xf32>,
        %add3A = arith.addf %mul3A_176, %get3A_180 : vector<16xf32>
        %neg3A = arith.constant 0.000000e+00 : f32
        %neg3A_181 = vector.broadcast %neg3A : f32 to vector<16xf32>
        %neg3A_182 = arith.subf %neg3A_181, %add3A : vector<16xf32>
        %exp3A = math.exp %neg3A_182 : vector<16xf32>
        %add3A_183 = arith.constant 1.000000e+00 : f32
        %add3A_184 = vector.broadcast %add3A_183 : f32 to vector<16xf32>
        %add3A_185 = arith.addf %add3A_184, %exp3A : vector<16xf32>
        %div3A = arith.constant 1.000000e+00 : f32
        %div3A_186 = vector.broadcast %div3A : f32 to vector<16xf32>
        %div3A_187 = arith.divf %div3A_186, %add3A_185 : vector<16xf32>
        %mul3A_188 = arith.constant 16 : i32
        %mul3A_189 = arith.muli %while3A_166, %mul3A_188 : i32
        %swap3A_190 = arith.index_cast %mul3A_189 : i32 to index
        %swap3A_191 = tpu.vector_load %arg16[%swap3A_190] {strides = array<i32>} : memref<640xf32, #tpu.memory_space<vmem>>, vector<16xf32>,
        tpu.vector_store %arg16[%swap3A_190], %div3A_187 {strides = array<i32>} : memref<640xf32, #tpu.memory_space<vmem>>, vector<16xf32>,
        %while3A_192 = arith.constant 0 : i32
        scf.yield %while3A_192 : i32
      }
      %lt3A_156 = arith.constant 15 : i32
      %lt3A_157 = arith.cmpi slt, %arg1, %lt3A_156 : i32
      %convert_element_type3A_158 = arith.extui %lt3A_157 : i1 to i32
      %cond3A_159 = arith.constant 0 : i32
      %cond3A_160 = arith.cmpi ne, %convert_element_type3A_158, %cond3A_159 : i32
      scf.if %cond3A_160 {
        "tpu.region"() ({
          %run_scoped3A = tpu.sem_alloc : memref<!tpu.dma_semaphore, #tpu.memory_space<semaphore_mem>>
          %dma_start3A_166 = tpu.memref_slice %arg7[%mul3A_131] : memref<10000xf32, #tpu.memory_space<hbm>> -> memref<640xf32, #tpu.memory_space<hbm>>
          %dma_start3A_167 = tpu.memref_slice %arg7[%mul3A_131] : memref<10000xf32, #tpu.memory_space<hbm>> -> memref<640xf32, #tpu.memory_space<hbm>>
          tpu.enqueue_dma source(%arg16 : memref<640xf32, #tpu.memory_space<vmem>>) target(%dma_start3A_167 : memref<640xf32, #tpu.memory_space<hbm>>) target_semaphore(%run_scoped3A : memref<!tpu.dma_semaphore, #tpu.memory_space<semaphore_mem>>)
          %dma_wait3A_168 = tpu.memref_slice %arg7[%mul3A_131] : memref<10000xf32, #tpu.memory_space<hbm>> -> memref<640xf32, #tpu.memory_space<hbm>>
          %dma_wait3A_169 = tpu.memref_slice %arg7[%mul3A_131] : memref<10000xf32, #tpu.memory_space<hbm>> -> memref<640xf32, #tpu.memory_space<hbm>>
          tpu.wait_dma2 semaphore(%run_scoped3A : memref<!tpu.dma_semaphore, #tpu.memory_space<semaphore_mem>>) src(%arg16 : memref<640xf32, #tpu.memory_space<vmem>>) dst(%dma_wait3A_169 : memref<640xf32, #tpu.memory_space<hbm>>)
          tpu.yield
        }) : () -> ()
      } else {
      }
      %eq3A_161 = arith.constant 15 : i32
      %eq3A_162 = arith.cmpi eq, %arg1, %eq3A_161 : i32
      %convert_element_type3A_163 = arith.extui %eq3A_162 : i1 to i32
      %cond3A_164 = arith.constant 0 : i32
      %cond3A_165 = arith.cmpi ne, %convert_element_type3A_163, %cond3A_164 : i32
      scf.if %cond3A_165 {
        "tpu.region"() ({
          %run_scoped3A = tpu.sem_alloc : memref<!tpu.dma_semaphore, #tpu.memory_space<semaphore_mem>>
          %dma_start3A_166 = arith.constant 0 : i32
          %dma_start3A_167 = tpu.memref_slice %arg16[%dma_start3A_166] : memref<640xf32, #tpu.memory_space<vmem>> -> memref<400xf32, #tpu.memory_space<vmem>>
          %dma_start3A_168 = arith.constant 9600 : i32
          %dma_start3A_169 = tpu.memref_slice %arg7[%dma_start3A_168] : memref<10000xf32, #tpu.memory_space<hbm>> -> memref<400xf32, #tpu.memory_space<hbm>>
          %dma_start3A_170 = arith.constant 9600 : i32
          %dma_start3A_171 = tpu.memref_slice %arg7[%dma_start3A_170] : memref<10000xf32, #tpu.memory_space<hbm>> -> memref<400xf32, #tpu.memory_space<hbm>>
          %dma_start3A_172 = arith.constant 0 : i32
          %dma_start3A_173 = tpu.memref_slice %arg16[%dma_start3A_172] : memref<640xf32, #tpu.memory_space<vmem>> -> memref<400xf32, #tpu.memory_space<vmem>>
          tpu.enqueue_dma source(%dma_start3A_173 : memref<400xf32, #tpu.memory_space<vmem>>) target(%dma_start3A_171 : memref<400xf32, #tpu.memory_space<hbm>>) target_semaphore(%run_scoped3A : memref<!tpu.dma_semaphore, #tpu.memory_space<semaphore_mem>>)
          %dma_wait3A_174 = arith.constant 0 : i32
          %dma_wait3A_175 = tpu.memref_slice %arg16[%dma_wait3A_174] : memref<640xf32, #tpu.memory_space<vmem>> -> memref<400xf32, #tpu.memory_space<vmem>>
          %dma_wait3A_176 = arith.constant 9600 : i32
          %dma_wait3A_177 = tpu.memref_slice %arg7[%dma_wait3A_176] : memref<10000xf32, #tpu.memory_space<hbm>> -> memref<400xf32, #tpu.memory_space<hbm>>
          %dma_wait3A_178 = arith.constant 9600 : i32
          %dma_wait3A_179 = tpu.memref_slice %arg7[%dma_wait3A_178] : memref<10000xf32, #tpu.memory_space<hbm>> -> memref<400xf32, #tpu.memory_space<hbm>>
          %dma_wait3A_180 = arith.constant 0 : i32
          %dma_wait3A_181 = tpu.memref_slice %arg16[%dma_wait3A_180] : memref<640xf32, #tpu.memory_space<vmem>> -> memref<400xf32, #tpu.memory_space<vmem>>
          tpu.wait_dma2 semaphore(%run_scoped3A : memref<!tpu.dma_semaphore, #tpu.memory_space<semaphore_mem>>) src(%dma_wait3A_181 : memref<400xf32, #tpu.memory_space<vmem>>) dst(%dma_wait3A_179 : memref<400xf32, #tpu.memory_space<hbm>>)
          tpu.yield
        }) : () -> ()
      } else {
      }
    } else {
    }
    return
  }
}

#map = affine_map<(d0, d1) -> (0, 0)>
#map1 = affine_map<(d0, d1) -> (0, 0, 0, 0, 0)>
module attributes {stable_mosaic.version = 14 : i64} {
  func.func @_prop_body(%arg0: i32, %arg1: i32, %arg2: memref<10000x128xf32, #tpu.memory_space<hbm>>, %arg3: memref<2x16x10x25x40xi32, #tpu.memory_space<hbm>>, %arg4: memref<2x16x10x25x40xi32, #tpu.memory_space<hbm>>, %arg5: memref<20000x128xf32, #tpu.memory_space<hbm>>, %arg6: memref<25x40xi32, #tpu.memory_space<vmem>>, %arg7: memref<25x40xi32, #tpu.memory_space<vmem>>, %arg8: memref<40x128xf32, #tpu.memory_space<vmem>>, %arg9: memref<40x128xf32, #tpu.memory_space<vmem>>, %arg10: memref<40x128xf32, #tpu.memory_space<vmem>>, %arg11: memref<40x128xf32, #tpu.memory_space<vmem>>, %arg12: memref<40x128xf32, #tpu.memory_space<vmem>>, %arg13: memref<10000x128xf32, #tpu.memory_space<vmem_shared>>, %arg14: memref<!tpu.dma_semaphore, #tpu.memory_space<semaphore_mem>>, %arg15: memref<!tpu.dma_semaphore, #tpu.memory_space<semaphore_mem>>, %arg16: memref<!tpu.dma_semaphore, #tpu.memory_space<semaphore_mem>>, %arg17: memref<!tpu.dma_semaphore, #tpu.memory_space<semaphore_mem>>, %arg18: memref<!tpu.dma_semaphore, #tpu.memory_space<semaphore_mem>>, %arg19: memref<!tpu.dma_semaphore, #tpu.memory_space<semaphore_mem>>, %arg20: memref<!tpu.dma_semaphore, #tpu.memory_space<semaphore_mem>>, %arg21: memref<!tpu.dma_semaphore, #tpu.memory_space<semaphore_mem>>, %arg22: memref<!tpu.dma_semaphore, #tpu.memory_space<semaphore_mem>>, %arg23: memref<!tpu.dma_semaphore, #tpu.memory_space<semaphore_mem>>) attributes {dimension_semantics = [#tpu.dimension_semantics<core_parallel>, #tpu.dimension_semantics<subcore_parallel>], iteration_bounds = array<i64: 2, 16>, scalar_prefetch = 0 : i64, scratch_operands = 18 : i64, tpu.core_type = #tpu.core_type<sc_vector_subcore>, window_params = [{transform_indices = #map}, {transform_indices = #map1}, {transform_indices = #map1}, {transform_indices = #map}]} {
    %scan3A = arith.constant 0 : i32
    %scan3A_0 = arith.constant 0 : i32
    %scan3A_1 = arith.constant 320 : i32
    %scan3A_2 = arith.addi %scan3A_0, %scan3A_1 : i32
    %scan3A_3 = arith.constant 1 : i32
    %scan3A_4 = scf.for %scan3A_21 = %scan3A_0 to %scan3A_2 step %scan3A_3 iter_args(%scan3A_22 = %scan3A) -> (i32)  : i32 {
      %broadcast_in_dim3A = arith.constant 0.000000e+00 : f32
      %broadcast_in_dim3A_23 = vector.broadcast %broadcast_in_dim3A : f32 to vector<16xf32>
      %jit3A = arith.constant 8 : i32
      %div3A = arith.divsi %scan3A_21, %jit3A : i32
      %sign3A = arith.constant 0 : i32
      %sign3A_24 = arith.cmpi sgt, %scan3A_21, %sign3A : i32
      %sign3A_25 = arith.extui %sign3A_24 : i1 to i32
      %sign3A_26 = arith.constant 0 : i32
      %sign3A_27 = arith.cmpi slt, %scan3A_21, %sign3A_26 : i32
      %sign3A_28 = arith.extui %sign3A_27 : i1 to i32
      %sign3A_29 = arith.subi %sign3A_25, %sign3A_28 : i32
      %sign3A_30 = arith.constant 0 : i32
      %sign3A_31 = arith.cmpi sgt, %jit3A, %sign3A_30 : i32
      %sign3A_32 = arith.extui %sign3A_31 : i1 to i32
      %sign3A_33 = arith.constant 0 : i32
      %sign3A_34 = arith.cmpi slt, %jit3A, %sign3A_33 : i32
      %sign3A_35 = arith.extui %sign3A_34 : i1 to i32
      %sign3A_36 = arith.subi %sign3A_32, %sign3A_35 : i32
      %ne3A = arith.cmpi ne, %sign3A_29, %sign3A_36 : i32
      %rem3A = arith.remsi %scan3A_21, %jit3A : i32
      %ne3A_37 = arith.constant 0 : i32
      %ne3A_38 = arith.cmpi ne, %rem3A, %ne3A_37 : i32
      %and3A = arith.andi %ne3A, %ne3A_38 : i1
      %sub3A = arith.constant 1 : i32
      %sub3A_39 = arith.subi %div3A, %sub3A : i32
      %select_n3A = arith.select %and3A, %sub3A_39, %div3A : i32
      %jit3A_40 = arith.constant 8 : i32
      %eq3A = arith.constant 0 : i32
      %eq3A_41 = arith.cmpi eq, %jit3A_40, %eq3A : i32
      %jit3A_42 = arith.constant 1 : i32
      %select_n3A_43 = arith.select %eq3A_41, %jit3A_42, %jit3A_40 : i32
      %rem3A_44 = arith.remsi %scan3A_21, %select_n3A_43 : i32
      %ne3A_45 = arith.constant 0 : i32
      %ne3A_46 = arith.cmpi ne, %rem3A_44, %ne3A_45 : i32
      %lt3A_47 = arith.constant 0 : i32
      %lt3A_48 = arith.cmpi slt, %rem3A_44, %lt3A_47 : i32
      %lt3A_49 = arith.constant 0 : i32
      %lt3A_50 = arith.cmpi slt, %select_n3A_43, %lt3A_49 : i32
      %ne3A_51 = arith.xori %lt3A_48, %lt3A_50 : i1
      %and3A_52 = arith.andi %ne3A_51, %ne3A_46 : i1
      %add3A = arith.addi %rem3A_44, %select_n3A_43 : i32
      %select_n3A_53 = arith.select %and3A_52, %add3A, %rem3A_44 : i32
      %mul3A = arith.constant 16 : i32
      %mul3A_54 = arith.muli %select_n3A_53, %mul3A : i32
      %swap3A = arith.index_cast %select_n3A : i32 to index
      %swap3A_55 = arith.index_cast %mul3A_54 : i32 to index
      %swap3A_56 = tpu.vector_load %arg8[%swap3A, %swap3A_55] {strides = array<i32>} : memref<40x128xf32, #tpu.memory_space<vmem>>, vector<16xf32>,
      tpu.vector_store %arg8[%swap3A, %swap3A_55], %broadcast_in_dim3A_23 {strides = array<i32>} : memref<40x128xf32, #tpu.memory_space<vmem>>, vector<16xf32>,
      %scan3A_57 = arith.constant 0 : i32
      scf.yield %scan3A_57 : i32
    }
    %scan3A_5 = arith.constant 320 : i32
    %lt3A = arith.constant 10 : i32
    %lt3A_6 = arith.cmpi slt, %arg1, %lt3A : i32
    %convert_element_type3A = arith.extui %lt3A_6 : i1 to i32
    %cond3A = arith.constant 0 : i32
    %cond3A_7 = arith.cmpi ne, %convert_element_type3A, %cond3A : i32
    scf.if %cond3A_7 {
      %scan3A_21 = arith.constant 0 : i32
      %scan3A_22 = arith.constant 0 : i32
      %scan3A_23 = arith.constant 25 : i32
      %scan3A_24 = arith.addi %scan3A_22, %scan3A_23 : i32
      %scan3A_25 = arith.constant 1 : i32
      %scan3A_26 = scf.for %scan3A_35 = %scan3A_22 to %scan3A_24 step %scan3A_25 iter_args(%scan3A_36 = %scan3A_21) -> (i32)  : i32 {
        %mul3A = arith.constant 1000 : i32
        %mul3A_37 = arith.muli %arg1, %mul3A : i32
        %mul3A_38 = arith.constant 40 : i32
        %mul3A_39 = arith.muli %scan3A_35, %mul3A_38 : i32
        %add3A = arith.addi %mul3A_37, %mul3A_39 : i32
        %dma_start3A = arith.constant 0 : i32
        %dma_start3A_40 = tpu.memref_slice %arg13[%add3A, %dma_start3A] : memref<10000x128xf32, #tpu.memory_space<vmem_shared>> -> memref<40x128xf32, #tpu.memory_space<vmem_shared>>
        %dma_start3A_41 = arith.constant 0 : i32
        %dma_start3A_42 = tpu.memref_slice %arg13[%add3A, %dma_start3A_41] : memref<10000x128xf32, #tpu.memory_space<vmem_shared>> -> memref<40x128xf32, #tpu.memory_space<vmem_shared>>
        tpu.enqueue_dma source(%arg8 : memref<40x128xf32, #tpu.memory_space<vmem>>) target(%dma_start3A_42 : memref<40x128xf32, #tpu.memory_space<vmem_shared>>) target_semaphore(%arg14 : memref<!tpu.dma_semaphore, #tpu.memory_space<semaphore_mem>>)
        %scan3A_43 = arith.constant 0 : i32
        scf.yield %scan3A_43 : i32
      }
      %scan3A_27 = arith.constant 25 : i32
      %scan3A_28 = arith.constant 0 : i32
      %scan3A_29 = arith.constant 0 : i32
      %scan3A_30 = arith.constant 25 : i32
      %scan3A_31 = arith.addi %scan3A_29, %scan3A_30 : i32
      %scan3A_32 = arith.constant 1 : i32
      %scan3A_33 = scf.for %scan3A_35 = %scan3A_29 to %scan3A_31 step %scan3A_32 iter_args(%scan3A_36 = %scan3A_28) -> (i32)  : i32 {
        %mul3A = arith.constant 1000 : i32
        %mul3A_37 = arith.muli %arg1, %mul3A : i32
        %dma_wait3A = arith.constant 0 : i32
        %dma_wait3A_38 = tpu.memref_slice %arg13[%mul3A_37, %dma_wait3A] : memref<10000x128xf32, #tpu.memory_space<vmem_shared>> -> memref<40x128xf32, #tpu.memory_space<vmem_shared>>
        %dma_wait3A_39 = arith.constant 0 : i32
        %dma_wait3A_40 = tpu.memref_slice %arg13[%mul3A_37, %dma_wait3A_39] : memref<10000x128xf32, #tpu.memory_space<vmem_shared>> -> memref<40x128xf32, #tpu.memory_space<vmem_shared>>
        tpu.wait_dma2 semaphore(%arg14 : memref<!tpu.dma_semaphore, #tpu.memory_space<semaphore_mem>>) src(%arg8 : memref<40x128xf32, #tpu.memory_space<vmem>>) dst(%dma_wait3A_40 : memref<40x128xf32, #tpu.memory_space<vmem_shared>>)
        %scan3A_41 = arith.constant 0 : i32
        scf.yield %scan3A_41 : i32
      }
      %scan3A_34 = arith.constant 25 : i32
    } else {
    }
    %barrier3A = arith.constant 0 : index
    tpu.barrier barrier_id(%barrier3A)
    %scan3A_8 = arith.constant 0 : i32
    %scan3A_9 = arith.constant 0 : i32
    %scan3A_10 = arith.constant 10 : i32
    %scan3A_11 = arith.addi %scan3A_9, %scan3A_10 : i32
    %scan3A_12 = arith.constant 1 : i32
    %scan3A_13 = scf.for %scan3A_21 = %scan3A_9 to %scan3A_11 step %scan3A_12 iter_args(%scan3A_22 = %scan3A_8) -> (i32)  : i32 {
      "tpu.region"() ({
        %run_scoped3A = tpu.sem_alloc : memref<!tpu.dma_semaphore, #tpu.memory_space<semaphore_mem>>
        %dma_start3A_64 = arith.constant 0 : i32
        %dma_start3A_65 = arith.constant 0 : i32
        %dma_start3A_66 = tpu.memref_slice %arg3[%arg0, %arg1, %scan3A_21, %dma_start3A_64, %dma_start3A_65] : memref<2x16x10x25x40xi32, #tpu.memory_space<hbm>> -> memref<1x1x1x25x40xi32, #tpu.memory_space<hbm>>
        %dma_start3A_67 = tpu.memref_squeeze %dma_start3A_66 : memref<1x1x1x25x40xi32, #tpu.memory_space<hbm>> -> memref<25x40xi32, #tpu.memory_space<hbm>>
        %dma_start3A_68 = arith.constant 0 : i32
        %dma_start3A_69 = arith.constant 0 : i32
        %dma_start3A_70 = tpu.memref_slice %arg3[%arg0, %arg1, %scan3A_21, %dma_start3A_68, %dma_start3A_69] : memref<2x16x10x25x40xi32, #tpu.memory_space<hbm>> -> memref<1x1x1x25x40xi32, #tpu.memory_space<hbm>>
        %dma_start3A_71 = tpu.memref_squeeze %dma_start3A_70 : memref<1x1x1x25x40xi32, #tpu.memory_space<hbm>> -> memref<25x40xi32, #tpu.memory_space<hbm>>
        tpu.enqueue_dma source(%dma_start3A_71 : memref<25x40xi32, #tpu.memory_space<hbm>>) target(%arg6 : memref<25x40xi32, #tpu.memory_space<vmem>>) target_semaphore(%run_scoped3A : memref<!tpu.dma_semaphore, #tpu.memory_space<semaphore_mem>>)
        %dma_wait3A_72 = arith.constant 0 : i32
        %dma_wait3A_73 = arith.constant 0 : i32
        %dma_wait3A_74 = tpu.memref_slice %arg3[%arg0, %arg1, %scan3A_21, %dma_wait3A_72, %dma_wait3A_73] : memref<2x16x10x25x40xi32, #tpu.memory_space<hbm>> -> memref<1x1x1x25x40xi32, #tpu.memory_space<hbm>>
        %dma_wait3A_75 = tpu.memref_squeeze %dma_wait3A_74 : memref<1x1x1x25x40xi32, #tpu.memory_space<hbm>> -> memref<25x40xi32, #tpu.memory_space<hbm>>
        %dma_wait3A_76 = arith.constant 0 : i32
        %dma_wait3A_77 = arith.constant 0 : i32
        %dma_wait3A_78 = tpu.memref_slice %arg3[%arg0, %arg1, %scan3A_21, %dma_wait3A_76, %dma_wait3A_77] : memref<2x16x10x25x40xi32, #tpu.memory_space<hbm>> -> memref<1x1x1x25x40xi32, #tpu.memory_space<hbm>>
        %dma_wait3A_79 = tpu.memref_squeeze %dma_wait3A_78 : memref<1x1x1x25x40xi32, #tpu.memory_space<hbm>> -> memref<25x40xi32, #tpu.memory_space<hbm>>
        tpu.wait_dma2 semaphore(%run_scoped3A : memref<!tpu.dma_semaphore, #tpu.memory_space<semaphore_mem>>) src(%dma_wait3A_79 : memref<25x40xi32, #tpu.memory_space<hbm>>) dst(%arg6 : memref<25x40xi32, #tpu.memory_space<vmem>>)
        tpu.yield
      }) : () -> ()
      "tpu.region"() ({
        %run_scoped3A = tpu.sem_alloc : memref<!tpu.dma_semaphore, #tpu.memory_space<semaphore_mem>>
        %dma_start3A_64 = arith.constant 0 : i32
        %dma_start3A_65 = arith.constant 0 : i32
        %dma_start3A_66 = tpu.memref_slice %arg4[%arg0, %arg1, %scan3A_21, %dma_start3A_64, %dma_start3A_65] : memref<2x16x10x25x40xi32, #tpu.memory_space<hbm>> -> memref<1x1x1x25x40xi32, #tpu.memory_space<hbm>>
        %dma_start3A_67 = tpu.memref_squeeze %dma_start3A_66 : memref<1x1x1x25x40xi32, #tpu.memory_space<hbm>> -> memref<25x40xi32, #tpu.memory_space<hbm>>
        %dma_start3A_68 = arith.constant 0 : i32
        %dma_start3A_69 = arith.constant 0 : i32
        %dma_start3A_70 = tpu.memref_slice %arg4[%arg0, %arg1, %scan3A_21, %dma_start3A_68, %dma_start3A_69] : memref<2x16x10x25x40xi32, #tpu.memory_space<hbm>> -> memref<1x1x1x25x40xi32, #tpu.memory_space<hbm>>
        %dma_start3A_71 = tpu.memref_squeeze %dma_start3A_70 : memref<1x1x1x25x40xi32, #tpu.memory_space<hbm>> -> memref<25x40xi32, #tpu.memory_space<hbm>>
        tpu.enqueue_dma source(%dma_start3A_71 : memref<25x40xi32, #tpu.memory_space<hbm>>) target(%arg7 : memref<25x40xi32, #tpu.memory_space<vmem>>) target_semaphore(%run_scoped3A : memref<!tpu.dma_semaphore, #tpu.memory_space<semaphore_mem>>)
        %dma_wait3A_72 = arith.constant 0 : i32
        %dma_wait3A_73 = arith.constant 0 : i32
        %dma_wait3A_74 = tpu.memref_slice %arg4[%arg0, %arg1, %scan3A_21, %dma_wait3A_72, %dma_wait3A_73] : memref<2x16x10x25x40xi32, #tpu.memory_space<hbm>> -> memref<1x1x1x25x40xi32, #tpu.memory_space<hbm>>
        %dma_wait3A_75 = tpu.memref_squeeze %dma_wait3A_74 : memref<1x1x1x25x40xi32, #tpu.memory_space<hbm>> -> memref<25x40xi32, #tpu.memory_space<hbm>>
        %dma_wait3A_76 = arith.constant 0 : i32
        %dma_wait3A_77 = arith.constant 0 : i32
        %dma_wait3A_78 = tpu.memref_slice %arg4[%arg0, %arg1, %scan3A_21, %dma_wait3A_76, %dma_wait3A_77] : memref<2x16x10x25x40xi32, #tpu.memory_space<hbm>> -> memref<1x1x1x25x40xi32, #tpu.memory_space<hbm>>
        %dma_wait3A_79 = tpu.memref_squeeze %dma_wait3A_78 : memref<1x1x1x25x40xi32, #tpu.memory_space<hbm>> -> memref<25x40xi32, #tpu.memory_space<hbm>>
        tpu.wait_dma2 semaphore(%run_scoped3A : memref<!tpu.dma_semaphore, #tpu.memory_space<semaphore_mem>>) src(%dma_wait3A_79 : memref<25x40xi32, #tpu.memory_space<hbm>>) dst(%arg7 : memref<25x40xi32, #tpu.memory_space<vmem>>)
        tpu.yield
      }) : () -> ()
      %dma_start3A = arith.constant 0 : i32
      %dma_start3A_23 = arith.constant 0 : i32
      %dma_start3A_24 = tpu.memref_slice %arg6[%dma_start3A, %dma_start3A_23] : memref<25x40xi32, #tpu.memory_space<vmem>> -> memref<1x40xi32, #tpu.memory_space<vmem>>
      %dma_start3A_25 = tpu.memref_squeeze %dma_start3A_24 : memref<1x40xi32, #tpu.memory_space<vmem>> -> memref<40xi32, #tpu.memory_space<vmem>>
      %dma_start3A_26 = arith.constant 0 : i32
      %dma_start3A_27 = arith.constant 0 : i32
      %dma_start3A_28 = tpu.memref_slice %arg2[%dma_start3A_26, %dma_start3A_27] : memref<10000x128xf32, #tpu.memory_space<hbm>> -> memref<10000x128xf32, #tpu.memory_space<hbm>>
      tpu.enqueue_indirect_dma source(%dma_start3A_28 : memref<10000x128xf32, #tpu.memory_space<hbm>>) target(%arg8 : memref<40x128xf32, #tpu.memory_space<vmem>>) offsets(%dma_start3A_25 : memref<40xi32, #tpu.memory_space<vmem>>) semaphore(%arg14 : memref<!tpu.dma_semaphore, #tpu.memory_space<semaphore_mem>>)
      %dma_start3A_29 = arith.constant 1 : i32
      %dma_start3A_30 = arith.constant 0 : i32
      %dma_start3A_31 = tpu.memref_slice %arg6[%dma_start3A_29, %dma_start3A_30] : memref<25x40xi32, #tpu.memory_space<vmem>> -> memref<1x40xi32, #tpu.memory_space<vmem>>
      %dma_start3A_32 = tpu.memref_squeeze %dma_start3A_31 : memref<1x40xi32, #tpu.memory_space<vmem>> -> memref<40xi32, #tpu.memory_space<vmem>>
      %dma_start3A_33 = arith.constant 0 : i32
      %dma_start3A_34 = arith.constant 0 : i32
      %dma_start3A_35 = tpu.memref_slice %arg2[%dma_start3A_33, %dma_start3A_34] : memref<10000x128xf32, #tpu.memory_space<hbm>> -> memref<10000x128xf32, #tpu.memory_space<hbm>>
      tpu.enqueue_indirect_dma source(%dma_start3A_35 : memref<10000x128xf32, #tpu.memory_space<hbm>>) target(%arg9 : memref<40x128xf32, #tpu.memory_space<vmem>>) offsets(%dma_start3A_32 : memref<40xi32, #tpu.memory_space<vmem>>) semaphore(%arg15 : memref<!tpu.dma_semaphore, #tpu.memory_space<semaphore_mem>>)
      %dma_start3A_36 = arith.constant 2 : i32
      %dma_start3A_37 = arith.constant 0 : i32
      %dma_start3A_38 = tpu.memref_slice %arg6[%dma_start3A_36, %dma_start3A_37] : memref<25x40xi32, #tpu.memory_space<vmem>> -> memref<1x40xi32, #tpu.memory_space<vmem>>
      %dma_start3A_39 = tpu.memref_squeeze %dma_start3A_38 : memref<1x40xi32, #tpu.memory_space<vmem>> -> memref<40xi32, #tpu.memory_space<vmem>>
      %dma_start3A_40 = arith.constant 0 : i32
      %dma_start3A_41 = arith.constant 0 : i32
      %dma_start3A_42 = tpu.memref_slice %arg2[%dma_start3A_40, %dma_start3A_41] : memref<10000x128xf32, #tpu.memory_space<hbm>> -> memref<10000x128xf32, #tpu.memory_space<hbm>>
      tpu.enqueue_indirect_dma source(%dma_start3A_42 : memref<10000x128xf32, #tpu.memory_space<hbm>>) target(%arg10 : memref<40x128xf32, #tpu.memory_space<vmem>>) offsets(%dma_start3A_39 : memref<40xi32, #tpu.memory_space<vmem>>) semaphore(%arg16 : memref<!tpu.dma_semaphore, #tpu.memory_space<semaphore_mem>>)
      %dma_start3A_43 = arith.constant 3 : i32
      %dma_start3A_44 = arith.constant 0 : i32
      %dma_start3A_45 = tpu.memref_slice %arg6[%dma_start3A_43, %dma_start3A_44] : memref<25x40xi32, #tpu.memory_space<vmem>> -> memref<1x40xi32, #tpu.memory_space<vmem>>
      %dma_start3A_46 = tpu.memref_squeeze %dma_start3A_45 : memref<1x40xi32, #tpu.memory_space<vmem>> -> memref<40xi32, #tpu.memory_space<vmem>>
      %dma_start3A_47 = arith.constant 0 : i32
      %dma_start3A_48 = arith.constant 0 : i32
      %dma_start3A_49 = tpu.memref_slice %arg2[%dma_start3A_47, %dma_start3A_48] : memref<10000x128xf32, #tpu.memory_space<hbm>> -> memref<10000x128xf32, #tpu.memory_space<hbm>>
      tpu.enqueue_indirect_dma source(%dma_start3A_49 : memref<10000x128xf32, #tpu.memory_space<hbm>>) target(%arg11 : memref<40x128xf32, #tpu.memory_space<vmem>>) offsets(%dma_start3A_46 : memref<40xi32, #tpu.memory_space<vmem>>) semaphore(%arg17 : memref<!tpu.dma_semaphore, #tpu.memory_space<semaphore_mem>>)
      %scan3A_50 = arith.constant 0 : i32
      %scan3A_51 = arith.constant 0 : i32
      %scan3A_52 = arith.constant 5 : i32
      %scan3A_53 = arith.addi %scan3A_51, %scan3A_52 : i32
      %scan3A_54 = arith.constant 1 : i32
      %scan3A_55 = scf.for %scan3A_64 = %scan3A_51 to %scan3A_53 step %scan3A_54 iter_args(%scan3A_65 = %scan3A_50) -> (i32)  : i32 {
        %mul3A = arith.constant 5 : i32
        %mul3A_66 = arith.muli %mul3A, %scan3A_64 : i32
        %add3A = arith.constant 0 : i32
        %add3A_67 = arith.addi %mul3A_66, %add3A : i32
        %dma_wait3A_68 = arith.constant 0 : i32
        %dma_wait3A_69 = tpu.memref_slice %arg6[%add3A_67, %dma_wait3A_68] : memref<25x40xi32, #tpu.memory_space<vmem>> -> memref<1x40xi32, #tpu.memory_space<vmem>>
        %dma_wait3A_70 = tpu.memref_squeeze %dma_wait3A_69 : memref<1x40xi32, #tpu.memory_space<vmem>> -> memref<40xi32, #tpu.memory_space<vmem>>
        %dma_wait3A_71 = arith.constant 0 : i32
        %dma_wait3A_72 = arith.constant 0 : i32
        %dma_wait3A_73 = tpu.memref_slice %arg2[%dma_wait3A_71, %dma_wait3A_72] : memref<10000x128xf32, #tpu.memory_space<hbm>> -> memref<10000x128xf32, #tpu.memory_space<hbm>>
        tpu.wait_indirect_dma semaphore(%arg14 : memref<!tpu.dma_semaphore, #tpu.memory_space<semaphore_mem>>) src(%dma_wait3A_73 : memref<10000x128xf32, #tpu.memory_space<hbm>>) dst(%arg8 : memref<40x128xf32, #tpu.memory_space<vmem>>)
        %gt3A = arith.constant 0 : i32
        %gt3A_74 = arith.cmpi sgt, %scan3A_64, %gt3A : i32
        %convert_element_type3A_75 = arith.extui %gt3A_74 : i1 to i32
        %cond3A_76 = arith.constant 0 : i32
        %cond3A_77 = arith.cmpi ne, %convert_element_type3A_75, %cond3A_76 : i32
        scf.if %cond3A_77 {
          %dma_wait3A_201 = arith.constant 0 : i32
          %dma_wait3A_202 = tpu.memref_slice %arg7[%add3A_67, %dma_wait3A_201] : memref<25x40xi32, #tpu.memory_space<vmem>> -> memref<1x40xi32, #tpu.memory_space<vmem>>
          %dma_wait3A_203 = tpu.memref_squeeze %dma_wait3A_202 : memref<1x40xi32, #tpu.memory_space<vmem>> -> memref<40xi32, #tpu.memory_space<vmem>>
          %dma_wait3A_204 = arith.constant 0 : i32
          %dma_wait3A_205 = arith.constant 0 : i32
          %dma_wait3A_206 = tpu.memref_slice %arg13[%dma_wait3A_204, %dma_wait3A_205] : memref<10000x128xf32, #tpu.memory_space<vmem_shared>> -> memref<10000x128xf32, #tpu.memory_space<vmem_shared>>
          tpu.wait_indirect_dma semaphore(%arg23 : memref<!tpu.dma_semaphore, #tpu.memory_space<semaphore_mem>>) src(%arg12 : memref<40x128xf32, #tpu.memory_space<vmem>>) dst(%dma_wait3A_206 : memref<10000x128xf32, #tpu.memory_space<vmem_shared>>)
        } else {
        }
        %add3A_78 = arith.constant 4 : i32
        %add3A_79 = arith.addi %add3A_67, %add3A_78 : i32
        %dma_start3A_80 = arith.constant 0 : i32
        %dma_start3A_81 = tpu.memref_slice %arg6[%add3A_79, %dma_start3A_80] : memref<25x40xi32, #tpu.memory_space<vmem>> -> memref<1x40xi32, #tpu.memory_space<vmem>>
        %dma_start3A_82 = tpu.memref_squeeze %dma_start3A_81 : memref<1x40xi32, #tpu.memory_space<vmem>> -> memref<40xi32, #tpu.memory_space<vmem>>
        %dma_start3A_83 = arith.constant 0 : i32
        %dma_start3A_84 = arith.constant 0 : i32
        %dma_start3A_85 = tpu.memref_slice %arg2[%dma_start3A_83, %dma_start3A_84] : memref<10000x128xf32, #tpu.memory_space<hbm>> -> memref<10000x128xf32, #tpu.memory_space<hbm>>
        tpu.enqueue_indirect_dma source(%dma_start3A_85 : memref<10000x128xf32, #tpu.memory_space<hbm>>) target(%arg12 : memref<40x128xf32, #tpu.memory_space<vmem>>) offsets(%dma_start3A_82 : memref<40xi32, #tpu.memory_space<vmem>>) semaphore(%arg18 : memref<!tpu.dma_semaphore, #tpu.memory_space<semaphore_mem>>)
        %dma_start3A_86 = arith.constant 0 : i32
        %dma_start3A_87 = tpu.memref_slice %arg7[%add3A_67, %dma_start3A_86] : memref<25x40xi32, #tpu.memory_space<vmem>> -> memref<1x40xi32, #tpu.memory_space<vmem>>
        %dma_start3A_88 = tpu.memref_squeeze %dma_start3A_87 : memref<1x40xi32, #tpu.memory_space<vmem>> -> memref<40xi32, #tpu.memory_space<vmem>>
        %dma_start3A_89 = arith.constant 0 : i32
        %dma_start3A_90 = arith.constant 0 : i32
        %dma_start3A_91 = tpu.memref_slice %arg13[%dma_start3A_89, %dma_start3A_90] : memref<10000x128xf32, #tpu.memory_space<vmem_shared>> -> memref<10000x128xf32, #tpu.memory_space<vmem_shared>>
        tpu.enqueue_indirect_dma source(%arg8 : memref<40x128xf32, #tpu.memory_space<vmem>>) target(%dma_start3A_91 : memref<10000x128xf32, #tpu.memory_space<vmem_shared>>) offsets(%dma_start3A_88 : memref<40xi32, #tpu.memory_space<vmem>>) semaphore(%arg19 : memref<!tpu.dma_semaphore, #tpu.memory_space<semaphore_mem>>) {add = true}
        %mul3A_92 = arith.constant 5 : i32
        %mul3A_93 = arith.muli %mul3A_92, %scan3A_64 : i32
        %add3A_94 = arith.constant 1 : i32
        %add3A_95 = arith.addi %mul3A_93, %add3A_94 : i32
        %dma_wait3A_96 = arith.constant 0 : i32
        %dma_wait3A_97 = tpu.memref_slice %arg6[%add3A_95, %dma_wait3A_96] : memref<25x40xi32, #tpu.memory_space<vmem>> -> memref<1x40xi32, #tpu.memory_space<vmem>>
        %dma_wait3A_98 = tpu.memref_squeeze %dma_wait3A_97 : memref<1x40xi32, #tpu.memory_space<vmem>> -> memref<40xi32, #tpu.memory_space<vmem>>
        %dma_wait3A_99 = arith.constant 0 : i32
        %dma_wait3A_100 = arith.constant 0 : i32
        %dma_wait3A_101 = tpu.memref_slice %arg2[%dma_wait3A_99, %dma_wait3A_100] : memref<10000x128xf32, #tpu.memory_space<hbm>> -> memref<10000x128xf32, #tpu.memory_space<hbm>>
        tpu.wait_indirect_dma semaphore(%arg15 : memref<!tpu.dma_semaphore, #tpu.memory_space<semaphore_mem>>) src(%dma_wait3A_101 : memref<10000x128xf32, #tpu.memory_space<hbm>>) dst(%arg9 : memref<40x128xf32, #tpu.memory_space<vmem>>)
        %dma_wait3A_102 = arith.constant 0 : i32
        %dma_wait3A_103 = tpu.memref_slice %arg7[%add3A_95, %dma_wait3A_102] : memref<25x40xi32, #tpu.memory_space<vmem>> -> memref<1x40xi32, #tpu.memory_space<vmem>>
        %dma_wait3A_104 = tpu.memref_squeeze %dma_wait3A_103 : memref<1x40xi32, #tpu.memory_space<vmem>> -> memref<40xi32, #tpu.memory_space<vmem>>
        %dma_wait3A_105 = arith.constant 0 : i32
        %dma_wait3A_106 = arith.constant 0 : i32
        %dma_wait3A_107 = tpu.memref_slice %arg13[%dma_wait3A_105, %dma_wait3A_106] : memref<10000x128xf32, #tpu.memory_space<vmem_shared>> -> memref<10000x128xf32, #tpu.memory_space<vmem_shared>>
        tpu.wait_indirect_dma semaphore(%arg19 : memref<!tpu.dma_semaphore, #tpu.memory_space<semaphore_mem>>) src(%arg8 : memref<40x128xf32, #tpu.memory_space<vmem>>) dst(%dma_wait3A_107 : memref<10000x128xf32, #tpu.memory_space<vmem_shared>>)
        %lt3A_108 = arith.constant 4 : i32
        %lt3A_109 = arith.cmpi slt, %scan3A_64, %lt3A_108 : i32
        %convert_element_type3A_110 = arith.extui %lt3A_109 : i1 to i32
        %cond3A_111 = arith.constant 0 : i32
        %cond3A_112 = arith.cmpi ne, %convert_element_type3A_110, %cond3A_111 : i32
        scf.if %cond3A_112 {
          %add3A_201 = arith.constant 4 : i32
          %add3A_202 = arith.addi %add3A_95, %add3A_201 : i32
          %dma_start3A_203 = arith.constant 0 : i32
          %dma_start3A_204 = tpu.memref_slice %arg6[%add3A_202, %dma_start3A_203] : memref<25x40xi32, #tpu.memory_space<vmem>> -> memref<1x40xi32, #tpu.memory_space<vmem>>
          %dma_start3A_205 = tpu.memref_squeeze %dma_start3A_204 : memref<1x40xi32, #tpu.memory_space<vmem>> -> memref<40xi32, #tpu.memory_space<vmem>>
          %dma_start3A_206 = arith.constant 0 : i32
          %dma_start3A_207 = arith.constant 0 : i32
          %dma_start3A_208 = tpu.memref_slice %arg2[%dma_start3A_206, %dma_start3A_207] : memref<10000x128xf32, #tpu.memory_space<hbm>> -> memref<10000x128xf32, #tpu.memory_space<hbm>>
          tpu.enqueue_indirect_dma source(%dma_start3A_208 : memref<10000x128xf32, #tpu.memory_space<hbm>>) target(%arg8 : memref<40x128xf32, #tpu.memory_space<vmem>>) offsets(%dma_start3A_205 : memref<40xi32, #tpu.memory_space<vmem>>) semaphore(%arg14 : memref<!tpu.dma_semaphore, #tpu.memory_space<semaphore_mem>>)
        } else {
        }
        %dma_start3A_113 = arith.constant 0 : i32
        %dma_start3A_114 = tpu.memref_slice %arg7[%add3A_95, %dma_start3A_113] : memref<25x40xi32, #tpu.memory_space<vmem>> -> memref<1x40xi32, #tpu.memory_space<vmem>>
        %dma_start3A_115 = tpu.memref_squeeze %dma_start3A_114 : memref<1x40xi32, #tpu.memory_space<vmem>> -> memref<40xi32, #tpu.memory_space<vmem>>
        %dma_start3A_116 = arith.constant 0 : i32
        %dma_start3A_117 = arith.constant 0 : i32
        %dma_start3A_118 = tpu.memref_slice %arg13[%dma_start3A_116, %dma_start3A_117] : memref<10000x128xf32, #tpu.memory_space<vmem_shared>> -> memref<10000x128xf32, #tpu.memory_space<vmem_shared>>
        tpu.enqueue_indirect_dma source(%arg9 : memref<40x128xf32, #tpu.memory_space<vmem>>) target(%dma_start3A_118 : memref<10000x128xf32, #tpu.memory_space<vmem_shared>>) offsets(%dma_start3A_115 : memref<40xi32, #tpu.memory_space<vmem>>) semaphore(%arg20 : memref<!tpu.dma_semaphore, #tpu.memory_space<semaphore_mem>>) {add = true}
        %mul3A_119 = arith.constant 5 : i32
        %mul3A_120 = arith.muli %mul3A_119, %scan3A_64 : i32
        %add3A_121 = arith.constant 2 : i32
        %add3A_122 = arith.addi %mul3A_120, %add3A_121 : i32
        %dma_wait3A_123 = arith.constant 0 : i32
        %dma_wait3A_124 = tpu.memref_slice %arg6[%add3A_122, %dma_wait3A_123] : memref<25x40xi32, #tpu.memory_space<vmem>> -> memref<1x40xi32, #tpu.memory_space<vmem>>
        %dma_wait3A_125 = tpu.memref_squeeze %dma_wait3A_124 : memref<1x40xi32, #tpu.memory_space<vmem>> -> memref<40xi32, #tpu.memory_space<vmem>>
        %dma_wait3A_126 = arith.constant 0 : i32
        %dma_wait3A_127 = arith.constant 0 : i32
        %dma_wait3A_128 = tpu.memref_slice %arg2[%dma_wait3A_126, %dma_wait3A_127] : memref<10000x128xf32, #tpu.memory_space<hbm>> -> memref<10000x128xf32, #tpu.memory_space<hbm>>
        tpu.wait_indirect_dma semaphore(%arg16 : memref<!tpu.dma_semaphore, #tpu.memory_space<semaphore_mem>>) src(%dma_wait3A_128 : memref<10000x128xf32, #tpu.memory_space<hbm>>) dst(%arg10 : memref<40x128xf32, #tpu.memory_space<vmem>>)
        %dma_wait3A_129 = arith.constant 0 : i32
        %dma_wait3A_130 = tpu.memref_slice %arg7[%add3A_122, %dma_wait3A_129] : memref<25x40xi32, #tpu.memory_space<vmem>> -> memref<1x40xi32, #tpu.memory_space<vmem>>
        %dma_wait3A_131 = tpu.memref_squeeze %dma_wait3A_130 : memref<1x40xi32, #tpu.memory_space<vmem>> -> memref<40xi32, #tpu.memory_space<vmem>>
        %dma_wait3A_132 = arith.constant 0 : i32
        %dma_wait3A_133 = arith.constant 0 : i32
        %dma_wait3A_134 = tpu.memref_slice %arg13[%dma_wait3A_132, %dma_wait3A_133] : memref<10000x128xf32, #tpu.memory_space<vmem_shared>> -> memref<10000x128xf32, #tpu.memory_space<vmem_shared>>
        tpu.wait_indirect_dma semaphore(%arg20 : memref<!tpu.dma_semaphore, #tpu.memory_space<semaphore_mem>>) src(%arg9 : memref<40x128xf32, #tpu.memory_space<vmem>>) dst(%dma_wait3A_134 : memref<10000x128xf32, #tpu.memory_space<vmem_shared>>)
        %lt3A_135 = arith.constant 4 : i32
        %lt3A_136 = arith.cmpi slt, %scan3A_64, %lt3A_135 : i32
        %convert_element_type3A_137 = arith.extui %lt3A_136 : i1 to i32
        %cond3A_138 = arith.constant 0 : i32
        %cond3A_139 = arith.cmpi ne, %convert_element_type3A_137, %cond3A_138 : i32
        scf.if %cond3A_139 {
          %add3A_201 = arith.constant 4 : i32
          %add3A_202 = arith.addi %add3A_122, %add3A_201 : i32
          %dma_start3A_203 = arith.constant 0 : i32
          %dma_start3A_204 = tpu.memref_slice %arg6[%add3A_202, %dma_start3A_203] : memref<25x40xi32, #tpu.memory_space<vmem>> -> memref<1x40xi32, #tpu.memory_space<vmem>>
          %dma_start3A_205 = tpu.memref_squeeze %dma_start3A_204 : memref<1x40xi32, #tpu.memory_space<vmem>> -> memref<40xi32, #tpu.memory_space<vmem>>
          %dma_start3A_206 = arith.constant 0 : i32
          %dma_start3A_207 = arith.constant 0 : i32
          %dma_start3A_208 = tpu.memref_slice %arg2[%dma_start3A_206, %dma_start3A_207] : memref<10000x128xf32, #tpu.memory_space<hbm>> -> memref<10000x128xf32, #tpu.memory_space<hbm>>
          tpu.enqueue_indirect_dma source(%dma_start3A_208 : memref<10000x128xf32, #tpu.memory_space<hbm>>) target(%arg9 : memref<40x128xf32, #tpu.memory_space<vmem>>) offsets(%dma_start3A_205 : memref<40xi32, #tpu.memory_space<vmem>>) semaphore(%arg15 : memref<!tpu.dma_semaphore, #tpu.memory_space<semaphore_mem>>)
        } else {
        }
        %dma_start3A_140 = arith.constant 0 : i32
        %dma_start3A_141 = tpu.memref_slice %arg7[%add3A_122, %dma_start3A_140] : memref<25x40xi32, #tpu.memory_space<vmem>> -> memref<1x40xi32, #tpu.memory_space<vmem>>
        %dma_start3A_142 = tpu.memref_squeeze %dma_start3A_141 : memref<1x40xi32, #tpu.memory_space<vmem>> -> memref<40xi32, #tpu.memory_space<vmem>>
        %dma_start3A_143 = arith.constant 0 : i32
        %dma_start3A_144 = arith.constant 0 : i32
        %dma_start3A_145 = tpu.memref_slice %arg13[%dma_start3A_143, %dma_start3A_144] : memref<10000x128xf32, #tpu.memory_space<vmem_shared>> -> memref<10000x128xf32, #tpu.memory_space<vmem_shared>>
        tpu.enqueue_indirect_dma source(%arg10 : memref<40x128xf32, #tpu.memory_space<vmem>>) target(%dma_start3A_145 : memref<10000x128xf32, #tpu.memory_space<vmem_shared>>) offsets(%dma_start3A_142 : memref<40xi32, #tpu.memory_space<vmem>>) semaphore(%arg21 : memref<!tpu.dma_semaphore, #tpu.memory_space<semaphore_mem>>) {add = true}
        %mul3A_146 = arith.constant 5 : i32
        %mul3A_147 = arith.muli %mul3A_146, %scan3A_64 : i32
        %add3A_148 = arith.constant 3 : i32
        %add3A_149 = arith.addi %mul3A_147, %add3A_148 : i32
        %dma_wait3A_150 = arith.constant 0 : i32
        %dma_wait3A_151 = tpu.memref_slice %arg6[%add3A_149, %dma_wait3A_150] : memref<25x40xi32, #tpu.memory_space<vmem>> -> memref<1x40xi32, #tpu.memory_space<vmem>>
        %dma_wait3A_152 = tpu.memref_squeeze %dma_wait3A_151 : memref<1x40xi32, #tpu.memory_space<vmem>> -> memref<40xi32, #tpu.memory_space<vmem>>
        %dma_wait3A_153 = arith.constant 0 : i32
        %dma_wait3A_154 = arith.constant 0 : i32
        %dma_wait3A_155 = tpu.memref_slice %arg2[%dma_wait3A_153, %dma_wait3A_154] : memref<10000x128xf32, #tpu.memory_space<hbm>> -> memref<10000x128xf32, #tpu.memory_space<hbm>>
        tpu.wait_indirect_dma semaphore(%arg17 : memref<!tpu.dma_semaphore, #tpu.memory_space<semaphore_mem>>) src(%dma_wait3A_155 : memref<10000x128xf32, #tpu.memory_space<hbm>>) dst(%arg11 : memref<40x128xf32, #tpu.memory_space<vmem>>)
        %dma_wait3A_156 = arith.constant 0 : i32
        %dma_wait3A_157 = tpu.memref_slice %arg7[%add3A_149, %dma_wait3A_156] : memref<25x40xi32, #tpu.memory_space<vmem>> -> memref<1x40xi32, #tpu.memory_space<vmem>>
        %dma_wait3A_158 = tpu.memref_squeeze %dma_wait3A_157 : memref<1x40xi32, #tpu.memory_space<vmem>> -> memref<40xi32, #tpu.memory_space<vmem>>
        %dma_wait3A_159 = arith.constant 0 : i32
        %dma_wait3A_160 = arith.constant 0 : i32
        %dma_wait3A_161 = tpu.memref_slice %arg13[%dma_wait3A_159, %dma_wait3A_160] : memref<10000x128xf32, #tpu.memory_space<vmem_shared>> -> memref<10000x128xf32, #tpu.memory_space<vmem_shared>>
        tpu.wait_indirect_dma semaphore(%arg21 : memref<!tpu.dma_semaphore, #tpu.memory_space<semaphore_mem>>) src(%arg10 : memref<40x128xf32, #tpu.memory_space<vmem>>) dst(%dma_wait3A_161 : memref<10000x128xf32, #tpu.memory_space<vmem_shared>>)
        %lt3A_162 = arith.constant 4 : i32
        %lt3A_163 = arith.cmpi slt, %scan3A_64, %lt3A_162 : i32
        %convert_element_type3A_164 = arith.extui %lt3A_163 : i1 to i32
        %cond3A_165 = arith.constant 0 : i32
        %cond3A_166 = arith.cmpi ne, %convert_element_type3A_164, %cond3A_165 : i32
        scf.if %cond3A_166 {
          %add3A_201 = arith.constant 4 : i32
          %add3A_202 = arith.addi %add3A_149, %add3A_201 : i32
          %dma_start3A_203 = arith.constant 0 : i32
          %dma_start3A_204 = tpu.memref_slice %arg6[%add3A_202, %dma_start3A_203] : memref<25x40xi32, #tpu.memory_space<vmem>> -> memref<1x40xi32, #tpu.memory_space<vmem>>
          %dma_start3A_205 = tpu.memref_squeeze %dma_start3A_204 : memref<1x40xi32, #tpu.memory_space<vmem>> -> memref<40xi32, #tpu.memory_space<vmem>>
          %dma_start3A_206 = arith.constant 0 : i32
          %dma_start3A_207 = arith.constant 0 : i32
          %dma_start3A_208 = tpu.memref_slice %arg2[%dma_start3A_206, %dma_start3A_207] : memref<10000x128xf32, #tpu.memory_space<hbm>> -> memref<10000x128xf32, #tpu.memory_space<hbm>>
          tpu.enqueue_indirect_dma source(%dma_start3A_208 : memref<10000x128xf32, #tpu.memory_space<hbm>>) target(%arg10 : memref<40x128xf32, #tpu.memory_space<vmem>>) offsets(%dma_start3A_205 : memref<40xi32, #tpu.memory_space<vmem>>) semaphore(%arg16 : memref<!tpu.dma_semaphore, #tpu.memory_space<semaphore_mem>>)
        } else {
        }
        %dma_start3A_167 = arith.constant 0 : i32
        %dma_start3A_168 = tpu.memref_slice %arg7[%add3A_149, %dma_start3A_167] : memref<25x40xi32, #tpu.memory_space<vmem>> -> memref<1x40xi32, #tpu.memory_space<vmem>>
        %dma_start3A_169 = tpu.memref_squeeze %dma_start3A_168 : memref<1x40xi32, #tpu.memory_space<vmem>> -> memref<40xi32, #tpu.memory_space<vmem>>
        %dma_start3A_170 = arith.constant 0 : i32
        %dma_start3A_171 = arith.constant 0 : i32
        %dma_start3A_172 = tpu.memref_slice %arg13[%dma_start3A_170, %dma_start3A_171] : memref<10000x128xf32, #tpu.memory_space<vmem_shared>> -> memref<10000x128xf32, #tpu.memory_space<vmem_shared>>
        tpu.enqueue_indirect_dma source(%arg11 : memref<40x128xf32, #tpu.memory_space<vmem>>) target(%dma_start3A_172 : memref<10000x128xf32, #tpu.memory_space<vmem_shared>>) offsets(%dma_start3A_169 : memref<40xi32, #tpu.memory_space<vmem>>) semaphore(%arg22 : memref<!tpu.dma_semaphore, #tpu.memory_space<semaphore_mem>>) {add = true}
        %mul3A_173 = arith.constant 5 : i32
        %mul3A_174 = arith.muli %mul3A_173, %scan3A_64 : i32
        %add3A_175 = arith.constant 4 : i32
        %add3A_176 = arith.addi %mul3A_174, %add3A_175 : i32
        %dma_wait3A_177 = arith.constant 0 : i32
        %dma_wait3A_178 = tpu.memref_slice %arg6[%add3A_176, %dma_wait3A_177] : memref<25x40xi32, #tpu.memory_space<vmem>> -> memref<1x40xi32, #tpu.memory_space<vmem>>
        %dma_wait3A_179 = tpu.memref_squeeze %dma_wait3A_178 : memref<1x40xi32, #tpu.memory_space<vmem>> -> memref<40xi32, #tpu.memory_space<vmem>>
        %dma_wait3A_180 = arith.constant 0 : i32
        %dma_wait3A_181 = arith.constant 0 : i32
        %dma_wait3A_182 = tpu.memref_slice %arg2[%dma_wait3A_180, %dma_wait3A_181] : memref<10000x128xf32, #tpu.memory_space<hbm>> -> memref<10000x128xf32, #tpu.memory_space<hbm>>
        tpu.wait_indirect_dma semaphore(%arg18 : memref<!tpu.dma_semaphore, #tpu.memory_space<semaphore_mem>>) src(%dma_wait3A_182 : memref<10000x128xf32, #tpu.memory_space<hbm>>) dst(%arg12 : memref<40x128xf32, #tpu.memory_space<vmem>>)
        %dma_wait3A_183 = arith.constant 0 : i32
        %dma_wait3A_184 = tpu.memref_slice %arg7[%add3A_176, %dma_wait3A_183] : memref<25x40xi32, #tpu.memory_space<vmem>> -> memref<1x40xi32, #tpu.memory_space<vmem>>
        %dma_wait3A_185 = tpu.memref_squeeze %dma_wait3A_184 : memref<1x40xi32, #tpu.memory_space<vmem>> -> memref<40xi32, #tpu.memory_space<vmem>>
        %dma_wait3A_186 = arith.constant 0 : i32
        %dma_wait3A_187 = arith.constant 0 : i32
        %dma_wait3A_188 = tpu.memref_slice %arg13[%dma_wait3A_186, %dma_wait3A_187] : memref<10000x128xf32, #tpu.memory_space<vmem_shared>> -> memref<10000x128xf32, #tpu.memory_space<vmem_shared>>
        tpu.wait_indirect_dma semaphore(%arg22 : memref<!tpu.dma_semaphore, #tpu.memory_space<semaphore_mem>>) src(%arg11 : memref<40x128xf32, #tpu.memory_space<vmem>>) dst(%dma_wait3A_188 : memref<10000x128xf32, #tpu.memory_space<vmem_shared>>)
        %lt3A_189 = arith.constant 4 : i32
        %lt3A_190 = arith.cmpi slt, %scan3A_64, %lt3A_189 : i32
        %convert_element_type3A_191 = arith.extui %lt3A_190 : i1 to i32
        %cond3A_192 = arith.constant 0 : i32
        %cond3A_193 = arith.cmpi ne, %convert_element_type3A_191, %cond3A_192 : i32
        scf.if %cond3A_193 {
          %add3A_201 = arith.constant 4 : i32
          %add3A_202 = arith.addi %add3A_176, %add3A_201 : i32
          %dma_start3A_203 = arith.constant 0 : i32
          %dma_start3A_204 = tpu.memref_slice %arg6[%add3A_202, %dma_start3A_203] : memref<25x40xi32, #tpu.memory_space<vmem>> -> memref<1x40xi32, #tpu.memory_space<vmem>>
          %dma_start3A_205 = tpu.memref_squeeze %dma_start3A_204 : memref<1x40xi32, #tpu.memory_space<vmem>> -> memref<40xi32, #tpu.memory_space<vmem>>
          %dma_start3A_206 = arith.constant 0 : i32
          %dma_start3A_207 = arith.constant 0 : i32
          %dma_start3A_208 = tpu.memref_slice %arg2[%dma_start3A_206, %dma_start3A_207] : memref<10000x128xf32, #tpu.memory_space<hbm>> -> memref<10000x128xf32, #tpu.memory_space<hbm>>
          tpu.enqueue_indirect_dma source(%dma_start3A_208 : memref<10000x128xf32, #tpu.memory_space<hbm>>) target(%arg11 : memref<40x128xf32, #tpu.memory_space<vmem>>) offsets(%dma_start3A_205 : memref<40xi32, #tpu.memory_space<vmem>>) semaphore(%arg17 : memref<!tpu.dma_semaphore, #tpu.memory_space<semaphore_mem>>)
        } else {
        }
        %dma_start3A_194 = arith.constant 0 : i32
        %dma_start3A_195 = tpu.memref_slice %arg7[%add3A_176, %dma_start3A_194] : memref<25x40xi32, #tpu.memory_space<vmem>> -> memref<1x40xi32, #tpu.memory_space<vmem>>
        %dma_start3A_196 = tpu.memref_squeeze %dma_start3A_195 : memref<1x40xi32, #tpu.memory_space<vmem>> -> memref<40xi32, #tpu.memory_space<vmem>>
        %dma_start3A_197 = arith.constant 0 : i32
        %dma_start3A_198 = arith.constant 0 : i32
        %dma_start3A_199 = tpu.memref_slice %arg13[%dma_start3A_197, %dma_start3A_198] : memref<10000x128xf32, #tpu.memory_space<vmem_shared>> -> memref<10000x128xf32, #tpu.memory_space<vmem_shared>>
        tpu.enqueue_indirect_dma source(%arg12 : memref<40x128xf32, #tpu.memory_space<vmem>>) target(%dma_start3A_199 : memref<10000x128xf32, #tpu.memory_space<vmem_shared>>) offsets(%dma_start3A_196 : memref<40xi32, #tpu.memory_space<vmem>>) semaphore(%arg23 : memref<!tpu.dma_semaphore, #tpu.memory_space<semaphore_mem>>) {add = true}
        %scan3A_200 = arith.constant 0 : i32
        scf.yield %scan3A_200 : i32
      }
      %scan3A_56 = arith.constant 5 : i32
      %dma_wait3A = arith.constant 24 : i32
      %dma_wait3A_57 = arith.constant 0 : i32
      %dma_wait3A_58 = tpu.memref_slice %arg7[%dma_wait3A, %dma_wait3A_57] : memref<25x40xi32, #tpu.memory_space<vmem>> -> memref<1x40xi32, #tpu.memory_space<vmem>>
      %dma_wait3A_59 = tpu.memref_squeeze %dma_wait3A_58 : memref<1x40xi32, #tpu.memory_space<vmem>> -> memref<40xi32, #tpu.memory_space<vmem>>
      %dma_wait3A_60 = arith.constant 0 : i32
      %dma_wait3A_61 = arith.constant 0 : i32
      %dma_wait3A_62 = tpu.memref_slice %arg13[%dma_wait3A_60, %dma_wait3A_61] : memref<10000x128xf32, #tpu.memory_space<vmem_shared>> -> memref<10000x128xf32, #tpu.memory_space<vmem_shared>>
      tpu.wait_indirect_dma semaphore(%arg23 : memref<!tpu.dma_semaphore, #tpu.memory_space<semaphore_mem>>) src(%arg12 : memref<40x128xf32, #tpu.memory_space<vmem>>) dst(%dma_wait3A_62 : memref<10000x128xf32, #tpu.memory_space<vmem_shared>>)
      %scan3A_63 = arith.constant 0 : i32
      scf.yield %scan3A_63 : i32
    }
    %scan3A_14 = arith.constant 10 : i32
    %barrier3A_15 = arith.constant 0 : index
    tpu.barrier barrier_id(%barrier3A_15)
    %lt3A_16 = arith.constant 10 : i32
    %lt3A_17 = arith.cmpi slt, %arg1, %lt3A_16 : i32
    %convert_element_type3A_18 = arith.extui %lt3A_17 : i1 to i32
    %cond3A_19 = arith.constant 0 : i32
    %cond3A_20 = arith.cmpi ne, %convert_element_type3A_18, %cond3A_19 : i32
    scf.if %cond3A_20 {
      %mul3A = arith.constant 1000 : i32
      %mul3A_21 = arith.muli %arg1, %mul3A : i32
      %dma_start3A = arith.constant 0 : i32
      %dma_start3A_22 = tpu.memref_slice %arg13[%mul3A_21, %dma_start3A] : memref<10000x128xf32, #tpu.memory_space<vmem_shared>> -> memref<40x128xf32, #tpu.memory_space<vmem_shared>>
      %dma_start3A_23 = arith.constant 0 : i32
      %dma_start3A_24 = tpu.memref_slice %arg13[%mul3A_21, %dma_start3A_23] : memref<10000x128xf32, #tpu.memory_space<vmem_shared>> -> memref<40x128xf32, #tpu.memory_space<vmem_shared>>
      tpu.enqueue_dma source(%dma_start3A_24 : memref<40x128xf32, #tpu.memory_space<vmem_shared>>) target(%arg8 : memref<40x128xf32, #tpu.memory_space<vmem>>) target_semaphore(%arg14 : memref<!tpu.dma_semaphore, #tpu.memory_space<semaphore_mem>>)
      %scan3A_25 = arith.constant 0 : i32
      %scan3A_26 = arith.constant 0 : i32
      %scan3A_27 = arith.constant 25 : i32
      %scan3A_28 = arith.addi %scan3A_26, %scan3A_27 : i32
      %scan3A_29 = arith.constant 1 : i32
      %scan3A_30 = scf.for %scan3A_32 = %scan3A_26 to %scan3A_28 step %scan3A_29 iter_args(%scan3A_33 = %scan3A_25) -> (i32)  : i32 {
        %mul3A_34 = arith.constant 1000 : i32
        %mul3A_35 = arith.muli %arg1, %mul3A_34 : i32
        %mul3A_36 = arith.constant 40 : i32
        %mul3A_37 = arith.muli %scan3A_32, %mul3A_36 : i32
        %add3A = arith.addi %mul3A_35, %mul3A_37 : i32
        %jit3A = arith.constant 2 : i32
        %eq3A = arith.constant 0 : i32
        %eq3A_38 = arith.cmpi eq, %jit3A, %eq3A : i32
        %jit3A_39 = arith.constant 1 : i32
        %select_n3A = arith.select %eq3A_38, %jit3A_39, %jit3A : i32
        %rem3A = arith.remsi %scan3A_32, %select_n3A : i32
        %ne3A = arith.constant 0 : i32
        %ne3A_40 = arith.cmpi ne, %rem3A, %ne3A : i32
        %lt3A_41 = arith.constant 0 : i32
        %lt3A_42 = arith.cmpi slt, %rem3A, %lt3A_41 : i32
        %lt3A_43 = arith.constant 0 : i32
        %lt3A_44 = arith.cmpi slt, %select_n3A, %lt3A_43 : i32
        %ne3A_45 = arith.xori %lt3A_42, %lt3A_44 : i1
        %and3A = arith.andi %ne3A_45, %ne3A_40 : i1
        %add3A_46 = arith.addi %rem3A, %select_n3A : i32
        %select_n3A_47 = arith.select %and3A, %add3A_46, %rem3A : i32
        %eq3A_48 = arith.constant 0 : i32
        %eq3A_49 = arith.cmpi eq, %select_n3A_47, %eq3A_48 : i32
        %convert_element_type3A_50 = arith.extui %eq3A_49 : i1 to i32
        %cond3A_51 = arith.constant 0 : i32
        %cond3A_52 = arith.cmpi ne, %convert_element_type3A_50, %cond3A_51 : i32
        scf.if %cond3A_52 {
          %dma_wait3A = arith.constant 0 : i32
          %dma_wait3A_75 = tpu.memref_slice %arg13[%add3A, %dma_wait3A] : memref<10000x128xf32, #tpu.memory_space<vmem_shared>> -> memref<40x128xf32, #tpu.memory_space<vmem_shared>>
          %dma_wait3A_76 = arith.constant 0 : i32
          %dma_wait3A_77 = tpu.memref_slice %arg13[%add3A, %dma_wait3A_76] : memref<10000x128xf32, #tpu.memory_space<vmem_shared>> -> memref<40x128xf32, #tpu.memory_space<vmem_shared>>
          tpu.wait_dma2 semaphore(%arg14 : memref<!tpu.dma_semaphore, #tpu.memory_space<semaphore_mem>>) src(%dma_wait3A_77 : memref<40x128xf32, #tpu.memory_space<vmem_shared>>) dst(%arg8 : memref<40x128xf32, #tpu.memory_space<vmem>>)
          %lt3A_78 = arith.constant 24 : i32
          %lt3A_79 = arith.cmpi slt, %scan3A_32, %lt3A_78 : i32
          %convert_element_type3A_80 = arith.extui %lt3A_79 : i1 to i32
          %cond3A_81 = arith.constant 0 : i32
          %cond3A_82 = arith.cmpi ne, %convert_element_type3A_80, %cond3A_81 : i32
          scf.if %cond3A_82 {
            %add3A_86 = arith.constant 40 : i32
            %add3A_87 = arith.addi %add3A, %add3A_86 : i32
            %dma_start3A_88 = arith.constant 0 : i32
            %dma_start3A_89 = tpu.memref_slice %arg13[%add3A_87, %dma_start3A_88] : memref<10000x128xf32, #tpu.memory_space<vmem_shared>> -> memref<40x128xf32, #tpu.memory_space<vmem_shared>>
            %dma_start3A_90 = arith.constant 0 : i32
            %dma_start3A_91 = tpu.memref_slice %arg13[%add3A_87, %dma_start3A_90] : memref<10000x128xf32, #tpu.memory_space<vmem_shared>> -> memref<40x128xf32, #tpu.memory_space<vmem_shared>>
            tpu.enqueue_dma source(%dma_start3A_91 : memref<40x128xf32, #tpu.memory_space<vmem_shared>>) target(%arg9 : memref<40x128xf32, #tpu.memory_space<vmem>>) target_semaphore(%arg15 : memref<!tpu.dma_semaphore, #tpu.memory_space<semaphore_mem>>)
          } else {
          }
          %mul3A_83 = arith.constant 10000 : i32
          %mul3A_84 = arith.muli %arg0, %mul3A_83 : i32
          %add3A_85 = arith.addi %mul3A_84, %add3A : i32
          "tpu.region"() ({
            %run_scoped3A = tpu.sem_alloc : memref<!tpu.dma_semaphore, #tpu.memory_space<semaphore_mem>>
            %dma_start3A_86 = arith.constant 0 : i32
            %dma_start3A_87 = tpu.memref_slice %arg5[%add3A_85, %dma_start3A_86] : memref<20000x128xf32, #tpu.memory_space<hbm>> -> memref<40x128xf32, #tpu.memory_space<hbm>>
            %dma_start3A_88 = arith.constant 0 : i32
            %dma_start3A_89 = tpu.memref_slice %arg5[%add3A_85, %dma_start3A_88] : memref<20000x128xf32, #tpu.memory_space<hbm>> -> memref<40x128xf32, #tpu.memory_space<hbm>>
            tpu.enqueue_dma source(%arg8 : memref<40x128xf32, #tpu.memory_space<vmem>>) target(%dma_start3A_89 : memref<40x128xf32, #tpu.memory_space<hbm>>) target_semaphore(%run_scoped3A : memref<!tpu.dma_semaphore, #tpu.memory_space<semaphore_mem>>)
            %dma_wait3A_90 = arith.constant 0 : i32
            %dma_wait3A_91 = tpu.memref_slice %arg5[%add3A_85, %dma_wait3A_90] : memref<20000x128xf32, #tpu.memory_space<hbm>> -> memref<40x128xf32, #tpu.memory_space<hbm>>
            %dma_wait3A_92 = arith.constant 0 : i32
            %dma_wait3A_93 = tpu.memref_slice %arg5[%add3A_85, %dma_wait3A_92] : memref<20000x128xf32, #tpu.memory_space<hbm>> -> memref<40x128xf32, #tpu.memory_space<hbm>>
            tpu.wait_dma2 semaphore(%run_scoped3A : memref<!tpu.dma_semaphore, #tpu.memory_space<semaphore_mem>>) src(%arg8 : memref<40x128xf32, #tpu.memory_space<vmem>>) dst(%dma_wait3A_93 : memref<40x128xf32, #tpu.memory_space<hbm>>)
            tpu.yield
          }) : () -> ()
        } else {
        }
        %jit3A_53 = arith.constant 2 : i32
        %eq3A_54 = arith.constant 0 : i32
        %eq3A_55 = arith.cmpi eq, %jit3A_53, %eq3A_54 : i32
        %jit3A_56 = arith.constant 1 : i32
        %select_n3A_57 = arith.select %eq3A_55, %jit3A_56, %jit3A_53 : i32
        %rem3A_58 = arith.remsi %scan3A_32, %select_n3A_57 : i32
        %ne3A_59 = arith.constant 0 : i32
        %ne3A_60 = arith.cmpi ne, %rem3A_58, %ne3A_59 : i32
        %lt3A_61 = arith.constant 0 : i32
        %lt3A_62 = arith.cmpi slt, %rem3A_58, %lt3A_61 : i32
        %lt3A_63 = arith.constant 0 : i32
        %lt3A_64 = arith.cmpi slt, %select_n3A_57, %lt3A_63 : i32
        %ne3A_65 = arith.xori %lt3A_62, %lt3A_64 : i1
        %and3A_66 = arith.andi %ne3A_65, %ne3A_60 : i1
        %add3A_67 = arith.addi %rem3A_58, %select_n3A_57 : i32
        %select_n3A_68 = arith.select %and3A_66, %add3A_67, %rem3A_58 : i32
        %eq3A_69 = arith.constant 1 : i32
        %eq3A_70 = arith.cmpi eq, %select_n3A_68, %eq3A_69 : i32
        %convert_element_type3A_71 = arith.extui %eq3A_70 : i1 to i32
        %cond3A_72 = arith.constant 0 : i32
        %cond3A_73 = arith.cmpi ne, %convert_element_type3A_71, %cond3A_72 : i32
        scf.if %cond3A_73 {
          %dma_wait3A = arith.constant 0 : i32
          %dma_wait3A_75 = tpu.memref_slice %arg13[%add3A, %dma_wait3A] : memref<10000x128xf32, #tpu.memory_space<vmem_shared>> -> memref<40x128xf32, #tpu.memory_space<vmem_shared>>
          %dma_wait3A_76 = arith.constant 0 : i32
          %dma_wait3A_77 = tpu.memref_slice %arg13[%add3A, %dma_wait3A_76] : memref<10000x128xf32, #tpu.memory_space<vmem_shared>> -> memref<40x128xf32, #tpu.memory_space<vmem_shared>>
          tpu.wait_dma2 semaphore(%arg15 : memref<!tpu.dma_semaphore, #tpu.memory_space<semaphore_mem>>) src(%dma_wait3A_77 : memref<40x128xf32, #tpu.memory_space<vmem_shared>>) dst(%arg9 : memref<40x128xf32, #tpu.memory_space<vmem>>)
          %lt3A_78 = arith.constant 24 : i32
          %lt3A_79 = arith.cmpi slt, %scan3A_32, %lt3A_78 : i32
          %convert_element_type3A_80 = arith.extui %lt3A_79 : i1 to i32
          %cond3A_81 = arith.constant 0 : i32
          %cond3A_82 = arith.cmpi ne, %convert_element_type3A_80, %cond3A_81 : i32
          scf.if %cond3A_82 {
            %add3A_86 = arith.constant 40 : i32
            %add3A_87 = arith.addi %add3A, %add3A_86 : i32
            %dma_start3A_88 = arith.constant 0 : i32
            %dma_start3A_89 = tpu.memref_slice %arg13[%add3A_87, %dma_start3A_88] : memref<10000x128xf32, #tpu.memory_space<vmem_shared>> -> memref<40x128xf32, #tpu.memory_space<vmem_shared>>
            %dma_start3A_90 = arith.constant 0 : i32
            %dma_start3A_91 = tpu.memref_slice %arg13[%add3A_87, %dma_start3A_90] : memref<10000x128xf32, #tpu.memory_space<vmem_shared>> -> memref<40x128xf32, #tpu.memory_space<vmem_shared>>
            tpu.enqueue_dma source(%dma_start3A_91 : memref<40x128xf32, #tpu.memory_space<vmem_shared>>) target(%arg8 : memref<40x128xf32, #tpu.memory_space<vmem>>) target_semaphore(%arg14 : memref<!tpu.dma_semaphore, #tpu.memory_space<semaphore_mem>>)
          } else {
          }
          %mul3A_83 = arith.constant 10000 : i32
          %mul3A_84 = arith.muli %arg0, %mul3A_83 : i32
          %add3A_85 = arith.addi %mul3A_84, %add3A : i32
          "tpu.region"() ({
            %run_scoped3A = tpu.sem_alloc : memref<!tpu.dma_semaphore, #tpu.memory_space<semaphore_mem>>
            %dma_start3A_86 = arith.constant 0 : i32
            %dma_start3A_87 = tpu.memref_slice %arg5[%add3A_85, %dma_start3A_86] : memref<20000x128xf32, #tpu.memory_space<hbm>> -> memref<40x128xf32, #tpu.memory_space<hbm>>
            %dma_start3A_88 = arith.constant 0 : i32
            %dma_start3A_89 = tpu.memref_slice %arg5[%add3A_85, %dma_start3A_88] : memref<20000x128xf32, #tpu.memory_space<hbm>> -> memref<40x128xf32, #tpu.memory_space<hbm>>
            tpu.enqueue_dma source(%arg9 : memref<40x128xf32, #tpu.memory_space<vmem>>) target(%dma_start3A_89 : memref<40x128xf32, #tpu.memory_space<hbm>>) target_semaphore(%run_scoped3A : memref<!tpu.dma_semaphore, #tpu.memory_space<semaphore_mem>>)
            %dma_wait3A_90 = arith.constant 0 : i32
            %dma_wait3A_91 = tpu.memref_slice %arg5[%add3A_85, %dma_wait3A_90] : memref<20000x128xf32, #tpu.memory_space<hbm>> -> memref<40x128xf32, #tpu.memory_space<hbm>>
            %dma_wait3A_92 = arith.constant 0 : i32
            %dma_wait3A_93 = tpu.memref_slice %arg5[%add3A_85, %dma_wait3A_92] : memref<20000x128xf32, #tpu.memory_space<hbm>> -> memref<40x128xf32, #tpu.memory_space<hbm>>
            tpu.wait_dma2 semaphore(%run_scoped3A : memref<!tpu.dma_semaphore, #tpu.memory_space<semaphore_mem>>) src(%arg9 : memref<40x128xf32, #tpu.memory_space<vmem>>) dst(%dma_wait3A_93 : memref<40x128xf32, #tpu.memory_space<hbm>>)
            tpu.yield
          }) : () -> ()
        } else {
        }
        %scan3A_74 = arith.constant 0 : i32
        scf.yield %scan3A_74 : i32
      }
      %scan3A_31 = arith.constant 25 : i32
    } else {
    }
    return
  }
}

module attributes {stable_mosaic.version = 14 : i64} {
  func.func @_prescale_body(%arg0: i32, %arg1: memref<2000x128xf32, #tpu.memory_space<vmem>>, %arg2: memref<2000x1xf32, #tpu.memory_space<vmem>>, %arg3: memref<2000x1xf32, #tpu.memory_space<vmem>>, %arg4: memref<2000x128xf32, #tpu.memory_space<vmem>>, %arg5: memref<2000x1xf32, #tpu.memory_space<vmem>>) attributes {dimension_semantics = [#tpu.dimension_semantics<arbitrary>], iteration_bounds = array<i64: 5>, scalar_prefetch = 0 : i64, scratch_operands = 0 : i64, tpu.core_type = #tpu.core_type<tc>, window_params = [{transform_indices = @transform_0, window_bounds = array<i64: 2000, 128>}, {transform_indices = @transform_1, window_bounds = array<i64: 2000, 1>}, {transform_indices = @transform_2, window_bounds = array<i64: 2000, 1>}, {transform_indices = @transform_3, window_bounds = array<i64: 2000, 128>}, {transform_indices = @transform_4, window_bounds = array<i64: 2000, 1>}]} {
    %get3A = arith.constant 0 : index
    %get3A_0 = arith.constant 0 : index
    %get3A_1 = vector.load %arg2[%get3A, %get3A_0] : memref<2000x1xf32, #tpu.memory_space<vmem>>, vector<2000x1xf32>
    %get3A_2 = arith.constant 0 : index
    %get3A_3 = arith.constant 0 : index
    %get3A_4 = vector.load %arg3[%get3A_2, %get3A_3] : memref<2000x1xf32, #tpu.memory_space<vmem>>, vector<2000x1xf32>
    %add3A = arith.addf %get3A_1, %get3A_4 : vector<2000x1xf32>
    %add3A_5 = arith.constant 1.000000e+00 : f32
    %add3A_6 = vector.broadcast %add3A_5 : f32 to vector<2000x1xf32>
    %add3A_7 = arith.addf %add3A, %add3A_6 : vector<2000x1xf32>
    %rsqrt3A = math.rsqrt %add3A_7 : vector<2000x1xf32>
    %swap3A = arith.constant 0 : index
    %swap3A_8 = arith.constant 0 : index
    %swap3A_9 = vector.load %arg5[%swap3A, %swap3A_8] : memref<2000x1xf32, #tpu.memory_space<vmem>>, vector<2000x1xf32>
    tpu.vector_store %arg5[%swap3A, %swap3A_8], %rsqrt3A {strides = array<i32>} : memref<2000x1xf32, #tpu.memory_space<vmem>>, vector<2000x1xf32>,
    %get3A_10 = arith.constant 0 : index
    %get3A_11 = arith.constant 0 : index
    %get3A_12 = vector.load %arg1[%get3A_10, %get3A_11] : memref<2000x128xf32, #tpu.memory_space<vmem>>, vector<2000x128xf32>
    %mul3A = vector.broadcast %rsqrt3A : vector<2000x1xf32> to vector<2000x128xf32>
    %mul3A_13 = arith.mulf %get3A_12, %mul3A : vector<2000x128xf32>
    %swap3A_14 = arith.constant 0 : index
    %swap3A_15 = arith.constant 0 : index
    %swap3A_16 = vector.load %arg4[%swap3A_14, %swap3A_15] : memref<2000x128xf32, #tpu.memory_space<vmem>>, vector<2000x128xf32>
    tpu.vector_store %arg4[%swap3A_14, %swap3A_15], %mul3A_13 {strides = array<i32>} : memref<2000x128xf32, #tpu.memory_space<vmem>>, vector<2000x128xf32>,
    return
  }
  func.func @transform_0(%arg0: i32) -> (i32, i32) {
    %c0_i32 = arith.constant 0 : i32
    %c0_i32_0 = arith.constant 0 : i32
    return %arg0, %c0_i32 : i32, i32
  }
  func.func @transform_1(%arg0: i32) -> (i32, i32) {
    %c0_i32 = arith.constant 0 : i32
    %c0_i32_0 = arith.constant 0 : i32
    return %arg0, %c0_i32 : i32, i32
  }
  func.func @transform_2(%arg0: i32) -> (i32, i32) {
    %c0_i32 = arith.constant 0 : i32
    %c0_i32_0 = arith.constant 0 : i32
    return %arg0, %c0_i32 : i32, i32
  }
  func.func @transform_3(%arg0: i32) -> (i32, i32) {
    %c0_i32 = arith.constant 0 : i32
    %c0_i32_0 = arith.constant 0 : i32
    return %arg0, %c0_i32 : i32, i32
  }
  func.func @transform_4(%arg0: i32) -> (i32, i32) {
    %c0_i32 = arith.constant 0 : i32
    %c0_i32_0 = arith.constant 0 : i32
    return %arg0, %c0_i32 : i32, i32
  }
}

module attributes {stable_mosaic.version = 14 : i64} {
  func.func @_dense_body(%arg0: i32, %arg1: memref<2000x128xf32, #tpu.memory_space<vmem>>, %arg2: memref<2000x128xf32, #tpu.memory_space<vmem>>, %arg3: memref<2000x128xf32, #tpu.memory_space<vmem>>, %arg4: memref<2000x1xf32, #tpu.memory_space<vmem>>, %arg5: memref<128x128xf32, #tpu.memory_space<vmem>>, %arg6: memref<1x128xf32, #tpu.memory_space<vmem>>, %arg7: memref<128x128xf32, #tpu.memory_space<vmem>>, %arg8: memref<128x1xf32, #tpu.memory_space<vmem>>, %arg9: memref<1x128xf32, #tpu.memory_space<vmem>>, %arg10: memref<1x1xf32, #tpu.memory_space<vmem>>, %arg11: memref<2000x1xf32, #tpu.memory_space<vmem>>, %arg12: memref<2000x1xf32, #tpu.memory_space<vmem>>) attributes {dimension_semantics = [#tpu.dimension_semantics<arbitrary>], iteration_bounds = array<i64: 5>, scalar_prefetch = 0 : i64, scratch_operands = 0 : i64, tpu.core_type = #tpu.core_type<tc>, window_params = [{transform_indices = @transform_0, window_bounds = array<i64: 2000, 128>}, {transform_indices = @transform_1, window_bounds = array<i64: 2000, 128>}, {transform_indices = @transform_2, window_bounds = array<i64: 2000, 128>}, {transform_indices = @transform_3, window_bounds = array<i64: 2000, 1>}, {pipeline_mode = #tpu.pipeline_mode<synchronous>, transform_indices = @transform_4, window_bounds = array<i64: 128, 128>}, {pipeline_mode = #tpu.pipeline_mode<synchronous>, transform_indices = @transform_5, window_bounds = array<i64: 1, 128>}, {pipeline_mode = #tpu.pipeline_mode<synchronous>, transform_indices = @transform_6, window_bounds = array<i64: 128, 128>}, {pipeline_mode = #tpu.pipeline_mode<synchronous>, transform_indices = @transform_7, window_bounds = array<i64: 128, 1>}, {pipeline_mode = #tpu.pipeline_mode<synchronous>, transform_indices = @transform_8, window_bounds = array<i64: 1, 128>}, {pipeline_mode = #tpu.pipeline_mode<synchronous>, transform_indices = @transform_9, window_bounds = array<i64: 1, 1>}, {transform_indices = @transform_10, window_bounds = array<i64: 2000, 1>}, {transform_indices = @transform_11, window_bounds = array<i64: 2000, 1>}]} {
    %get3A = arith.constant 0 : index
    %get3A_0 = arith.constant 0 : index
    %get3A_1 = vector.load %arg4[%get3A, %get3A_0] : memref<2000x1xf32, #tpu.memory_space<vmem>>, vector<2000x1xf32>
    %get3A_2 = arith.constant 0 : index
    %get3A_3 = arith.constant 0 : index
    %get3A_4 = vector.load %arg1[%get3A_2, %get3A_3] : memref<2000x128xf32, #tpu.memory_space<vmem>>, vector<2000x128xf32>
    %get3A_5 = arith.constant 0 : index
    %get3A_6 = arith.constant 0 : index
    %get3A_7 = vector.load %arg2[%get3A_5, %get3A_6] : memref<2000x128xf32, #tpu.memory_space<vmem>>, vector<2000x128xf32>
    %add3A = arith.addf %get3A_4, %get3A_7 : vector<2000x128xf32>
    %get3A_8 = arith.constant 0 : index
    %get3A_9 = arith.constant 0 : index
    %get3A_10 = vector.load %arg3[%get3A_8, %get3A_9] : memref<2000x128xf32, #tpu.memory_space<vmem>>, vector<2000x128xf32>
    %add3A_11 = arith.addf %add3A, %get3A_10 : vector<2000x128xf32>
    %mul3A = vector.broadcast %get3A_1 : vector<2000x1xf32> to vector<2000x128xf32>
    %mul3A_12 = arith.mulf %mul3A, %add3A_11 : vector<2000x128xf32>
    %get3A_13 = arith.constant 0 : index
    %get3A_14 = arith.constant 0 : index
    %get3A_15 = vector.load %arg5[%get3A_13, %get3A_14] : memref<128x128xf32, #tpu.memory_space<vmem>>, vector<128x128xf32>
    %dot_general3A = arith.constant dense<0.000000e+00> : vector<2000x128xf32>
    %dot_general3A_16 = tpu.matmul %mul3A_12, %get3A_15, %dot_general3A {dimension_numbers = #tpu.dot_dimension_numbers<[1], [0], [0], [1], [0, 0, 1, 1], [], []>, transpose_lhs_hint = false} : vector<2000x128xf32>, vector<128x128xf32>, vector<2000x128xf32> -> vector<2000x128xf32>
    %get3A_17 = arith.constant 0 : index
    %get3A_18 = arith.constant 0 : index
    %get3A_19 = vector.load %arg6[%get3A_17, %get3A_18] : memref<1x128xf32, #tpu.memory_space<vmem>>, vector<1x128xf32>
    %add3A_20 = vector.broadcast %get3A_19 : vector<1x128xf32> to vector<2000x128xf32>
    %add3A_21 = arith.addf %dot_general3A_16, %add3A_20 : vector<2000x128xf32>
    %max3A = arith.constant 0.000000e+00 : f32
    %max3A_22 = vector.broadcast %max3A : f32 to vector<2000x128xf32>
    %max3A_23 = arith.maximumf %add3A_21, %max3A_22 : vector<2000x128xf32>
    %get3A_24 = arith.constant 0 : index
    %get3A_25 = arith.constant 0 : index
    %get3A_26 = vector.load %arg7[%get3A_24, %get3A_25] : memref<128x128xf32, #tpu.memory_space<vmem>>, vector<128x128xf32>
    %get3A_27 = arith.constant 0 : index
    %get3A_28 = arith.constant 0 : index
    %get3A_29 = vector.load %arg8[%get3A_27, %get3A_28] : memref<128x1xf32, #tpu.memory_space<vmem>>, vector<128x1xf32>
    %dot_general3A_30 = arith.constant dense<0.000000e+00> : vector<128x1xf32>
    %dot_general3A_31 = tpu.matmul %get3A_26, %get3A_29, %dot_general3A_30 {dimension_numbers = #tpu.dot_dimension_numbers<[1], [0], [0], [1], [0, 0, 1, 1], [], []>, transpose_lhs_hint = false} : vector<128x128xf32>, vector<128x1xf32>, vector<128x1xf32> -> vector<128x1xf32>
    %dot_general3A_32 = arith.constant dense<0.000000e+00> : vector<2000x1xf32>
    %dot_general3A_33 = tpu.matmul %max3A_23, %dot_general3A_31, %dot_general3A_32 {dimension_numbers = #tpu.dot_dimension_numbers<[1], [0], [0], [1], [0, 0, 1, 1], [], []>, transpose_lhs_hint = false} : vector<2000x128xf32>, vector<128x1xf32>, vector<2000x1xf32> -> vector<2000x1xf32>
    %mul3A_34 = arith.mulf %get3A_1, %dot_general3A_33 : vector<2000x1xf32>
    %swap3A = arith.constant 0 : index
    %swap3A_35 = arith.constant 0 : index
    %swap3A_36 = vector.load %arg11[%swap3A, %swap3A_35] : memref<2000x1xf32, #tpu.memory_space<vmem>>, vector<2000x1xf32>
    tpu.vector_store %arg11[%swap3A, %swap3A_35], %mul3A_34 {strides = array<i32>} : memref<2000x1xf32, #tpu.memory_space<vmem>>, vector<2000x1xf32>,
    %get3A_37 = arith.constant 0 : index
    %get3A_38 = arith.constant 0 : index
    %get3A_39 = vector.load %arg9[%get3A_37, %get3A_38] : memref<1x128xf32, #tpu.memory_space<vmem>>, vector<1x128xf32>
    %get3A_40 = arith.constant 0 : index
    %get3A_41 = arith.constant 0 : index
    %get3A_42 = vector.load %arg8[%get3A_40, %get3A_41] : memref<128x1xf32, #tpu.memory_space<vmem>>, vector<128x1xf32>
    %dot_general3A_43 = arith.constant dense<0.000000e+00> : vector<1x1xf32>
    %dot_general3A_44 = tpu.matmul %get3A_39, %get3A_42, %dot_general3A_43 {dimension_numbers = #tpu.dot_dimension_numbers<[1], [0], [0], [1], [0, 0, 1, 1], [], []>, transpose_lhs_hint = false} : vector<1x128xf32>, vector<128x1xf32>, vector<1x1xf32> -> vector<1x1xf32>
    %get3A_45 = arith.constant 0 : index
    %get3A_46 = arith.constant 0 : index
    %get3A_47 = vector.load %arg10[%get3A_45, %get3A_46] : memref<1x1xf32, #tpu.memory_space<vmem>>, vector<1x1xf32>
    %add3A_48 = arith.addf %dot_general3A_44, %get3A_47 : vector<1x1xf32>
    %mul3A_49 = arith.mulf %get3A_1, %mul3A_34 : vector<2000x1xf32>
    %add3A_50 = vector.broadcast %add3A_48 : vector<1x1xf32> to vector<2000x1xf32>
    %add3A_51 = arith.addf %mul3A_49, %add3A_50 : vector<2000x1xf32>
    %swap3A_52 = arith.constant 0 : index
    %swap3A_53 = arith.constant 0 : index
    %swap3A_54 = vector.load %arg12[%swap3A_52, %swap3A_53] : memref<2000x1xf32, #tpu.memory_space<vmem>>, vector<2000x1xf32>
    tpu.vector_store %arg12[%swap3A_52, %swap3A_53], %add3A_51 {strides = array<i32>} : memref<2000x1xf32, #tpu.memory_space<vmem>>, vector<2000x1xf32>,
    return
  }
  func.func @transform_0(%arg0: i32) -> (i32, i32) {
    %c0_i32 = arith.constant 0 : i32
    %c0_i32_0 = arith.constant 0 : i32
    return %arg0, %c0_i32 : i32, i32
  }
  func.func @transform_1(%arg0: i32) -> (i32, i32) {
    %c0_i32 = arith.constant 0 : i32
    %c0_i32_0 = arith.constant 0 : i32
    return %arg0, %c0_i32 : i32, i32
  }
  func.func @transform_2(%arg0: i32) -> (i32, i32) {
    %c0_i32 = arith.constant 0 : i32
    %c0_i32_0 = arith.constant 0 : i32
    return %arg0, %c0_i32 : i32, i32
  }
  func.func @transform_3(%arg0: i32) -> (i32, i32) {
    %c0_i32 = arith.constant 0 : i32
    %c0_i32_0 = arith.constant 0 : i32
    return %arg0, %c0_i32 : i32, i32
  }
  func.func @transform_4(%arg0: i32) -> (i32, i32) {
    %c0_i32 = arith.constant 0 : i32
    %c0_i32_0 = arith.constant 0 : i32
    %c0_i32_1 = arith.constant 0 : i32
    return %c0_i32, %c0_i32_0 : i32, i32
  }
  func.func @transform_5(%arg0: i32) -> (i32, i32) {
    %c0_i32 = arith.constant 0 : i32
    %c0_i32_0 = arith.constant 0 : i32
    %c0_i32_1 = arith.constant 0 : i32
    return %c0_i32, %c0_i32_0 : i32, i32
  }
  func.func @transform_6(%arg0: i32) -> (i32, i32) {
    %c0_i32 = arith.constant 0 : i32
    %c0_i32_0 = arith.constant 0 : i32
    %c0_i32_1 = arith.constant 0 : i32
    return %c0_i32, %c0_i32_0 : i32, i32
  }
  func.func @transform_7(%arg0: i32) -> (i32, i32) {
    %c0_i32 = arith.constant 0 : i32
    %c0_i32_0 = arith.constant 0 : i32
    %c0_i32_1 = arith.constant 0 : i32
    return %c0_i32, %c0_i32_0 : i32, i32
  }
  func.func @transform_8(%arg0: i32) -> (i32, i32) {
    %c0_i32 = arith.constant 0 : i32
    %c0_i32_0 = arith.constant 0 : i32
    %c0_i32_1 = arith.constant 0 : i32
    return %c0_i32, %c0_i32_0 : i32, i32
  }
  func.func @transform_9(%arg0: i32) -> (i32, i32) {
    %c0_i32 = arith.constant 0 : i32
    %c0_i32_0 = arith.constant 0 : i32
    %c0_i32_1 = arith.constant 0 : i32
    return %c0_i32, %c0_i32_0 : i32, i32
  }
  func.func @transform_10(%arg0: i32) -> (i32, i32) {
    %c0_i32 = arith.constant 0 : i32
    %c0_i32_0 = arith.constant 0 : i32
    return %arg0, %c0_i32 : i32, i32
  }
  func.func @transform_11(%arg0: i32) -> (i32, i32) {
    %c0_i32 = arith.constant 0 : i32
    %c0_i32_0 = arith.constant 0 : i32
    return %arg0, %c0_i32 : i32, i32
  }
}

</mosaic_0001>

<sc_bundles>
// kernel: kernel.10.cloned.1.call-start
scs
__scs_entry_jumppad:
0x0: {  	(pc) =	sbr.rel $0x88, $3  }
0x1: {  	(tag) =	ssettag $0x0;
	lr =	simm.s32 $0x1  }
0x2: {  	[smem:$0x3F99] =	sst lr;
	_ =	strace $0xD0000000  }
0x3: {  	_ = 	snop  }
0x4: {  	_ = 	snop  }
0x5: {  	_ = 	snop  }
0x6: {  	_ = 	snop  }
0x7: {  	_ = 	snop  }
__scs_overlays_trampoline_lowered:
0x8: {  	[smem:$0x3FA8] =	sst s0  }
0x9: {  	[smem:$0x3FA9] =	sst s1  }
0xa: {  	[smem:$0x3FAA] =	sst s2  }
0xb: {  	[smem:$0x3FAB] =	sst s3  }
0xc: {  	[smem:$0x3FAC] =	sst s4  }
0xd: {  	[smem:$0x3FAD] =	sst s5  }
0xe: {  	[smem:$0x3FAE] =	sst s6  }
0xf: {  	[smem:$0x3FAF] =	sst s7  }
0x10: {  	[smem:$0x3FB0] =	sst s8  }
0x11: {  	[smem:$0x3FB1] =	sst s9;
	s0 =	simm.s32 @!p0 $0x0  }
0x12: {  	s1 =	sld [smem:$0x3F97];
	s0 =	simm.s32 @p0 $0x1  }
0x13: {  	[smem:$0x3FB2] =	sst s0;
	s0 =	simm.s32 @!p1 $0x0  }
0x14: {  	s2 =	sld [smem:$0x3F96];
	s0 =	simm.s32 @p1 $0x1  }
0x15: {  	[smem:$0x3FB3] =	sst s0;
	s0 =	simm.s32 @!p2 $0x0  }
0x16: {  	s3 =	sld [smem:$0x3FDB];
	s0 =	simm.s32 @p2 $0x1  }
0x17: {  	s4 =	simm.s32 $0x1BF5;
	[smem:$0x3FB5] =	sst s0  }
0x18: {  	s0 =	sld [smem:$0x3F98];
	_ =	swait.ge [sflag:s4], $0x0  }
0x19: {  	s7 =	sld [smem:$0x3F99]  }
0x1a: {  	s8 =	sadd.s32 $0xFFFFE003, lr  }
0x1b: {  	s9 =	sadd.s32 $0xFFFFFEF7, lr;
	s5 =	simm.s32 $0xFFFFFFFF;
	p2 =	slt.u32 s8, $0xFFFFF086  }
0x1c: {  	p1 =	slt.u32 s9, $0xF7A;
	s5 =	simm.s32 @!p2 $0x0  }
0x1d: {  	s5 =	simm.s32 @p1 $0x1;
	p0 =	seq.s32 s7, s2  }
0x1e: {  	s7 =	smul.u32 @!p0 $0xF7A, s2;
	p2 =	seq.s32 @!p0 s5, $0x0  }
0x1f: {  	s9 =	smul.u32 $0xF7A, s1;
	s8 =	simm.s32 @!p0 $0x1BF5;
	p2 =	por !p2, p0  }
0x20: {  	[sflag:s8] =	ssyncset.s32 @!p0 $0xFFFFF086;
	s6 =	sadd.s32 @!p0 s3, s7;
	s7 =	simm.s32 @!p0 $0x108  }
0x21: {  	s3 =	sadd.s32 s3, s9;
	s6 =	sadd.s32 @!p0 $0x88, s6;
	s7 =	simm.s32 @p2 $0x1082  }
0x22: {  	[simem:s7], [sflag:s8] =	dma.local @!p0 [hbm:s6], $0xF7A  }
0x23: {  	s9 =	sor.u32 $0xD0000000, s2;
	s6 =	simm.s32 $0x108;
	_ =	swait.ge @!p0 [sflag:s8], $0x0  }
0x24: {  	s3 =	sadd.s32 $0x88, s3;
	s6 =	simm.s32 @!p1 $0x1082;
	[sflag:s4] =	ssyncset.s32 $0xFFFFF086  }
0x25: {  	[simem:s6], [sflag:s4] =	dma.local [hbm:s3], $0xF7A  }
0x26: {  	[smem:$0x3F99] =	sst s1;
	(tag) =	ssettag s2;
	_ =	strace s9  }
0x27: {  	s1 =	sld [smem:$0x3FA9]  }
0x28: {  	s2 =	sld [smem:$0x3FAA]  }
0x29: {  	s4 =	sld [smem:$0x3FAC]  }
0x2a: {  	p0 =	seq.s32 s5, $0x0;
	s5 =	sld [smem:$0x3FAD]  }
0x2b: {  	s6 =	sld [smem:$0x3FAE]  }
0x2c: {  	s7 =	sld [smem:$0x3FAF]  }
0x2d: {  	s3 =	simm.s32 $0x108;
	s8 =	sld [smem:$0x3FB0]  }
0x2e: {  	s3 =	simm.s32 @!p0 $0x1082;
	s9 =	sld [smem:$0x3FB1]  }
0x2f: {  	lr =	sadd.s32 s0, s3;
	s0 =	sld [smem:$0x3FA8]  }
0x30: {  	s3 =	sld [smem:$0x3FAB]  }
0x31: {  	[smem:$0x3FB4] =	sst s10  }
0x32: {  	s10 =	sld [smem:$0x3FB2];
	_ =	sdelay $0x3  }
0x33: {  	p0 =	seq.s32 s10, $0x1;
	s10 =	sld [smem:$0x3FB4];
	_ =	sdelay $0x3  }
0x34: {  	[smem:$0x3FB4] =	sst s10  }
0x35: {  	s10 =	sld [smem:$0x3FB3];
	_ =	sdelay $0x3  }
0x36: {  	p1 =	seq.s32 s10, $0x1;
	s10 =	sld [smem:$0x3FB4];
	_ =	sdelay $0x3  }
0x37: {  	[smem:$0x3FB4] =	sst s10  }
0x38: {  	s10 =	sld [smem:$0x3FB5]  }
0x39: {  	_ = 	snop;
	(pc) =	sbr.ind lr, $3  }
0x3a: {  	_ = 	snop  }
0x3b: {  	_ = 	snop  }
0x3c: {  	p2 =	seq.s32 s10, $0x1;
	s10 =	sld [smem:$0x3FB4]  }
0x3d: {  	_ =	shalt  }
0x3e: {  	_ =	shalt  }
0x3f: {  	_ =	shalt  }
0x40: {  	_ =	shalt  }
0x41: {  	_ =	shalt  }
0x42: {  	_ =	shalt  }
0x43: {  	_ =	shalt  }
0x44: {  	_ =	shalt  }
0x45: {  	_ =	shalt  }
0x46: {  	_ =	shalt  }
0x47: {  	_ =	shalt  }
0x48: {  	_ =	shalt  }
0x49: {  	_ =	shalt  }
0x4a: {  	_ =	shalt  }
0x4b: {  	_ =	shalt  }
0x4c: {  	_ =	shalt  }
0x4d: {  	_ =	shalt  }
0x4e: {  	_ =	shalt  }
0x4f: {  	_ =	shalt  }
0x50: {  	_ =	shalt  }
0x51: {  	_ =	shalt  }
0x52: {  	_ =	shalt  }
0x53: {  	_ =	shalt  }
0x54: {  	_ =	shalt  }
0x55: {  	_ =	shalt  }
0x56: {  	_ =	shalt  }
0x57: {  	_ =	shalt  }
0x58: {  	_ =	shalt  }
0x59: {  	_ =	shalt  }
0x5a: {  	_ =	shalt  }
0x5b: {  	_ =	shalt  }
0x5c: {  	_ =	shalt  }
0x5d: {  	_ =	shalt  }
0x5e: {  	_ =	shalt  }
0x5f: {  	_ =	shalt  }
0x60: {  	_ =	shalt  }
0x61: {  	_ =	shalt  }
0x62: {  	_ =	shalt  }
0x63: {  	_ =	shalt  }
0x64: {  	_ =	shalt  }
0x65: {  	_ =	shalt  }
0x66: {  	_ =	shalt  }
0x67: {  	_ =	shalt  }
0x68: {  	_ =	shalt  }
0x69: {  	_ =	shalt  }
0x6a: {  	_ =	shalt  }
0x6b: {  	_ =	shalt  }
0x6c: {  	_ =	shalt  }
0x6d: {  	_ =	shalt  }
0x6e: {  	_ =	shalt  }
0x6f: {  	_ =	shalt  }
0x70: {  	_ =	shalt  }
0x71: {  	_ =	shalt  }
0x72: {  	_ =	shalt  }
0x73: {  	_ =	shalt  }
0x74: {  	_ =	shalt  }
0x75: {  	_ =	shalt  }
0x76: {  	_ =	shalt  }
0x77: {  	_ =	shalt  }
0x78: {  	_ =	shalt  }
0x79: {  	_ =	shalt  }
0x7a: {  	_ =	shalt  }
0x7b: {  	_ =	shalt  }
0x7c: {  	_ =	shalt  }
0x7d: {  	_ =	shalt  }
0x7e: {  	_ =	shalt  }
0x7f: {  	_ =	shalt  }
0x80: {  	_ =	shalt  }
0x81: {  	_ =	shalt  }
0x82: {  	_ =	shalt  }
0x83: {  	_ =	shalt  }
0x84: {  	_ =	shalt  }
0x85: {  	_ =	shalt  }
0x86: {  	_ =	shalt  }
0x87: {  	_ =	shalt  }
.Lfunc_end0:
.L_simem_size_0:
called_computation.1_lowered:
.L_overlay_start_0:
0x88: {  	s2 =	sld [smem:$0x3FD9]  }
0x89: {  	s3 =	sld [smem:$0x3FFE];
	_ =	sdelay $0x1  }
0x8a: {  	s1 =	srdreg.scid  }
0x8b: {  	s0 =	sand.u32 $0x1, s1  }
0x8c: {  	s16 =	sshll.u32 s0, $0xA;
	s2 =	sadd.s32 s3, s2  }
0x8d: {  	s2 =	sadd.s32 s2, s16  }
0x8e: {  	[smem:$0x3FC0] =	sst s2  }
0x8f: {  	_ = 	snop  }
0x90: {  	(tm) =	ssettm $0x1  }
0x91: {  	s17 =	sld [smem:$0x3FFB];
	_ =	sdelay $0x3  }
0x92: {  	_ =	strace s17  }
0x93: {  	s2 =	sld [smem:$0x3FFC];
	_ =	sdelay $0x3  }
0x94: {  	_ =	strace s2  }
0x95: {  	s2 =	sld [smem:$0x3FFD];
	_ =	sdelay $0x3  }
0x96: {  	_ =	strace s2  }
0x97: {  	_ =	strace $0x8FFFFFFF  }
0x98: {  	s18 =	sld [smem:$0x3FDB];
	_ =	sdelay $0x1  }
0x99: {  	s19 =	simm.s32 $_scs_section_size  }
0x9a: {  	s4 =	simm.s32 $_size__tile_overlayer_lowered;
	s5 =	simm.s32 $_tile_overlayer_lowered  }
0x9b: {  	s22 =	simm.s32 $0x1BFF;
	s21 =	sshll.u32 s5, $0x1;
	s2 =	sadd.s32 s19, s18  }
0x9c: {  	s6 =	simm.s32 $0x0;
	s20 =	sshll.u32 s4, $0x1;
	s4 =	sadd.s32 s21, s2  }
0x9d: {  	[timem:s6], [sflag:s22] =	dma.local [hbm:s4], s20  }
0x9e: {  	_ =	swait.ge [sflag:s22], s20  }
0x9f: {  	s3 =	ssub.s32 $0x0, s20;
	[sflag:s22] =	ssyncset.done $0x0  }
0xa0: {  	[sflag:s22] =	ssyncadd.s32 s3;
	_ =	sdelay $0x1  }
0xa1: {  	s23 =	simm.s32 $0x1B8B  }
0xa2: {  	_ =	swait.ge [sflag:s23], $0x1  }
0xa3: {  	[sflag:s23] =	ssyncset.done $0x0  }
0xa4: {  	s25 =	simm.s32 $0x1B8E;
	s24 =	sld [smem:$0x3FFE];
	[sflag:s23] =	ssyncadd.s32 $0xFFFFFFFF  }
0xa5: {  	s26 =	simm.s32 $execute0_lowered;
	[smem:$0x3FD2] =	sst s25  }
0xa6: {  	s4 =	sshll.u32 s26, $0x1;
	_ =	strace $0x80000049;
	[dreg:$0x1] =	wrdreg $0xFFFFFFFF  }
0xa7: {  	s28 =	simm.s32 $_size_execute0_lowered;
	s2 =	sadd.s32 s2, s4;
	[dreg:$0x0] =	wrdreg $0x0  }
0xa8: {  	s4 =	sshll.u32 s28, $0x1;
	[dreg:$0x2] =	wrdreg s2  }
0xa9: {  	[dreg:$0x3] =	wrdreg s4  }
0xaa: {  	[dreg:$0x4] =	wrdreg $0xC0  }
0xab: {  	_ =	task [dreg:s6], $0x5FFFF  }
0xac: {  	[dreg:$0x1] =	wrdreg $0xFFFFFFFF  }
0xad: {  	[dreg:$0x0] =	wrdreg $0x60  }
0xae: {  	[dreg:$0x2] =	wrdreg s24  }
0xaf: {  	[dreg:$0x3] =	wrdreg $0x84000  }
0xb0: {  	[dreg:$0x4] =	wrdreg $0x9  }
0xb1: {  	_ =	task.clear_ibuf [dreg:s6], $0x5FFFF;
	_ =	strace $0x90000049  }
0xb2: {  	s29 =	simm.s32 $0x9;
	_ =	strace $0x8000004B  }
0xb3: {  	_ =	swait.ge [sflag:s29], $0x1  }
0xb4: {  	[sflag:s29] =	ssyncadd.s32 $0xFFFFFFFF  }
0xb5: {  	_ =	strace $0x9000004B  }
0xb6: {  	_ =	sfence  }
0xb7: {  	s30 =	sld [smem:$0x0];
	_ =	sdelay $0x2  }
0xb8: {  	s31 =	sshll.u32 s1, $0xD;
	s1 =	sshrl.u32 s1, $0x2  }
0xb9: {  	s3 =	sand.u32 $0x4000, s31;
	s1 =	sadd.s32 s1, s30  }
0xba: {  	s0 =	sor.u32 s3, s0;
	s1 =	sshll.u32 s1, $0x11  }
0xbb: {  	s0 =	sor.u32 s1, s0  }
0xbc: {  	s0 =	sadd.s32 $0x8F2B, s0  }
0xbd: {  	[sflag:s0] =	ssyncadd.remote.s32 $0x1  }
0xbe: {  	_ =	sfence.sel $0xFFFF  }
0xbf: {  	[dreg:$0x0] =	wrdreg $0xFFFFFFFF;
	(pc) =	sbr.abs _section_cstart, $3  }
0xc0: {  	[dreg:$0x1] =	wrdreg $0xFFFFFFFF  }
0xc1: {  	_ =	task.clear_ibuf [dreg:s6], $0x2FFFF;
	_ =	strace $0x9FFFFFFF  }
0xc2: {  	(tm) =	ssettm $0x7FFFFFFF  }
0xc3: {  	_ =	shalt  }
tec
execute0_lowered:
.L_overlay_start_1:
0x0: {  	(tag) =	ssettag $0x1  }
0x1: {  	s0 =	srdreg.scid;
	s9 =	stileid.u32  }
0x2: {  	s0 =	sand.u32 $0x1, s0;
	s3 =	smul.u32 $0xA000, s9  }
0x3: {  	s1 =	smul.u32 $0xA0000, s0  }
0x4: {  	s5 =	rddreg [dreg:$0x0]  }
0x5: {  	s2 =	rddreg [dreg:$0x1];
	s1 =	sadd.s32 s3, s1;
	s3 =	simm.s32 $0x0  }
0x6: {  	s15 =	simm.s32 $0x80;
	[smem:$0x7FF] =	sst s3  }
0x7: {  	s16 =	simm.s32 $0x100;
	_ =	strace $0x8000004A;
	[dreg:$0x5] =	wrdreg s15  }
0x8: {  	s17 =	simm.s32 $0x180;
	[dreg:$0x6] =	wrdreg s16  }
0x9: {  	s18 =	simm.s32 $0x200;
	[dreg:$0x7] =	wrdreg s17  }
0xa: {  	s19 =	simm.s32 $0x280;
	[dreg:$0x8] =	wrdreg s18  }
0xb: {  	s20 =	simm.s32 $0x1080;
	[dreg:$0x9] =	wrdreg s19  }
0xc: {  	s21 =	simm.s32 $0x300;
	[dreg:$0xa] =	wrdreg s20  }
0xd: {  	s22 =	simm.s32 $0x1100;
	[dreg:$0xb] =	wrdreg s21  }
0xe: {  	s23 =	simm.s32 $0x380;
	[dreg:$0xc] =	wrdreg s22  }
0xf: {  	s24 =	simm.s32 $0x1180;
	[dreg:$0xd] =	wrdreg s23  }
0x10: {  	s6 =	simm.s32 $0x400;
	[dreg:$0xe] =	wrdreg s24  }
0x11: {  	s25 =	simm.s32 $0x1200;
	[dreg:$0xf] =	wrdreg s6  }
0x12: {  	s28 =	simm.s32 $0x480;
	[dreg:$0x10] =	wrdreg s25  }
0x13: {  	s29 =	simm.s32 $0x1280;
	[dreg:$0x11] =	wrdreg s28  }
0x14: {  	s8 =	simm.s32 $0x500;
	[dreg:$0x12] =	wrdreg s29  }
0x15: {  	s11 =	simm.s32 $0x1300;
	[dreg:$0x13] =	wrdreg s8  }
0x16: {  	s12 =	simm.s32 $0x580;
	[dreg:$0x14] =	wrdreg s11  }
0x17: {  	s13 =	simm.s32 $0x1380;
	[dreg:$0x15] =	wrdreg s12  }
0x18: {  	s14 =	simm.s32 $0x600;
	[dreg:$0x16] =	wrdreg s13  }
0x19: {  	[dreg:$0x17] =	wrdreg s14;
	s15 =	simm.s32 $0x1400  }
0x1a: {  	s16 =	simm.s32 $0x680;
	[dreg:$0x18] =	wrdreg s15  }
0x1b: {  	s17 =	simm.s32 $0x1480;
	[dreg:$0x19] =	wrdreg s16  }
0x1c: {  	s19 =	simm.s32 $0x700;
	[dreg:$0x1a] =	wrdreg s17  }
0x1d: {  	s26 =	ssub.s32 $0x2, s0;
	s21 =	simm.s32 $0x1500;
	[dreg:$0x1b] =	wrdreg s19  }
0x1e: {  	s7 =	sshrl.u32 s26, $0x1;
	s24 =	simm.s32 $0x780;
	[dreg:$0x1c] =	wrdreg s21  }
0x1f: {  	s6 =	ssub.s32 s26, s7;
	s26 =	simm.s32 $0x1580;
	[dreg:$0x1d] =	wrdreg s24  }
0x20: {  	s29 =	simm.s32 $0x800;
	[dreg:$0x1e] =	wrdreg s26  }
0x21: {  	s1 =	sshrl.u32 s1, $0x3;
	s12 =	simm.s32 $0x1600;
	[dreg:$0x1f] =	wrdreg s29  }
0x22: {  	s1 =	sadd.s32 s1, s5;
	s14 =	simm.s32 $0x880;
	[smem:$0x7DA] =	sst s12  }
0x23: {  	s4 =	sadd.s32 $0x1BA00, s1;
	[smem:$0x7DC] =	sst s14  }
0x24: {  	s10 =	smul.u32 $0x7D000, s9;
	s1 =	sadd.s32 $0x43A00, s1;
	[dreg:$0x3] =	wrdreg s4  }
0x25: {  	s16 =	simm.s32 $0x1680;
	[dreg:$0x4] =	wrdreg s1  }
0x26: {  	s7 =	sshrl.u32 s10, $0x2;
	s12 =	simm.s32 $0xB00;
	[smem:$0x7DE] =	sst s16  }
0x27: {  	s10 =	sadd.s32 s7, s2;
	[smem:$0x7EB] =	sst s12  }
0x28: {  	s22 =	smax.u32 s6, $0x1;
	[smem:$0x7FA] =	sst s10  }
0x29: {  	s18 =	sadd.s32 $0x2800, s10;
	[smem:$0x7FC] =	sst s22  }
0x2a: {  	s20 =	sadd.s32 $0x3C00, s10;
	[smem:$0x7D3] =	sst s18  }
0x2b: {  	s23 =	sadd.s32 $0x5000, s10;
	[smem:$0x7D4] =	sst s20  }
0x2c: {  	s25 =	sadd.s32 $0x6400, s10;
	[smem:$0x7D5] =	sst s23  }
0x2d: {  	s28 =	sadd.s32 $0x7800, s10;
	[smem:$0x7D6] =	sst s25  }
0x2e: {  	s11 =	sadd.s32 $0x8C00, s10;
	[smem:$0x7D7] =	sst s28  }
0x2f: {  	s13 =	sadd.s32 $0xA000, s10;
	[smem:$0x7D8] =	sst s11  }
0x30: {  	s15 =	sadd.s32 $0xB400, s10;
	[smem:$0x7D9] =	sst s13  }
0x31: {  	s17 =	sadd.s32 $0xC800, s10;
	[smem:$0x7DB] =	sst s15  }
0x32: {  	s19 =	sadd.s32 $0xDC00, s10;
	[smem:$0x7DD] =	sst s17  }
0x33: {  	s21 =	sadd.s32 $0xF000, s10;
	[smem:$0x7DF] =	sst s19  }
0x34: {  	s31 =	simm.s32 $0xC00;
	s24 =	sadd.s32 $0x10400, s10;
	[smem:$0x7E1] =	sst s21  }
0x35: {  	p0 =	sgt.u32 s9, $0x9;
	s26 =	sadd.s32 $0x11800, s10;
	[smem:$0x7E3] =	sst s24  }
0x36: {  	s8 =	smul.u32 $0x3E8, s9;
	s16 =	sadd.s32 $0x12C00, s10;
	[smem:$0x7E5] =	sst s26  }
0x37: {  	s7 =	smul.u32 $0x2710, s0;
	s30 =	sadd.s32 $0x1400, s10;
	[smem:$0x7ED] =	sst s16  }
0x38: {  	s0 =	smul.u32 $0x27100, s0;
	s18 =	simm.s32 $0x900;
	[smem:$0x7FD] =	sst s30  }
0x39: {  	s14 =	smul.u32 $0x3E80, s9;
	s20 =	simm.s32 $0x1700;
	[smem:$0x7E0] =	sst s18  }
0x3a: {  	s9 =	simm.s32 $0x1;
	s23 =	simm.s32 $0x980;
	[smem:$0x7E2] =	sst s20  }
0x3b: {  	s4 =	sadd.s32 $0x6BA00, s5;
	s25 =	simm.s32 $0x1780;
	[smem:$0x7E4] =	sst s23  }
0x3c: {  	s1 =	sadd.s32 $0xB9E00, s5;
	s28 =	simm.s32 $0xA00;
	[smem:$0x7E6] =	sst s25  }
0x3d: {  	s29 =	sadd.s32 s7, s8;
	s7 =	simm.s32 $0x1800;
	[smem:$0x7E7] =	sst s28  }
0x3e: {  	s12 =	simm.s32 $0x28;
	s8 =	simm.s32 $0xA80;
	[smem:$0x7E8] =	sst s7  }
0x3f: {  	s5 =	simm.s32 $0x0;
	s11 =	simm.s32 $0x1880;
	[smem:$0x7E9] =	sst s8  }
0x40: {  	s0 =	sadd.s32 s0, s1;
	s13 =	simm.s32 $0x1900;
	[smem:$0x7EA] =	sst s11  }
0x41: {  	s15 =	simm.s32 $0xB80;
	s17 =	simm.s32 $0x1980;
	[smem:$0x7EC] =	sst s13  }
0x42: {  	s19 =	sadd.s32 $0x15400, s10;
	s21 =	sadd.s32 $0x16800, s10;
	[smem:$0x7EE] =	sst s15  }
0x43: {  	s24 =	sadd.s32 $0x19000, s10;
	s26 =	sadd.s32 $0x1B800, s10;
	[smem:$0x7F1] =	sst s17  }
0x44: {  	s16 =	simm.s32 $0x7000;
	s6 =	sshll.u32 s29, $0x4;
	[smem:$0x7F2] =	sst s19  }
0x45: {  	s0 =	sadd.s32 s14, s0;
	s18 =	sadd.s32 $0x14000, s10;
	[smem:$0x7F4] =	sst s21  }
0x46: {  	s23 =	sadd.s32 $0x17C00, s10;
	[smem:$0x7F6] =	sst s24;
	s25 =	sadd.s32 $0x1A400, s10  }
0x47: {  	[smem:$0x7F8] =	sst s26;
	s28 =	sadd.s32 $0x1CC00, s10;
	s29 =	sadd.s32 $0x1E000, s10  }
0x48: {  	s8 =	simm.s32 $0x2000;
	s10 =	simm.s32 $0xB;
	s11 =	simm.s32 $0x1000  }
0x49: {  	s13 =	simm.s32 $0x3400;
	s14 =	simm.s32 $0x4800;
	[smem:$0x7EF] =	sst s0  }
0x4a: {  	s15 =	simm.s32 $0x5C00;
	s17 =	simm.s32 $0x2;
	[smem:$0x7F0] =	sst s18  }
0x4b: {  	s19 =	simm.s32 $0x3;
	s21 =	simm.s32 $0x4;
	[smem:$0x7F5] =	sst s23  }
.Ltmp0:
0x4c: {  	s24 =	simm.s32 $0x5;
	[smem:$0x7F7] =	sst s25;
	(pc) =	sbr.rel .LBB2_1-.Ltmp0, $4  }
0x4d: {  	s26 =	simm.s32 $0xA;
	s6 =	sadd.s32 s1, s6;
	[smem:$0x7F9] =	sst s28  }
0x4e: {  	[smem:$0x7FB] =	sst s29;
	s18 =	simm.s32 $0x6;
	s23 =	simm.s32 $0x8  }
0x4f: {  	s25 =	simm.s32 $0x9;
	s1 =	simm.s32 $0x1B80;
	s20 =	sadd.s32 $0x3C00, s6  }
0x50: {  	v0 =	vimm.f32 $0.0e+00;
	s0 =	simm.s32 $0x1C00;
	[smem:$0x7F3] =	sst s20;
	s20 =	simm.s32 $0x7  }
.LBB2_10:
0x51: {  	p1 =	seq.s32 s28, $0x1  }
0x52: {  	[sflag:s7] =	ssyncadd.s32 $0xFFFFEC00;
	s6 =	simm.s32 @p1 $0x2  }
0x53: {  	_ =	swait.ge @p1 [sflag:s6], $0x1400  }
0x54: {  	[sflag:s6] =	ssyncset.done @p1 $0x0  }
0x55: {  	[sflag:s6] =	ssyncadd.s32 @p1 $0xFFFFEC00;
	s6 =	simm.s32 @p1 $0x2000  }
0x56: {  	[tilespmem:s6], [sflag:$0x1] =	stream.linear.gather @p1 [spmem:s22], $0x1400, $0x38;
	[tilespmem:$0x1BC80] =	vst v63  }
0x57: {  	s7 =	simm.s32 @p1 $0x3400;
	s28 =	simm.s32 @!p1 $0x1;
	s6 =	simm.s32 @p1 $0x0  }
0x58: {  	[hbm4b:s5+s6] =	stream.linear.scatter @p1 [tilespmem:s7], [sflag:$0xB], $0x1400, $0x38;
	[tilespmem:$0x1BC80] =	vst v63  }
0x59: {  	_ =	swait.ge @!p1 [sflag:s28], $0x1400  }
0x5a: {  	[sflag:s28] =	ssyncset.done @!p1 $0x0  }
0x5b: {  	s6 =	simm.s32 @!p1 $0xC;
	s7 =	simm.s32 @!p1 $0x3400;
	[sflag:s28] =	ssyncadd.s32 @!p1 $0xFFFFEC00  }
0x5c: {  	[tilespmem:s7], [sflag:$0x2] =	stream.linear.gather @!p1 [spmem:s22], $0x1400, $0x38;
	[tilespmem:$0x1BC80] =	vst v63  }
0x5d: {  	s6 =	simm.s32 @p1 $0xB;
	s7 =	simm.s32 @!p1 $0x0;
	s22 =	simm.s32 @!p1 $0x2000  }
0x5e: {  	[hbm4b:s5+s7] =	stream.linear.scatter @!p1 [tilespmem:s22], [sflag:$0xC], $0x1400, $0x38;
	[tilespmem:$0x1BC80] =	vst v63  }
0x5f: {  	_ =	swait.ge [sflag:s6], $0x1400  }
0x60: {  	[sflag:s6] =	ssyncset.done $0x0  }
0x61: {  	[sflag:s6] =	ssyncadd.s32 $0xFFFFEC00  }
0x62: {  	_ =	swait.ge [sflag:s9], $0x1400  }
0x63: {  	s28 =	sld [smem:$0x7F3]  }
0x64: {  	[sflag:s9] =	ssyncset.done $0x0  }
0x65: {  	s29 =	simm.s32 $0xC;
	[sflag:s9] =	ssyncadd.s32 $0xFFFFEC00  }
0x66: {  	[hbm4b:s28+s3] =	stream.linear.scatter [tilespmem:s8], [sflag:$0xC], $0x1400, $0x38;
	[tilespmem:$0x1BC80] =	vst v63  }
0x67: {  	_ =	swait.ge [sflag:s29], $0x1400  }
0x68: {  	s22 =	sld [smem:$0x7FC]  }
0x69: {  	[sflag:s29] =	ssyncset.done $0x0;
	s30 =	sld [smem:$0x7FD]  }
0x6a: {  	s31 =	simm.s32 $0xC00;
	s5 =	sld [smem:$0x7D2];
	[sflag:s29] =	ssyncadd.s32 $0xFFFFEC00  }
.LBB2_11:
0x6b: {  	_ =	sdelay $0x1  }
0x6c: {  	s5 =	sadd.s32 $0x1, s5  }
0x6d: {  	p1 =	sne.s32 s5, s22  }
.Ltmp1:
0x6e: {  	_ = 	snop;
	(pc) =	sbr.rel @!p1 .LBB2_12-.Ltmp1, $1  }
0x6f: {  	_ =	sdelay $0x3  }
.LBB2_1:
0x70: {  	s29 =	sand.u32 $0x7E00, s3  }
0x71: {  	[smem:$0x7D2] =	sst s5;
	s6 =	sand.u32 $0x70, s3;
	s7 =	sshrl.u32 s29, $0x2  }
0x72: {  	s5 =	simm.s32 $0x40;
	s7 =	sor.u32 s6, s7;
	s6 =	simm.s32 $0x0  }
.LBB2_2:
0x73: {  	p1 =	sne.s32 s5, $0x4FC0  }
0x74: {  	[tilespmem:s7+$0x2000] =	vst v0;
	s6 =	sadd.s32 $0x10, s6;
	s7 =	smov.u32 s5;
	s5 =	sadd.s32 $0x40, s5  }
.Ltmp2:
0x75: {  	(pc) =	sbr.rel @p1 .LBB2_2-.Ltmp2, $4  }
0x76: {  	_ = 	snop  }
0x77: {  	s7 =	sand.u32 $0x7E00, s7  }
0x78: {  	s22 =	sand.u32 $0x70, s6;
	s7 =	sshrl.u32 s7, $0x2  }
0x79: {  	s7 =	sor.u32 s22, s7  }
.Ltmp3:
0x7a: {  	(pc) =	sbr.rel @p0 .LBB2_5-.Ltmp3, $2  }
0x7b: {  	_ =	sdelay $0x2  }
0x7c: {  	[tilespmem:s7+$0x2000] =	vst v0  }
0x7d: {  	s5 =	sld [smem:$0x7FA];
	_ =	sdelay $0x2  }
0x7e: {  	[spmem:s5] =	stream.linear.scatter [tilespmem:s8], [sflag:$0x1], $0x1400, $0x38;
	[tilespmem:$0x1BC80] =	vst v63  }
0x7f: {  	s22 =	sld [smem:$0x7D3]  }
0x80: {  	[spmem:s30] =	stream.linear.scatter [tilespmem:s8], [sflag:$0x1], $0x1400, $0x38;
	[tilespmem:$0x1BC80] =	vst v63  }
0x81: {  	s28 =	sld [smem:$0x7D4]  }
0x82: {  	[spmem:s22] =	stream.linear.scatter [tilespmem:s8], [sflag:$0x1], $0x1400, $0x38;
	[tilespmem:$0x1BC80] =	vst v63  }
0x83: {  	s29 =	sld [smem:$0x7D5]  }
0x84: {  	[spmem:s28] =	stream.linear.scatter [tilespmem:s8], [sflag:$0x1], $0x1400, $0x38;
	[tilespmem:$0x1BC80] =	vst v63  }
0x85: {  	s6 =	sld [smem:$0x7D6]  }
0x86: {  	[spmem:s29] =	stream.linear.scatter [tilespmem:s8], [sflag:$0x1], $0x1400, $0x38;
	[tilespmem:$0x1BC80] =	vst v63  }
0x87: {  	s7 =	sld [smem:$0x7D7]  }
0x88: {  	[spmem:s6] =	stream.linear.scatter [tilespmem:s8], [sflag:$0x1], $0x1400, $0x38;
	[tilespmem:$0x1BC80] =	vst v63  }
0x89: {  	s22 =	sld [smem:$0x7D8]  }
0x8a: {  	[spmem:s7] =	stream.linear.scatter [tilespmem:s8], [sflag:$0x1], $0x1400, $0x38;
	[tilespmem:$0x1BC80] =	vst v63  }
0x8b: {  	s28 =	sld [smem:$0x7D9]  }
0x8c: {  	[spmem:s22] =	stream.linear.scatter [tilespmem:s8], [sflag:$0x1], $0x1400, $0x38;
	[tilespmem:$0x1BC80] =	vst v63  }
0x8d: {  	s29 =	sld [smem:$0x7DB]  }
0x8e: {  	[spmem:s28] =	stream.linear.scatter [tilespmem:s8], [sflag:$0x1], $0x1400, $0x38;
	[tilespmem:$0x1BC80] =	vst v63  }
0x8f: {  	s6 =	sld [smem:$0x7DD]  }
0x90: {  	[spmem:s29] =	stream.linear.scatter [tilespmem:s8], [sflag:$0x1], $0x1400, $0x38;
	[tilespmem:$0x1BC80] =	vst v63  }
0x91: {  	s7 =	sld [smem:$0x7DF]  }
0x92: {  	[spmem:s6] =	stream.linear.scatter [tilespmem:s8], [sflag:$0x1], $0x1400, $0x38;
	[tilespmem:$0x1BC80] =	vst v63  }
0x93: {  	s22 =	sld [smem:$0x7E1]  }
0x94: {  	[spmem:s7] =	stream.linear.scatter [tilespmem:s8], [sflag:$0x1], $0x1400, $0x38;
	[tilespmem:$0x1BC80] =	vst v63  }
0x95: {  	s28 =	sld [smem:$0x7E3]  }
0x96: {  	[spmem:s22] =	stream.linear.scatter [tilespmem:s8], [sflag:$0x1], $0x1400, $0x38;
	[tilespmem:$0x1BC80] =	vst v63  }
0x97: {  	s29 =	sld [smem:$0x7E5]  }
0x98: {  	[spmem:s28] =	stream.linear.scatter [tilespmem:s8], [sflag:$0x1], $0x1400, $0x38;
	[tilespmem:$0x1BC80] =	vst v63  }
0x99: {  	s6 =	sld [smem:$0x7ED]  }
0x9a: {  	[spmem:s29] =	stream.linear.scatter [tilespmem:s8], [sflag:$0x1], $0x1400, $0x38;
	[tilespmem:$0x1BC80] =	vst v63  }
0x9b: {  	s7 =	sld [smem:$0x7F0]  }
0x9c: {  	[spmem:s6] =	stream.linear.scatter [tilespmem:s8], [sflag:$0x1], $0x1400, $0x38;
	[tilespmem:$0x1BC80] =	vst v63  }
0x9d: {  	s22 =	sld [smem:$0x7F2]  }
0x9e: {  	[spmem:s7] =	stream.linear.scatter [tilespmem:s8], [sflag:$0x1], $0x1400, $0x38;
	[tilespmem:$0x1BC80] =	vst v63  }
0x9f: {  	s28 =	sld [smem:$0x7F4]  }
0xa0: {  	[spmem:s22] =	stream.linear.scatter [tilespmem:s8], [sflag:$0x1], $0x1400, $0x38;
	[tilespmem:$0x1BC80] =	vst v63  }
0xa1: {  	s29 =	sld [smem:$0x7F5]  }
0xa2: {  	[spmem:s28] =	stream.linear.scatter [tilespmem:s8], [sflag:$0x1], $0x1400, $0x38;
	[tilespmem:$0x1BC80] =	vst v63  }
0xa3: {  	s6 =	sld [smem:$0x7F6]  }
0xa4: {  	[spmem:s29] =	stream.linear.scatter [tilespmem:s8], [sflag:$0x1], $0x1400, $0x38;
	[tilespmem:$0x1BC80] =	vst v63  }
0xa5: {  	s7 =	sld [smem:$0x7F7]  }
0xa6: {  	[spmem:s6] =	stream.linear.scatter [tilespmem:s8], [sflag:$0x1], $0x1400, $0x38;
	[tilespmem:$0x1BC80] =	vst v63  }
0xa7: {  	s22 =	sld [smem:$0x7F8]  }
0xa8: {  	[spmem:s7] =	stream.linear.scatter [tilespmem:s8], [sflag:$0x1], $0x1400, $0x38;
	[tilespmem:$0x1BC80] =	vst v63  }
0xa9: {  	s28 =	sld [smem:$0x7F9]  }
0xaa: {  	[spmem:s22] =	stream.linear.scatter [tilespmem:s8], [sflag:$0x1], $0x1400, $0x38;
	[tilespmem:$0x1BC80] =	vst v63  }
0xab: {  	s29 =	sld [smem:$0x7FB]  }
0xac: {  	[spmem:s28] =	stream.linear.scatter [tilespmem:s8], [sflag:$0x1], $0x1400, $0x38;
	[tilespmem:$0x1BC80] =	vst v63  }
0xad: {  	_ = 	snop  }
0xae: {  	[spmem:s29] =	stream.linear.scatter [tilespmem:s8], [sflag:$0x1], $0x1400, $0x38;
	[tilespmem:$0x1BC80] =	vst v63  }
0xaf: {  	_ =	swait.ge [sflag:s9], $0x1400  }
0xb0: {  	[sflag:s9] =	ssyncset.done $0x0  }
0xb1: {  	[sflag:s9] =	ssyncadd.s32 $0xFFFFEC00  }
0xb2: {  	_ =	swait.ge [sflag:s9], $0x1400  }
0xb3: {  	[sflag:s9] =	ssyncset.done $0x0  }
0xb4: {  	[sflag:s9] =	ssyncadd.s32 $0xFFFFEC00  }
0xb5: {  	_ =	swait.ge [sflag:s9], $0x1400  }
0xb6: {  	[sflag:s9] =	ssyncset.done $0x0  }
0xb7: {  	[sflag:s9] =	ssyncadd.s32 $0xFFFFEC00  }
0xb8: {  	_ =	swait.ge [sflag:s9], $0x1400  }
0xb9: {  	[sflag:s9] =	ssyncset.done $0x0  }
0xba: {  	[sflag:s9] =	ssyncadd.s32 $0xFFFFEC00  }
0xbb: {  	_ =	swait.ge [sflag:s9], $0x1400  }
0xbc: {  	[sflag:s9] =	ssyncset.done $0x0  }
0xbd: {  	[sflag:s9] =	ssyncadd.s32 $0xFFFFEC00  }
0xbe: {  	_ =	swait.ge [sflag:s9], $0x1400  }
0xbf: {  	[sflag:s9] =	ssyncset.done $0x0  }
0xc0: {  	[sflag:s9] =	ssyncadd.s32 $0xFFFFEC00  }
0xc1: {  	_ =	swait.ge [sflag:s9], $0x1400  }
0xc2: {  	[sflag:s9] =	ssyncset.done $0x0  }
0xc3: {  	[sflag:s9] =	ssyncadd.s32 $0xFFFFEC00  }
0xc4: {  	_ =	swait.ge [sflag:s9], $0x1400  }
0xc5: {  	[sflag:s9] =	ssyncset.done $0x0  }
0xc6: {  	[sflag:s9] =	ssyncadd.s32 $0xFFFFEC00  }
0xc7: {  	_ =	swait.ge [sflag:s9], $0x1400  }
0xc8: {  	[sflag:s9] =	ssyncset.done $0x0  }
0xc9: {  	[sflag:s9] =	ssyncadd.s32 $0xFFFFEC00  }
0xca: {  	_ =	swait.ge [sflag:s9], $0x1400  }
0xcb: {  	[sflag:s9] =	ssyncset.done $0x0  }
0xcc: {  	[sflag:s9] =	ssyncadd.s32 $0xFFFFEC00  }
0xcd: {  	_ =	swait.ge [sflag:s9], $0x1400  }
0xce: {  	[sflag:s9] =	ssyncset.done $0x0  }
0xcf: {  	[sflag:s9] =	ssyncadd.s32 $0xFFFFEC00  }
0xd0: {  	_ =	swait.ge [sflag:s9], $0x1400  }
0xd1: {  	[sflag:s9] =	ssyncset.done $0x0  }
0xd2: {  	[sflag:s9] =	ssyncadd.s32 $0xFFFFEC00  }
0xd3: {  	_ =	swait.ge [sflag:s9], $0x1400  }
0xd4: {  	[sflag:s9] =	ssyncset.done $0x0  }
0xd5: {  	[sflag:s9] =	ssyncadd.s32 $0xFFFFEC00  }
0xd6: {  	_ =	swait.ge [sflag:s9], $0x1400  }
0xd7: {  	[sflag:s9] =	ssyncset.done $0x0  }
0xd8: {  	[sflag:s9] =	ssyncadd.s32 $0xFFFFEC00  }
0xd9: {  	_ =	swait.ge [sflag:s9], $0x1400  }
0xda: {  	[sflag:s9] =	ssyncset.done $0x0  }
0xdb: {  	[sflag:s9] =	ssyncadd.s32 $0xFFFFEC00  }
0xdc: {  	_ =	swait.ge [sflag:s9], $0x1400  }
0xdd: {  	[sflag:s9] =	ssyncset.done $0x0  }
0xde: {  	[sflag:s9] =	ssyncadd.s32 $0xFFFFEC00  }
0xdf: {  	_ =	swait.ge [sflag:s9], $0x1400  }
0xe0: {  	[sflag:s9] =	ssyncset.done $0x0  }
0xe1: {  	[sflag:s9] =	ssyncadd.s32 $0xFFFFEC00  }
0xe2: {  	_ =	swait.ge [sflag:s9], $0x1400  }
0xe3: {  	[sflag:s9] =	ssyncset.done $0x0  }
0xe4: {  	[sflag:s9] =	ssyncadd.s32 $0xFFFFEC00  }
0xe5: {  	_ =	swait.ge [sflag:s9], $0x1400  }
0xe6: {  	[sflag:s9] =	ssyncset.done $0x0  }
0xe7: {  	[sflag:s9] =	ssyncadd.s32 $0xFFFFEC00  }
0xe8: {  	_ =	swait.ge [sflag:s9], $0x1400  }
0xe9: {  	[sflag:s9] =	ssyncset.done $0x0  }
0xea: {  	[sflag:s9] =	ssyncadd.s32 $0xFFFFEC00  }
0xeb: {  	_ =	swait.ge [sflag:s9], $0x1400  }
0xec: {  	[sflag:s9] =	ssyncset.done $0x0  }
0xed: {  	[sflag:s9] =	ssyncadd.s32 $0xFFFFEC00  }
0xee: {  	_ =	swait.ge [sflag:s9], $0x1400  }
0xef: {  	[sflag:s9] =	ssyncset.done $0x0  }
0xf0: {  	[sflag:s9] =	ssyncadd.s32 $0xFFFFEC00  }
0xf1: {  	_ =	swait.ge [sflag:s9], $0x1400  }
0xf2: {  	[sflag:s9] =	ssyncset.done $0x0  }
0xf3: {  	[sflag:s9] =	ssyncadd.s32 $0xFFFFEC00  }
0xf4: {  	_ =	swait.ge [sflag:s9], $0x1400  }
0xf5: {  	[sflag:s9] =	ssyncset.done $0x0  }
0xf6: {  	[sflag:s9] =	ssyncadd.s32 $0xFFFFEC00  }
0xf7: {  	_ =	swait.ge [sflag:s9], $0x1400  }
0xf8: {  	[sflag:s9] =	ssyncset.done $0x0  }
0xf9: {  	[sflag:s9] =	ssyncadd.s32 $0xFFFFEC00  }
.LBB2_5:
0xfa: {  	[bflag:$0x0] =	sbarrier.arrive $0xFFFF  }
0xfb: {  	s5 =	rddreg [dreg:$0x4]  }
0xfc: {  	s5 =	sadd.s32 $0x0, s5  }
0xfd: {  	[tilespmem:s3], [sflag:$0xB] =	stream.linear.gather [hbm4b:s5+s3], $0xC80, $0x38;
	[tilespmem:$0x1BC80] =	vst v63  }
0xfe: {  	_ =	swait.ge [sflag:s10], $0xC80  }
0xff: {  	s6 =	rddreg [dreg:$0x3];
	[sflag:s10] =	ssyncset.done $0x0  }
0x100: {  	[sflag:s10] =	ssyncadd.s32 $0xFFFFF380;
	s5 =	sadd.s32 $0x0, s6  }
0x101: {  	[tilespmem:s11], [sflag:$0xB] =	stream.linear.gather [hbm4b:s5+s3], $0xC80, $0x38;
	[tilespmem:$0x1BC80] =	vst v63  }
0x102: {  	_ =	swait.ge [sflag:s10], $0xC80  }
0x103: {  	[sflag:s10] =	ssyncset.done $0x0  }
0x104: {  	[sflag:s10] =	ssyncadd.s32 $0xFFFFF380  }
0x105: {  	[tilespmem:s8], [sflag:$0x1] =	stream.indirect.gather [hbm4b:s4+s12], $0x80, s3, s12, $0xb8;
	[tilespmem:$0x1BC80] =	vst v63  }
0x106: {  	s7 =	rddreg [dreg:$0x5]  }
0x107: {  	[tilespmem:s13], [sflag:$0x2] =	stream.indirect.gather [hbm4b:s4+s12], $0x80, s7, s12, $0xb8;
	[tilespmem:$0x1BC80] =	vst v63  }
0x108: {  	s6 =	rddreg [dreg:$0x6]  }
0x109: {  	[tilespmem:s14], [sflag:$0x3] =	stream.indirect.gather [hbm4b:s4+s12], $0x80, s6, s12, $0xb8;
	[tilespmem:$0x1BC80] =	vst v63  }
0x10a: {  	s22 =	rddreg [dreg:$0x7]  }
0x10b: {  	[tilespmem:s15], [sflag:$0x4] =	stream.indirect.gather [hbm4b:s4+s12], $0x80, s22, s12, $0xb8;
	[tilespmem:$0x1BC80] =	vst v63  }
0x10c: {  	_ =	swait.ge [sflag:s9], $0x1400  }
0x10d: {  	[sflag:s9] =	ssyncset.done $0x0  }
0x10e: {  	s6 =	rddreg [dreg:$0x8];
	[sflag:s9] =	ssyncadd.s32 $0xFFFFEC00  }
0x10f: {  	[tilespmem:s16], [sflag:$0x5] =	stream.indirect.gather [hbm4b:s4+s12], $0x80, s6, s12, $0xb8;
	[tilespmem:$0x1BC80] =	vst v63  }
0x110: {  	_ = 	snop  }
0x111: {  	[spmem:s2] =	stream.indirect.scatter.add.f32 [tilespmem:s8], [sflag:$0x6], $0x80, s11, s12, $0xb8;
	[tilespmem:$0x1BC80] =	vst v63  }
0x112: {  	_ =	swait.ge [sflag:s17], $0x1400  }
0x113: {  	[sflag:s17] =	ssyncset.done $0x0  }
0x114: {  	[sflag:s17] =	ssyncadd.s32 $0xFFFFEC00  }
0x115: {  	_ =	swait.ge [sflag:s18], $0x1400  }
0x116: {  	[sflag:s18] =	ssyncset.done $0x0  }
0x117: {  	s7 =	rddreg [dreg:$0x9];
	[sflag:s18] =	ssyncadd.s32 $0xFFFFEC00  }
0x118: {  	[tilespmem:s8], [sflag:$0x1] =	stream.indirect.gather [hbm4b:s4+s12], $0x80, s7, s12, $0xb8;
	[tilespmem:$0x1BC80] =	vst v63  }
0x119: {  	s22 =	rddreg [dreg:$0xa]  }
0x11a: {  	[spmem:s2] =	stream.indirect.scatter.add.f32 [tilespmem:s13], [sflag:$0x7], $0x80, s22, s12, $0xb8;
	[tilespmem:$0x1BC80] =	vst v63  }
0x11b: {  	_ =	swait.ge [sflag:s19], $0x1400  }
0x11c: {  	[sflag:s19] =	ssyncset.done $0x0  }
0x11d: {  	[sflag:s19] =	ssyncadd.s32 $0xFFFFEC00  }
0x11e: {  	_ =	swait.ge [sflag:s20], $0x1400  }
0x11f: {  	[sflag:s20] =	ssyncset.done $0x0  }
0x120: {  	s7 =	rddreg [dreg:$0xb];
	[sflag:s20] =	ssyncadd.s32 $0xFFFFEC00  }
0x121: {  	[tilespmem:s13], [sflag:$0x2] =	stream.indirect.gather [hbm4b:s4+s12], $0x80, s7, s12, $0xb8;
	[tilespmem:$0x1BC80] =	vst v63  }
0x122: {  	s22 =	rddreg [dreg:$0xc]  }
0x123: {  	[spmem:s2] =	stream.indirect.scatter.add.f32 [tilespmem:s14], [sflag:$0x8], $0x80, s22, s12, $0xb8;
	[tilespmem:$0x1BC80] =	vst v63  }
0x124: {  	_ =	swait.ge [sflag:s21], $0x1400  }
0x125: {  	[sflag:s21] =	ssyncset.done $0x0  }
0x126: {  	[sflag:s21] =	ssyncadd.s32 $0xFFFFEC00  }
0x127: {  	_ =	swait.ge [sflag:s23], $0x1400  }
0x128: {  	[sflag:s23] =	ssyncset.done $0x0  }
0x129: {  	s7 =	rddreg [dreg:$0xd];
	[sflag:s23] =	ssyncadd.s32 $0xFFFFEC00  }
0x12a: {  	[tilespmem:s14], [sflag:$0x3] =	stream.indirect.gather [hbm4b:s4+s12], $0x80, s7, s12, $0xb8;
	[tilespmem:$0x1BC80] =	vst v63  }
0x12b: {  	s22 =	rddreg [dreg:$0xe]  }
0x12c: {  	[spmem:s2] =	stream.indirect.scatter.add.f32 [tilespmem:s15], [sflag:$0x9], $0x80, s22, s12, $0xb8;
	[tilespmem:$0x1BC80] =	vst v63  }
0x12d: {  	_ =	swait.ge [sflag:s24], $0x1400  }
0x12e: {  	[sflag:s24] =	ssyncset.done $0x0  }
0x12f: {  	[sflag:s24] =	ssyncadd.s32 $0xFFFFEC00  }
0x130: {  	_ =	swait.ge [sflag:s25], $0x1400  }
0x131: {  	[sflag:s25] =	ssyncset.done $0x0  }
0x132: {  	s7 =	rddreg [dreg:$0xf];
	[sflag:s25] =	ssyncadd.s32 $0xFFFFEC00  }
0x133: {  	[tilespmem:s15], [sflag:$0x4] =	stream.indirect.gather [hbm4b:s4+s12], $0x80, s7, s12, $0xb8;
	[tilespmem:$0x1BC80] =	vst v63  }
0x134: {  	s22 =	rddreg [dreg:$0x10]  }
0x135: {  	[spmem:s2] =	stream.indirect.scatter.add.f32 [tilespmem:s16], [sflag:$0xA], $0x80, s22, s12, $0xb8;
	[tilespmem:$0x1BC80] =	vst v63  }
0x136: {  	_ =	swait.ge [sflag:s9], $0x1400  }
0x137: {  	[sflag:s9] =	ssyncset.done $0x0  }
0x138: {  	[sflag:s9] =	ssyncadd.s32 $0xFFFFEC00  }
0x139: {  	_ =	swait.ge [sflag:s26], $0x1400  }
0x13a: {  	[sflag:s26] =	ssyncset.done $0x0  }
0x13b: {  	s7 =	rddreg [dreg:$0x11];
	[sflag:s26] =	ssyncadd.s32 $0xFFFFEC00  }
0x13c: {  	[tilespmem:s16], [sflag:$0x5] =	stream.indirect.gather [hbm4b:s4+s12], $0x80, s7, s12, $0xb8;
	[tilespmem:$0x1BC80] =	vst v63  }
0x13d: {  	s22 =	rddreg [dreg:$0x12]  }
0x13e: {  	[spmem:s2] =	stream.indirect.scatter.add.f32 [tilespmem:s8], [sflag:$0x6], $0x80, s22, s12, $0xb8;
	[tilespmem:$0x1BC80] =	vst v63  }
0x13f: {  	_ =	swait.ge [sflag:s17], $0x1400  }
0x140: {  	[sflag:s17] =	ssyncset.done $0x0  }
0x141: {  	[sflag:s17] =	ssyncadd.s32 $0xFFFFEC00  }
0x142: {  	_ =	swait.ge [sflag:s18], $0x1400  }
0x143: {  	[sflag:s18] =	ssyncset.done $0x0  }
0x144: {  	s7 =	rddreg [dreg:$0x13];
	[sflag:s18] =	ssyncadd.s32 $0xFFFFEC00  }
0x145: {  	[tilespmem:s8], [sflag:$0x1] =	stream.indirect.gather [hbm4b:s4+s12], $0x80, s7, s12, $0xb8;
	[tilespmem:$0x1BC80] =	vst v63  }
0x146: {  	s22 =	rddreg [dreg:$0x14]  }
0x147: {  	[spmem:s2] =	stream.indirect.scatter.add.f32 [tilespmem:s13], [sflag:$0x7], $0x80, s22, s12, $0xb8;
	[tilespmem:$0x1BC80] =	vst v63  }
0x148: {  	_ =	swait.ge [sflag:s19], $0x1400  }
0x149: {  	[sflag:s19] =	ssyncset.done $0x0  }
0x14a: {  	[sflag:s19] =	ssyncadd.s32 $0xFFFFEC00  }
0x14b: {  	_ =	swait.ge [sflag:s20], $0x1400  }
0x14c: {  	[sflag:s20] =	ssyncset.done $0x0  }
0x14d: {  	s7 =	rddreg [dreg:$0x15];
	[sflag:s20] =	ssyncadd.s32 $0xFFFFEC00  }
0x14e: {  	[tilespmem:s13], [sflag:$0x2] =	stream.indirect.gather [hbm4b:s4+s12], $0x80, s7, s12, $0xb8;
	[tilespmem:$0x1BC80] =	vst v63  }
0x14f: {  	s22 =	rddreg [dreg:$0x16]  }
0x150: {  	[spmem:s2] =	stream.indirect.scatter.add.f32 [tilespmem:s14], [sflag:$0x8], $0x80, s22, s12, $0xb8;
	[tilespmem:$0x1BC80] =	vst v63  }
0x151: {  	_ =	swait.ge [sflag:s21], $0x1400  }
0x152: {  	[sflag:s21] =	ssyncset.done $0x0  }
0x153: {  	[sflag:s21] =	ssyncadd.s32 $0xFFFFEC00  }
0x154: {  	_ =	swait.ge [sflag:s23], $0x1400  }
0x155: {  	[sflag:s23] =	ssyncset.done $0x0  }
0x156: {  	s7 =	rddreg [dreg:$0x17];
	[sflag:s23] =	ssyncadd.s32 $0xFFFFEC00  }
0x157: {  	[tilespmem:s14], [sflag:$0x3] =	stream.indirect.gather [hbm4b:s4+s12], $0x80, s7, s12, $0xb8;
	[tilespmem:$0x1BC80] =	vst v63  }
0x158: {  	s22 =	rddreg [dreg:$0x18]  }
0x159: {  	[spmem:s2] =	stream.indirect.scatter.add.f32 [tilespmem:s15], [sflag:$0x9], $0x80, s22, s12, $0xb8;
	[tilespmem:$0x1BC80] =	vst v63  }
0x15a: {  	_ =	swait.ge [sflag:s24], $0x1400  }
0x15b: {  	[sflag:s24] =	ssyncset.done $0x0  }
0x15c: {  	[sflag:s24] =	ssyncadd.s32 $0xFFFFEC00  }
0x15d: {  	_ =	swait.ge [sflag:s25], $0x1400  }
0x15e: {  	[sflag:s25] =	ssyncset.done $0x0  }
0x15f: {  	s7 =	rddreg [dreg:$0x19];
	[sflag:s25] =	ssyncadd.s32 $0xFFFFEC00  }
0x160: {  	[tilespmem:s15], [sflag:$0x4] =	stream.indirect.gather [hbm4b:s4+s12], $0x80, s7, s12, $0xb8;
	[tilespmem:$0x1BC80] =	vst v63  }
0x161: {  	s22 =	rddreg [dreg:$0x1a]  }
0x162: {  	[spmem:s2] =	stream.indirect.scatter.add.f32 [tilespmem:s16], [sflag:$0xA], $0x80, s22, s12, $0xb8;
	[tilespmem:$0x1BC80] =	vst v63  }
0x163: {  	_ =	swait.ge [sflag:s9], $0x1400  }
0x164: {  	[sflag:s9] =	ssyncset.done $0x0  }
0x165: {  	[sflag:s9] =	ssyncadd.s32 $0xFFFFEC00  }
0x166: {  	_ =	swait.ge [sflag:s26], $0x1400  }
0x167: {  	[sflag:s26] =	ssyncset.done $0x0  }
0x168: {  	s7 =	rddreg [dreg:$0x1b];
	[sflag:s26] =	ssyncadd.s32 $0xFFFFEC00  }
0x169: {  	[tilespmem:s16], [sflag:$0x5] =	stream.indirect.gather [hbm4b:s4+s12], $0x80, s7, s12, $0xb8;
	[tilespmem:$0x1BC80] =	vst v63  }
0x16a: {  	s22 =	rddreg [dreg:$0x1c]  }
0x16b: {  	[spmem:s2] =	stream.indirect.scatter.add.f32 [tilespmem:s8], [sflag:$0x6], $0x80, s22, s12, $0xb8;
	[tilespmem:$0x1BC80] =	vst v63  }
0x16c: {  	_ =	swait.ge [sflag:s17], $0x1400  }
0x16d: {  	[sflag:s17] =	ssyncset.done $0x0  }
0x16e: {  	[sflag:s17] =	ssyncadd.s32 $0xFFFFEC00  }
0x16f: {  	_ =	swait.ge [sflag:s18], $0x1400  }
0x170: {  	[sflag:s18] =	ssyncset.done $0x0  }
0x171: {  	s7 =	rddreg [dreg:$0x1d];
	[sflag:s18] =	ssyncadd.s32 $0xFFFFEC00  }
0x172: {  	[tilespmem:s8], [sflag:$0x1] =	stream.indirect.gather [hbm4b:s4+s12], $0x80, s7, s12, $0xb8;
	[tilespmem:$0x1BC80] =	vst v63  }
0x173: {  	s22 =	rddreg [dreg:$0x1e]  }
0x174: {  	[spmem:s2] =	stream.indirect.scatter.add.f32 [tilespmem:s13], [sflag:$0x7], $0x80, s22, s12, $0xb8;
	[tilespmem:$0x1BC80] =	vst v63  }
0x175: {  	_ =	swait.ge [sflag:s19], $0x1400  }
0x176: {  	[sflag:s19] =	ssyncset.done $0x0  }
0x177: {  	[sflag:s19] =	ssyncadd.s32 $0xFFFFEC00  }
0x178: {  	_ =	swait.ge [sflag:s20], $0x1400  }
0x179: {  	s7 =	rddreg [dreg:$0x1f];
	[sflag:s20] =	ssyncset.done $0x0  }
0x17a: {  	s22 =	sld [smem:$0x7DA];
	[sflag:s20] =	ssyncadd.s32 $0xFFFFEC00  }
0x17b: {  	[tilespmem:s13], [sflag:$0x2] =	stream.indirect.gather [hbm4b:s4+s12], $0x80, s7, s12, $0xb8;
	[tilespmem:$0x1BC80] =	vst v63  }
0x17c: {  	_ = 	snop  }
0x17d: {  	[spmem:s2] =	stream.indirect.scatter.add.f32 [tilespmem:s14], [sflag:$0x8], $0x80, s22, s12, $0xb8;
	[tilespmem:$0x1BC80] =	vst v63  }
0x17e: {  	_ =	swait.ge [sflag:s21], $0x1400  }
0x17f: {  	[sflag:s21] =	ssyncset.done $0x0  }
0x180: {  	[sflag:s21] =	ssyncadd.s32 $0xFFFFEC00  }
0x181: {  	_ =	swait.ge [sflag:s23], $0x1400  }
0x182: {  	s7 =	sld [smem:$0x7DC]  }
0x183: {  	[sflag:s23] =	ssyncset.done $0x0  }
0x184: {  	s22 =	sld [smem:$0x7DE];
	[sflag:s23] =	ssyncadd.s32 $0xFFFFEC00  }
0x185: {  	[tilespmem:s14], [sflag:$0x3] =	stream.indirect.gather [hbm4b:s4+s12], $0x80, s7, s12, $0xb8;
	[tilespmem:$0x1BC80] =	vst v63  }
0x186: {  	_ = 	snop  }
0x187: {  	[spmem:s2] =	stream.indirect.scatter.add.f32 [tilespmem:s15], [sflag:$0x9], $0x80, s22, s12, $0xb8;
	[tilespmem:$0x1BC80] =	vst v63  }
0x188: {  	_ =	swait.ge [sflag:s24], $0x1400  }
0x189: {  	[sflag:s24] =	ssyncset.done $0x0  }
0x18a: {  	[sflag:s24] =	ssyncadd.s32 $0xFFFFEC00  }
0x18b: {  	_ =	swait.ge [sflag:s25], $0x1400  }
0x18c: {  	s7 =	sld [smem:$0x7E0]  }
0x18d: {  	[sflag:s25] =	ssyncset.done $0x0  }
0x18e: {  	s22 =	sld [smem:$0x7E2];
	[sflag:s25] =	ssyncadd.s32 $0xFFFFEC00  }
0x18f: {  	[tilespmem:s15], [sflag:$0x4] =	stream.indirect.gather [hbm4b:s4+s12], $0x80, s7, s12, $0xb8;
	[tilespmem:$0x1BC80] =	vst v63  }
0x190: {  	_ = 	snop  }
0x191: {  	[spmem:s2] =	stream.indirect.scatter.add.f32 [tilespmem:s16], [sflag:$0xA], $0x80, s22, s12, $0xb8;
	[tilespmem:$0x1BC80] =	vst v63  }
0x192: {  	_ =	swait.ge [sflag:s9], $0x1400  }
0x193: {  	[sflag:s9] =	ssyncset.done $0x0  }
0x194: {  	[sflag:s9] =	ssyncadd.s32 $0xFFFFEC00  }
0x195: {  	_ =	swait.ge [sflag:s26], $0x1400  }
0x196: {  	s7 =	sld [smem:$0x7E4]  }
0x197: {  	[sflag:s26] =	ssyncset.done $0x0  }
0x198: {  	s22 =	sld [smem:$0x7E6];
	[sflag:s26] =	ssyncadd.s32 $0xFFFFEC00  }
0x199: {  	[tilespmem:s16], [sflag:$0x5] =	stream.indirect.gather [hbm4b:s4+s12], $0x80, s7, s12, $0xb8;
	[tilespmem:$0x1BC80] =	vst v63  }
0x19a: {  	_ = 	snop  }
0x19b: {  	[spmem:s2] =	stream.indirect.scatter.add.f32 [tilespmem:s8], [sflag:$0x6], $0x80, s22, s12, $0xb8;
	[tilespmem:$0x1BC80] =	vst v63  }
0x19c: {  	_ =	swait.ge [sflag:s17], $0x1400  }
0x19d: {  	[sflag:s17] =	ssyncset.done $0x0  }
0x19e: {  	[sflag:s17] =	ssyncadd.s32 $0xFFFFEC00  }
0x19f: {  	_ =	swait.ge [sflag:s18], $0x1400  }
0x1a0: {  	s7 =	sld [smem:$0x7E7]  }
0x1a1: {  	[sflag:s18] =	ssyncset.done $0x0  }
0x1a2: {  	s22 =	sld [smem:$0x7E8];
	[sflag:s18] =	ssyncadd.s32 $0xFFFFEC00  }
0x1a3: {  	[tilespmem:s8], [sflag:$0x1] =	stream.indirect.gather [hbm4b:s4+s12], $0x80, s7, s12, $0xb8;
	[tilespmem:$0x1BC80] =	vst v63  }
0x1a4: {  	_ = 	snop  }
0x1a5: {  	[spmem:s2] =	stream.indirect.scatter.add.f32 [tilespmem:s13], [sflag:$0x7], $0x80, s22, s12, $0xb8;
	[tilespmem:$0x1BC80] =	vst v63  }
0x1a6: {  	_ =	swait.ge [sflag:s19], $0x1400  }
0x1a7: {  	[sflag:s19] =	ssyncset.done $0x0  }
0x1a8: {  	[sflag:s19] =	ssyncadd.s32 $0xFFFFEC00  }
0x1a9: {  	_ =	swait.ge [sflag:s20], $0x1400  }
0x1aa: {  	s7 =	sld [smem:$0x7E9]  }
0x1ab: {  	[sflag:s20] =	ssyncset.done $0x0  }
0x1ac: {  	s22 =	sld [smem:$0x7EA];
	[sflag:s20] =	ssyncadd.s32 $0xFFFFEC00  }
0x1ad: {  	[tilespmem:s13], [sflag:$0x2] =	stream.indirect.gather [hbm4b:s4+s12], $0x80, s7, s12, $0xb8;
	[tilespmem:$0x1BC80] =	vst v63  }
0x1ae: {  	_ = 	snop  }
0x1af: {  	[spmem:s2] =	stream.indirect.scatter.add.f32 [tilespmem:s14], [sflag:$0x8], $0x80, s22, s12, $0xb8;
	[tilespmem:$0x1BC80] =	vst v63  }
0x1b0: {  	_ =	swait.ge [sflag:s21], $0x1400  }
0x1b1: {  	[sflag:s21] =	ssyncset.done $0x0  }
0x1b2: {  	[sflag:s21] =	ssyncadd.s32 $0xFFFFEC00  }
0x1b3: {  	_ =	swait.ge [sflag:s23], $0x1400  }
0x1b4: {  	s7 =	sld [smem:$0x7EB]  }
0x1b5: {  	[sflag:s23] =	ssyncset.done $0x0  }
0x1b6: {  	s22 =	sld [smem:$0x7EC];
	[sflag:s23] =	ssyncadd.s32 $0xFFFFEC00  }
0x1b7: {  	[tilespmem:s14], [sflag:$0x3] =	stream.indirect.gather [hbm4b:s4+s12], $0x80, s7, s12, $0xb8;
	[tilespmem:$0x1BC80] =	vst v63  }
0x1b8: {  	_ = 	snop  }
0x1b9: {  	[spmem:s2] =	stream.indirect.scatter.add.f32 [tilespmem:s15], [sflag:$0x9], $0x80, s22, s12, $0xb8;
	[tilespmem:$0x1BC80] =	vst v63  }
0x1ba: {  	_ =	swait.ge [sflag:s24], $0x1400  }
0x1bb: {  	[sflag:s24] =	ssyncset.done $0x0  }
0x1bc: {  	[sflag:s24] =	ssyncadd.s32 $0xFFFFEC00  }
0x1bd: {  	_ =	swait.ge [sflag:s25], $0x1400  }
0x1be: {  	s6 =	sld [smem:$0x7EE]  }
0x1bf: {  	[sflag:s25] =	ssyncset.done $0x0  }
0x1c0: {  	s7 =	sld [smem:$0x7F1];
	[sflag:s25] =	ssyncadd.s32 $0xFFFFEC00  }
0x1c1: {  	[tilespmem:s15], [sflag:$0x4] =	stream.indirect.gather [hbm4b:s4+s12], $0x80, s6, s12, $0xb8;
	[tilespmem:$0x1BC80] =	vst v63  }
0x1c2: {  	_ = 	snop  }
0x1c3: {  	[spmem:s2] =	stream.indirect.scatter.add.f32 [tilespmem:s16], [sflag:$0xA], $0x80, s7, s12, $0xb8;
	[tilespmem:$0x1BC80] =	vst v63  }
0x1c4: {  	_ =	swait.ge [sflag:s9], $0x1400  }
0x1c5: {  	[sflag:s9] =	ssyncset.done $0x0  }
0x1c6: {  	[sflag:s9] =	ssyncadd.s32 $0xFFFFEC00  }
0x1c7: {  	_ =	swait.ge [sflag:s26], $0x1400  }
0x1c8: {  	[sflag:s26] =	ssyncset.done $0x0  }
0x1c9: {  	[sflag:s26] =	ssyncadd.s32 $0xFFFFEC00  }
0x1ca: {  	[tilespmem:s16], [sflag:$0x5] =	stream.indirect.gather [hbm4b:s4+s12], $0x80, s31, s12, $0xb8;
	[tilespmem:$0x1BC80] =	vst v63  }
0x1cb: {  	s22 =	simm.s32 $0x1A00  }
0x1cc: {  	[spmem:s2] =	stream.indirect.scatter.add.f32 [tilespmem:s8], [sflag:$0x6], $0x80, s22, s12, $0xb8;
	[tilespmem:$0x1BC80] =	vst v63  }
0x1cd: {  	_ =	swait.ge [sflag:s17], $0x1400  }
0x1ce: {  	[sflag:s17] =	ssyncset.done $0x0  }
0x1cf: {  	[sflag:s17] =	ssyncadd.s32 $0xFFFFEC00  }
0x1d0: {  	_ =	swait.ge [sflag:s18], $0x1400  }
0x1d1: {  	[sflag:s18] =	ssyncset.done $0x0  }
0x1d2: {  	s29 =	simm.s32 $0x1A80;
	[sflag:s18] =	ssyncadd.s32 $0xFFFFEC00  }
0x1d3: {  	[spmem:s2] =	stream.indirect.scatter.add.f32 [tilespmem:s13], [sflag:$0x7], $0x80, s29, s12, $0xb8;
	[tilespmem:$0x1BC80] =	vst v63  }
0x1d4: {  	_ =	swait.ge [sflag:s19], $0x1400  }
0x1d5: {  	[sflag:s19] =	ssyncset.done $0x0  }
0x1d6: {  	[sflag:s19] =	ssyncadd.s32 $0xFFFFEC00  }
0x1d7: {  	_ =	swait.ge [sflag:s20], $0x1400  }
0x1d8: {  	[sflag:s20] =	ssyncset.done $0x0  }
0x1d9: {  	s28 =	simm.s32 $0x1B00;
	[sflag:s20] =	ssyncadd.s32 $0xFFFFEC00  }
0x1da: {  	[spmem:s2] =	stream.indirect.scatter.add.f32 [tilespmem:s14], [sflag:$0x8], $0x80, s28, s12, $0xb8;
	[tilespmem:$0x1BC80] =	vst v63  }
0x1db: {  	_ =	swait.ge [sflag:s21], $0x1400  }
0x1dc: {  	[sflag:s21] =	ssyncset.done $0x0  }
0x1dd: {  	[sflag:s21] =	ssyncadd.s32 $0xFFFFEC00  }
0x1de: {  	_ =	swait.ge [sflag:s23], $0x1400  }
0x1df: {  	[sflag:s23] =	ssyncset.done $0x0  }
0x1e0: {  	[sflag:s23] =	ssyncadd.s32 $0xFFFFEC00  }
0x1e1: {  	[spmem:s2] =	stream.indirect.scatter.add.f32 [tilespmem:s15], [sflag:$0x9], $0x80, s1, s12, $0xb8;
	[tilespmem:$0x1BC80] =	vst v63  }
0x1e2: {  	_ =	swait.ge [sflag:s24], $0x1400  }
0x1e3: {  	[sflag:s24] =	ssyncset.done $0x0  }
0x1e4: {  	[sflag:s24] =	ssyncadd.s32 $0xFFFFEC00  }
0x1e5: {  	_ =	swait.ge [sflag:s25], $0x1400  }
0x1e6: {  	[sflag:s25] =	ssyncset.done $0x0  }
0x1e7: {  	[sflag:s25] =	ssyncadd.s32 $0xFFFFEC00  }
0x1e8: {  	[spmem:s2] =	stream.indirect.scatter.add.f32 [tilespmem:s16], [sflag:$0xA], $0x80, s0, s12, $0xb8;
	[tilespmem:$0x1BC80] =	vst v63  }
0x1e9: {  	s5 =	simm.s32 $0x400;
	_ =	swait.ge [sflag:s26], $0x1400  }
0x1ea: {  	s22 =	simm.s32 $0x200;
	s6 =	rddreg [dreg:$0x4];
	[sflag:s26] =	ssyncset.done $0x0  }
.LBB2_6:
0x1eb: {  	[sflag:s26] =	ssyncadd.s32 $0xFFFFEC00;
	s6 =	sadd.s32 s22, s6  }
0x1ec: {  	[tilespmem:s3], [sflag:$0xB] =	stream.linear.gather [hbm4b:s6+s3], $0xC80, $0x38;
	[tilespmem:$0x1BC80] =	vst v63  }
0x1ed: {  	_ =	swait.ge [sflag:s10], $0xC80  }
0x1ee: {  	s6 =	rddreg [dreg:$0x3];
	[sflag:s10] =	ssyncset.done $0x0  }
0x1ef: {  	[sflag:s10] =	ssyncadd.s32 $0xFFFFF380;
	s6 =	sadd.s32 s22, s6  }
0x1f0: {  	[tilespmem:s11], [sflag:$0xB] =	stream.linear.gather [hbm4b:s6+s3], $0xC80, $0x38;
	[tilespmem:$0x1BC80] =	vst v63  }
0x1f1: {  	_ =	swait.ge [sflag:s10], $0xC80  }
0x1f2: {  	[sflag:s10] =	ssyncset.done $0x0  }
0x1f3: {  	[sflag:s10] =	ssyncadd.s32 $0xFFFFF380  }
0x1f4: {  	[tilespmem:s8], [sflag:$0x1] =	stream.indirect.gather [hbm4b:s4+s12], $0x80, s3, s12, $0xb8;
	[tilespmem:$0x1BC80] =	vst v63  }
0x1f5: {  	s7 =	smov.u32 s5;
	s6 =	rddreg [dreg:$0x5]  }
0x1f6: {  	[tilespmem:s13], [sflag:$0x2] =	stream.indirect.gather [hbm4b:s4+s12], $0x80, s6, s12, $0xb8;
	[tilespmem:$0x1BC80] =	vst v63  }
0x1f7: {  	s22 =	smov.u32 s7;
	s7 =	rddreg [dreg:$0x6]  }
0x1f8: {  	[tilespmem:s14], [sflag:$0x3] =	stream.indirect.gather [hbm4b:s4+s12], $0x80, s7, s12, $0xb8;
	[tilespmem:$0x1BC80] =	vst v63  }
0x1f9: {  	s6 =	rddreg [dreg:$0x7]  }
0x1fa: {  	[tilespmem:s15], [sflag:$0x4] =	stream.indirect.gather [hbm4b:s4+s12], $0x80, s6, s12, $0xb8;
	[tilespmem:$0x1BC80] =	vst v63  }
0x1fb: {  	_ =	swait.ge [sflag:s9], $0x1400  }
0x1fc: {  	[sflag:s9] =	ssyncset.done $0x0  }
0x1fd: {  	s7 =	rddreg [dreg:$0x8];
	[sflag:s9] =	ssyncadd.s32 $0xFFFFEC00  }
0x1fe: {  	[tilespmem:s16], [sflag:$0x5] =	stream.indirect.gather [hbm4b:s4+s12], $0x80, s7, s12, $0xb8;
	[tilespmem:$0x1BC80] =	vst v63  }
0x1ff: {  	_ = 	snop  }
0x200: {  	[spmem:s2] =	stream.indirect.scatter.add.f32 [tilespmem:s8], [sflag:$0x6], $0x80, s11, s12, $0xb8;
	[tilespmem:$0x1BC80] =	vst v63  }
0x201: {  	_ =	swait.ge [sflag:s17], $0x1400  }
0x202: {  	[sflag:s17] =	ssyncset.done $0x0  }
0x203: {  	[sflag:s17] =	ssyncadd.s32 $0xFFFFEC00  }
0x204: {  	_ =	swait.ge [sflag:s18], $0x1400  }
0x205: {  	[sflag:s18] =	ssyncset.done $0x0  }
0x206: {  	s6 =	rddreg [dreg:$0x9];
	[sflag:s18] =	ssyncadd.s32 $0xFFFFEC00  }
0x207: {  	[tilespmem:s8], [sflag:$0x1] =	stream.indirect.gather [hbm4b:s4+s12], $0x80, s6, s12, $0xb8;
	[tilespmem:$0x1BC80] =	vst v63  }
0x208: {  	s7 =	rddreg [dreg:$0xa]  }
0x209: {  	[spmem:s2] =	stream.indirect.scatter.add.f32 [tilespmem:s13], [sflag:$0x7], $0x80, s7, s12, $0xb8;
	[tilespmem:$0x1BC80] =	vst v63  }
0x20a: {  	_ =	swait.ge [sflag:s19], $0x1400  }
0x20b: {  	[sflag:s19] =	ssyncset.done $0x0  }
0x20c: {  	[sflag:s19] =	ssyncadd.s32 $0xFFFFEC00  }
0x20d: {  	_ =	swait.ge [sflag:s20], $0x1400  }
0x20e: {  	[sflag:s20] =	ssyncset.done $0x0  }
0x20f: {  	s6 =	rddreg [dreg:$0xb];
	[sflag:s20] =	ssyncadd.s32 $0xFFFFEC00  }
0x210: {  	[tilespmem:s13], [sflag:$0x2] =	stream.indirect.gather [hbm4b:s4+s12], $0x80, s6, s12, $0xb8;
	[tilespmem:$0x1BC80] =	vst v63  }
0x211: {  	s7 =	rddreg [dreg:$0xc]  }
0x212: {  	[spmem:s2] =	stream.indirect.scatter.add.f32 [tilespmem:s14], [sflag:$0x8], $0x80, s7, s12, $0xb8;
	[tilespmem:$0x1BC80] =	vst v63  }
0x213: {  	_ =	swait.ge [sflag:s21], $0x1400  }
0x214: {  	[sflag:s21] =	ssyncset.done $0x0  }
0x215: {  	[sflag:s21] =	ssyncadd.s32 $0xFFFFEC00  }
0x216: {  	_ =	swait.ge [sflag:s23], $0x1400  }
0x217: {  	[sflag:s23] =	ssyncset.done $0x0  }
0x218: {  	s6 =	rddreg [dreg:$0xd];
	[sflag:s23] =	ssyncadd.s32 $0xFFFFEC00  }
0x219: {  	[tilespmem:s14], [sflag:$0x3] =	stream.indirect.gather [hbm4b:s4+s12], $0x80, s6, s12, $0xb8;
	[tilespmem:$0x1BC80] =	vst v63  }
0x21a: {  	s7 =	rddreg [dreg:$0xe]  }
0x21b: {  	[spmem:s2] =	stream.indirect.scatter.add.f32 [tilespmem:s15], [sflag:$0x9], $0x80, s7, s12, $0xb8;
	[tilespmem:$0x1BC80] =	vst v63  }
0x21c: {  	_ =	swait.ge [sflag:s24], $0x1400  }
0x21d: {  	[sflag:s24] =	ssyncset.done $0x0  }
0x21e: {  	[sflag:s24] =	ssyncadd.s32 $0xFFFFEC00  }
0x21f: {  	_ =	swait.ge [sflag:s25], $0x1400  }
0x220: {  	[sflag:s25] =	ssyncset.done $0x0  }
0x221: {  	s6 =	rddreg [dreg:$0xf];
	[sflag:s25] =	ssyncadd.s32 $0xFFFFEC00  }
0x222: {  	[tilespmem:s15], [sflag:$0x4] =	stream.indirect.gather [hbm4b:s4+s12], $0x80, s6, s12, $0xb8;
	[tilespmem:$0x1BC80] =	vst v63  }
0x223: {  	s7 =	rddreg [dreg:$0x10]  }
0x224: {  	[spmem:s2] =	stream.indirect.scatter.add.f32 [tilespmem:s16], [sflag:$0xA], $0x80, s7, s12, $0xb8;
	[tilespmem:$0x1BC80] =	vst v63  }
0x225: {  	_ =	swait.ge [sflag:s9], $0x1400  }
0x226: {  	[sflag:s9] =	ssyncset.done $0x0  }
0x227: {  	[sflag:s9] =	ssyncadd.s32 $0xFFFFEC00  }
0x228: {  	_ =	swait.ge [sflag:s26], $0x1400  }
0x229: {  	[sflag:s26] =	ssyncset.done $0x0  }
0x22a: {  	s6 =	rddreg [dreg:$0x11];
	[sflag:s26] =	ssyncadd.s32 $0xFFFFEC00  }
0x22b: {  	[tilespmem:s16], [sflag:$0x5] =	stream.indirect.gather [hbm4b:s4+s12], $0x80, s6, s12, $0xb8;
	[tilespmem:$0x1BC80] =	vst v63  }
0x22c: {  	s7 =	rddreg [dreg:$0x12]  }
0x22d: {  	[spmem:s2] =	stream.indirect.scatter.add.f32 [tilespmem:s8], [sflag:$0x6], $0x80, s7, s12, $0xb8;
	[tilespmem:$0x1BC80] =	vst v63  }
0x22e: {  	_ =	swait.ge [sflag:s17], $0x1400  }
0x22f: {  	[sflag:s17] =	ssyncset.done $0x0  }
0x230: {  	[sflag:s17] =	ssyncadd.s32 $0xFFFFEC00  }
0x231: {  	_ =	swait.ge [sflag:s18], $0x1400  }
0x232: {  	[sflag:s18] =	ssyncset.done $0x0  }
0x233: {  	s6 =	rddreg [dreg:$0x13];
	[sflag:s18] =	ssyncadd.s32 $0xFFFFEC00  }
0x234: {  	[tilespmem:s8], [sflag:$0x1] =	stream.indirect.gather [hbm4b:s4+s12], $0x80, s6, s12, $0xb8;
	[tilespmem:$0x1BC80] =	vst v63  }
0x235: {  	s7 =	rddreg [dreg:$0x14]  }
0x236: {  	[spmem:s2] =	stream.indirect.scatter.add.f32 [tilespmem:s13], [sflag:$0x7], $0x80, s7, s12, $0xb8;
	[tilespmem:$0x1BC80] =	vst v63  }
0x237: {  	_ =	swait.ge [sflag:s19], $0x1400  }
0x238: {  	[sflag:s19] =	ssyncset.done $0x0  }
0x239: {  	[sflag:s19] =	ssyncadd.s32 $0xFFFFEC00  }
0x23a: {  	_ =	swait.ge [sflag:s20], $0x1400  }
0x23b: {  	[sflag:s20] =	ssyncset.done $0x0  }
0x23c: {  	s6 =	rddreg [dreg:$0x15];
	[sflag:s20] =	ssyncadd.s32 $0xFFFFEC00  }
0x23d: {  	[tilespmem:s13], [sflag:$0x2] =	stream.indirect.gather [hbm4b:s4+s12], $0x80, s6, s12, $0xb8;
	[tilespmem:$0x1BC80] =	vst v63  }
0x23e: {  	s7 =	rddreg [dreg:$0x16]  }
0x23f: {  	[spmem:s2] =	stream.indirect.scatter.add.f32 [tilespmem:s14], [sflag:$0x8], $0x80, s7, s12, $0xb8;
	[tilespmem:$0x1BC80] =	vst v63  }
0x240: {  	_ =	swait.ge [sflag:s21], $0x1400  }
0x241: {  	[sflag:s21] =	ssyncset.done $0x0  }
0x242: {  	[sflag:s21] =	ssyncadd.s32 $0xFFFFEC00  }
0x243: {  	_ =	swait.ge [sflag:s23], $0x1400  }
0x244: {  	[sflag:s23] =	ssyncset.done $0x0  }
0x245: {  	s6 =	rddreg [dreg:$0x17];
	[sflag:s23] =	ssyncadd.s32 $0xFFFFEC00  }
0x246: {  	[tilespmem:s14], [sflag:$0x3] =	stream.indirect.gather [hbm4b:s4+s12], $0x80, s6, s12, $0xb8;
	[tilespmem:$0x1BC80] =	vst v63  }
0x247: {  	s7 =	rddreg [dreg:$0x18]  }
0x248: {  	[spmem:s2] =	stream.indirect.scatter.add.f32 [tilespmem:s15], [sflag:$0x9], $0x80, s7, s12, $0xb8;
	[tilespmem:$0x1BC80] =	vst v63  }
0x249: {  	_ =	swait.ge [sflag:s24], $0x1400  }
0x24a: {  	[sflag:s24] =	ssyncset.done $0x0  }
0x24b: {  	[sflag:s24] =	ssyncadd.s32 $0xFFFFEC00  }
0x24c: {  	_ =	swait.ge [sflag:s25], $0x1400  }
0x24d: {  	[sflag:s25] =	ssyncset.done $0x0  }
0x24e: {  	s6 =	rddreg [dreg:$0x19];
	[sflag:s25] =	ssyncadd.s32 $0xFFFFEC00  }
0x24f: {  	[tilespmem:s15], [sflag:$0x4] =	stream.indirect.gather [hbm4b:s4+s12], $0x80, s6, s12, $0xb8;
	[tilespmem:$0x1BC80] =	vst v63  }
0x250: {  	s7 =	rddreg [dreg:$0x1a]  }
0x251: {  	[spmem:s2] =	stream.indirect.scatter.add.f32 [tilespmem:s16], [sflag:$0xA], $0x80, s7, s12, $0xb8;
	[tilespmem:$0x1BC80] =	vst v63  }
0x252: {  	_ =	swait.ge [sflag:s9], $0x1400  }
0x253: {  	[sflag:s9] =	ssyncset.done $0x0  }
0x254: {  	[sflag:s9] =	ssyncadd.s32 $0xFFFFEC00  }
0x255: {  	_ =	swait.ge [sflag:s26], $0x1400  }
0x256: {  	[sflag:s26] =	ssyncset.done $0x0  }
0x257: {  	s6 =	rddreg [dreg:$0x1b];
	[sflag:s26] =	ssyncadd.s32 $0xFFFFEC00  }
0x258: {  	[tilespmem:s16], [sflag:$0x5] =	stream.indirect.gather [hbm4b:s4+s12], $0x80, s6, s12, $0xb8;
	[tilespmem:$0x1BC80] =	vst v63  }
0x259: {  	s7 =	rddreg [dreg:$0x1c]  }
0x25a: {  	[spmem:s2] =	stream.indirect.scatter.add.f32 [tilespmem:s8], [sflag:$0x6], $0x80, s7, s12, $0xb8;
	[tilespmem:$0x1BC80] =	vst v63  }
0x25b: {  	_ =	swait.ge [sflag:s17], $0x1400  }
0x25c: {  	[sflag:s17] =	ssyncset.done $0x0  }
0x25d: {  	[sflag:s17] =	ssyncadd.s32 $0xFFFFEC00  }
0x25e: {  	_ =	swait.ge [sflag:s18], $0x1400  }
0x25f: {  	[sflag:s18] =	ssyncset.done $0x0  }
0x260: {  	s6 =	rddreg [dreg:$0x1d];
	[sflag:s18] =	ssyncadd.s32 $0xFFFFEC00  }
0x261: {  	[tilespmem:s8], [sflag:$0x1] =	stream.indirect.gather [hbm4b:s4+s12], $0x80, s6, s12, $0xb8;
	[tilespmem:$0x1BC80] =	vst v63  }
0x262: {  	s7 =	rddreg [dreg:$0x1e]  }
0x263: {  	[spmem:s2] =	stream.indirect.scatter.add.f32 [tilespmem:s13], [sflag:$0x7], $0x80, s7, s12, $0xb8;
	[tilespmem:$0x1BC80] =	vst v63  }
0x264: {  	_ =	swait.ge [sflag:s19], $0x1400  }
0x265: {  	[sflag:s19] =	ssyncset.done $0x0  }
0x266: {  	[sflag:s19] =	ssyncadd.s32 $0xFFFFEC00  }
0x267: {  	_ =	swait.ge [sflag:s20], $0x1400  }
0x268: {  	s6 =	rddreg [dreg:$0x1f];
	[sflag:s20] =	ssyncset.done $0x0  }
0x269: {  	s7 =	sld [smem:$0x7DA];
	[sflag:s20] =	ssyncadd.s32 $0xFFFFEC00  }
0x26a: {  	[tilespmem:s13], [sflag:$0x2] =	stream.indirect.gather [hbm4b:s4+s12], $0x80, s6, s12, $0xb8;
	[tilespmem:$0x1BC80] =	vst v63  }
0x26b: {  	_ = 	snop  }
0x26c: {  	[spmem:s2] =	stream.indirect.scatter.add.f32 [tilespmem:s14], [sflag:$0x8], $0x80, s7, s12, $0xb8;
	[tilespmem:$0x1BC80] =	vst v63  }
0x26d: {  	_ =	swait.ge [sflag:s21], $0x1400  }
0x26e: {  	[sflag:s21] =	ssyncset.done $0x0  }
0x26f: {  	[sflag:s21] =	ssyncadd.s32 $0xFFFFEC00  }
0x270: {  	_ =	swait.ge [sflag:s23], $0x1400  }
0x271: {  	s6 =	sld [smem:$0x7DC]  }
0x272: {  	[sflag:s23] =	ssyncset.done $0x0  }
0x273: {  	s7 =	sld [smem:$0x7DE];
	[sflag:s23] =	ssyncadd.s32 $0xFFFFEC00  }
0x274: {  	[tilespmem:s14], [sflag:$0x3] =	stream.indirect.gather [hbm4b:s4+s12], $0x80, s6, s12, $0xb8;
	[tilespmem:$0x1BC80] =	vst v63  }
0x275: {  	_ = 	snop  }
0x276: {  	[spmem:s2] =	stream.indirect.scatter.add.f32 [tilespmem:s15], [sflag:$0x9], $0x80, s7, s12, $0xb8;
	[tilespmem:$0x1BC80] =	vst v63  }
0x277: {  	_ =	swait.ge [sflag:s24], $0x1400  }
0x278: {  	[sflag:s24] =	ssyncset.done $0x0  }
0x279: {  	[sflag:s24] =	ssyncadd.s32 $0xFFFFEC00  }
0x27a: {  	_ =	swait.ge [sflag:s25], $0x1400  }
0x27b: {  	s6 =	sld [smem:$0x7E0]  }
0x27c: {  	[sflag:s25] =	ssyncset.done $0x0  }
0x27d: {  	s7 =	sld [smem:$0x7E2];
	[sflag:s25] =	ssyncadd.s32 $0xFFFFEC00  }
0x27e: {  	[tilespmem:s15], [sflag:$0x4] =	stream.indirect.gather [hbm4b:s4+s12], $0x80, s6, s12, $0xb8;
	[tilespmem:$0x1BC80] =	vst v63  }
0x27f: {  	_ = 	snop  }
0x280: {  	[spmem:s2] =	stream.indirect.scatter.add.f32 [tilespmem:s16], [sflag:$0xA], $0x80, s7, s12, $0xb8;
	[tilespmem:$0x1BC80] =	vst v63  }
0x281: {  	_ =	swait.ge [sflag:s9], $0x1400  }
0x282: {  	[sflag:s9] =	ssyncset.done $0x0  }
0x283: {  	[sflag:s9] =	ssyncadd.s32 $0xFFFFEC00  }
0x284: {  	_ =	swait.ge [sflag:s26], $0x1400  }
0x285: {  	s6 =	sld [smem:$0x7E4]  }
0x286: {  	[sflag:s26] =	ssyncset.done $0x0  }
0x287: {  	s7 =	sld [smem:$0x7E6];
	[sflag:s26] =	ssyncadd.s32 $0xFFFFEC00  }
0x288: {  	[tilespmem:s16], [sflag:$0x5] =	stream.indirect.gather [hbm4b:s4+s12], $0x80, s6, s12, $0xb8;
	[tilespmem:$0x1BC80] =	vst v63  }
0x289: {  	_ = 	snop  }
0x28a: {  	[spmem:s2] =	stream.indirect.scatter.add.f32 [tilespmem:s8], [sflag:$0x6], $0x80, s7, s12, $0xb8;
	[tilespmem:$0x1BC80] =	vst v63  }
0x28b: {  	_ =	swait.ge [sflag:s17], $0x1400  }
0x28c: {  	[sflag:s17] =	ssyncset.done $0x0  }
0x28d: {  	[sflag:s17] =	ssyncadd.s32 $0xFFFFEC00  }
0x28e: {  	_ =	swait.ge [sflag:s18], $0x1400  }
0x28f: {  	s6 =	sld [smem:$0x7E7]  }
0x290: {  	[sflag:s18] =	ssyncset.done $0x0  }
0x291: {  	s7 =	sld [smem:$0x7E8];
	[sflag:s18] =	ssyncadd.s32 $0xFFFFEC00  }
0x292: {  	[tilespmem:s8], [sflag:$0x1] =	stream.indirect.gather [hbm4b:s4+s12], $0x80, s6, s12, $0xb8;
	[tilespmem:$0x1BC80] =	vst v63  }
0x293: {  	_ = 	snop  }
0x294: {  	[spmem:s2] =	stream.indirect.scatter.add.f32 [tilespmem:s13], [sflag:$0x7], $0x80, s7, s12, $0xb8;
	[tilespmem:$0x1BC80] =	vst v63  }
0x295: {  	_ =	swait.ge [sflag:s19], $0x1400  }
0x296: {  	[sflag:s19] =	ssyncset.done $0x0  }
0x297: {  	[sflag:s19] =	ssyncadd.s32 $0xFFFFEC00  }
0x298: {  	_ =	swait.ge [sflag:s20], $0x1400  }
0x299: {  	s6 =	sld [smem:$0x7E9]  }
0x29a: {  	[sflag:s20] =	ssyncset.done $0x0  }
0x29b: {  	s7 =	sld [smem:$0x7EA];
	[sflag:s20] =	ssyncadd.s32 $0xFFFFEC00  }
0x29c: {  	[tilespmem:s13], [sflag:$0x2] =	stream.indirect.gather [hbm4b:s4+s12], $0x80, s6, s12, $0xb8;
	[tilespmem:$0x1BC80] =	vst v63  }
0x29d: {  	_ = 	snop  }
0x29e: {  	[spmem:s2] =	stream.indirect.scatter.add.f32 [tilespmem:s14], [sflag:$0x8], $0x80, s7, s12, $0xb8;
	[tilespmem:$0x1BC80] =	vst v63  }
0x29f: {  	_ =	swait.ge [sflag:s21], $0x1400  }
0x2a0: {  	[sflag:s21] =	ssyncset.done $0x0  }
0x2a1: {  	[sflag:s21] =	ssyncadd.s32 $0xFFFFEC00  }
0x2a2: {  	_ =	swait.ge [sflag:s23], $0x1400  }
0x2a3: {  	s6 =	sld [smem:$0x7EB]  }
0x2a4: {  	[sflag:s23] =	ssyncset.done $0x0  }
0x2a5: {  	s7 =	sld [smem:$0x7EC];
	[sflag:s23] =	ssyncadd.s32 $0xFFFFEC00  }
0x2a6: {  	[tilespmem:s14], [sflag:$0x3] =	stream.indirect.gather [hbm4b:s4+s12], $0x80, s6, s12, $0xb8;
	[tilespmem:$0x1BC80] =	vst v63  }
0x2a7: {  	_ = 	snop  }
0x2a8: {  	[spmem:s2] =	stream.indirect.scatter.add.f32 [tilespmem:s15], [sflag:$0x9], $0x80, s7, s12, $0xb8;
	[tilespmem:$0x1BC80] =	vst v63  }
0x2a9: {  	_ =	swait.ge [sflag:s24], $0x1400  }
0x2aa: {  	[sflag:s24] =	ssyncset.done $0x0  }
0x2ab: {  	[sflag:s24] =	ssyncadd.s32 $0xFFFFEC00  }
0x2ac: {  	_ =	swait.ge [sflag:s25], $0x1400  }
0x2ad: {  	s6 =	sld [smem:$0x7EE]  }
0x2ae: {  	[sflag:s25] =	ssyncset.done $0x0  }
0x2af: {  	s7 =	sld [smem:$0x7F1];
	[sflag:s25] =	ssyncadd.s32 $0xFFFFEC00  }
0x2b0: {  	[tilespmem:s15], [sflag:$0x4] =	stream.indirect.gather [hbm4b:s4+s12], $0x80, s6, s12, $0xb8;
	[tilespmem:$0x1BC80] =	vst v63  }
0x2b1: {  	_ = 	snop  }
0x2b2: {  	[spmem:s2] =	stream.indirect.scatter.add.f32 [tilespmem:s16], [sflag:$0xA], $0x80, s7, s12, $0xb8;
	[tilespmem:$0x1BC80] =	vst v63  }
0x2b3: {  	_ =	swait.ge [sflag:s9], $0x1400  }
0x2b4: {  	[sflag:s9] =	ssyncset.done $0x0  }
0x2b5: {  	[sflag:s9] =	ssyncadd.s32 $0xFFFFEC00  }
0x2b6: {  	_ =	swait.ge [sflag:s26], $0x1400  }
0x2b7: {  	[sflag:s26] =	ssyncset.done $0x0  }
0x2b8: {  	[sflag:s26] =	ssyncadd.s32 $0xFFFFEC00  }
0x2b9: {  	[tilespmem:s16], [sflag:$0x5] =	stream.indirect.gather [hbm4b:s4+s12], $0x80, s31, s12, $0xb8;
	[tilespmem:$0x1BC80] =	vst v63  }
0x2ba: {  	s7 =	simm.s32 $0x1A00  }
0x2bb: {  	[spmem:s2] =	stream.indirect.scatter.add.f32 [tilespmem:s8], [sflag:$0x6], $0x80, s7, s12, $0xb8;
	[tilespmem:$0x1BC80] =	vst v63  }
0x2bc: {  	_ =	swait.ge [sflag:s17], $0x1400  }
0x2bd: {  	[sflag:s17] =	ssyncset.done $0x0  }
0x2be: {  	[sflag:s17] =	ssyncadd.s32 $0xFFFFEC00  }
0x2bf: {  	_ =	swait.ge [sflag:s18], $0x1400  }
0x2c0: {  	[sflag:s18] =	ssyncset.done $0x0  }
0x2c1: {  	[sflag:s18] =	ssyncadd.s32 $0xFFFFEC00  }
0x2c2: {  	[spmem:s2] =	stream.indirect.scatter.add.f32 [tilespmem:s13], [sflag:$0x7], $0x80, s29, s12, $0xb8;
	[tilespmem:$0x1BC80] =	vst v63  }
0x2c3: {  	_ =	swait.ge [sflag:s19], $0x1400  }
0x2c4: {  	[sflag:s19] =	ssyncset.done $0x0  }
0x2c5: {  	[sflag:s19] =	ssyncadd.s32 $0xFFFFEC00  }
0x2c6: {  	_ =	swait.ge [sflag:s20], $0x1400  }
0x2c7: {  	[sflag:s20] =	ssyncset.done $0x0  }
0x2c8: {  	[sflag:s20] =	ssyncadd.s32 $0xFFFFEC00  }
0x2c9: {  	[spmem:s2] =	stream.indirect.scatter.add.f32 [tilespmem:s14], [sflag:$0x8], $0x80, s28, s12, $0xb8;
	[tilespmem:$0x1BC80] =	vst v63  }
0x2ca: {  	_ =	swait.ge [sflag:s21], $0x1400  }
0x2cb: {  	[sflag:s21] =	ssyncset.done $0x0  }
0x2cc: {  	[sflag:s21] =	ssyncadd.s32 $0xFFFFEC00  }
0x2cd: {  	_ =	swait.ge [sflag:s23], $0x1400  }
0x2ce: {  	[sflag:s23] =	ssyncset.done $0x0  }
0x2cf: {  	[sflag:s23] =	ssyncadd.s32 $0xFFFFEC00  }
0x2d0: {  	[spmem:s2] =	stream.indirect.scatter.add.f32 [tilespmem:s15], [sflag:$0x9], $0x80, s1, s12, $0xb8;
	[tilespmem:$0x1BC80] =	vst v63  }
0x2d1: {  	_ =	swait.ge [sflag:s24], $0x1400  }
0x2d2: {  	[sflag:s24] =	ssyncset.done $0x0  }
0x2d3: {  	[sflag:s24] =	ssyncadd.s32 $0xFFFFEC00  }
0x2d4: {  	p1 =	sne.s32 s5, $0x1200;
	_ =	swait.ge [sflag:s25], $0x1400  }
.Ltmp4:
0x2d5: {  	[sflag:s25] =	ssyncset.done $0x0;
	(pc) =	sbr.rel @p1 .LBB2_6-.Ltmp4, $4  }
0x2d6: {  	[sflag:s25] =	ssyncadd.s32 $0xFFFFEC00  }
0x2d7: {  	[spmem:s2] =	stream.indirect.scatter.add.f32 [tilespmem:s16], [sflag:$0xA], $0x80, s0, s12, $0xb8;
	[tilespmem:$0x1BC80] =	vst v63  }
0x2d8: {  	_ =	swait.ge [sflag:s26], $0x1400  }
0x2d9: {  	s5 =	sadd.s32 $0x200, s5;
	s6 =	rddreg [dreg:$0x4];
	[sflag:s26] =	ssyncset.done $0x0  }
0x2da: {  	[sflag:s26] =	ssyncadd.s32 $0xFFFFEC00;
	s5 =	sadd.s32 s22, s6  }
0x2db: {  	[tilespmem:s3], [sflag:$0xB] =	stream.linear.gather [hbm4b:s5+s3], $0xC80, $0x38;
	[tilespmem:$0x1BC80] =	vst v63  }
0x2dc: {  	_ =	swait.ge [sflag:s10], $0xC80  }
0x2dd: {  	s6 =	rddreg [dreg:$0x3];
	[sflag:s10] =	ssyncset.done $0x0  }
0x2de: {  	[sflag:s10] =	ssyncadd.s32 $0xFFFFF380;
	s5 =	sadd.s32 s22, s6  }
0x2df: {  	[tilespmem:s11], [sflag:$0xB] =	stream.linear.gather [hbm4b:s5+s3], $0xC80, $0x38;
	[tilespmem:$0x1BC80] =	vst v63  }
0x2e0: {  	_ =	swait.ge [sflag:s10], $0xC80  }
0x2e1: {  	[sflag:s10] =	ssyncset.done $0x0  }
0x2e2: {  	[sflag:s10] =	ssyncadd.s32 $0xFFFFF380  }
0x2e3: {  	[tilespmem:s8], [sflag:$0x1] =	stream.indirect.gather [hbm4b:s4+s12], $0x80, s3, s12, $0xb8;
	[tilespmem:$0x1BC80] =	vst v63  }
0x2e4: {  	s22 =	rddreg [dreg:$0x5]  }
0x2e5: {  	[tilespmem:s13], [sflag:$0x2] =	stream.indirect.gather [hbm4b:s4+s12], $0x80, s22, s12, $0xb8;
	[tilespmem:$0x1BC80] =	vst v63  }
0x2e6: {  	s6 =	rddreg [dreg:$0x6]  }
0x2e7: {  	[tilespmem:s14], [sflag:$0x3] =	stream.indirect.gather [hbm4b:s4+s12], $0x80, s6, s12, $0xb8;
	[tilespmem:$0x1BC80] =	vst v63  }
0x2e8: {  	s22 =	rddreg [dreg:$0x7]  }
0x2e9: {  	[tilespmem:s15], [sflag:$0x4] =	stream.indirect.gather [hbm4b:s4+s12], $0x80, s22, s12, $0xb8;
	[tilespmem:$0x1BC80] =	vst v63  }
0x2ea: {  	_ =	swait.ge [sflag:s9], $0x1400  }
0x2eb: {  	[sflag:s9] =	ssyncset.done $0x0  }
0x2ec: {  	s22 =	rddreg [dreg:$0x8];
	[sflag:s9] =	ssyncadd.s32 $0xFFFFEC00  }
0x2ed: {  	[tilespmem:s16], [sflag:$0x5] =	stream.indirect.gather [hbm4b:s4+s12], $0x80, s22, s12, $0xb8;
	[tilespmem:$0x1BC80] =	vst v63  }
0x2ee: {  	_ = 	snop  }
0x2ef: {  	[spmem:s2] =	stream.indirect.scatter.add.f32 [tilespmem:s8], [sflag:$0x6], $0x80, s11, s12, $0xb8;
	[tilespmem:$0x1BC80] =	vst v63  }
0x2f0: {  	_ =	swait.ge [sflag:s17], $0x1400  }
0x2f1: {  	[sflag:s17] =	ssyncset.done $0x0  }
0x2f2: {  	[sflag:s17] =	ssyncadd.s32 $0xFFFFEC00  }
0x2f3: {  	_ =	swait.ge [sflag:s18], $0x1400  }
0x2f4: {  	[sflag:s18] =	ssyncset.done $0x0  }
0x2f5: {  	s6 =	rddreg [dreg:$0x9];
	[sflag:s18] =	ssyncadd.s32 $0xFFFFEC00  }
0x2f6: {  	[tilespmem:s8], [sflag:$0x1] =	stream.indirect.gather [hbm4b:s4+s12], $0x80, s6, s12, $0xb8;
	[tilespmem:$0x1BC80] =	vst v63  }
0x2f7: {  	s22 =	rddreg [dreg:$0xa]  }
0x2f8: {  	[spmem:s2] =	stream.indirect.scatter.add.f32 [tilespmem:s13], [sflag:$0x7], $0x80, s22, s12, $0xb8;
	[tilespmem:$0x1BC80] =	vst v63  }
0x2f9: {  	_ =	swait.ge [sflag:s19], $0x1400  }
0x2fa: {  	[sflag:s19] =	ssyncset.done $0x0  }
0x2fb: {  	[sflag:s19] =	ssyncadd.s32 $0xFFFFEC00  }
0x2fc: {  	_ =	swait.ge [sflag:s20], $0x1400  }
0x2fd: {  	[sflag:s20] =	ssyncset.done $0x0  }
0x2fe: {  	s6 =	rddreg [dreg:$0xb];
	[sflag:s20] =	ssyncadd.s32 $0xFFFFEC00  }
0x2ff: {  	[tilespmem:s13], [sflag:$0x2] =	stream.indirect.gather [hbm4b:s4+s12], $0x80, s6, s12, $0xb8;
	[tilespmem:$0x1BC80] =	vst v63  }
0x300: {  	s22 =	rddreg [dreg:$0xc]  }
0x301: {  	[spmem:s2] =	stream.indirect.scatter.add.f32 [tilespmem:s14], [sflag:$0x8], $0x80, s22, s12, $0xb8;
	[tilespmem:$0x1BC80] =	vst v63  }
0x302: {  	_ =	swait.ge [sflag:s21], $0x1400  }
0x303: {  	[sflag:s21] =	ssyncset.done $0x0  }
0x304: {  	[sflag:s21] =	ssyncadd.s32 $0xFFFFEC00  }
0x305: {  	_ =	swait.ge [sflag:s23], $0x1400  }
0x306: {  	[sflag:s23] =	ssyncset.done $0x0  }
0x307: {  	s6 =	rddreg [dreg:$0xd];
	[sflag:s23] =	ssyncadd.s32 $0xFFFFEC00  }
0x308: {  	[tilespmem:s14], [sflag:$0x3] =	stream.indirect.gather [hbm4b:s4+s12], $0x80, s6, s12, $0xb8;
	[tilespmem:$0x1BC80] =	vst v63  }
0x309: {  	s22 =	rddreg [dreg:$0xe]  }
0x30a: {  	[spmem:s2] =	stream.indirect.scatter.add.f32 [tilespmem:s15], [sflag:$0x9], $0x80, s22, s12, $0xb8;
	[tilespmem:$0x1BC80] =	vst v63  }
0x30b: {  	_ =	swait.ge [sflag:s24], $0x1400  }
0x30c: {  	[sflag:s24] =	ssyncset.done $0x0  }
0x30d: {  	[sflag:s24] =	ssyncadd.s32 $0xFFFFEC00  }
0x30e: {  	_ =	swait.ge [sflag:s25], $0x1400  }
0x30f: {  	[sflag:s25] =	ssyncset.done $0x0  }
0x310: {  	s6 =	rddreg [dreg:$0xf];
	[sflag:s25] =	ssyncadd.s32 $0xFFFFEC00  }
0x311: {  	[tilespmem:s15], [sflag:$0x4] =	stream.indirect.gather [hbm4b:s4+s12], $0x80, s6, s12, $0xb8;
	[tilespmem:$0x1BC80] =	vst v63  }
0x312: {  	s22 =	rddreg [dreg:$0x10]  }
0x313: {  	[spmem:s2] =	stream.indirect.scatter.add.f32 [tilespmem:s16], [sflag:$0xA], $0x80, s22, s12, $0xb8;
	[tilespmem:$0x1BC80] =	vst v63  }
0x314: {  	_ =	swait.ge [sflag:s9], $0x1400  }
0x315: {  	[sflag:s9] =	ssyncset.done $0x0  }
0x316: {  	[sflag:s9] =	ssyncadd.s32 $0xFFFFEC00  }
0x317: {  	_ =	swait.ge [sflag:s26], $0x1400  }
0x318: {  	[sflag:s26] =	ssyncset.done $0x0  }
0x319: {  	s6 =	rddreg [dreg:$0x11];
	[sflag:s26] =	ssyncadd.s32 $0xFFFFEC00  }
0x31a: {  	[tilespmem:s16], [sflag:$0x5] =	stream.indirect.gather [hbm4b:s4+s12], $0x80, s6, s12, $0xb8;
	[tilespmem:$0x1BC80] =	vst v63  }
0x31b: {  	s22 =	rddreg [dreg:$0x12]  }
0x31c: {  	[spmem:s2] =	stream.indirect.scatter.add.f32 [tilespmem:s8], [sflag:$0x6], $0x80, s22, s12, $0xb8;
	[tilespmem:$0x1BC80] =	vst v63  }
0x31d: {  	_ =	swait.ge [sflag:s17], $0x1400  }
0x31e: {  	[sflag:s17] =	ssyncset.done $0x0  }
0x31f: {  	[sflag:s17] =	ssyncadd.s32 $0xFFFFEC00  }
0x320: {  	_ =	swait.ge [sflag:s18], $0x1400  }
0x321: {  	[sflag:s18] =	ssyncset.done $0x0  }
0x322: {  	s6 =	rddreg [dreg:$0x13];
	[sflag:s18] =	ssyncadd.s32 $0xFFFFEC00  }
0x323: {  	[tilespmem:s8], [sflag:$0x1] =	stream.indirect.gather [hbm4b:s4+s12], $0x80, s6, s12, $0xb8;
	[tilespmem:$0x1BC80] =	vst v63  }
0x324: {  	s22 =	rddreg [dreg:$0x14]  }
0x325: {  	[spmem:s2] =	stream.indirect.scatter.add.f32 [tilespmem:s13], [sflag:$0x7], $0x80, s22, s12, $0xb8;
	[tilespmem:$0x1BC80] =	vst v63  }
0x326: {  	_ =	swait.ge [sflag:s19], $0x1400  }
0x327: {  	[sflag:s19] =	ssyncset.done $0x0  }
0x328: {  	[sflag:s19] =	ssyncadd.s32 $0xFFFFEC00  }
0x329: {  	_ =	swait.ge [sflag:s20], $0x1400  }
0x32a: {  	[sflag:s20] =	ssyncset.done $0x0  }
0x32b: {  	s6 =	rddreg [dreg:$0x15];
	[sflag:s20] =	ssyncadd.s32 $0xFFFFEC00  }
0x32c: {  	[tilespmem:s13], [sflag:$0x2] =	stream.indirect.gather [hbm4b:s4+s12], $0x80, s6, s12, $0xb8;
	[tilespmem:$0x1BC80] =	vst v63  }
0x32d: {  	s22 =	rddreg [dreg:$0x16]  }
0x32e: {  	[spmem:s2] =	stream.indirect.scatter.add.f32 [tilespmem:s14], [sflag:$0x8], $0x80, s22, s12, $0xb8;
	[tilespmem:$0x1BC80] =	vst v63  }
0x32f: {  	_ =	swait.ge [sflag:s21], $0x1400  }
0x330: {  	[sflag:s21] =	ssyncset.done $0x0  }
0x331: {  	[sflag:s21] =	ssyncadd.s32 $0xFFFFEC00  }
0x332: {  	_ =	swait.ge [sflag:s23], $0x1400  }
0x333: {  	[sflag:s23] =	ssyncset.done $0x0  }
0x334: {  	s6 =	rddreg [dreg:$0x17];
	[sflag:s23] =	ssyncadd.s32 $0xFFFFEC00  }
0x335: {  	[tilespmem:s14], [sflag:$0x3] =	stream.indirect.gather [hbm4b:s4+s12], $0x80, s6, s12, $0xb8;
	[tilespmem:$0x1BC80] =	vst v63  }
0x336: {  	s22 =	rddreg [dreg:$0x18]  }
0x337: {  	[spmem:s2] =	stream.indirect.scatter.add.f32 [tilespmem:s15], [sflag:$0x9], $0x80, s22, s12, $0xb8;
	[tilespmem:$0x1BC80] =	vst v63  }
0x338: {  	_ =	swait.ge [sflag:s24], $0x1400  }
0x339: {  	[sflag:s24] =	ssyncset.done $0x0  }
0x33a: {  	[sflag:s24] =	ssyncadd.s32 $0xFFFFEC00  }
0x33b: {  	_ =	swait.ge [sflag:s25], $0x1400  }
0x33c: {  	[sflag:s25] =	ssyncset.done $0x0  }
0x33d: {  	s6 =	rddreg [dreg:$0x19];
	[sflag:s25] =	ssyncadd.s32 $0xFFFFEC00  }
0x33e: {  	[tilespmem:s15], [sflag:$0x4] =	stream.indirect.gather [hbm4b:s4+s12], $0x80, s6, s12, $0xb8;
	[tilespmem:$0x1BC80] =	vst v63  }
0x33f: {  	s22 =	rddreg [dreg:$0x1a]  }
0x340: {  	[spmem:s2] =	stream.indirect.scatter.add.f32 [tilespmem:s16], [sflag:$0xA], $0x80, s22, s12, $0xb8;
	[tilespmem:$0x1BC80] =	vst v63  }
0x341: {  	_ =	swait.ge [sflag:s9], $0x1400  }
0x342: {  	[sflag:s9] =	ssyncset.done $0x0  }
0x343: {  	[sflag:s9] =	ssyncadd.s32 $0xFFFFEC00  }
0x344: {  	_ =	swait.ge [sflag:s26], $0x1400  }
0x345: {  	[sflag:s26] =	ssyncset.done $0x0  }
0x346: {  	s6 =	rddreg [dreg:$0x1b];
	[sflag:s26] =	ssyncadd.s32 $0xFFFFEC00  }
0x347: {  	[tilespmem:s16], [sflag:$0x5] =	stream.indirect.gather [hbm4b:s4+s12], $0x80, s6, s12, $0xb8;
	[tilespmem:$0x1BC80] =	vst v63  }
0x348: {  	s22 =	rddreg [dreg:$0x1c]  }
0x349: {  	[spmem:s2] =	stream.indirect.scatter.add.f32 [tilespmem:s8], [sflag:$0x6], $0x80, s22, s12, $0xb8;
	[tilespmem:$0x1BC80] =	vst v63  }
0x34a: {  	_ =	swait.ge [sflag:s17], $0x1400  }
0x34b: {  	[sflag:s17] =	ssyncset.done $0x0  }
0x34c: {  	[sflag:s17] =	ssyncadd.s32 $0xFFFFEC00  }
0x34d: {  	_ =	swait.ge [sflag:s18], $0x1400  }
0x34e: {  	[sflag:s18] =	ssyncset.done $0x0  }
0x34f: {  	s6 =	rddreg [dreg:$0x1d];
	[sflag:s18] =	ssyncadd.s32 $0xFFFFEC00  }
0x350: {  	[tilespmem:s8], [sflag:$0x1] =	stream.indirect.gather [hbm4b:s4+s12], $0x80, s6, s12, $0xb8;
	[tilespmem:$0x1BC80] =	vst v63  }
0x351: {  	s22 =	rddreg [dreg:$0x1e]  }
0x352: {  	[spmem:s2] =	stream.indirect.scatter.add.f32 [tilespmem:s13], [sflag:$0x7], $0x80, s22, s12, $0xb8;
	[tilespmem:$0x1BC80] =	vst v63  }
0x353: {  	_ =	swait.ge [sflag:s19], $0x1400  }
0x354: {  	[sflag:s19] =	ssyncset.done $0x0  }
0x355: {  	[sflag:s19] =	ssyncadd.s32 $0xFFFFEC00  }
0x356: {  	_ =	swait.ge [sflag:s20], $0x1400  }
0x357: {  	s6 =	rddreg [dreg:$0x1f];
	[sflag:s20] =	ssyncset.done $0x0  }
0x358: {  	s22 =	sld [smem:$0x7DA];
	[sflag:s20] =	ssyncadd.s32 $0xFFFFEC00  }
0x359: {  	[tilespmem:s13], [sflag:$0x2] =	stream.indirect.gather [hbm4b:s4+s12], $0x80, s6, s12, $0xb8;
	[tilespmem:$0x1BC80] =	vst v63  }
0x35a: {  	_ = 	snop  }
0x35b: {  	[spmem:s2] =	stream.indirect.scatter.add.f32 [tilespmem:s14], [sflag:$0x8], $0x80, s22, s12, $0xb8;
	[tilespmem:$0x1BC80] =	vst v63  }
0x35c: {  	_ =	swait.ge [sflag:s21], $0x1400  }
0x35d: {  	[sflag:s21] =	ssyncset.done $0x0  }
0x35e: {  	[sflag:s21] =	ssyncadd.s32 $0xFFFFEC00  }
0x35f: {  	_ =	swait.ge [sflag:s23], $0x1400  }
0x360: {  	s6 =	sld [smem:$0x7DC]  }
0x361: {  	[sflag:s23] =	ssyncset.done $0x0  }
0x362: {  	s22 =	sld [smem:$0x7DE];
	[sflag:s23] =	ssyncadd.s32 $0xFFFFEC00  }
0x363: {  	[tilespmem:s14], [sflag:$0x3] =	stream.indirect.gather [hbm4b:s4+s12], $0x80, s6, s12, $0xb8;
	[tilespmem:$0x1BC80] =	vst v63  }
0x364: {  	_ = 	snop  }
0x365: {  	[spmem:s2] =	stream.indirect.scatter.add.f32 [tilespmem:s15], [sflag:$0x9], $0x80, s22, s12, $0xb8;
	[tilespmem:$0x1BC80] =	vst v63  }
0x366: {  	_ =	swait.ge [sflag:s24], $0x1400  }
0x367: {  	[sflag:s24] =	ssyncset.done $0x0  }
0x368: {  	[sflag:s24] =	ssyncadd.s32 $0xFFFFEC00  }
0x369: {  	_ =	swait.ge [sflag:s25], $0x1400  }
0x36a: {  	s6 =	sld [smem:$0x7E0]  }
0x36b: {  	[sflag:s25] =	ssyncset.done $0x0  }
0x36c: {  	s22 =	sld [smem:$0x7E2];
	[sflag:s25] =	ssyncadd.s32 $0xFFFFEC00  }
0x36d: {  	[tilespmem:s15], [sflag:$0x4] =	stream.indirect.gather [hbm4b:s4+s12], $0x80, s6, s12, $0xb8;
	[tilespmem:$0x1BC80] =	vst v63  }
0x36e: {  	_ = 	snop  }
0x36f: {  	[spmem:s2] =	stream.indirect.scatter.add.f32 [tilespmem:s16], [sflag:$0xA], $0x80, s22, s12, $0xb8;
	[tilespmem:$0x1BC80] =	vst v63  }
0x370: {  	_ =	swait.ge [sflag:s9], $0x1400  }
0x371: {  	[sflag:s9] =	ssyncset.done $0x0  }
0x372: {  	[sflag:s9] =	ssyncadd.s32 $0xFFFFEC00  }
0x373: {  	_ =	swait.ge [sflag:s26], $0x1400  }
0x374: {  	s6 =	sld [smem:$0x7E4]  }
0x375: {  	[sflag:s26] =	ssyncset.done $0x0  }
0x376: {  	s22 =	sld [smem:$0x7E6];
	[sflag:s26] =	ssyncadd.s32 $0xFFFFEC00  }
0x377: {  	[tilespmem:s16], [sflag:$0x5] =	stream.indirect.gather [hbm4b:s4+s12], $0x80, s6, s12, $0xb8;
	[tilespmem:$0x1BC80] =	vst v63  }
0x378: {  	_ = 	snop  }
0x379: {  	[spmem:s2] =	stream.indirect.scatter.add.f32 [tilespmem:s8], [sflag:$0x6], $0x80, s22, s12, $0xb8;
	[tilespmem:$0x1BC80] =	vst v63  }
0x37a: {  	_ =	swait.ge [sflag:s17], $0x1400  }
0x37b: {  	[sflag:s17] =	ssyncset.done $0x0  }
0x37c: {  	[sflag:s17] =	ssyncadd.s32 $0xFFFFEC00  }
0x37d: {  	_ =	swait.ge [sflag:s18], $0x1400  }
0x37e: {  	s6 =	sld [smem:$0x7E7]  }
0x37f: {  	[sflag:s18] =	ssyncset.done $0x0  }
0x380: {  	s22 =	sld [smem:$0x7E8];
	[sflag:s18] =	ssyncadd.s32 $0xFFFFEC00  }
0x381: {  	[tilespmem:s8], [sflag:$0x1] =	stream.indirect.gather [hbm4b:s4+s12], $0x80, s6, s12, $0xb8;
	[tilespmem:$0x1BC80] =	vst v63  }
0x382: {  	_ = 	snop  }
0x383: {  	[spmem:s2] =	stream.indirect.scatter.add.f32 [tilespmem:s13], [sflag:$0x7], $0x80, s22, s12, $0xb8;
	[tilespmem:$0x1BC80] =	vst v63  }
0x384: {  	_ =	swait.ge [sflag:s19], $0x1400  }
0x385: {  	[sflag:s19] =	ssyncset.done $0x0  }
0x386: {  	[sflag:s19] =	ssyncadd.s32 $0xFFFFEC00  }
0x387: {  	_ =	swait.ge [sflag:s20], $0x1400  }
0x388: {  	s6 =	sld [smem:$0x7E9]  }
0x389: {  	[sflag:s20] =	ssyncset.done $0x0  }
0x38a: {  	s22 =	sld [smem:$0x7EA];
	[sflag:s20] =	ssyncadd.s32 $0xFFFFEC00  }
0x38b: {  	[tilespmem:s13], [sflag:$0x2] =	stream.indirect.gather [hbm4b:s4+s12], $0x80, s6, s12, $0xb8;
	[tilespmem:$0x1BC80] =	vst v63  }
0x38c: {  	_ = 	snop  }
0x38d: {  	[spmem:s2] =	stream.indirect.scatter.add.f32 [tilespmem:s14], [sflag:$0x8], $0x80, s22, s12, $0xb8;
	[tilespmem:$0x1BC80] =	vst v63  }
0x38e: {  	_ =	swait.ge [sflag:s21], $0x1400  }
0x38f: {  	[sflag:s21] =	ssyncset.done $0x0  }
0x390: {  	[sflag:s21] =	ssyncadd.s32 $0xFFFFEC00  }
0x391: {  	_ =	swait.ge [sflag:s23], $0x1400  }
0x392: {  	s6 =	sld [smem:$0x7EB]  }
0x393: {  	[sflag:s23] =	ssyncset.done $0x0  }
0x394: {  	s22 =	sld [smem:$0x7EC];
	[sflag:s23] =	ssyncadd.s32 $0xFFFFEC00  }
0x395: {  	[tilespmem:s14], [sflag:$0x3] =	stream.indirect.gather [hbm4b:s4+s12], $0x80, s6, s12, $0xb8;
	[tilespmem:$0x1BC80] =	vst v63  }
0x396: {  	_ = 	snop  }
0x397: {  	[spmem:s2] =	stream.indirect.scatter.add.f32 [tilespmem:s15], [sflag:$0x9], $0x80, s22, s12, $0xb8;
	[tilespmem:$0x1BC80] =	vst v63  }
0x398: {  	_ =	swait.ge [sflag:s24], $0x1400  }
0x399: {  	[sflag:s24] =	ssyncset.done $0x0  }
0x39a: {  	[sflag:s24] =	ssyncadd.s32 $0xFFFFEC00  }
0x39b: {  	_ =	swait.ge [sflag:s25], $0x1400  }
0x39c: {  	s6 =	sld [smem:$0x7EE]  }
0x39d: {  	[sflag:s25] =	ssyncset.done $0x0  }
0x39e: {  	s22 =	sld [smem:$0x7F1];
	[sflag:s25] =	ssyncadd.s32 $0xFFFFEC00  }
0x39f: {  	[tilespmem:s15], [sflag:$0x4] =	stream.indirect.gather [hbm4b:s4+s12], $0x80, s6, s12, $0xb8;
	[tilespmem:$0x1BC80] =	vst v63  }
0x3a0: {  	_ = 	snop  }
0x3a1: {  	[spmem:s2] =	stream.indirect.scatter.add.f32 [tilespmem:s16], [sflag:$0xA], $0x80, s22, s12, $0xb8;
	[tilespmem:$0x1BC80] =	vst v63  }
0x3a2: {  	_ =	swait.ge [sflag:s9], $0x1400  }
0x3a3: {  	[sflag:s9] =	ssyncset.done $0x0  }
0x3a4: {  	[sflag:s9] =	ssyncadd.s32 $0xFFFFEC00  }
0x3a5: {  	_ =	swait.ge [sflag:s26], $0x1400  }
0x3a6: {  	[sflag:s26] =	ssyncset.done $0x0  }
0x3a7: {  	[sflag:s26] =	ssyncadd.s32 $0xFFFFEC00  }
0x3a8: {  	[tilespmem:s16], [sflag:$0x5] =	stream.indirect.gather [hbm4b:s4+s12], $0x80, s31, s12, $0xb8;
	[tilespmem:$0x1BC80] =	vst v63  }
0x3a9: {  	_ = 	snop  }
0x3aa: {  	[spmem:s2] =	stream.indirect.scatter.add.f32 [tilespmem:s8], [sflag:$0x6], $0x80, s7, s12, $0xb8;
	[tilespmem:$0x1BC80] =	vst v63  }
0x3ab: {  	_ =	swait.ge [sflag:s17], $0x1400  }
0x3ac: {  	[sflag:s17] =	ssyncset.done $0x0  }
0x3ad: {  	[sflag:s17] =	ssyncadd.s32 $0xFFFFEC00  }
0x3ae: {  	_ =	swait.ge [sflag:s18], $0x1400  }
0x3af: {  	[sflag:s18] =	ssyncset.done $0x0  }
0x3b0: {  	[sflag:s18] =	ssyncadd.s32 $0xFFFFEC00  }
0x3b1: {  	[spmem:s2] =	stream.indirect.scatter.add.f32 [tilespmem:s13], [sflag:$0x7], $0x80, s29, s12, $0xb8;
	[tilespmem:$0x1BC80] =	vst v63  }
0x3b2: {  	_ =	swait.ge [sflag:s19], $0x1400  }
0x3b3: {  	[sflag:s19] =	ssyncset.done $0x0  }
0x3b4: {  	[sflag:s19] =	ssyncadd.s32 $0xFFFFEC00  }
0x3b5: {  	_ =	swait.ge [sflag:s20], $0x1400  }
0x3b6: {  	[sflag:s20] =	ssyncset.done $0x0  }
0x3b7: {  	[sflag:s20] =	ssyncadd.s32 $0xFFFFEC00  }
0x3b8: {  	[spmem:s2] =	stream.indirect.scatter.add.f32 [tilespmem:s14], [sflag:$0x8], $0x80, s28, s12, $0xb8;
	[tilespmem:$0x1BC80] =	vst v63  }
0x3b9: {  	_ =	swait.ge [sflag:s21], $0x1400  }
0x3ba: {  	[sflag:s21] =	ssyncset.done $0x0  }
0x3bb: {  	[sflag:s21] =	ssyncadd.s32 $0xFFFFEC00  }
0x3bc: {  	_ =	swait.ge [sflag:s23], $0x1400  }
0x3bd: {  	[sflag:s23] =	ssyncset.done $0x0  }
0x3be: {  	[sflag:s23] =	ssyncadd.s32 $0xFFFFEC00  }
0x3bf: {  	[spmem:s2] =	stream.indirect.scatter.add.f32 [tilespmem:s15], [sflag:$0x9], $0x80, s1, s12, $0xb8;
	[tilespmem:$0x1BC80] =	vst v63  }
0x3c0: {  	_ =	swait.ge [sflag:s24], $0x1400  }
0x3c1: {  	[sflag:s24] =	ssyncset.done $0x0  }
0x3c2: {  	[sflag:s24] =	ssyncadd.s32 $0xFFFFEC00  }
0x3c3: {  	_ =	swait.ge [sflag:s25], $0x1400  }
0x3c4: {  	[sflag:s25] =	ssyncset.done $0x0  }
0x3c5: {  	[sflag:s25] =	ssyncadd.s32 $0xFFFFEC00  }
0x3c6: {  	[spmem:s2] =	stream.indirect.scatter.add.f32 [tilespmem:s16], [sflag:$0xA], $0x80, s0, s12, $0xb8;
	[tilespmem:$0x1BC80] =	vst v63  }
0x3c7: {  	_ =	swait.ge [sflag:s26], $0x1400  }
.Ltmp5:
0x3c8: {  	[sflag:s26] =	ssyncset.done $0x0;
	(pc) =	sbr.rel @p0 .LBB2_11-.Ltmp5, $4  }
0x3c9: {  	[sflag:s26] =	ssyncadd.s32 $0xFFFFEC00  }
0x3ca: {  	[bflag:$0x0] =	sbarrier.arrive $0xFFFF  }
0x3cb: {  	s5 =	sld [smem:$0x7D2]  }
0x3cc: {  	s22 =	sld [smem:$0x7FC]  }
0x3cd: {  	s5 =	sld [smem:$0x7FA];
	_ =	sdelay $0x1  }
0x3ce: {  	s31 =	simm.s32 $0x0  }
0x3cf: {  	[tilespmem:s8], [sflag:$0x1] =	stream.linear.gather [spmem:s5], $0x1400, $0x38;
	[tilespmem:$0x1BC80] =	vst v63  }
0x3d0: {  	s5 =	sand.u32 $0x1, s31  }
0x3d1: {  	p1 =	seq.s32 s5, $0x1  }
0x3d2: {  	s5 =	simm.s32 @p1 $0x2  }
0x3d3: {  	_ =	swait.ge @p1 [sflag:s5], $0x1400  }
0x3d4: {  	[sflag:s5] =	ssyncset.done @p1 $0x0  }
0x3d5: {  	s29 =	sld [smem:$0x7EF];
	[sflag:s5] =	ssyncadd.s32 @p1 $0xFFFFEC00;
	s5 =	simm.s32 @p1 $0x2000  }
0x3d6: {  	[tilespmem:s5], [sflag:$0x1] =	stream.linear.gather @p1 [spmem:s30], $0x1400, $0x38;
	[tilespmem:$0x1BC80] =	vst v63  }
0x3d7: {  	s6 =	simm.s32 @p1 $0x3400;
	s22 =	simm.s32 @!p1 $0x1;
	s5 =	simm.s32 @p1 $0x0  }
0x3d8: {  	[hbm4b:s29+s5] =	stream.linear.scatter @p1 [tilespmem:s6], [sflag:$0xB], $0x1400, $0x38;
	[tilespmem:$0x1BC80] =	vst v63  }
0x3d9: {  	_ =	swait.ge @!p1 [sflag:s22], $0x1400  }
0x3da: {  	s28 =	simm.s32 $0x1;
	[sflag:s22] =	ssyncset.done @!p1 $0x0  }
0x3db: {  	s7 =	simm.s32 @!p1 $0xC;
	s5 =	simm.s32 @!p1 $0x3400;
	[sflag:s22] =	ssyncadd.s32 @!p1 $0xFFFFEC00  }
0x3dc: {  	[tilespmem:s5], [sflag:$0x2] =	stream.linear.gather @!p1 [spmem:s30], $0x1400, $0x38;
	[tilespmem:$0x1BC80] =	vst v63  }
0x3dd: {  	s7 =	simm.s32 @p1 $0xB;
	s6 =	simm.s32 @!p1 $0x2000;
	s5 =	simm.s32 @!p1 $0x0  }
0x3de: {  	[hbm4b:s29+s5] =	stream.linear.scatter @!p1 [tilespmem:s6], [sflag:$0xC], $0x1400, $0x38;
	[tilespmem:$0x1BC80] =	vst v63  }
0x3df: {  	s28 =	sand.u32 $0x1, s28;
	s22 =	sadd.s32 $0x1400, s30;
	_ =	swait.ge [sflag:s7], $0x1400  }
0x3e0: {  	s6 =	simm.s32 $0x2;
	s5 =	sadd.s32 $0x280, s29;
	[sflag:s7] =	ssyncset.done $0x0  }
.LBB2_9:
0x3e1: {  	p2 =	seq.s32 s28, $0x1  }
0x3e2: {  	[sflag:s7] =	ssyncadd.s32 $0xFFFFEC00;
	s28 =	smov.u32 s6;
	s6 =	sadd.s32 $0x1, s6  }
0x3e3: {  	p1 =	sne.s32 s6, $0x18;
	s29 =	simm.s32 @p2 $0x2;
	s7 =	simm.s32 @!p2 $0xC  }
0x3e4: {  	_ =	swait.ge @p2 [sflag:s29], $0x1400  }
0x3e5: {  	[sflag:s29] =	ssyncset.done @p2 $0x0  }
0x3e6: {  	[sflag:s29] =	ssyncadd.s32 @p2 $0xFFFFEC00;
	s29 =	simm.s32 @p2 $0x2000  }
0x3e7: {  	[tilespmem:s29], [sflag:$0x1] =	stream.linear.gather @p2 [spmem:s22], $0x1400, $0x38;
	[tilespmem:$0x1BC80] =	vst v63  }
0x3e8: {  	s30 =	simm.s32 @p2 $0x3400;
	s31 =	simm.s32 @!p2 $0x1;
	s29 =	simm.s32 @p2 $0x0  }
0x3e9: {  	[hbm4b:s5+s29] =	stream.linear.scatter @p2 [tilespmem:s30], [sflag:$0xB], $0x1400, $0x38;
	[tilespmem:$0x1BC80] =	vst v63  }
0x3ea: {  	_ =	swait.ge @!p2 [sflag:s31], $0x1400  }
0x3eb: {  	[sflag:s31] =	ssyncset.done @!p2 $0x0  }
0x3ec: {  	s29 =	simm.s32 @!p2 $0x3400;
	[sflag:s31] =	ssyncadd.s32 @!p2 $0xFFFFEC00  }
0x3ed: {  	[tilespmem:s29], [sflag:$0x2] =	stream.linear.gather @!p2 [spmem:s22], $0x1400, $0x38;
	[tilespmem:$0x1BC80] =	vst v63  }
.Ltmp6:
0x3ee: {  	_ = 	snop;
	(pc) =	sbr.rel @p1 .LBB2_9-.Ltmp6, $4  }
0x3ef: {  	s7 =	simm.s32 @p2 $0xB;
	s30 =	simm.s32 @!p2 $0x2000;
	s29 =	simm.s32 @!p2 $0x0  }
0x3f0: {  	[hbm4b:s5+s29] =	stream.linear.scatter @!p2 [tilespmem:s30], [sflag:$0xC], $0x1400, $0x38;
	[tilespmem:$0x1BC80] =	vst v63  }
0x3f1: {  	s5 =	sadd.s32 $0x280, s5;
	_ =	swait.ge [sflag:s7], $0x1400  }
0x3f2: {  	s28 =	sand.u32 $0x1, s28;
	s22 =	sadd.s32 $0x1400, s22;
	[sflag:s7] =	ssyncset.done $0x0  }
.Ltmp7:
0x3f3: {  	_ = 	snop;
	(pc) =	sbr.rel .LBB2_10-.Ltmp7, $1  }
0x3f4: {  	_ =	sdelay $0x3  }
.LBB2_12:
0x3f5: {  	_ =	sfence.sel $0x180000  }
0x3f6: {  	[bflag:$0x0] =	sbarrier.arrive $0xFFFF  }
0x3f7: {  	_ =	strace $0x9000004A  }
0x3f8: {  	s0 =	stileid.u32;
	[bflag:$0x2] =	sbarrier.arrive $0xFFFF  }
0x3f9: {  	p0 =	sne.s32 s0, $0x0;
	s0 =	rddreg [dreg:$0x2]  }
0x3fa: {  	s0 =	sadd.s32 @!p0 $0x100000, s0  }
0x3fb: {  	[sflag:s0] =	ssyncadd.tile.s32 @!p0 $0x1;
	_ =	shalt  }
.Lfunc_end2:
_tile_overlayer_lowered:
.L_overlay_start_2:
0x3fc: {  	(tag) =	ssettag $0x2  }
0x3fd: {  	s0 =	rddreg [dreg:$0x0];
	s2 =	stileid.u32  }
0x3fe: {  	s1 =	rddreg [dreg:$0x1];
	p0 =	sne.s32 s2, $0x0  }
0x3ff: {  	s3 =	rddreg [dreg:$0x2];
	[bflag:$0x3] =	sbarrier.arrive $0xFFFF;
	s2 =	simm.s32 @!p0 $0x1C0B  }
0x400: {  	[timem:s3], [sflag:s2] =	dma.local @!p0 [hbm:s0], s1  }
0x401: {  	s0 =	simm.s32 @!p0 $0xB  }
0x402: {  	_ =	swait.ge @!p0 [sflag:s0], s1  }
0x403: {  	s1 =	ssub.s32 @!p0 $0x0, s1;
	[sflag:s0] =	ssyncset.done @!p0 $0x0  }
0x404: {  	[sflag:s0] =	ssyncadd.s32 @!p0 s1  }
0x405: {  	[bflag:$0x3] =	sbarrier.arrive $0xFFFF  }
0x406: {  	_ =	shalt  }

// kernel: kernel.13.cloned.1.call-start
scs
__scs_entry_jumppad:
0x0: {  	(pc) =	sbr.rel $0x88, $3  }
0x1: {  	(tag) =	ssettag $0x0;
	lr =	simm.s32 $0x1  }
0x2: {  	[smem:$0x3F99] =	sst lr;
	_ =	strace $0xD0000000  }
0x3: {  	_ = 	snop  }
0x4: {  	_ = 	snop  }
0x5: {  	_ = 	snop  }
0x6: {  	_ = 	snop  }
0x7: {  	_ = 	snop  }
__scs_overlays_trampoline_lowered:
0x8: {  	[smem:$0x3FA8] =	sst s0  }
0x9: {  	[smem:$0x3FA9] =	sst s1  }
0xa: {  	[smem:$0x3FAA] =	sst s2  }
0xb: {  	[smem:$0x3FAB] =	sst s3  }
0xc: {  	[smem:$0x3FAC] =	sst s4  }
0xd: {  	[smem:$0x3FAD] =	sst s5  }
0xe: {  	[smem:$0x3FAE] =	sst s6  }
0xf: {  	[smem:$0x3FAF] =	sst s7  }
0x10: {  	[smem:$0x3FB0] =	sst s8  }
0x11: {  	[smem:$0x3FB1] =	sst s9;
	s0 =	simm.s32 @!p0 $0x0  }
0x12: {  	s1 =	sld [smem:$0x3F97];
	s0 =	simm.s32 @p0 $0x1  }
0x13: {  	[smem:$0x3FB2] =	sst s0;
	s0 =	simm.s32 @!p1 $0x0  }
0x14: {  	s2 =	sld [smem:$0x3F96];
	s0 =	simm.s32 @p1 $0x1  }
0x15: {  	[smem:$0x3FB3] =	sst s0;
	s0 =	simm.s32 @!p2 $0x0  }
0x16: {  	s3 =	sld [smem:$0x3FDB];
	s0 =	simm.s32 @p2 $0x1  }
0x17: {  	s4 =	simm.s32 $0x1BF5;
	[smem:$0x3FB5] =	sst s0  }
0x18: {  	s0 =	sld [smem:$0x3F98];
	_ =	swait.ge [sflag:s4], $0x0  }
0x19: {  	s7 =	sld [smem:$0x3F99]  }
0x1a: {  	s8 =	sadd.s32 $0xFFFFE003, lr  }
0x1b: {  	s9 =	sadd.s32 $0xFFFFFEF7, lr;
	s5 =	simm.s32 $0xFFFFFFFF;
	p2 =	slt.u32 s8, $0xFFFFF086  }
0x1c: {  	p1 =	slt.u32 s9, $0xF7A;
	s5 =	simm.s32 @!p2 $0x0  }
0x1d: {  	s5 =	simm.s32 @p1 $0x1;
	p0 =	seq.s32 s7, s2  }
0x1e: {  	s7 =	smul.u32 @!p0 $0xF7A, s2;
	p2 =	seq.s32 @!p0 s5, $0x0  }
0x1f: {  	s9 =	smul.u32 $0xF7A, s1;
	s8 =	simm.s32 @!p0 $0x1BF5;
	p2 =	por !p2, p0  }
0x20: {  	[sflag:s8] =	ssyncset.s32 @!p0 $0xFFFFF086;
	s6 =	sadd.s32 @!p0 s3, s7;
	s7 =	simm.s32 @!p0 $0x108  }
0x21: {  	s3 =	sadd.s32 s3, s9;
	s6 =	sadd.s32 @!p0 $0x88, s6;
	s7 =	simm.s32 @p2 $0x1082  }
0x22: {  	[simem:s7], [sflag:s8] =	dma.local @!p0 [hbm:s6], $0xF7A  }
0x23: {  	s9 =	sor.u32 $0xD0000000, s2;
	s6 =	simm.s32 $0x108;
	_ =	swait.ge @!p0 [sflag:s8], $0x0  }
0x24: {  	s3 =	sadd.s32 $0x88, s3;
	s6 =	simm.s32 @!p1 $0x1082;
	[sflag:s4] =	ssyncset.s32 $0xFFFFF086  }
0x25: {  	[simem:s6], [sflag:s4] =	dma.local [hbm:s3], $0xF7A  }
0x26: {  	[smem:$0x3F99] =	sst s1;
	(tag) =	ssettag s2;
	_ =	strace s9  }
0x27: {  	s1 =	sld [smem:$0x3FA9]  }
0x28: {  	s2 =	sld [smem:$0x3FAA]  }
0x29: {  	s4 =	sld [smem:$0x3FAC]  }
0x2a: {  	p0 =	seq.s32 s5, $0x0;
	s5 =	sld [smem:$0x3FAD]  }
0x2b: {  	s6 =	sld [smem:$0x3FAE]  }
0x2c: {  	s7 =	sld [smem:$0x3FAF]  }
0x2d: {  	s3 =	simm.s32 $0x108;
	s8 =	sld [smem:$0x3FB0]  }
0x2e: {  	s3 =	simm.s32 @!p0 $0x1082;
	s9 =	sld [smem:$0x3FB1]  }
0x2f: {  	lr =	sadd.s32 s0, s3;
	s0 =	sld [smem:$0x3FA8]  }
0x30: {  	s3 =	sld [smem:$0x3FAB]  }
0x31: {  	[smem:$0x3FB4] =	sst s10  }
0x32: {  	s10 =	sld [smem:$0x3FB2];
	_ =	sdelay $0x3  }
0x33: {  	p0 =	seq.s32 s10, $0x1;
	s10 =	sld [smem:$0x3FB4];
	_ =	sdelay $0x3  }
0x34: {  	[smem:$0x3FB4] =	sst s10  }
0x35: {  	s10 =	sld [smem:$0x3FB3];
	_ =	sdelay $0x3  }
0x36: {  	p1 =	seq.s32 s10, $0x1;
	s10 =	sld [smem:$0x3FB4];
	_ =	sdelay $0x3  }
0x37: {  	[smem:$0x3FB4] =	sst s10  }
0x38: {  	s10 =	sld [smem:$0x3FB5]  }
0x39: {  	_ = 	snop;
	(pc) =	sbr.ind lr, $3  }
0x3a: {  	_ = 	snop  }
0x3b: {  	_ = 	snop  }
0x3c: {  	p2 =	seq.s32 s10, $0x1;
	s10 =	sld [smem:$0x3FB4]  }
0x3d: {  	_ =	shalt  }
0x3e: {  	_ =	shalt  }
0x3f: {  	_ =	shalt  }
0x40: {  	_ =	shalt  }
0x41: {  	_ =	shalt  }
0x42: {  	_ =	shalt  }
0x43: {  	_ =	shalt  }
0x44: {  	_ =	shalt  }
0x45: {  	_ =	shalt  }
0x46: {  	_ =	shalt  }
0x47: {  	_ =	shalt  }
0x48: {  	_ =	shalt  }
0x49: {  	_ =	shalt  }
0x4a: {  	_ =	shalt  }
0x4b: {  	_ =	shalt  }
0x4c: {  	_ =	shalt  }
0x4d: {  	_ =	shalt  }
0x4e: {  	_ =	shalt  }
0x4f: {  	_ =	shalt  }
0x50: {  	_ =	shalt  }
0x51: {  	_ =	shalt  }
0x52: {  	_ =	shalt  }
0x53: {  	_ =	shalt  }
0x54: {  	_ =	shalt  }
0x55: {  	_ =	shalt  }
0x56: {  	_ =	shalt  }
0x57: {  	_ =	shalt  }
0x58: {  	_ =	shalt  }
0x59: {  	_ =	shalt  }
0x5a: {  	_ =	shalt  }
0x5b: {  	_ =	shalt  }
0x5c: {  	_ =	shalt  }
0x5d: {  	_ =	shalt  }
0x5e: {  	_ =	shalt  }
0x5f: {  	_ =	shalt  }
0x60: {  	_ =	shalt  }
0x61: {  	_ =	shalt  }
0x62: {  	_ =	shalt  }
0x63: {  	_ =	shalt  }
0x64: {  	_ =	shalt  }
0x65: {  	_ =	shalt  }
0x66: {  	_ =	shalt  }
0x67: {  	_ =	shalt  }
0x68: {  	_ =	shalt  }
0x69: {  	_ =	shalt  }
0x6a: {  	_ =	shalt  }
0x6b: {  	_ =	shalt  }
0x6c: {  	_ =	shalt  }
0x6d: {  	_ =	shalt  }
0x6e: {  	_ =	shalt  }
0x6f: {  	_ =	shalt  }
0x70: {  	_ =	shalt  }
0x71: {  	_ =	shalt  }
0x72: {  	_ =	shalt  }
0x73: {  	_ =	shalt  }
0x74: {  	_ =	shalt  }
0x75: {  	_ =	shalt  }
0x76: {  	_ =	shalt  }
0x77: {  	_ =	shalt  }
0x78: {  	_ =	shalt  }
0x79: {  	_ =	shalt  }
0x7a: {  	_ =	shalt  }
0x7b: {  	_ =	shalt  }
0x7c: {  	_ =	shalt  }
0x7d: {  	_ =	shalt  }
0x7e: {  	_ =	shalt  }
0x7f: {  	_ =	shalt  }
0x80: {  	_ =	shalt  }
0x81: {  	_ =	shalt  }
0x82: {  	_ =	shalt  }
0x83: {  	_ =	shalt  }
0x84: {  	_ =	shalt  }
0x85: {  	_ =	shalt  }
0x86: {  	_ =	shalt  }
0x87: {  	_ =	shalt  }
.Lfunc_end0:
.L_simem_size_0:
called_computation.2_lowered:
.L_overlay_start_0:
0x88: {  	s2 =	sld [smem:$0x3FD9]  }
0x89: {  	s3 =	sld [smem:$0x3FFE];
	_ =	sdelay $0x1  }
0x8a: {  	s1 =	srdreg.scid  }
0x8b: {  	s0 =	sand.u32 $0x1, s1  }
0x8c: {  	s16 =	sshll.u32 s0, $0xA;
	s2 =	sadd.s32 s3, s2  }
0x8d: {  	s2 =	sadd.s32 s2, s16  }
0x8e: {  	[smem:$0x3FC0] =	sst s2  }
0x8f: {  	_ = 	snop  }
0x90: {  	(tm) =	ssettm $0x1  }
0x91: {  	s17 =	sld [smem:$0x3FFB];
	_ =	sdelay $0x3  }
0x92: {  	_ =	strace s17  }
0x93: {  	s2 =	sld [smem:$0x3FFC];
	_ =	sdelay $0x3  }
0x94: {  	_ =	strace s2  }
0x95: {  	s2 =	sld [smem:$0x3FFD];
	_ =	sdelay $0x3  }
0x96: {  	_ =	strace s2  }
0x97: {  	_ =	strace $0x8FFFFFFF  }
0x98: {  	s18 =	sld [smem:$0x3FDB];
	_ =	sdelay $0x1  }
0x99: {  	s19 =	simm.s32 $_scs_section_size  }
0x9a: {  	s4 =	simm.s32 $_size__tile_overlayer_lowered;
	s5 =	simm.s32 $_tile_overlayer_lowered  }
0x9b: {  	s22 =	simm.s32 $0x1BFF;
	s21 =	sshll.u32 s5, $0x1;
	s2 =	sadd.s32 s19, s18  }
0x9c: {  	s6 =	simm.s32 $0x0;
	s20 =	sshll.u32 s4, $0x1;
	s4 =	sadd.s32 s21, s2  }
0x9d: {  	[timem:s6], [sflag:s22] =	dma.local [hbm:s4], s20  }
0x9e: {  	_ =	swait.ge [sflag:s22], s20  }
0x9f: {  	s3 =	ssub.s32 $0x0, s20;
	[sflag:s22] =	ssyncset.done $0x0  }
0xa0: {  	[sflag:s22] =	ssyncadd.s32 s3;
	_ =	sdelay $0x1  }
0xa1: {  	s23 =	simm.s32 $0x1B8B  }
0xa2: {  	_ =	swait.ge [sflag:s23], $0x1  }
0xa3: {  	[sflag:s23] =	ssyncset.done $0x0  }
0xa4: {  	s25 =	simm.s32 $0x1B8E;
	s24 =	sld [smem:$0x3FFE];
	[sflag:s23] =	ssyncadd.s32 $0xFFFFFFFF  }
0xa5: {  	s26 =	simm.s32 $execute0_lowered;
	[smem:$0x3FD2] =	sst s25  }
0xa6: {  	s4 =	sshll.u32 s26, $0x1;
	_ =	strace $0x8000004C;
	[dreg:$0x1] =	wrdreg $0xFFFFFFFF  }
0xa7: {  	s28 =	simm.s32 $_size_execute0_lowered;
	s2 =	sadd.s32 s2, s4;
	[dreg:$0x0] =	wrdreg $0x0  }
0xa8: {  	s4 =	sshll.u32 s28, $0x1;
	[dreg:$0x2] =	wrdreg s2  }
0xa9: {  	[dreg:$0x3] =	wrdreg s4  }
0xaa: {  	[dreg:$0x4] =	wrdreg $0xC0  }
0xab: {  	_ =	task [dreg:s6], $0x5FFFF  }
0xac: {  	[dreg:$0x1] =	wrdreg $0xFFFFFFFF  }
0xad: {  	[dreg:$0x0] =	wrdreg $0x60  }
0xae: {  	[dreg:$0x2] =	wrdreg s24  }
0xaf: {  	[dreg:$0x3] =	wrdreg $0x152800  }
0xb0: {  	[dreg:$0x4] =	wrdreg $0x9  }
0xb1: {  	_ =	task.clear_ibuf [dreg:s6], $0x5FFFF;
	_ =	strace $0x9000004C  }
0xb2: {  	s29 =	simm.s32 $0x9;
	_ =	strace $0x8000004E  }
0xb3: {  	_ =	swait.ge [sflag:s29], $0x1  }
0xb4: {  	[sflag:s29] =	ssyncadd.s32 $0xFFFFFFFF  }
0xb5: {  	_ =	strace $0x9000004E  }
0xb6: {  	_ =	sfence  }
0xb7: {  	s30 =	sld [smem:$0x0];
	_ =	sdelay $0x2  }
0xb8: {  	s31 =	sshll.u32 s1, $0xD;
	s1 =	sshrl.u32 s1, $0x2  }
0xb9: {  	s3 =	sand.u32 $0x4000, s31;
	s1 =	sadd.s32 s1, s30  }
0xba: {  	s0 =	sor.u32 s3, s0;
	s1 =	sshll.u32 s1, $0x11  }
0xbb: {  	s0 =	sor.u32 s1, s0  }
0xbc: {  	s0 =	sadd.s32 $0x8F2B, s0  }
0xbd: {  	[sflag:s0] =	ssyncadd.remote.s32 $0x1  }
0xbe: {  	_ =	sfence.sel $0xFFFF  }
0xbf: {  	[dreg:$0x0] =	wrdreg $0xFFFFFFFF;
	(pc) =	sbr.abs _section_cstart, $3  }
0xc0: {  	[dreg:$0x1] =	wrdreg $0xFFFFFFFF  }
0xc1: {  	_ =	task.clear_ibuf [dreg:s6], $0x2FFFF;
	_ =	strace $0x9FFFFFFF  }
0xc2: {  	(tm) =	ssettm $0x7FFFFFFF  }
0xc3: {  	_ =	shalt  }
tec
execute0_lowered:
.L_overlay_start_1:
0x0: {  	(tag) =	ssettag $0x1  }
0x1: {  	s1 =	srdreg.scid  }
0x2: {  	s1 =	sand.u32 $0x1, s1  }
0x3: {  	p0 =	seq.s32 s1, $0x1  }
.Ltmp0:
0x4: {  	_ = 	snop;
	(pc) =	sbr.rel @p0 .LBB2_11-.Ltmp0, $4  }
0x5: {  	s3 =	rddreg [dreg:$0x0]  }
0x6: {  	s8 =	rddreg [dreg:$0x1];
	s2 =	simm.s32 $0x0  }
0x7: {  	[smem:$0x7FF] =	sst s2  }
0x8: {  	s0 =	rddreg [dreg:$0x2];
	_ =	strace $0x8000004D;
	s1 =	stileid.u32  }
0x9: {  	s2 =	smul.u32 $0x9C4, s1  }
0xa: {  	s4 =	smul.u32 $0x280, s1  }
0xb: {  	s5 =	smul.u32 $0xFA0, s1;
	s12 =	sadd.s32 $0x1B600, s3;
	s6 =	sshll.u32 s1, $0xC  }
0xc: {  	s10 =	sadd.s32 $0x2580, s8;
	s9 =	sadd.s32 $0x1B4B0, s3;
	s16 =	simm.s32 $0x0  }
0xd: {  	s6 =	sadd.s32 s6, s3;
	s2 =	sadd.s32 s2, s3;
	s7 =	sshrl.u32 s4, $0x3  }
0xe: {  	s5 =	sshrl.u32 s5, $0x2;
	s13 =	sadd.s32 $0xB000, s6;
	s6 =	sadd.s32 s4, s8  }
0xf: {  	s15 =	sadd.s32 s7, s3;
	s11 =	sadd.s32 s5, s8;
	s14 =	sadd.s32 $0x1200, s2  }
0x10: {  	s7 =	sadd.s32 $0x1C0B0, s3;
	s3 =	sadd.s32 $0x1C6B0, s3;
	s5 =	sadd.s32 $0x1B000, s15  }
0x11: {  	v0 =	vimm.f32 $0.0e+00;
	s4 =	sadd.s32 $0x1BC00, s15;
	s2 =	sadd.s32 $0x1C200, s15;
	s15 =	simm.s32 $0x40  }
.LBB2_2:
0x12: {  	p0 =	sne.s32 s15, $0xF80;
	[tilespmem:s16+$0x14480] =	vst v0;
	s16 =	smov.u32 s15;
	s15 =	sadd.s32 $0x40, s15  }
.Ltmp1:
0x13: {  	(pc) =	sbr.rel @p0 .LBB2_2-.Ltmp1, $2  }
0x14: {  	_ =	sdelay $0x2  }
0x15: {  	s16 =	sshra.s32 s16, $0x2  }
0x16: {  	p0 =	sgt.u32 s1, $0x9  }
0x17: {  	[tilespmem:s16+$0x14480] =	vst v0;
	s15 =	simm.s32 @!p0 $0x14480  }
0x18: {  	[spmem:s11] =	stream.linear.scatter @!p0 [tilespmem:s15], [sflag:$0x5], $0x3E8, $0x38;
	[tilespmem:$0x154F8] =	vst v63  }
0x19: {  	s11 =	simm.s32 @!p0 $0x5  }
0x1a: {  	_ =	swait.ge @!p0 [sflag:s11], $0x3E8  }
0x1b: {  	[sflag:s11] =	ssyncset.done @!p0 $0x0  }
0x1c: {  	[sflag:s11] =	ssyncadd.s32 @!p0 $0xFFFFFC18  }
0x1d: {  	s30 =	simm.s32 $0x5;
	s11 =	simm.s32 $0x0;
	[bflag:$0x0] =	sbarrier.arrive $0xFFFF  }
0x1e: {  	[tilespmem:s11], [sflag:$0x5] =	stream.linear.gather [hbm4b:s12+s11], $0x2780, $0x38;
	[tilespmem:$0x154F8] =	vst v63  }
0x1f: {  	_ =	swait.ge [sflag:s30], $0x2780  }
0x20: {  	[sflag:s30] =	ssyncset.done $0x0  }
0x21: {  	s31 =	simm.s32 $0x2780;
	[sflag:s30] =	ssyncadd.s32 $0xFFFFD880  }
0x22: {  	[tilespmem:s31], [sflag:$0x5] =	stream.linear.gather [hbm4b:s14+s11], $0x4E20, $0x38;
	[tilespmem:$0x154F8] =	vst v63  }
0x23: {  	_ =	swait.ge [sflag:s30], $0x4E20  }
0x24: {  	[sflag:s30] =	ssyncset.done $0x0  }
0x25: {  	s12 =	simm.s32 $0x7600;
	[sflag:s30] =	ssyncadd.s32 $0xFFFFB1E0  }
0x26: {  	[tilespmem:s12], [sflag:$0x5] =	stream.linear.gather [hbm4b:s13+s11], $0x7D00, $0x38;
	[tilespmem:$0x154F8] =	vst v63  }
0x27: {  	_ =	swait.ge [sflag:s30], $0x7D00  }
0x28: {  	[sflag:s30] =	ssyncset.done $0x0  }
0x29: {  	s14 =	simm.s32 $0x0;
	s13 =	simm.s32 $0x50;
	[sflag:s30] =	ssyncadd.s32 $0xFFFF8300  }
.LBB2_4:
0x2a: {  	s15 =	sshra.s32 s14, $0x2  }
0x2b: {  	v0 =	vld [tilespmem:s15+$0x2780];
	_ =	sdelay $0x5  }
0x2c: {  	v1 =	vld [tilespmem:s15+$0x2790];
	_ =	sdelay $0x1  }
0x2d: {  	v0 =	vld.idx.msk [tilespmem:v0+s11+$0x0], $0xffff;
	_ =	sdelay $0x3  }
0x2e: {  	v2 =	vld [tilespmem:s15+$0x27A0]  }
0x2f: {  	[tilespmem:s15+$0xF600] =	vst v0  }
0x30: {  	v0 =	vld.idx.msk [tilespmem:v1+s11+$0x0], $0xffff;
	_ =	sdelay $0x3  }
0x31: {  	v47 =	vld [tilespmem:s15+$0x27B0]  }
0x32: {  	[tilespmem:s15+$0xF610] =	vst v0  }
0x33: {  	v0 =	vld.idx.msk [tilespmem:v2+s11+$0x0], $0xffff;
	_ =	sdelay $0x3  }
0x34: {  	v48 =	vld [tilespmem:s15+$0x27C0]  }
0x35: {  	[tilespmem:s15+$0xF620] =	vst v0  }
0x36: {  	v0 =	vld.idx.msk [tilespmem:v47+s11+$0x0], $0xffff;
	_ =	sdelay $0x4  }
0x37: {  	[tilespmem:s15+$0xF630] =	vst v0  }
0x38: {  	v0 =	vld.idx.msk [tilespmem:v48+s11+$0x0], $0xffff;
	_ =	sdelay $0x3  }
0x39: {  	p0 =	seq.s32 s14, $0x0  }
0x3a: {  	s16 =	simm.s32 @!p0 $0x1;
	[tilespmem:s15+$0xF640] =	vst v0  }
0x3b: {  	_ =	swait.ge @!p0 [sflag:s16], $0x50  }
0x3c: {  	[sflag:s16] =	ssyncset.done @!p0 $0x0  }
0x3d: {  	s17 =	sadd.s32 $0xF600, s15;
	[sflag:s16] =	ssyncadd.s32 @!p0 $0xFFFFFFB0  }
0x3e: {  	[spmem:s8] =	stream.indirect.scatter.add.f32 [tilespmem:s17], [sflag:$0x1], $0x1, s12, s13, $0xb8;
	[tilespmem:$0x154F8] =	vst v63  }
0x3f: {  	v49 =	vld [tilespmem:s15+$0x27D0];
	_ =	sdelay $0x5  }
0x40: {  	v50 =	vld [tilespmem:s15+$0x27E0];
	_ =	sdelay $0x1  }
0x41: {  	v0 =	vld.idx.msk [tilespmem:v49+s11+$0x0], $0xffff;
	_ =	sdelay $0x3  }
0x42: {  	v51 =	vld [tilespmem:s15+$0x27F0]  }
0x43: {  	[tilespmem:s15+$0xF650] =	vst v0  }
0x44: {  	v0 =	vld.idx.msk [tilespmem:v50+s11+$0x0], $0xffff;
	_ =	sdelay $0x3  }
0x45: {  	v52 =	vld [tilespmem:s15+$0x2800]  }
0x46: {  	[tilespmem:s15+$0xF660] =	vst v0  }
0x47: {  	v0 =	vld.idx.msk [tilespmem:v51+s11+$0x0], $0xffff;
	_ =	sdelay $0x3  }
0x48: {  	v53 =	vld [tilespmem:s15+$0x2810]  }
0x49: {  	[tilespmem:s15+$0xF670] =	vst v0  }
0x4a: {  	v0 =	vld.idx.msk [tilespmem:v52+s11+$0x0], $0xffff;
	_ =	sdelay $0x4  }
0x4b: {  	[tilespmem:s15+$0xF680] =	vst v0  }
0x4c: {  	v0 =	vld.idx.msk [tilespmem:v53+s11+$0x0], $0xffff;
	_ =	sdelay $0x4  }
0x4d: {  	s16 =	simm.s32 @!p0 $0x2;
	[tilespmem:s15+$0xF690] =	vst v0  }
0x4e: {  	_ =	swait.ge @!p0 [sflag:s16], $0x50  }
0x4f: {  	[sflag:s16] =	ssyncset.done @!p0 $0x0  }
0x50: {  	s28 =	sadd.s32 $0x80, s12;
	s26 =	sadd.s32 $0xF650, s15;
	[sflag:s16] =	ssyncadd.s32 @!p0 $0xFFFFFFB0  }
0x51: {  	[spmem:s8] =	stream.indirect.scatter.add.f32 [tilespmem:s26], [sflag:$0x2], $0x1, s28, s13, $0xb8;
	[tilespmem:$0x154F8] =	vst v63  }
0x52: {  	v54 =	vld [tilespmem:s15+$0x2820];
	_ =	sdelay $0x5  }
0x53: {  	v55 =	vld [tilespmem:s15+$0x2830];
	_ =	sdelay $0x1  }
0x54: {  	v0 =	vld.idx.msk [tilespmem:v54+s11+$0x0], $0xffff;
	_ =	sdelay $0x3  }
0x55: {  	v56 =	vld [tilespmem:s15+$0x2840]  }
0x56: {  	[tilespmem:s15+$0xF6A0] =	vst v0  }
0x57: {  	v0 =	vld.idx.msk [tilespmem:v55+s11+$0x0], $0xffff;
	_ =	sdelay $0x3  }
0x58: {  	v57 =	vld [tilespmem:s15+$0x2850]  }
0x59: {  	[tilespmem:s15+$0xF6B0] =	vst v0  }
0x5a: {  	v0 =	vld.idx.msk [tilespmem:v56+s11+$0x0], $0xffff;
	_ =	sdelay $0x3  }
0x5b: {  	v58 =	vld [tilespmem:s15+$0x2860]  }
0x5c: {  	[tilespmem:s15+$0xF6C0] =	vst v0  }
0x5d: {  	v0 =	vld.idx.msk [tilespmem:v57+s11+$0x0], $0xffff;
	_ =	sdelay $0x4  }
0x5e: {  	[tilespmem:s15+$0xF6D0] =	vst v0  }
0x5f: {  	v0 =	vld.idx.msk [tilespmem:v58+s11+$0x0], $0xffff;
	_ =	sdelay $0x4  }
0x60: {  	s16 =	simm.s32 @!p0 $0x3;
	[tilespmem:s15+$0xF6E0] =	vst v0  }
0x61: {  	_ =	swait.ge @!p0 [sflag:s16], $0x50  }
0x62: {  	[sflag:s16] =	ssyncset.done @!p0 $0x0  }
0x63: {  	s30 =	sadd.s32 $0x100, s12;
	s29 =	sadd.s32 $0xF6A0, s15;
	[sflag:s16] =	ssyncadd.s32 @!p0 $0xFFFFFFB0  }
0x64: {  	[spmem:s8] =	stream.indirect.scatter.add.f32 [tilespmem:s29], [sflag:$0x3], $0x1, s30, s13, $0xb8;
	[tilespmem:$0x154F8] =	vst v63  }
0x65: {  	v59 =	vld [tilespmem:s15+$0x2870];
	_ =	sdelay $0x5  }
0x66: {  	v60 =	vld [tilespmem:s15+$0x2880];
	_ =	sdelay $0x1  }
0x67: {  	v0 =	vld.idx.msk [tilespmem:v59+s11+$0x0], $0xffff;
	_ =	sdelay $0x3  }
0x68: {  	v61 =	vld [tilespmem:s15+$0x2890]  }
0x69: {  	[tilespmem:s15+$0xF6F0] =	vst v0  }
0x6a: {  	v0 =	vld.idx.msk [tilespmem:v60+s11+$0x0], $0xffff;
	_ =	sdelay $0x3  }
0x6b: {  	v62 =	vld [tilespmem:s15+$0x28A0]  }
0x6c: {  	[tilespmem:s15+$0xF700] =	vst v0  }
0x6d: {  	v0 =	vld.idx.msk [tilespmem:v61+s11+$0x0], $0xffff;
	_ =	sdelay $0x3  }
0x6e: {  	v63 =	vld [tilespmem:s15+$0x28B0]  }
0x6f: {  	[tilespmem:s15+$0xF710] =	vst v0  }
0x70: {  	v0 =	vld.idx.msk [tilespmem:v62+s11+$0x0], $0xffff;
	_ =	sdelay $0x4  }
0x71: {  	[tilespmem:s15+$0xF720] =	vst v0  }
0x72: {  	v0 =	vld.idx.msk [tilespmem:v63+s11+$0x0], $0xffff;
	_ =	sdelay $0x4  }
0x73: {  	s16 =	simm.s32 @!p0 $0x4;
	[tilespmem:s15+$0xF730] =	vst v0  }
0x74: {  	_ =	swait.ge @!p0 [sflag:s16], $0x50  }
0x75: {  	s14 =	sadd.s32 $0x500, s14;
	[sflag:s16] =	ssyncset.done @!p0 $0x0  }
0x76: {  	[sflag:s16] =	ssyncadd.s32 @!p0 $0xFFFFFFB0;
	p0 =	sne.s32 s14, $0x13600  }
.Ltmp2:
0x77: {  	_ = 	snop;
	(pc) =	sbr.rel @p0 .LBB2_4-.Ltmp2, $3  }
0x78: {  	_ =	sdelay $0x1  }
0x79: {  	s31 =	sadd.s32 $0x180, s12;
	s12 =	sadd.s32 $0x200, s12;
	s15 =	sadd.s32 $0xF6F0, s15  }
0x7a: {  	[spmem:s8] =	stream.indirect.scatter.add.f32 [tilespmem:s15], [sflag:$0x4], $0x1, s31, s13, $0xb8;
	[tilespmem:$0x154F8] =	vst v63  }
0x7b: {  	v0 =	vld [tilespmem:$0x7500];
	_ =	sdelay $0x5  }
0x7c: {  	v1 =	vld [tilespmem:$0x7510]  }
0x7d: {  	s11 =	simm.s32 $0x0  }
0x7e: {  	v0 =	vld.idx.msk [tilespmem:v0+s11+$0x0], $0xffff;
	_ =	sdelay $0x3  }
0x7f: {  	v2 =	vld [tilespmem:$0x7520]  }
0x80: {  	[tilespmem:$0x14380] =	vst v0  }
0x81: {  	v0 =	vld.idx.msk [tilespmem:v1+s11+$0x0], $0xffff;
	_ =	sdelay $0x3  }
0x82: {  	v1 =	vld [tilespmem:$0x7530]  }
0x83: {  	[tilespmem:$0x14390] =	vst v0  }
0x84: {  	v0 =	vld.idx.msk [tilespmem:v2+s11+$0x0], $0xffff;
	_ =	sdelay $0x3  }
0x85: {  	v2 =	vld [tilespmem:$0x7540]  }
0x86: {  	[tilespmem:$0x143A0] =	vst v0  }
0x87: {  	v0 =	vld.idx.msk [tilespmem:v1+s11+$0x0], $0xffff;
	_ =	sdelay $0x4  }
0x88: {  	[tilespmem:$0x143B0] =	vst v0  }
0x89: {  	v0 =	vld.idx.msk [tilespmem:v2+s11+$0x0], $0xffff;
	_ =	sdelay $0x4  }
0x8a: {  	s12 =	simm.s32 $0x1;
	[tilespmem:$0x143C0] =	vst v0  }
0x8b: {  	_ =	swait.ge [sflag:s12], $0x50  }
0x8c: {  	s13 =	simm.s32 $0x50;
	[sflag:s12] =	ssyncset.done $0x0  }
0x8d: {  	s14 =	simm.s32 $0xF200;
	s15 =	simm.s32 $0x14380;
	[sflag:s12] =	ssyncadd.s32 $0xFFFFFFB0  }
0x8e: {  	[spmem:s8] =	stream.indirect.scatter.add.f32 [tilespmem:s15], [sflag:$0x1], $0x1, s14, s13, $0xb8;
	[tilespmem:$0x154F8] =	vst v63  }
0x8f: {  	v0 =	vld [tilespmem:$0x7550];
	_ =	sdelay $0x5  }
0x90: {  	v1 =	vld [tilespmem:$0x7560];
	_ =	sdelay $0x1  }
0x91: {  	v0 =	vld.idx.msk [tilespmem:v0+s11+$0x0], $0xffff;
	_ =	sdelay $0x3  }
0x92: {  	v2 =	vld [tilespmem:$0x7570]  }
0x93: {  	[tilespmem:$0x143D0] =	vst v0  }
0x94: {  	v0 =	vld.idx.msk [tilespmem:v1+s11+$0x0], $0xffff;
	_ =	sdelay $0x3  }
0x95: {  	v1 =	vld [tilespmem:$0x7580]  }
0x96: {  	[tilespmem:$0x143E0] =	vst v0  }
0x97: {  	v0 =	vld.idx.msk [tilespmem:v2+s11+$0x0], $0xffff;
	_ =	sdelay $0x3  }
0x98: {  	v2 =	vld [tilespmem:$0x7590]  }
0x99: {  	[tilespmem:$0x143F0] =	vst v0  }
0x9a: {  	v0 =	vld.idx.msk [tilespmem:v1+s11+$0x0], $0xffff;
	_ =	sdelay $0x4  }
0x9b: {  	[tilespmem:$0x14400] =	vst v0  }
0x9c: {  	v0 =	vld.idx.msk [tilespmem:v2+s11+$0x0], $0xffff;
	_ =	sdelay $0x4  }
0x9d: {  	s24 =	simm.s32 $0x2;
	[tilespmem:$0x14410] =	vst v0  }
0x9e: {  	_ =	swait.ge [sflag:s24], $0x50  }
0x9f: {  	[sflag:s24] =	ssyncset.done $0x0  }
0xa0: {  	s25 =	simm.s32 $0xF280;
	s26 =	simm.s32 $0x143D0;
	[sflag:s24] =	ssyncadd.s32 $0xFFFFFFB0  }
0xa1: {  	[spmem:s8] =	stream.indirect.scatter.add.f32 [tilespmem:s26], [sflag:$0x2], $0x1, s25, s13, $0xb8;
	[tilespmem:$0x154F8] =	vst v63  }
0xa2: {  	_ =	swait.ge [sflag:s12], $0x50  }
0xa3: {  	[sflag:s12] =	ssyncset.done $0x0  }
0xa4: {  	[sflag:s12] =	ssyncadd.s32 $0xFFFFFFB0  }
0xa5: {  	_ =	swait.ge [sflag:s24], $0x50  }
0xa6: {  	[sflag:s24] =	ssyncset.done $0x0  }
0xa7: {  	s28 =	simm.s32 $0x3;
	[sflag:s24] =	ssyncadd.s32 $0xFFFFFFB0  }
0xa8: {  	_ =	swait.ge [sflag:s28], $0x50  }
0xa9: {  	[sflag:s28] =	ssyncset.done $0x0  }
0xaa: {  	s29 =	simm.s32 $0x4;
	[sflag:s28] =	ssyncadd.s32 $0xFFFFFFB0  }
0xab: {  	_ =	swait.ge [sflag:s29], $0x50  }
0xac: {  	[sflag:s29] =	ssyncset.done $0x0  }
0xad: {  	p0 =	seq.s32 s1, $0xF;
	[sflag:s29] =	ssyncadd.s32 $0xFFFFFFB0  }
0xae: {  	s8 =	simm.s32 @p0 $0x14880;
	[bflag:$0x0] =	sbarrier.arrive $0xFFFF  }
0xaf: {  	[tilespmem:s8], [sflag:$0x5] =	stream.linear.gather @p0 [spmem:s10], $0x190, $0x38;
	[tilespmem:$0x154F8] =	vst v63  }
0xb0: {  	s8 =	simm.s32 @p0 $0x5  }
0xb1: {  	_ =	swait.ge @p0 [sflag:s8], $0x190  }
0xb2: {  	[sflag:s8] =	ssyncset.done @p0 $0x0  }
0xb3: {  	s11 =	simm.s32 @p0 $0x14B00;
	s10 =	simm.s32 @p0 $0x0;
	[sflag:s8] =	ssyncadd.s32 @p0 $0xFFFFFE70  }
0xb4: {  	[tilespmem:s11], [sflag:$0x5] =	stream.linear.gather @p0 [hbm4b:s9+s10], $0x190, $0x38;
	[tilespmem:$0x154F8] =	vst v63  }
0xb5: {  	_ =	swait.ge @p0 [sflag:s8], $0x190  }
0xb6: {  	[sflag:s8] =	ssyncset.done @p0 $0x0  }
0xb7: {  	s9 =	simm.s32 @p0 $0x14D80;
	[sflag:s8] =	ssyncadd.s32 @p0 $0xFFFFFE70  }
0xb8: {  	[tilespmem:s9], [sflag:$0x5] =	stream.linear.gather @p0 [hbm4b:s7+s10], $0x190, $0x38;
	[tilespmem:$0x154F8] =	vst v63  }
0xb9: {  	_ =	swait.ge @p0 [sflag:s8], $0x190  }
0xba: {  	[sflag:s8] =	ssyncset.done @p0 $0x0  }
0xbb: {  	s7 =	simm.s32 @!p0 $0x14880;
	[sflag:s8] =	ssyncadd.s32 @p0 $0xFFFFFE70  }
0xbc: {  	[tilespmem:s7], [sflag:$0x5] =	stream.linear.gather @!p0 [spmem:s6], $0x280, $0x38;
	[tilespmem:$0x154F8] =	vst v63  }
0xbd: {  	s6 =	simm.s32 @!p0 $0x5  }
0xbe: {  	_ =	swait.ge @!p0 [sflag:s6], $0x280  }
0xbf: {  	[sflag:s6] =	ssyncset.done @!p0 $0x0  }
0xc0: {  	s9 =	simm.s32 @!p0 $0x14B00;
	s7 =	simm.s32 @!p0 $0x0;
	[sflag:s6] =	ssyncadd.s32 @!p0 $0xFFFFFD80  }
0xc1: {  	[tilespmem:s9], [sflag:$0x5] =	stream.linear.gather @!p0 [hbm4b:s5+s7], $0x280, $0x38;
	[tilespmem:$0x154F8] =	vst v63  }
0xc2: {  	s9 =	simm.s32 @!p0 $0x28;
	_ =	swait.ge @!p0 [sflag:s6], $0x280  }
0xc3: {  	s9 =	simm.s32 @p0 $0x19;
	[sflag:s6] =	ssyncset.done @!p0 $0x0  }
0xc4: {  	s5 =	simm.s32 @!p0 $0x14D80;
	p2 =	sne.s32 s9, $0x1;
	[sflag:s6] =	ssyncadd.s32 @!p0 $0xFFFFFD80  }
0xc5: {  	[tilespmem:s5], [sflag:$0x5] =	stream.linear.gather @!p0 [hbm4b:s4+s7], $0x280, $0x38;
	[tilespmem:$0x154F8] =	vst v63  }
.Ltmp3:
0xc6: {  	_ =	swait.ge @!p0 [sflag:s6], $0x280;
	(pc) =	sbr.rel @!p2 .LBB2_6-.Ltmp3, $4  }
0xc7: {  	[sflag:s6] =	ssyncset.done @!p0 $0x0  }
0xc8: {  	s30 =	simm.s32 $0x14880;
	[sflag:s6] =	ssyncadd.s32 @!p0 $0xFFFFFD80  }
0xc9: {  	s31 =	simm.s32 $0x14B00;
	p1 =	por $0x0, $0x0;
	v0 =	vld [tilespmem:s30+$0x0]  }
0xca: {  	s9 =	sadd.s32 $0xFFFFFFFF, s9;
	s5 =	simm.s32 $0x14D80;
	s4 =	simm.s32 $0x15000;
	v1 =	vld [tilespmem:s31+$0x0]  }
0xcb: {  	_ = 	snop  }
0xcc: {  	v2 =	vld [tilespmem:s5+$0x0];
	_ =	sdelay $0x2  }
0xcd: {  	v0 =	vmul.f32 v0, v1;
	_ =	sdelay $0x1  }
0xce: {  	v0 =	vadd.f32 v2, v0;
	_ =	sdelay $0x1  }
0xcf: {  	v0 =	vsub.f32 $0.0e+00, v0;
	_ =	sdelay $0x1  }
0xd0: {  	v0 =	vmul.f32 $1.442695020e+00, v0;
	_ =	sdelay $0x1  }
0xd1: {  	(erf) = vpow2.f32 v0;
	_ =	sdelay $0x8  }
0xd2: {  	v0 =	vpop (erf)  }
0xd3: {  	v0 =	vadd.f32 $1.000000000e+00, v0;
	_ =	sdelay $0x1  }
0xd4: {  	(erf) = vrcp.f32 v0;
	_ =	sdelay $0x6  }
0xd5: {  	p2 =	sne.s32 s9, $0x1  }
.Ltmp4:
0xd6: {  	_ = 	snop;
	(pc) =	sbr.rel @!p2 .LBB2_8-.Ltmp4, $4  }
0xd7: {  	v0 =	vpop (erf)  }
0xd8: {  	s12 =	simm.s32 $0x14890;
	[tilespmem:s4+$0x0] =	vst v0  }
0xd9: {  	s13 =	simm.s32 $0x14B10;
	s14 =	sadd.s32 $0xFFFFFFFF, s9;
	v0 =	vld [tilespmem:s12+$0x0]  }
0xda: {  	p1 =	por $0x1, $0x1;
	s11 =	simm.s32 $0x14D80;
	s9 =	simm.s32 $0x15000;
	v1 =	vld [tilespmem:s13+$0x0]  }
.LBB2_9:
0xdb: {  	p2 =	sne.s32 s14, $0x1;
	s11 =	sadd.s32 $0x10, s11  }
0xdc: {  	v2 =	vld [tilespmem:s11+$0x0];
	_ =	sdelay $0x2  }
0xdd: {  	v0 =	vmul.f32 v0, v1;
	_ =	sdelay $0x1  }
0xde: {  	v0 =	vadd.f32 v2, v0;
	_ =	sdelay $0x1  }
0xdf: {  	v0 =	vsub.f32 $0.0e+00, v0;
	_ =	sdelay $0x1  }
0xe0: {  	v0 =	vmul.f32 $1.442695020e+00, v0;
	_ =	sdelay $0x1  }
0xe1: {  	(erf) = vpow2.f32 v0;
	_ =	sdelay $0x8  }
0xe2: {  	v0 =	vpop (erf)  }
0xe3: {  	v0 =	vadd.f32 $1.000000000e+00, v0;
	_ =	sdelay $0x1  }
0xe4: {  	(erf) = vrcp.f32 v0;
	_ =	sdelay $0x7  }
.Ltmp5:
0xe5: {  	(pc) =	sbr.rel @p2 .LBB2_9-.Ltmp5, $4  }
0xe6: {  	s9 =	sadd.s32 $0x10, s9;
	v0 =	vpop (erf)  }
0xe7: {  	s12 =	sadd.s32 $0x10, s12;
	[tilespmem:s9+$0x0] =	vst v0  }
0xe8: {  	s13 =	sadd.s32 $0x10, s13;
	v0 =	vld [tilespmem:s12+$0x0]  }
0xe9: {  	s14 =	sadd.s32 $0xFFFFFFFF, s14;
	v1 =	vld [tilespmem:s13+$0x0]  }
.LBB2_10:
0xea: {  	s11 =	sadd.s32 @p1 $0x10, s11  }
0xeb: {  	s5 =	smov.u32 @p1 s11  }
0xec: {  	v2 =	vld [tilespmem:s5+$0x0];
	_ =	sdelay $0x2  }
0xed: {  	v0 =	vmul.f32 v0, v1;
	_ =	sdelay $0x1  }
0xee: {  	v0 =	vadd.f32 v2, v0;
	_ =	sdelay $0x1  }
0xef: {  	v0 =	vsub.f32 $0.0e+00, v0;
	_ =	sdelay $0x1  }
0xf0: {  	v0 =	vmul.f32 $1.442695020e+00, v0;
	_ =	sdelay $0x1  }
0xf1: {  	(erf) = vpow2.f32 v0;
	_ =	sdelay $0x8  }
0xf2: {  	v0 =	vpop (erf)  }
0xf3: {  	v0 =	vadd.f32 $1.000000000e+00, v0;
	_ =	sdelay $0x1  }
0xf4: {  	(erf) = vrcp.f32 v0;
	_ =	sdelay $0x7  }
0xf5: {  	s5 =	sadd.s32 @p1 $0x10, s9  }
0xf6: {  	s4 =	smov.u32 @p1 s5;
	v0 =	vpop (erf)  }
0xf7: {  	[tilespmem:s4+$0x0] =	vst v0;
	s4 =	simm.s32 @p0 $0x15000  }
0xf8: {  	[hbm4b:s3+s10] =	stream.linear.scatter @p0 [tilespmem:s4], [sflag:$0x5], $0x190, $0x38;
	[tilespmem:$0x154F8] =	vst v63  }
0xf9: {  	_ =	swait.ge @p0 [sflag:s8], $0x190  }
0xfa: {  	[sflag:s8] =	ssyncset.done @p0 $0x0  }
0xfb: {  	s3 =	simm.s32 @!p0 $0x15000;
	[sflag:s8] =	ssyncadd.s32 @p0 $0xFFFFFE70  }
0xfc: {  	[hbm4b:s2+s7] =	stream.linear.scatter @!p0 [tilespmem:s3], [sflag:$0x5], $0x280, $0x38;
	[tilespmem:$0x154F8] =	vst v63  }
0xfd: {  	_ =	swait.ge @!p0 [sflag:s6], $0x280  }
0xfe: {  	[sflag:s6] =	ssyncset.done @!p0 $0x0  }
0xff: {  	[sflag:s6] =	ssyncadd.s32 @!p0 $0xFFFFFD80  }
.LBB2_11:
0x100: {  	_ =	sfence.sel $0x180000  }
0x101: {  	[bflag:$0x0] =	sbarrier.arrive $0xFFFF  }
0x102: {  	p0 =	sne.s32 s1, $0x0;
	_ =	strace $0x9000004D  }
0x103: {  	s0 =	sadd.s32 @!p0 $0x100000, s0;
	[bflag:$0x2] =	sbarrier.arrive $0xFFFF  }
0x104: {  	[sflag:s0] =	ssyncadd.tile.s32 @!p0 $0x1;
	_ =	shalt  }
.LBB2_6:
.Ltmp6:
0x105: {  	(pc) =	sbr.rel .LBB2_10-.Ltmp6, $2  }
0x106: {  	_ =	sdelay $0x2  }
0x107: {  	s11 =	simm.s32 $0x14D80;
	s9 =	simm.s32 $0x15000  }
.LBB2_8:
.Ltmp7:
0x108: {  	(pc) =	sbr.rel .LBB2_10-.Ltmp7, $2  }
0x109: {  	_ =	sdelay $0x2  }
0x10a: {  	s11 =	simm.s32 $0x14D80;
	s9 =	simm.s32 $0x15000  }
.Lfunc_end2:
_tile_overlayer_lowered:
.L_overlay_start_2:
0x10b: {  	(tag) =	ssettag $0x2  }
0x10c: {  	s0 =	rddreg [dreg:$0x0];
	s2 =	stileid.u32  }
0x10d: {  	s1 =	rddreg [dreg:$0x1];
	p0 =	sne.s32 s2, $0x0  }
0x10e: {  	s3 =	rddreg [dreg:$0x2];
	[bflag:$0x3] =	sbarrier.arrive $0xFFFF;
	s2 =	simm.s32 @!p0 $0x1C05  }
0x10f: {  	[timem:s3], [sflag:s2] =	dma.local @!p0 [hbm:s0], s1  }
0x110: {  	s0 =	simm.s32 @!p0 $0x5  }
0x111: {  	_ =	swait.ge @!p0 [sflag:s0], s1  }
0x112: {  	s1 =	ssub.s32 @!p0 $0x0, s1;
	[sflag:s0] =	ssyncset.done @!p0 $0x0  }
0x113: {  	[sflag:s0] =	ssyncadd.s32 @!p0 s1  }
0x114: {  	[bflag:$0x3] =	sbarrier.arrive $0xFFFF  }
0x115: {  	_ =	shalt  }

// kernel: kernel.7.cloned.1.call-start
scs
__scs_entry_jumppad:
0x0: {  	(pc) =	sbr.rel $0x88, $3  }
0x1: {  	(tag) =	ssettag $0x0;
	lr =	simm.s32 $0x1  }
0x2: {  	[smem:$0x3F99] =	sst lr;
	_ =	strace $0xD0000000  }
0x3: {  	_ = 	snop  }
0x4: {  	_ = 	snop  }
0x5: {  	_ = 	snop  }
0x6: {  	_ = 	snop  }
0x7: {  	_ = 	snop  }
__scs_overlays_trampoline_lowered:
0x8: {  	[smem:$0x3FA8] =	sst s0  }
0x9: {  	[smem:$0x3FA9] =	sst s1  }
0xa: {  	[smem:$0x3FAA] =	sst s2  }
0xb: {  	[smem:$0x3FAB] =	sst s3  }
0xc: {  	[smem:$0x3FAC] =	sst s4  }
0xd: {  	[smem:$0x3FAD] =	sst s5  }
0xe: {  	[smem:$0x3FAE] =	sst s6  }
0xf: {  	[smem:$0x3FAF] =	sst s7  }
0x10: {  	[smem:$0x3FB0] =	sst s8  }
0x11: {  	[smem:$0x3FB1] =	sst s9;
	s0 =	simm.s32 @!p0 $0x0  }
0x12: {  	s1 =	sld [smem:$0x3F97];
	s0 =	simm.s32 @p0 $0x1  }
0x13: {  	[smem:$0x3FB2] =	sst s0;
	s0 =	simm.s32 @!p1 $0x0  }
0x14: {  	s2 =	sld [smem:$0x3F96];
	s0 =	simm.s32 @p1 $0x1  }
0x15: {  	[smem:$0x3FB3] =	sst s0;
	s0 =	simm.s32 @!p2 $0x0  }
0x16: {  	s3 =	sld [smem:$0x3FDB];
	s0 =	simm.s32 @p2 $0x1  }
0x17: {  	s4 =	simm.s32 $0x1BF5;
	[smem:$0x3FB5] =	sst s0  }
0x18: {  	s0 =	sld [smem:$0x3F98];
	_ =	swait.ge [sflag:s4], $0x0  }
0x19: {  	s7 =	sld [smem:$0x3F99]  }
0x1a: {  	s8 =	sadd.s32 $0xFFFFE003, lr  }
0x1b: {  	s9 =	sadd.s32 $0xFFFFFEF7, lr;
	s5 =	simm.s32 $0xFFFFFFFF;
	p2 =	slt.u32 s8, $0xFFFFF086  }
0x1c: {  	p1 =	slt.u32 s9, $0xF7A;
	s5 =	simm.s32 @!p2 $0x0  }
0x1d: {  	s5 =	simm.s32 @p1 $0x1;
	p0 =	seq.s32 s7, s2  }
0x1e: {  	s7 =	smul.u32 @!p0 $0xF7A, s2;
	p2 =	seq.s32 @!p0 s5, $0x0  }
0x1f: {  	s9 =	smul.u32 $0xF7A, s1;
	s8 =	simm.s32 @!p0 $0x1BF5;
	p2 =	por !p2, p0  }
0x20: {  	[sflag:s8] =	ssyncset.s32 @!p0 $0xFFFFF086;
	s6 =	sadd.s32 @!p0 s3, s7;
	s7 =	simm.s32 @!p0 $0x108  }
0x21: {  	s3 =	sadd.s32 s3, s9;
	s6 =	sadd.s32 @!p0 $0x88, s6;
	s7 =	simm.s32 @p2 $0x1082  }
0x22: {  	[simem:s7], [sflag:s8] =	dma.local @!p0 [hbm:s6], $0xF7A  }
0x23: {  	s9 =	sor.u32 $0xD0000000, s2;
	s6 =	simm.s32 $0x108;
	_ =	swait.ge @!p0 [sflag:s8], $0x0  }
0x24: {  	s3 =	sadd.s32 $0x88, s3;
	s6 =	simm.s32 @!p1 $0x1082;
	[sflag:s4] =	ssyncset.s32 $0xFFFFF086  }
0x25: {  	[simem:s6], [sflag:s4] =	dma.local [hbm:s3], $0xF7A  }
0x26: {  	[smem:$0x3F99] =	sst s1;
	(tag) =	ssettag s2;
	_ =	strace s9  }
0x27: {  	s1 =	sld [smem:$0x3FA9]  }
0x28: {  	s2 =	sld [smem:$0x3FAA]  }
0x29: {  	s4 =	sld [smem:$0x3FAC]  }
0x2a: {  	p0 =	seq.s32 s5, $0x0;
	s5 =	sld [smem:$0x3FAD]  }
0x2b: {  	s6 =	sld [smem:$0x3FAE]  }
0x2c: {  	s7 =	sld [smem:$0x3FAF]  }
0x2d: {  	s3 =	simm.s32 $0x108;
	s8 =	sld [smem:$0x3FB0]  }
0x2e: {  	s3 =	simm.s32 @!p0 $0x1082;
	s9 =	sld [smem:$0x3FB1]  }
0x2f: {  	lr =	sadd.s32 s0, s3;
	s0 =	sld [smem:$0x3FA8]  }
0x30: {  	s3 =	sld [smem:$0x3FAB]  }
0x31: {  	[smem:$0x3FB4] =	sst s10  }
0x32: {  	s10 =	sld [smem:$0x3FB2];
	_ =	sdelay $0x3  }
0x33: {  	p0 =	seq.s32 s10, $0x1;
	s10 =	sld [smem:$0x3FB4];
	_ =	sdelay $0x3  }
0x34: {  	[smem:$0x3FB4] =	sst s10  }
0x35: {  	s10 =	sld [smem:$0x3FB3];
	_ =	sdelay $0x3  }
0x36: {  	p1 =	seq.s32 s10, $0x1;
	s10 =	sld [smem:$0x3FB4];
	_ =	sdelay $0x3  }
0x37: {  	[smem:$0x3FB4] =	sst s10  }
0x38: {  	s10 =	sld [smem:$0x3FB5]  }
0x39: {  	_ = 	snop;
	(pc) =	sbr.ind lr, $3  }
0x3a: {  	_ = 	snop  }
0x3b: {  	_ = 	snop  }
0x3c: {  	p2 =	seq.s32 s10, $0x1;
	s10 =	sld [smem:$0x3FB4]  }
0x3d: {  	_ =	shalt  }
0x3e: {  	_ =	shalt  }
0x3f: {  	_ =	shalt  }
0x40: {  	_ =	shalt  }
0x41: {  	_ =	shalt  }
0x42: {  	_ =	shalt  }
0x43: {  	_ =	shalt  }
0x44: {  	_ =	shalt  }
0x45: {  	_ =	shalt  }
0x46: {  	_ =	shalt  }
0x47: {  	_ =	shalt  }
0x48: {  	_ =	shalt  }
0x49: {  	_ =	shalt  }
0x4a: {  	_ =	shalt  }
0x4b: {  	_ =	shalt  }
0x4c: {  	_ =	shalt  }
0x4d: {  	_ =	shalt  }
0x4e: {  	_ =	shalt  }
0x4f: {  	_ =	shalt  }
0x50: {  	_ =	shalt  }
0x51: {  	_ =	shalt  }
0x52: {  	_ =	shalt  }
0x53: {  	_ =	shalt  }
0x54: {  	_ =	shalt  }
0x55: {  	_ =	shalt  }
0x56: {  	_ =	shalt  }
0x57: {  	_ =	shalt  }
0x58: {  	_ =	shalt  }
0x59: {  	_ =	shalt  }
0x5a: {  	_ =	shalt  }
0x5b: {  	_ =	shalt  }
0x5c: {  	_ =	shalt  }
0x5d: {  	_ =	shalt  }
0x5e: {  	_ =	shalt  }
0x5f: {  	_ =	shalt  }
0x60: {  	_ =	shalt  }
0x61: {  	_ =	shalt  }
0x62: {  	_ =	shalt  }
0x63: {  	_ =	shalt  }
0x64: {  	_ =	shalt  }
0x65: {  	_ =	shalt  }
0x66: {  	_ =	shalt  }
0x67: {  	_ =	shalt  }
0x68: {  	_ =	shalt  }
0x69: {  	_ =	shalt  }
0x6a: {  	_ =	shalt  }
0x6b: {  	_ =	shalt  }
0x6c: {  	_ =	shalt  }
0x6d: {  	_ =	shalt  }
0x6e: {  	_ =	shalt  }
0x6f: {  	_ =	shalt  }
0x70: {  	_ =	shalt  }
0x71: {  	_ =	shalt  }
0x72: {  	_ =	shalt  }
0x73: {  	_ =	shalt  }
0x74: {  	_ =	shalt  }
0x75: {  	_ =	shalt  }
0x76: {  	_ =	shalt  }
0x77: {  	_ =	shalt  }
0x78: {  	_ =	shalt  }
0x79: {  	_ =	shalt  }
0x7a: {  	_ =	shalt  }
0x7b: {  	_ =	shalt  }
0x7c: {  	_ =	shalt  }
0x7d: {  	_ =	shalt  }
0x7e: {  	_ =	shalt  }
0x7f: {  	_ =	shalt  }
0x80: {  	_ =	shalt  }
0x81: {  	_ =	shalt  }
0x82: {  	_ =	shalt  }
0x83: {  	_ =	shalt  }
0x84: {  	_ =	shalt  }
0x85: {  	_ =	shalt  }
0x86: {  	_ =	shalt  }
0x87: {  	_ =	shalt  }
.Lfunc_end0:
.L_simem_size_0:
called_computation_lowered:
.L_overlay_start_0:
0x88: {  	s2 =	sld [smem:$0x3FD9]  }
0x89: {  	s3 =	sld [smem:$0x3FFE];
	_ =	sdelay $0x1  }
0x8a: {  	s1 =	srdreg.scid  }
0x8b: {  	s0 =	sand.u32 $0x1, s1  }
0x8c: {  	s16 =	sshll.u32 s0, $0xA;
	s2 =	sadd.s32 s3, s2  }
0x8d: {  	s2 =	sadd.s32 s2, s16  }
0x8e: {  	[smem:$0x3FC0] =	sst s2  }
0x8f: {  	_ = 	snop  }
0x90: {  	(tm) =	ssettm $0x1  }
0x91: {  	s17 =	sld [smem:$0x3FFB];
	_ =	sdelay $0x3  }
0x92: {  	_ =	strace s17  }
0x93: {  	s2 =	sld [smem:$0x3FFC];
	_ =	sdelay $0x3  }
0x94: {  	_ =	strace s2  }
0x95: {  	s2 =	sld [smem:$0x3FFD];
	_ =	sdelay $0x3  }
0x96: {  	_ =	strace s2  }
0x97: {  	_ =	strace $0x8FFFFFFF  }
0x98: {  	s18 =	sld [smem:$0x3FDB];
	_ =	sdelay $0x1  }
0x99: {  	s19 =	simm.s32 $_scs_section_size  }
0x9a: {  	s4 =	simm.s32 $_size__tile_overlayer_lowered;
	s5 =	simm.s32 $_tile_overlayer_lowered  }
0x9b: {  	s22 =	simm.s32 $0x1BFF;
	s21 =	sshll.u32 s5, $0x1;
	s2 =	sadd.s32 s19, s18  }
0x9c: {  	s6 =	simm.s32 $0x0;
	s20 =	sshll.u32 s4, $0x1;
	s4 =	sadd.s32 s21, s2  }
0x9d: {  	[timem:s6], [sflag:s22] =	dma.local [hbm:s4], s20  }
0x9e: {  	_ =	swait.ge [sflag:s22], s20  }
0x9f: {  	s3 =	ssub.s32 $0x0, s20;
	[sflag:s22] =	ssyncset.done $0x0  }
0xa0: {  	[sflag:s22] =	ssyncadd.s32 s3;
	_ =	sdelay $0x1  }
0xa1: {  	s23 =	simm.s32 $0x1B8B  }
0xa2: {  	_ =	swait.ge [sflag:s23], $0x1  }
0xa3: {  	[sflag:s23] =	ssyncset.done $0x0  }
0xa4: {  	s25 =	simm.s32 $0x1B8E;
	s24 =	sld [smem:$0x3FFE];
	[sflag:s23] =	ssyncadd.s32 $0xFFFFFFFF  }
0xa5: {  	s26 =	simm.s32 $execute0_lowered;
	[smem:$0x3FD2] =	sst s25  }
0xa6: {  	s4 =	sshll.u32 s26, $0x1;
	_ =	strace $0x80000046;
	[dreg:$0x1] =	wrdreg $0xFFFFFFFF  }
0xa7: {  	s28 =	simm.s32 $_size_execute0_lowered;
	s2 =	sadd.s32 s2, s4;
	[dreg:$0x0] =	wrdreg $0x0  }
0xa8: {  	s4 =	sshll.u32 s28, $0x1;
	[dreg:$0x2] =	wrdreg s2  }
0xa9: {  	[dreg:$0x3] =	wrdreg s4  }
0xaa: {  	[dreg:$0x4] =	wrdreg $0xC0  }
0xab: {  	_ =	task [dreg:s6], $0x5FFFF  }
0xac: {  	[dreg:$0x1] =	wrdreg $0xFFFFFFFF  }
0xad: {  	[dreg:$0x0] =	wrdreg $0x60  }
0xae: {  	[dreg:$0x2] =	wrdreg s24  }
0xaf: {  	[dreg:$0x3] =	wrdreg $0x44800  }
0xb0: {  	[dreg:$0x4] =	wrdreg $0x9  }
0xb1: {  	_ =	task.clear_ibuf [dreg:s6], $0x5FFFF;
	_ =	strace $0x90000046  }
0xb2: {  	s29 =	simm.s32 $0x9;
	_ =	strace $0x80000048  }
0xb3: {  	_ =	swait.ge [sflag:s29], $0x1  }
0xb4: {  	[sflag:s29] =	ssyncadd.s32 $0xFFFFFFFF  }
0xb5: {  	_ =	strace $0x90000048  }
0xb6: {  	_ =	sfence  }
0xb7: {  	s30 =	sld [smem:$0x0];
	_ =	sdelay $0x2  }
0xb8: {  	s31 =	sshll.u32 s1, $0xD;
	s1 =	sshrl.u32 s1, $0x2  }
0xb9: {  	s3 =	sand.u32 $0x4000, s31;
	s1 =	sadd.s32 s1, s30  }
0xba: {  	s0 =	sor.u32 s3, s0;
	s1 =	sshll.u32 s1, $0x11  }
0xbb: {  	s0 =	sor.u32 s1, s0  }
0xbc: {  	s0 =	sadd.s32 $0x8F2B, s0  }
0xbd: {  	[sflag:s0] =	ssyncadd.remote.s32 $0x1  }
0xbe: {  	_ =	sfence.sel $0xFFFF  }
0xbf: {  	[dreg:$0x0] =	wrdreg $0xFFFFFFFF;
	(pc) =	sbr.abs _section_cstart, $3  }
0xc0: {  	[dreg:$0x1] =	wrdreg $0xFFFFFFFF  }
0xc1: {  	_ =	task.clear_ibuf [dreg:s6], $0x2FFFF;
	_ =	strace $0x9FFFFFFF  }
0xc2: {  	(tm) =	ssettm $0x7FFFFFFF  }
0xc3: {  	_ =	shalt  }
tec
execute0_lowered:
.L_overlay_start_1:
0x0: {  	(tag) =	ssettag $0x1  }
0x1: {  	s4 =	rddreg [dreg:$0x0];
	s0 =	stileid.u32  }
0x2: {  	s1 =	srdreg.scid;
	s2 =	rddreg [dreg:$0x1];
	s3 =	simm.s32 $0x0  }
0x3: {  	s11 =	simm.s32 $0x4000;
	s12 =	simm.s32 $0x80;
	s13 =	simm.s32 $0x100  }
0x4: {  	s14 =	simm.s32 $0x180;
	s15 =	simm.s32 $0x1;
	s16 =	simm.s32 $0x2  }
0x5: {  	s17 =	simm.s32 $0x3;
	s18 =	simm.s32 $0x4;
	s19 =	simm.s32 $0x3E00  }
0x6: {  	s5 =	sand.u32 $0x1, s1;
	s6 =	smul.u32 $0x3E8, s0;
	s1 =	rddreg [dreg:$0x2]  }
0x7: {  	s20 =	simm.s32 $0x0;
	[smem:$0x7FF] =	sst s3;
	s10 =	smul.u32 $0xFA0, s0  }
0x8: {  	s8 =	sshll.u32 s0, $0xB;
	p0 =	sgt.u32 s0, $0x9;
	s7 =	smul.u32 $0x2710, s5  }
0x9: {  	_ =	strace $0x80000047;
	s8 =	sadd.s32 s8, s4;
	s9 =	ssub.s32 $0x2, s5  }
0xa: {  	s5 =	sshll.u32 s5, $0xF;
	s30 =	sshrl.u32 s9, $0x1;
	s31 =	sshrl.u32 s10, $0x2  }
0xb: {  	s5 =	sadd.s32 s5, s8;
	s10 =	simm.s32 $0x50;
	s7 =	sadd.s32 s6, s7  }
0xc: {  	s9 =	ssub.s32 s9, s30;
	s5 =	sadd.s32 $0xB000, s5;
	s7 =	sshrl.u32 s7, $0x3  }
0xd: {  	s6 =	sadd.s32 s6, s2;
	s8 =	smax.u32 s9, $0x1;
	s7 =	sadd.s32 s7, s4  }
0xe: {  	v0 =	vimm.f32 $0.0e+00;
	v1 =	vimm.f32 $1.000000000e+00;
	s9 =	simm.s32 $0x5;
	s4 =	sadd.s32 s31, s2;
	s7 =	sadd.s32 $0x1B000, s7  }
.LBB2_1:
0xf: {  	s21 =	simm.s32 $0x40;
	s22 =	simm.s32 $0x0  }
.LBB2_2:
0x10: {  	p1 =	sne.s32 s21, $0xF80;
	[tilespmem:s22+$0x4080] =	vst v0;
	s22 =	smov.u32 s21;
	s21 =	sadd.s32 $0x40, s21  }
.Ltmp0:
0x11: {  	(pc) =	sbr.rel @p1 .LBB2_2-.Ltmp0, $2  }
0x12: {  	_ =	sdelay $0x2  }
0x13: {  	s22 =	sshra.s32 s22, $0x2  }
0x14: {  	[tilespmem:s22+$0x4080] =	vst v0  }
0x15: {  	[tilespmem:$0x4000] =	vst v1  }
0x16: {  	[tilespmem:$0x4010] =	vst v1  }
0x17: {  	[tilespmem:$0x4020] =	vst v1  }
0x18: {  	[tilespmem:$0x4030] =	vst v1  }
0x19: {  	s21 =	simm.s32 @!p0 $0x4080;
	[tilespmem:$0x4040] =	vst v1  }
0x1a: {  	[spmem:s4] =	stream.linear.scatter @!p0 [tilespmem:s21], [sflag:$0x5], $0x3E8, $0x38;
	[tilespmem:$0x46F8] =	vst v63  }
0x1b: {  	s21 =	simm.s32 @!p0 $0x5  }
0x1c: {  	_ =	swait.ge @!p0 [sflag:s21], $0x3E8  }
0x1d: {  	[sflag:s21] =	ssyncset.done @!p0 $0x0  }
0x1e: {  	[sflag:s21] =	ssyncadd.s32 @!p0 $0xFFFFFC18  }
0x1f: {  	[bflag:$0x0] =	sbarrier.arrive $0xFFFF  }
0x20: {  	[tilespmem:s3], [sflag:$0x5] =	stream.linear.gather [hbm4b:s5+s3], $0x3E80, $0x38;
	[tilespmem:$0x46F8] =	vst v63  }
0x21: {  	_ =	swait.ge [sflag:s9], $0x3E80  }
0x22: {  	[sflag:s9] =	ssyncset.done $0x0  }
0x23: {  	[sflag:s9] =	ssyncadd.s32 $0xFFFFC180  }
0x24: {  	[spmem:s2] =	stream.indirect.scatter.add.f32 [tilespmem:s11], [sflag:$0x1], $0x1, s3, s10, $0xb8;
	[tilespmem:$0x46F8] =	vst v63  }
0x25: {  	_ = 	snop  }
0x26: {  	[spmem:s2] =	stream.indirect.scatter.add.f32 [tilespmem:s11], [sflag:$0x2], $0x1, s12, s10, $0xb8;
	[tilespmem:$0x46F8] =	vst v63  }
0x27: {  	_ = 	snop  }
0x28: {  	[spmem:s2] =	stream.indirect.scatter.add.f32 [tilespmem:s11], [sflag:$0x3], $0x1, s13, s10, $0xb8;
	[tilespmem:$0x46F8] =	vst v63  }
0x29: {  	_ = 	snop  }
0x2a: {  	[spmem:s2] =	stream.indirect.scatter.add.f32 [tilespmem:s11], [sflag:$0x4], $0x1, s14, s10, $0xb8;
	[tilespmem:$0x46F8] =	vst v63  }
0x2b: {  	_ =	swait.ge [sflag:s15], $0x50  }
0x2c: {  	[sflag:s15] =	ssyncset.done $0x0  }
0x2d: {  	s29 =	simm.s32 $0x200;
	[sflag:s15] =	ssyncadd.s32 $0xFFFFFFB0  }
0x2e: {  	[spmem:s2] =	stream.indirect.scatter.add.f32 [tilespmem:s11], [sflag:$0x1], $0x1, s29, s10, $0xb8;
	[tilespmem:$0x46F8] =	vst v63  }
0x2f: {  	_ =	swait.ge [sflag:s16], $0x50  }
0x30: {  	[sflag:s16] =	ssyncset.done $0x0  }
0x31: {  	s30 =	simm.s32 $0x280;
	[sflag:s16] =	ssyncadd.s32 $0xFFFFFFB0  }
0x32: {  	[spmem:s2] =	stream.indirect.scatter.add.f32 [tilespmem:s11], [sflag:$0x2], $0x1, s30, s10, $0xb8;
	[tilespmem:$0x46F8] =	vst v63  }
0x33: {  	_ =	swait.ge [sflag:s17], $0x50  }
0x34: {  	[sflag:s17] =	ssyncset.done $0x0  }
0x35: {  	s31 =	simm.s32 $0x300;
	[sflag:s17] =	ssyncadd.s32 $0xFFFFFFB0  }
0x36: {  	[spmem:s2] =	stream.indirect.scatter.add.f32 [tilespmem:s11], [sflag:$0x3], $0x1, s31, s10, $0xb8;
	[tilespmem:$0x46F8] =	vst v63  }
0x37: {  	_ =	swait.ge [sflag:s18], $0x50  }
0x38: {  	[sflag:s18] =	ssyncset.done $0x0  }
0x39: {  	s22 =	simm.s32 $0x380;
	s21 =	simm.s32 $0xFFFF1800;
	[sflag:s18] =	ssyncadd.s32 $0xFFFFFFB0  }
.LBB2_4:
0x3a: {  	[spmem:s2] =	stream.indirect.scatter.add.f32 [tilespmem:s11], [sflag:$0x4], $0x1, s22, s10, $0xb8;
	[tilespmem:$0x46F8] =	vst v63  }
0x3b: {  	s22 =	smov.u32 s21  }
0x3c: {  	p1 =	sne.s32 s21, $0xFFFFF800;
	s21 =	sadd.s32 $0x800, s21;
	_ =	swait.ge [sflag:s15], $0x50  }
0x3d: {  	s22 =	sshra.s32 s22, $0x2;
	[sflag:s15] =	ssyncset.done $0x0  }
0x3e: {  	s23 =	sadd.s32 $0x3E00, s22;
	[sflag:s15] =	ssyncadd.s32 $0xFFFFFFB0  }
0x3f: {  	[spmem:s2] =	stream.indirect.scatter.add.f32 [tilespmem:s11], [sflag:$0x1], $0x1, s23, s10, $0xb8;
	[tilespmem:$0x46F8] =	vst v63  }
0x40: {  	_ =	swait.ge [sflag:s16], $0x50  }
0x41: {  	[sflag:s16] =	ssyncset.done $0x0  }
0x42: {  	s23 =	sadd.s32 $0x3E80, s22;
	[sflag:s16] =	ssyncadd.s32 $0xFFFFFFB0  }
0x43: {  	[spmem:s2] =	stream.indirect.scatter.add.f32 [tilespmem:s11], [sflag:$0x2], $0x1, s23, s10, $0xb8;
	[tilespmem:$0x46F8] =	vst v63  }
0x44: {  	_ =	swait.ge [sflag:s17], $0x50  }
0x45: {  	[sflag:s17] =	ssyncset.done $0x0  }
.Ltmp1:
0x46: {  	s23 =	sadd.s32 $0x3F00, s22;
	[sflag:s17] =	ssyncadd.s32 $0xFFFFFFB0;
	(pc) =	sbr.rel @p1 .LBB2_4-.Ltmp1, $4  }
0x47: {  	[spmem:s2] =	stream.indirect.scatter.add.f32 [tilespmem:s11], [sflag:$0x3], $0x1, s23, s10, $0xb8;
	[tilespmem:$0x46F8] =	vst v63  }
0x48: {  	_ =	swait.ge [sflag:s18], $0x50  }
0x49: {  	[sflag:s18] =	ssyncset.done $0x0  }
0x4a: {  	s22 =	sadd.s32 $0x3F80, s22;
	[sflag:s18] =	ssyncadd.s32 $0xFFFFFFB0  }
0x4b: {  	[spmem:s2] =	stream.indirect.scatter.add.f32 [tilespmem:s11], [sflag:$0x4], $0x1, s22, s10, $0xb8;
	[tilespmem:$0x46F8] =	vst v63  }
0x4c: {  	_ =	swait.ge [sflag:s15], $0x50  }
0x4d: {  	[sflag:s15] =	ssyncset.done $0x0  }
0x4e: {  	[sflag:s15] =	ssyncadd.s32 $0xFFFFFFB0  }
0x4f: {  	[spmem:s2] =	stream.indirect.scatter.add.f32 [tilespmem:s11], [sflag:$0x1], $0x1, s19, s10, $0xb8;
	[tilespmem:$0x46F8] =	vst v63  }
0x50: {  	_ =	swait.ge [sflag:s15], $0x50  }
0x51: {  	[sflag:s15] =	ssyncset.done $0x0  }
0x52: {  	[sflag:s15] =	ssyncadd.s32 $0xFFFFFFB0  }
0x53: {  	_ =	swait.ge [sflag:s16], $0x50  }
0x54: {  	[sflag:s16] =	ssyncset.done $0x0  }
0x55: {  	[sflag:s16] =	ssyncadd.s32 $0xFFFFFFB0  }
0x56: {  	_ =	swait.ge [sflag:s17], $0x50  }
0x57: {  	[sflag:s17] =	ssyncset.done $0x0  }
0x58: {  	[sflag:s17] =	ssyncadd.s32 $0xFFFFFFB0  }
0x59: {  	_ =	swait.ge [sflag:s18], $0x50  }
0x5a: {  	[sflag:s18] =	ssyncset.done $0x0  }
0x5b: {  	[sflag:s18] =	ssyncadd.s32 $0xFFFFFFB0  }
0x5c: {  	s21 =	simm.s32 @!p0 $0x4080;
	s22 =	simm.s32 @!p0 $0x5;
	[bflag:$0x0] =	sbarrier.arrive $0xFFFF  }
0x5d: {  	[tilespmem:s21], [sflag:$0x5] =	stream.linear.gather @!p0 [spmem:s6], $0x3E8, $0x38;
	[tilespmem:$0x46F8] =	vst v63  }
0x5e: {  	s20 =	sadd.s32 $0x1, s20;
	_ =	swait.ge @!p0 [sflag:s22], $0x3E8  }
0x5f: {  	p1 =	sne.s32 s20, s8;
	[sflag:s22] =	ssyncset.done @!p0 $0x0  }
.Ltmp2:
0x60: {  	s23 =	simm.s32 @!p0 $0x0;
	[sflag:s22] =	ssyncadd.s32 @!p0 $0xFFFFFC18;
	(pc) =	sbr.rel @p1 .LBB2_1-.Ltmp2, $4  }
0x61: {  	[hbm4b:s7+s23] =	stream.linear.scatter @!p0 [tilespmem:s21], [sflag:$0x5], $0x3E8, $0x38;
	[tilespmem:$0x46F8] =	vst v63  }
0x62: {  	_ =	swait.ge @!p0 [sflag:s22], $0x3E8  }
0x63: {  	[sflag:s22] =	ssyncset.done @!p0 $0x0  }
0x64: {  	[sflag:s22] =	ssyncadd.s32 @!p0 $0xFFFFFC18  }
0x65: {  	_ =	sfence.sel $0x180000  }
0x66: {  	[bflag:$0x0] =	sbarrier.arrive $0xFFFF  }
0x67: {  	p0 =	sne.s32 s0, $0x0;
	_ =	strace $0x90000047  }
0x68: {  	s0 =	sadd.s32 @!p0 $0x100000, s1;
	[bflag:$0x2] =	sbarrier.arrive $0xFFFF  }
0x69: {  	[sflag:s0] =	ssyncadd.tile.s32 @!p0 $0x1;
	_ =	shalt  }
.Lfunc_end2:
_tile_overlayer_lowered:
.L_overlay_start_2:
0x6a: {  	(tag) =	ssettag $0x2  }
0x6b: {  	s0 =	rddreg [dreg:$0x0];
	s2 =	stileid.u32  }
0x6c: {  	s1 =	rddreg [dreg:$0x1];
	p0 =	sne.s32 s2, $0x0  }
0x6d: {  	s3 =	rddreg [dreg:$0x2];
	[bflag:$0x3] =	sbarrier.arrive $0xFFFF;
	s2 =	simm.s32 @!p0 $0x1C05  }
0x6e: {  	[timem:s3], [sflag:s2] =	dma.local @!p0 [hbm:s0], s1  }
0x6f: {  	s0 =	simm.s32 @!p0 $0x5  }
0x70: {  	_ =	swait.ge @!p0 [sflag:s0], s1  }
0x71: {  	s1 =	ssub.s32 @!p0 $0x0, s1;
	[sflag:s0] =	ssyncset.done @!p0 $0x0  }
0x72: {  	[sflag:s0] =	ssyncadd.s32 @!p0 s1  }
0x73: {  	[bflag:$0x3] =	sbarrier.arrive $0xFFFF  }
0x74: {  	_ =	shalt  }

</sc_bundles>
